<compile_context>
chip_gen: v7x
topology: tpu7x:2x2x1
jax: 0.10.2.dev20260603
libtpu: 0.0.44.dev20260713+nightly
codegen_flags: <defaults>
</compile_context>

<pallas_src>
import functools

import jax
import jax.numpy as jnp
from jax import lax
from jax.experimental import pallas as pl
from jax.experimental.pallas import tpu as pltpu
from jax.experimental.pallas import tpu_sc as plsc

_B = 1024
_L = 50
_V = 1000
_D = 1000
_NVT = 125
_NW = 32
_CHUNK = 8 * 8 * 128


def _body(idxT_hbm, tableT_hbm, out_hbm, idx_v, tT_v, chunk_v, *sems):
    wid = lax.axis_index("s") * 2 + lax.axis_index("c")

    pltpu.sync_copy(idxT_hbm, idx_v)
    for j in range(4):
        vt = wid + 32 * j

        @pl.when(vt < _NVT)
        def _stage():
            pltpu.sync_copy(tableT_hbm.at[pl.ds(vt * 8, 8)], tT_v.at[j])

    def start_scatter(l, vt, s):
        pltpu.make_async_copy(chunk_v.at[s], out_hbm.at[l, vt], sems[s]).start()

    def wait_scatter(s):
        pltpu.make_async_copy(chunk_v.at[s], out_hbm.at[0, 0], sems[s]).wait()

    def build_chunk(l, j, s):
        @plsc.parallel_loop(0, 64, unroll=8)
        def btk_body(i):
            bt = i >> 3
            k = i & 7
            ib = l * _B + bt * 128 + 16 * k
            cb = bt * 1024 + 16 * k
            x = idx_v[pl.ds(ib, 16)]
            for vs in range(8):
                val = plsc.load_gather(tT_v.at[j, vs], [x])
                chunk_v[s, pl.ds(cb + vs * 128, 16)] = val

    def unit(l, j, first_l):
        s = j % 2
        vt = wid + 32 * j

        @pl.when(vt < _NVT)
        def _run():
            if not (first_l and j < 2):
                if j == 1:
                    @pl.when(wid + 96 < _NVT)
                    def _w():
                        wait_scatter(s)
                else:
                    wait_scatter(s)
            build_chunk(l, j, s)
            start_scatter(l, vt, s)

    for j in range(4):
        unit(0, j, True)

    def l_body(l, carry):
        for j in range(4):
            unit(l, j, False)
        return carry

    lax.fori_loop(1, _L, l_body, 0)

    wait_scatter(0)
    wait_scatter(1)


_mesh = plsc.VectorSubcoreMesh(core_axis_name="c", subcore_axis_name="s")

_gather = functools.partial(
    pl.kernel,
    out_type=jax.ShapeDtypeStruct((_L, _NVT, _CHUNK), jnp.float32),
    mesh=_mesh,
    scratch_types=[
        pltpu.VMEM((_L * _B,), jnp.int32),
        pltpu.VMEM((4, 8, _D), jnp.float32),
        pltpu.VMEM((2, _CHUNK), jnp.float32),
        pltpu.SemaphoreType.DMA,
        pltpu.SemaphoreType.DMA,
    ],
    compiler_params=pltpu.CompilerParams(
        use_tc_tiling_on_sc=False, needs_layout_passes=False
    ),
)(_body)


@jax.jit
def kernel(idx, token_embedding_table):
    idx_t = idx.T.reshape(_L * _B)
    table_t = token_embedding_table.T
    out = _gather(idx_t, table_t)
    out5d = out.reshape(_L, _NVT, 8, 8, 128)
    return out5d.transpose(2, 4, 0, 1, 3).reshape(_B, _L, _V)

# --- scband reference (transcript-rebuilt; emitter-appended) ---
"""Pipeline reference for scband-bigram-language-model-76106820485178 (READ-ONLY COPY).

The authoritative reference and input builder live on the scoring server;
editing this copy changes nothing except your own understanding.
"""

import jax, jax.numpy as jnp
import numpy as np

VOCAB = 1000
B = 1024
L = 50

def setup_inputs(seed: int = 0) -> dict:
    key = jax.random.key(seed)
    k1, k2 = jax.random.split(key)
    idx = jax.random.randint(k1, (B, L), 0, VOCAB, dtype=jnp.int64 if jax.config.jax_enable_x64 else jnp.int32).astype(jnp.int32)
    token_embedding_table = jax.random.normal(k2, (VOCAB, VOCAB), dtype=jnp.float32)
    return {"idx": idx, "token_embedding_table": token_embedding_table}

def reference(idx, token_embedding_table):
    # BigramLanguageModel forward: logits = token_embedding_table[idx]
    logits = jnp.take(token_embedding_table, idx, axis=0)
    return logits

if __name__ == "__main__":
    import jax
    _d = setup_inputs()
    print(jax.jit(kernel)(*tuple(_d.values())))

</pallas_src>

<mosaic_0001>
#map = affine_map<(d0, d1) -> (0)>
#map1 = affine_map<(d0, d1) -> (0, 0)>
#map2 = affine_map<(d0, d1) -> (0, 0, 0)>
module attributes {stable_mosaic.version = 14 : i64} {
  func.func @_body(%arg0: i32, %arg1: i32, %arg2: memref<51200xi32, #tpu.memory_space<hbm>>, %arg3: memref<1000x1000xf32, #tpu.memory_space<hbm>>, %arg4: memref<50x125x8192xf32, #tpu.memory_space<hbm>>, %arg5: memref<51200xi32, #tpu.memory_space<vmem>>, %arg6: memref<4x8x1000xf32, #tpu.memory_space<vmem>>, %arg7: memref<2x8192xf32, #tpu.memory_space<vmem>>, %arg8: memref<!tpu.dma_semaphore, #tpu.memory_space<semaphore_mem>>, %arg9: memref<!tpu.dma_semaphore, #tpu.memory_space<semaphore_mem>>) attributes {dimension_semantics = [#tpu.dimension_semantics<core_parallel>, #tpu.dimension_semantics<subcore_parallel>], iteration_bounds = array<i64: 2, 16>, scalar_prefetch = 0 : i64, scratch_operands = 5 : i64, tpu.core_type = #tpu.core_type<sc_vector_subcore>, window_params = [{transform_indices = #map}, {transform_indices = #map1}, {transform_indices = #map2}]} {
    %mul3A = arith.constant 2 : i32
    %mul3A_0 = arith.muli %arg1, %mul3A : i32
    %add3A = arith.addi %mul3A_0, %arg0 : i32
    "tpu.region"() ({
      %run_scoped3A = tpu.sem_alloc : memref<!tpu.dma_semaphore, #tpu.memory_space<semaphore_mem>>
      tpu.enqueue_dma source(%arg2 : memref<51200xi32, #tpu.memory_space<hbm>>) target(%arg5 : memref<51200xi32, #tpu.memory_space<vmem>>) target_semaphore(%run_scoped3A : memref<!tpu.dma_semaphore, #tpu.memory_space<semaphore_mem>>)
      tpu.wait_dma2 semaphore(%run_scoped3A : memref<!tpu.dma_semaphore, #tpu.memory_space<semaphore_mem>>) src(%arg2 : memref<51200xi32, #tpu.memory_space<hbm>>) dst(%arg5 : memref<51200xi32, #tpu.memory_space<vmem>>)
      tpu.yield
    }) : () -> ()
    %add3A_1 = arith.constant 0 : i32
    %add3A_2 = arith.addi %add3A, %add3A_1 : i32
    %lt3A = arith.constant 125 : i32
    %lt3A_3 = arith.cmpi slt, %add3A_2, %lt3A : i32
    %convert_element_type3A = arith.extui %lt3A_3 : i1 to i32
    %cond3A = arith.constant 0 : i32
    %cond3A_4 = arith.cmpi ne, %convert_element_type3A, %cond3A : i32
    scf.if %cond3A_4 {
      %mul3A_88 = arith.constant 8 : i32
      %mul3A_89 = arith.muli %add3A_2, %mul3A_88 : i32
      %run_scoped3A = arith.constant 0 : i32
      "tpu.region"() ({
        %run_scoped3A_90 = tpu.sem_alloc : memref<!tpu.dma_semaphore, #tpu.memory_space<semaphore_mem>>
        %dma_start3A = arith.constant 0 : i32
        %dma_start3A_91 = arith.constant 0 : i32
        %dma_start3A_92 = tpu.memref_slice %arg6[%run_scoped3A, %dma_start3A, %dma_start3A_91] : memref<4x8x1000xf32, #tpu.memory_space<vmem>> -> memref<1x8x1000xf32, #tpu.memory_space<vmem>>
        %dma_start3A_93 = tpu.memref_squeeze %dma_start3A_92 : memref<1x8x1000xf32, #tpu.memory_space<vmem>> -> memref<8x1000xf32, #tpu.memory_space<vmem>>
        %dma_start3A_94 = arith.constant 0 : i32
        %dma_start3A_95 = tpu.memref_slice %arg3[%mul3A_89, %dma_start3A_94] : memref<1000x1000xf32, #tpu.memory_space<hbm>> -> memref<8x1000xf32, #tpu.memory_space<hbm>>
        %dma_start3A_96 = arith.constant 0 : i32
        %dma_start3A_97 = arith.constant 0 : i32
        %dma_start3A_98 = tpu.memref_slice %arg6[%run_scoped3A, %dma_start3A_96, %dma_start3A_97] : memref<4x8x1000xf32, #tpu.memory_space<vmem>> -> memref<1x8x1000xf32, #tpu.memory_space<vmem>>
        %dma_start3A_99 = tpu.memref_squeeze %dma_start3A_98 : memref<1x8x1000xf32, #tpu.memory_space<vmem>> -> memref<8x1000xf32, #tpu.memory_space<vmem>>
        %dma_start3A_100 = arith.constant 0 : i32
        %dma_start3A_101 = tpu.memref_slice %arg3[%mul3A_89, %dma_start3A_100] : memref<1000x1000xf32, #tpu.memory_space<hbm>> -> memref<8x1000xf32, #tpu.memory_space<hbm>>
        tpu.enqueue_dma source(%dma_start3A_101 : memref<8x1000xf32, #tpu.memory_space<hbm>>) target(%dma_start3A_99 : memref<8x1000xf32, #tpu.memory_space<vmem>>) target_semaphore(%run_scoped3A_90 : memref<!tpu.dma_semaphore, #tpu.memory_space<semaphore_mem>>)
        %dma_wait3A_102 = arith.constant 0 : i32
        %dma_wait3A_103 = arith.constant 0 : i32
        %dma_wait3A_104 = tpu.memref_slice %arg6[%run_scoped3A, %dma_wait3A_102, %dma_wait3A_103] : memref<4x8x1000xf32, #tpu.memory_space<vmem>> -> memref<1x8x1000xf32, #tpu.memory_space<vmem>>
        %dma_wait3A_105 = tpu.memref_squeeze %dma_wait3A_104 : memref<1x8x1000xf32, #tpu.memory_space<vmem>> -> memref<8x1000xf32, #tpu.memory_space<vmem>>
        %dma_wait3A_106 = arith.constant 0 : i32
        %dma_wait3A_107 = tpu.memref_slice %arg3[%mul3A_89, %dma_wait3A_106] : memref<1000x1000xf32, #tpu.memory_space<hbm>> -> memref<8x1000xf32, #tpu.memory_space<hbm>>
        %dma_wait3A_108 = arith.constant 0 : i32
        %dma_wait3A_109 = arith.constant 0 : i32
        %dma_wait3A_110 = tpu.memref_slice %arg6[%run_scoped3A, %dma_wait3A_108, %dma_wait3A_109] : memref<4x8x1000xf32, #tpu.memory_space<vmem>> -> memref<1x8x1000xf32, #tpu.memory_space<vmem>>
        %dma_wait3A_111 = tpu.memref_squeeze %dma_wait3A_110 : memref<1x8x1000xf32, #tpu.memory_space<vmem>> -> memref<8x1000xf32, #tpu.memory_space<vmem>>
        %dma_wait3A_112 = arith.constant 0 : i32
        %dma_wait3A_113 = tpu.memref_slice %arg3[%mul3A_89, %dma_wait3A_112] : memref<1000x1000xf32, #tpu.memory_space<hbm>> -> memref<8x1000xf32, #tpu.memory_space<hbm>>
        tpu.wait_dma2 semaphore(%run_scoped3A_90 : memref<!tpu.dma_semaphore, #tpu.memory_space<semaphore_mem>>) src(%dma_wait3A_113 : memref<8x1000xf32, #tpu.memory_space<hbm>>) dst(%dma_wait3A_111 : memref<8x1000xf32, #tpu.memory_space<vmem>>)
        tpu.yield
      }) : () -> ()
    } else {
    }
    %add3A_5 = arith.constant 32 : i32
    %add3A_6 = arith.addi %add3A, %add3A_5 : i32
    %lt3A_7 = arith.constant 125 : i32
    %lt3A_8 = arith.cmpi slt, %add3A_6, %lt3A_7 : i32
    %convert_element_type3A_9 = arith.extui %lt3A_8 : i1 to i32
    %cond3A_10 = arith.constant 0 : i32
    %cond3A_11 = arith.cmpi ne, %convert_element_type3A_9, %cond3A_10 : i32
    scf.if %cond3A_11 {
      %mul3A_88 = arith.constant 8 : i32
      %mul3A_89 = arith.muli %add3A_6, %mul3A_88 : i32
      %run_scoped3A = arith.constant 1 : i32
      "tpu.region"() ({
        %run_scoped3A_90 = tpu.sem_alloc : memref<!tpu.dma_semaphore, #tpu.memory_space<semaphore_mem>>
        %dma_start3A = arith.constant 0 : i32
        %dma_start3A_91 = arith.constant 0 : i32
        %dma_start3A_92 = tpu.memref_slice %arg6[%run_scoped3A, %dma_start3A, %dma_start3A_91] : memref<4x8x1000xf32, #tpu.memory_space<vmem>> -> memref<1x8x1000xf32, #tpu.memory_space<vmem>>
        %dma_start3A_93 = tpu.memref_squeeze %dma_start3A_92 : memref<1x8x1000xf32, #tpu.memory_space<vmem>> -> memref<8x1000xf32, #tpu.memory_space<vmem>>
        %dma_start3A_94 = arith.constant 0 : i32
        %dma_start3A_95 = tpu.memref_slice %arg3[%mul3A_89, %dma_start3A_94] : memref<1000x1000xf32, #tpu.memory_space<hbm>> -> memref<8x1000xf32, #tpu.memory_space<hbm>>
        %dma_start3A_96 = arith.constant 0 : i32
        %dma_start3A_97 = arith.constant 0 : i32
        %dma_start3A_98 = tpu.memref_slice %arg6[%run_scoped3A, %dma_start3A_96, %dma_start3A_97] : memref<4x8x1000xf32, #tpu.memory_space<vmem>> -> memref<1x8x1000xf32, #tpu.memory_space<vmem>>
        %dma_start3A_99 = tpu.memref_squeeze %dma_start3A_98 : memref<1x8x1000xf32, #tpu.memory_space<vmem>> -> memref<8x1000xf32, #tpu.memory_space<vmem>>
        %dma_start3A_100 = arith.constant 0 : i32
        %dma_start3A_101 = tpu.memref_slice %arg3[%mul3A_89, %dma_start3A_100] : memref<1000x1000xf32, #tpu.memory_space<hbm>> -> memref<8x1000xf32, #tpu.memory_space<hbm>>
        tpu.enqueue_dma source(%dma_start3A_101 : memref<8x1000xf32, #tpu.memory_space<hbm>>) target(%dma_start3A_99 : memref<8x1000xf32, #tpu.memory_space<vmem>>) target_semaphore(%run_scoped3A_90 : memref<!tpu.dma_semaphore, #tpu.memory_space<semaphore_mem>>)
        %dma_wait3A_102 = arith.constant 0 : i32
        %dma_wait3A_103 = arith.constant 0 : i32
        %dma_wait3A_104 = tpu.memref_slice %arg6[%run_scoped3A, %dma_wait3A_102, %dma_wait3A_103] : memref<4x8x1000xf32, #tpu.memory_space<vmem>> -> memref<1x8x1000xf32, #tpu.memory_space<vmem>>
        %dma_wait3A_105 = tpu.memref_squeeze %dma_wait3A_104 : memref<1x8x1000xf32, #tpu.memory_space<vmem>> -> memref<8x1000xf32, #tpu.memory_space<vmem>>
        %dma_wait3A_106 = arith.constant 0 : i32
        %dma_wait3A_107 = tpu.memref_slice %arg3[%mul3A_89, %dma_wait3A_106] : memref<1000x1000xf32, #tpu.memory_space<hbm>> -> memref<8x1000xf32, #tpu.memory_space<hbm>>
        %dma_wait3A_108 = arith.constant 0 : i32
        %dma_wait3A_109 = arith.constant 0 : i32
        %dma_wait3A_110 = tpu.memref_slice %arg6[%run_scoped3A, %dma_wait3A_108, %dma_wait3A_109] : memref<4x8x1000xf32, #tpu.memory_space<vmem>> -> memref<1x8x1000xf32, #tpu.memory_space<vmem>>
        %dma_wait3A_111 = tpu.memref_squeeze %dma_wait3A_110 : memref<1x8x1000xf32, #tpu.memory_space<vmem>> -> memref<8x1000xf32, #tpu.memory_space<vmem>>
        %dma_wait3A_112 = arith.constant 0 : i32
        %dma_wait3A_113 = tpu.memref_slice %arg3[%mul3A_89, %dma_wait3A_112] : memref<1000x1000xf32, #tpu.memory_space<hbm>> -> memref<8x1000xf32, #tpu.memory_space<hbm>>
        tpu.wait_dma2 semaphore(%run_scoped3A_90 : memref<!tpu.dma_semaphore, #tpu.memory_space<semaphore_mem>>) src(%dma_wait3A_113 : memref<8x1000xf32, #tpu.memory_space<hbm>>) dst(%dma_wait3A_111 : memref<8x1000xf32, #tpu.memory_space<vmem>>)
        tpu.yield
      }) : () -> ()
    } else {
    }
    %add3A_12 = arith.constant 64 : i32
    %add3A_13 = arith.addi %add3A, %add3A_12 : i32
    %lt3A_14 = arith.constant 125 : i32
    %lt3A_15 = arith.cmpi slt, %add3A_13, %lt3A_14 : i32
    %convert_element_type3A_16 = arith.extui %lt3A_15 : i1 to i32
    %cond3A_17 = arith.constant 0 : i32
    %cond3A_18 = arith.cmpi ne, %convert_element_type3A_16, %cond3A_17 : i32
    scf.if %cond3A_18 {
      %mul3A_88 = arith.constant 8 : i32
      %mul3A_89 = arith.muli %add3A_13, %mul3A_88 : i32
      %run_scoped3A = arith.constant 2 : i32
      "tpu.region"() ({
        %run_scoped3A_90 = tpu.sem_alloc : memref<!tpu.dma_semaphore, #tpu.memory_space<semaphore_mem>>
        %dma_start3A = arith.constant 0 : i32
        %dma_start3A_91 = arith.constant 0 : i32
        %dma_start3A_92 = tpu.memref_slice %arg6[%run_scoped3A, %dma_start3A, %dma_start3A_91] : memref<4x8x1000xf32, #tpu.memory_space<vmem>> -> memref<1x8x1000xf32, #tpu.memory_space<vmem>>
        %dma_start3A_93 = tpu.memref_squeeze %dma_start3A_92 : memref<1x8x1000xf32, #tpu.memory_space<vmem>> -> memref<8x1000xf32, #tpu.memory_space<vmem>>
        %dma_start3A_94 = arith.constant 0 : i32
        %dma_start3A_95 = tpu.memref_slice %arg3[%mul3A_89, %dma_start3A_94] : memref<1000x1000xf32, #tpu.memory_space<hbm>> -> memref<8x1000xf32, #tpu.memory_space<hbm>>
        %dma_start3A_96 = arith.constant 0 : i32
        %dma_start3A_97 = arith.constant 0 : i32
        %dma_start3A_98 = tpu.memref_slice %arg6[%run_scoped3A, %dma_start3A_96, %dma_start3A_97] : memref<4x8x1000xf32, #tpu.memory_space<vmem>> -> memref<1x8x1000xf32, #tpu.memory_space<vmem>>
        %dma_start3A_99 = tpu.memref_squeeze %dma_start3A_98 : memref<1x8x1000xf32, #tpu.memory_space<vmem>> -> memref<8x1000xf32, #tpu.memory_space<vmem>>
        %dma_start3A_100 = arith.constant 0 : i32
        %dma_start3A_101 = tpu.memref_slice %arg3[%mul3A_89, %dma_start3A_100] : memref<1000x1000xf32, #tpu.memory_space<hbm>> -> memref<8x1000xf32, #tpu.memory_space<hbm>>
        tpu.enqueue_dma source(%dma_start3A_101 : memref<8x1000xf32, #tpu.memory_space<hbm>>) target(%dma_start3A_99 : memref<8x1000xf32, #tpu.memory_space<vmem>>) target_semaphore(%run_scoped3A_90 : memref<!tpu.dma_semaphore, #tpu.memory_space<semaphore_mem>>)
        %dma_wait3A_102 = arith.constant 0 : i32
        %dma_wait3A_103 = arith.constant 0 : i32
        %dma_wait3A_104 = tpu.memref_slice %arg6[%run_scoped3A, %dma_wait3A_102, %dma_wait3A_103] : memref<4x8x1000xf32, #tpu.memory_space<vmem>> -> memref<1x8x1000xf32, #tpu.memory_space<vmem>>
        %dma_wait3A_105 = tpu.memref_squeeze %dma_wait3A_104 : memref<1x8x1000xf32, #tpu.memory_space<vmem>> -> memref<8x1000xf32, #tpu.memory_space<vmem>>
        %dma_wait3A_106 = arith.constant 0 : i32
        %dma_wait3A_107 = tpu.memref_slice %arg3[%mul3A_89, %dma_wait3A_106] : memref<1000x1000xf32, #tpu.memory_space<hbm>> -> memref<8x1000xf32, #tpu.memory_space<hbm>>
        %dma_wait3A_108 = arith.constant 0 : i32
        %dma_wait3A_109 = arith.constant 0 : i32
        %dma_wait3A_110 = tpu.memref_slice %arg6[%run_scoped3A, %dma_wait3A_108, %dma_wait3A_109] : memref<4x8x1000xf32, #tpu.memory_space<vmem>> -> memref<1x8x1000xf32, #tpu.memory_space<vmem>>
        %dma_wait3A_111 = tpu.memref_squeeze %dma_wait3A_110 : memref<1x8x1000xf32, #tpu.memory_space<vmem>> -> memref<8x1000xf32, #tpu.memory_space<vmem>>
        %dma_wait3A_112 = arith.constant 0 : i32
        %dma_wait3A_113 = tpu.memref_slice %arg3[%mul3A_89, %dma_wait3A_112] : memref<1000x1000xf32, #tpu.memory_space<hbm>> -> memref<8x1000xf32, #tpu.memory_space<hbm>>
        tpu.wait_dma2 semaphore(%run_scoped3A_90 : memref<!tpu.dma_semaphore, #tpu.memory_space<semaphore_mem>>) src(%dma_wait3A_113 : memref<8x1000xf32, #tpu.memory_space<hbm>>) dst(%dma_wait3A_111 : memref<8x1000xf32, #tpu.memory_space<vmem>>)
        tpu.yield
      }) : () -> ()
    } else {
    }
    %add3A_19 = arith.constant 96 : i32
    %add3A_20 = arith.addi %add3A, %add3A_19 : i32
    %lt3A_21 = arith.constant 125 : i32
    %lt3A_22 = arith.cmpi slt, %add3A_20, %lt3A_21 : i32
    %convert_element_type3A_23 = arith.extui %lt3A_22 : i1 to i32
    %cond3A_24 = arith.constant 0 : i32
    %cond3A_25 = arith.cmpi ne, %convert_element_type3A_23, %cond3A_24 : i32
    scf.if %cond3A_25 {
      %mul3A_88 = arith.constant 8 : i32
      %mul3A_89 = arith.muli %add3A_20, %mul3A_88 : i32
      %run_scoped3A = arith.constant 3 : i32
      "tpu.region"() ({
        %run_scoped3A_90 = tpu.sem_alloc : memref<!tpu.dma_semaphore, #tpu.memory_space<semaphore_mem>>
        %dma_start3A = arith.constant 0 : i32
        %dma_start3A_91 = arith.constant 0 : i32
        %dma_start3A_92 = tpu.memref_slice %arg6[%run_scoped3A, %dma_start3A, %dma_start3A_91] : memref<4x8x1000xf32, #tpu.memory_space<vmem>> -> memref<1x8x1000xf32, #tpu.memory_space<vmem>>
        %dma_start3A_93 = tpu.memref_squeeze %dma_start3A_92 : memref<1x8x1000xf32, #tpu.memory_space<vmem>> -> memref<8x1000xf32, #tpu.memory_space<vmem>>
        %dma_start3A_94 = arith.constant 0 : i32
        %dma_start3A_95 = tpu.memref_slice %arg3[%mul3A_89, %dma_start3A_94] : memref<1000x1000xf32, #tpu.memory_space<hbm>> -> memref<8x1000xf32, #tpu.memory_space<hbm>>
        %dma_start3A_96 = arith.constant 0 : i32
        %dma_start3A_97 = arith.constant 0 : i32
        %dma_start3A_98 = tpu.memref_slice %arg6[%run_scoped3A, %dma_start3A_96, %dma_start3A_97] : memref<4x8x1000xf32, #tpu.memory_space<vmem>> -> memref<1x8x1000xf32, #tpu.memory_space<vmem>>
        %dma_start3A_99 = tpu.memref_squeeze %dma_start3A_98 : memref<1x8x1000xf32, #tpu.memory_space<vmem>> -> memref<8x1000xf32, #tpu.memory_space<vmem>>
        %dma_start3A_100 = arith.constant 0 : i32
        %dma_start3A_101 = tpu.memref_slice %arg3[%mul3A_89, %dma_start3A_100] : memref<1000x1000xf32, #tpu.memory_space<hbm>> -> memref<8x1000xf32, #tpu.memory_space<hbm>>
        tpu.enqueue_dma source(%dma_start3A_101 : memref<8x1000xf32, #tpu.memory_space<hbm>>) target(%dma_start3A_99 : memref<8x1000xf32, #tpu.memory_space<vmem>>) target_semaphore(%run_scoped3A_90 : memref<!tpu.dma_semaphore, #tpu.memory_space<semaphore_mem>>)
        %dma_wait3A_102 = arith.constant 0 : i32
        %dma_wait3A_103 = arith.constant 0 : i32
        %dma_wait3A_104 = tpu.memref_slice %arg6[%run_scoped3A, %dma_wait3A_102, %dma_wait3A_103] : memref<4x8x1000xf32, #tpu.memory_space<vmem>> -> memref<1x8x1000xf32, #tpu.memory_space<vmem>>
        %dma_wait3A_105 = tpu.memref_squeeze %dma_wait3A_104 : memref<1x8x1000xf32, #tpu.memory_space<vmem>> -> memref<8x1000xf32, #tpu.memory_space<vmem>>
        %dma_wait3A_106 = arith.constant 0 : i32
        %dma_wait3A_107 = tpu.memref_slice %arg3[%mul3A_89, %dma_wait3A_106] : memref<1000x1000xf32, #tpu.memory_space<hbm>> -> memref<8x1000xf32, #tpu.memory_space<hbm>>
        %dma_wait3A_108 = arith.constant 0 : i32
        %dma_wait3A_109 = arith.constant 0 : i32
        %dma_wait3A_110 = tpu.memref_slice %arg6[%run_scoped3A, %dma_wait3A_108, %dma_wait3A_109] : memref<4x8x1000xf32, #tpu.memory_space<vmem>> -> memref<1x8x1000xf32, #tpu.memory_space<vmem>>
        %dma_wait3A_111 = tpu.memref_squeeze %dma_wait3A_110 : memref<1x8x1000xf32, #tpu.memory_space<vmem>> -> memref<8x1000xf32, #tpu.memory_space<vmem>>
        %dma_wait3A_112 = arith.constant 0 : i32
        %dma_wait3A_113 = tpu.memref_slice %arg3[%mul3A_89, %dma_wait3A_112] : memref<1000x1000xf32, #tpu.memory_space<hbm>> -> memref<8x1000xf32, #tpu.memory_space<hbm>>
        tpu.wait_dma2 semaphore(%run_scoped3A_90 : memref<!tpu.dma_semaphore, #tpu.memory_space<semaphore_mem>>) src(%dma_wait3A_113 : memref<8x1000xf32, #tpu.memory_space<hbm>>) dst(%dma_wait3A_111 : memref<8x1000xf32, #tpu.memory_space<vmem>>)
        tpu.yield
      }) : () -> ()
    } else {
    }
    %add3A_26 = arith.constant 0 : i32
    %add3A_27 = arith.addi %add3A, %add3A_26 : i32
    %lt3A_28 = arith.constant 125 : i32
    %lt3A_29 = arith.cmpi slt, %add3A_27, %lt3A_28 : i32
    %convert_element_type3A_30 = arith.extui %lt3A_29 : i1 to i32
    %cond3A_31 = arith.constant 0 : i32
    %cond3A_32 = arith.cmpi ne, %convert_element_type3A_30, %cond3A_31 : i32
    scf.if %cond3A_32 {
      %parallel_loop3A = arith.constant 0 : i32
      %parallel_loop3A_88 = arith.constant 64 : i32
      %parallel_loop3A_89 = arith.constant 1 : i32
      scf.for %parallel_loop3A_103 = %parallel_loop3A to %parallel_loop3A_88 step %parallel_loop3A_89  : i32 {
        %parallel_loop3A_104 = arith.constant 3 : i32
        %parallel_loop3A_105 = arith.shrsi %parallel_loop3A_103, %parallel_loop3A_104 : i32
        %parallel_loop3A_106 = arith.constant 7 : i32
        %parallel_loop3A_107 = arith.andi %parallel_loop3A_103, %parallel_loop3A_106 : i32
        %parallel_loop3A_108 = arith.constant 128 : i32
        %parallel_loop3A_109 = arith.muli %parallel_loop3A_105, %parallel_loop3A_108 : i32
        %parallel_loop3A_110 = arith.constant 0 : i32
        %parallel_loop3A_111 = arith.addi %parallel_loop3A_110, %parallel_loop3A_109 : i32
        %parallel_loop3A_112 = arith.constant 16 : i32
        %parallel_loop3A_113 = arith.muli %parallel_loop3A_112, %parallel_loop3A_107 : i32
        %parallel_loop3A_114 = arith.addi %parallel_loop3A_111, %parallel_loop3A_113 : i32
        %parallel_loop3A_115 = arith.constant 1024 : i32
        %parallel_loop3A_116 = arith.muli %parallel_loop3A_105, %parallel_loop3A_115 : i32
        %parallel_loop3A_117 = arith.constant 16 : i32
        %parallel_loop3A_118 = arith.muli %parallel_loop3A_117, %parallel_loop3A_107 : i32
        %parallel_loop3A_119 = arith.addi %parallel_loop3A_116, %parallel_loop3A_118 : i32
        %parallel_loop3A_120 = arith.index_cast %parallel_loop3A_114 : i32 to index
        %parallel_loop3A_121 = tpu.vector_load %arg5[%parallel_loop3A_120] {strides = array<i32>} : memref<51200xi32, #tpu.memory_space<vmem>>, vector<16xi32>,
        %parallel_loop3A_122 = arith.constant 0 : i32
        %parallel_loop3A_123 = arith.constant 0 : i32
        %parallel_loop3A_124 = arith.constant 0 : i32
        %parallel_loop3A_125 = tpu.memref_slice %arg6[%parallel_loop3A_122, %parallel_loop3A_123, %parallel_loop3A_124] : memref<4x8x1000xf32, #tpu.memory_space<vmem>> -> memref<1x1x1000xf32, #tpu.memory_space<vmem>>
        %parallel_loop3A_126 = tpu.memref_squeeze %parallel_loop3A_125 : memref<1x1x1000xf32, #tpu.memory_space<vmem>> -> memref<1000xf32, #tpu.memory_space<vmem>>
        %parallel_loop3A_127 = tpu.vector_load_idx %parallel_loop3A_126[%parallel_loop3A_121] : memref<1000xf32, #tpu.memory_space<vmem>>[vector<16xi32>], vector<16xf32>,
        %parallel_loop3A_128 = arith.constant 0 : i32
        %parallel_loop3A_129 = arith.addi %parallel_loop3A_119, %parallel_loop3A_128 : i32
        %parallel_loop3A_130 = arith.constant 0 : i32
        %parallel_loop3A_131 = arith.index_cast %parallel_loop3A_130 : i32 to index
        %parallel_loop3A_132 = arith.index_cast %parallel_loop3A_129 : i32 to index
        %parallel_loop3A_133 = tpu.vector_load %arg7[%parallel_loop3A_131, %parallel_loop3A_132] {strides = array<i32>} : memref<2x8192xf32, #tpu.memory_space<vmem>>, vector<16xf32>,
        tpu.vector_store %arg7[%parallel_loop3A_131, %parallel_loop3A_132], %parallel_loop3A_127 {strides = array<i32>} : memref<2x8192xf32, #tpu.memory_space<vmem>>, vector<16xf32>,
        %parallel_loop3A_134 = arith.constant 0 : i32
        %parallel_loop3A_135 = arith.constant 1 : i32
        %parallel_loop3A_136 = arith.constant 0 : i32
        %parallel_loop3A_137 = tpu.memref_slice %arg6[%parallel_loop3A_134, %parallel_loop3A_135, %parallel_loop3A_136] : memref<4x8x1000xf32, #tpu.memory_space<vmem>> -> memref<1x1x1000xf32, #tpu.memory_space<vmem>>
        %parallel_loop3A_138 = tpu.memref_squeeze %parallel_loop3A_137 : memref<1x1x1000xf32, #tpu.memory_space<vmem>> -> memref<1000xf32, #tpu.memory_space<vmem>>
        %parallel_loop3A_139 = tpu.vector_load_idx %parallel_loop3A_138[%parallel_loop3A_121] : memref<1000xf32, #tpu.memory_space<vmem>>[vector<16xi32>], vector<16xf32>,
        %parallel_loop3A_140 = arith.constant 128 : i32
        %parallel_loop3A_141 = arith.addi %parallel_loop3A_119, %parallel_loop3A_140 : i32
        %parallel_loop3A_142 = arith.constant 0 : i32
        %parallel_loop3A_143 = arith.index_cast %parallel_loop3A_142 : i32 to index
        %parallel_loop3A_144 = arith.index_cast %parallel_loop3A_141 : i32 to index
        %parallel_loop3A_145 = tpu.vector_load %arg7[%parallel_loop3A_143, %parallel_loop3A_144] {strides = array<i32>} : memref<2x8192xf32, #tpu.memory_space<vmem>>, vector<16xf32>,
        tpu.vector_store %arg7[%parallel_loop3A_143, %parallel_loop3A_144], %parallel_loop3A_139 {strides = array<i32>} : memref<2x8192xf32, #tpu.memory_space<vmem>>, vector<16xf32>,
        %parallel_loop3A_146 = arith.constant 0 : i32
        %parallel_loop3A_147 = arith.constant 2 : i32
        %parallel_loop3A_148 = arith.constant 0 : i32
        %parallel_loop3A_149 = tpu.memref_slice %arg6[%parallel_loop3A_146, %parallel_loop3A_147, %parallel_loop3A_148] : memref<4x8x1000xf32, #tpu.memory_space<vmem>> -> memref<1x1x1000xf32, #tpu.memory_space<vmem>>
        %parallel_loop3A_150 = tpu.memref_squeeze %parallel_loop3A_149 : memref<1x1x1000xf32, #tpu.memory_space<vmem>> -> memref<1000xf32, #tpu.memory_space<vmem>>
        %parallel_loop3A_151 = tpu.vector_load_idx %parallel_loop3A_150[%parallel_loop3A_121] : memref<1000xf32, #tpu.memory_space<vmem>>[vector<16xi32>], vector<16xf32>,
        %parallel_loop3A_152 = arith.constant 256 : i32
        %parallel_loop3A_153 = arith.addi %parallel_loop3A_119, %parallel_loop3A_152 : i32
        %parallel_loop3A_154 = arith.constant 0 : i32
        %parallel_loop3A_155 = arith.index_cast %parallel_loop3A_154 : i32 to index
        %parallel_loop3A_156 = arith.index_cast %parallel_loop3A_153 : i32 to index
        %parallel_loop3A_157 = tpu.vector_load %arg7[%parallel_loop3A_155, %parallel_loop3A_156] {strides = array<i32>} : memref<2x8192xf32, #tpu.memory_space<vmem>>, vector<16xf32>,
        tpu.vector_store %arg7[%parallel_loop3A_155, %parallel_loop3A_156], %parallel_loop3A_151 {strides = array<i32>} : memref<2x8192xf32, #tpu.memory_space<vmem>>, vector<16xf32>,
        %parallel_loop3A_158 = arith.constant 0 : i32
        %parallel_loop3A_159 = arith.constant 3 : i32
        %parallel_loop3A_160 = arith.constant 0 : i32
        %parallel_loop3A_161 = tpu.memref_slice %arg6[%parallel_loop3A_158, %parallel_loop3A_159, %parallel_loop3A_160] : memref<4x8x1000xf32, #tpu.memory_space<vmem>> -> memref<1x1x1000xf32, #tpu.memory_space<vmem>>
        %parallel_loop3A_162 = tpu.memref_squeeze %parallel_loop3A_161 : memref<1x1x1000xf32, #tpu.memory_space<vmem>> -> memref<1000xf32, #tpu.memory_space<vmem>>
        %parallel_loop3A_163 = tpu.vector_load_idx %parallel_loop3A_162[%parallel_loop3A_121] : memref<1000xf32, #tpu.memory_space<vmem>>[vector<16xi32>], vector<16xf32>,
        %parallel_loop3A_164 = arith.constant 384 : i32
        %parallel_loop3A_165 = arith.addi %parallel_loop3A_119, %parallel_loop3A_164 : i32
        %parallel_loop3A_166 = arith.constant 0 : i32
        %parallel_loop3A_167 = arith.index_cast %parallel_loop3A_166 : i32 to index
        %parallel_loop3A_168 = arith.index_cast %parallel_loop3A_165 : i32 to index
        %parallel_loop3A_169 = tpu.vector_load %arg7[%parallel_loop3A_167, %parallel_loop3A_168] {strides = array<i32>} : memref<2x8192xf32, #tpu.memory_space<vmem>>, vector<16xf32>,
        tpu.vector_store %arg7[%parallel_loop3A_167, %parallel_loop3A_168], %parallel_loop3A_163 {strides = array<i32>} : memref<2x8192xf32, #tpu.memory_space<vmem>>, vector<16xf32>,
        %parallel_loop3A_170 = arith.constant 0 : i32
        %parallel_loop3A_171 = arith.constant 4 : i32
        %parallel_loop3A_172 = arith.constant 0 : i32
        %parallel_loop3A_173 = tpu.memref_slice %arg6[%parallel_loop3A_170, %parallel_loop3A_171, %parallel_loop3A_172] : memref<4x8x1000xf32, #tpu.memory_space<vmem>> -> memref<1x1x1000xf32, #tpu.memory_space<vmem>>
        %parallel_loop3A_174 = tpu.memref_squeeze %parallel_loop3A_173 : memref<1x1x1000xf32, #tpu.memory_space<vmem>> -> memref<1000xf32, #tpu.memory_space<vmem>>
        %parallel_loop3A_175 = tpu.vector_load_idx %parallel_loop3A_174[%parallel_loop3A_121] : memref<1000xf32, #tpu.memory_space<vmem>>[vector<16xi32>], vector<16xf32>,
        %parallel_loop3A_176 = arith.constant 512 : i32
        %parallel_loop3A_177 = arith.addi %parallel_loop3A_119, %parallel_loop3A_176 : i32
        %parallel_loop3A_178 = arith.constant 0 : i32
        %parallel_loop3A_179 = arith.index_cast %parallel_loop3A_178 : i32 to index
        %parallel_loop3A_180 = arith.index_cast %parallel_loop3A_177 : i32 to index
        %parallel_loop3A_181 = tpu.vector_load %arg7[%parallel_loop3A_179, %parallel_loop3A_180] {strides = array<i32>} : memref<2x8192xf32, #tpu.memory_space<vmem>>, vector<16xf32>,
        tpu.vector_store %arg7[%parallel_loop3A_179, %parallel_loop3A_180], %parallel_loop3A_175 {strides = array<i32>} : memref<2x8192xf32, #tpu.memory_space<vmem>>, vector<16xf32>,
        %parallel_loop3A_182 = arith.constant 0 : i32
        %parallel_loop3A_183 = arith.constant 5 : i32
        %parallel_loop3A_184 = arith.constant 0 : i32
        %parallel_loop3A_185 = tpu.memref_slice %arg6[%parallel_loop3A_182, %parallel_loop3A_183, %parallel_loop3A_184] : memref<4x8x1000xf32, #tpu.memory_space<vmem>> -> memref<1x1x1000xf32, #tpu.memory_space<vmem>>
        %parallel_loop3A_186 = tpu.memref_squeeze %parallel_loop3A_185 : memref<1x1x1000xf32, #tpu.memory_space<vmem>> -> memref<1000xf32, #tpu.memory_space<vmem>>
        %parallel_loop3A_187 = tpu.vector_load_idx %parallel_loop3A_186[%parallel_loop3A_121] : memref<1000xf32, #tpu.memory_space<vmem>>[vector<16xi32>], vector<16xf32>,
        %parallel_loop3A_188 = arith.constant 640 : i32
        %parallel_loop3A_189 = arith.addi %parallel_loop3A_119, %parallel_loop3A_188 : i32
        %parallel_loop3A_190 = arith.constant 0 : i32
        %parallel_loop3A_191 = arith.index_cast %parallel_loop3A_190 : i32 to index
        %parallel_loop3A_192 = arith.index_cast %parallel_loop3A_189 : i32 to index
        %parallel_loop3A_193 = tpu.vector_load %arg7[%parallel_loop3A_191, %parallel_loop3A_192] {strides = array<i32>} : memref<2x8192xf32, #tpu.memory_space<vmem>>, vector<16xf32>,
        tpu.vector_store %arg7[%parallel_loop3A_191, %parallel_loop3A_192], %parallel_loop3A_187 {strides = array<i32>} : memref<2x8192xf32, #tpu.memory_space<vmem>>, vector<16xf32>,
        %parallel_loop3A_194 = arith.constant 0 : i32
        %parallel_loop3A_195 = arith.constant 6 : i32
        %parallel_loop3A_196 = arith.constant 0 : i32
        %parallel_loop3A_197 = tpu.memref_slice %arg6[%parallel_loop3A_194, %parallel_loop3A_195, %parallel_loop3A_196] : memref<4x8x1000xf32, #tpu.memory_space<vmem>> -> memref<1x1x1000xf32, #tpu.memory_space<vmem>>
        %parallel_loop3A_198 = tpu.memref_squeeze %parallel_loop3A_197 : memref<1x1x1000xf32, #tpu.memory_space<vmem>> -> memref<1000xf32, #tpu.memory_space<vmem>>
        %parallel_loop3A_199 = tpu.vector_load_idx %parallel_loop3A_198[%parallel_loop3A_121] : memref<1000xf32, #tpu.memory_space<vmem>>[vector<16xi32>], vector<16xf32>,
        %parallel_loop3A_200 = arith.constant 768 : i32
        %parallel_loop3A_201 = arith.addi %parallel_loop3A_119, %parallel_loop3A_200 : i32
        %parallel_loop3A_202 = arith.constant 0 : i32
        %parallel_loop3A_203 = arith.index_cast %parallel_loop3A_202 : i32 to index
        %parallel_loop3A_204 = arith.index_cast %parallel_loop3A_201 : i32 to index
        %parallel_loop3A_205 = tpu.vector_load %arg7[%parallel_loop3A_203, %parallel_loop3A_204] {strides = array<i32>} : memref<2x8192xf32, #tpu.memory_space<vmem>>, vector<16xf32>,
        tpu.vector_store %arg7[%parallel_loop3A_203, %parallel_loop3A_204], %parallel_loop3A_199 {strides = array<i32>} : memref<2x8192xf32, #tpu.memory_space<vmem>>, vector<16xf32>,
        %parallel_loop3A_206 = arith.constant 0 : i32
        %parallel_loop3A_207 = arith.constant 7 : i32
        %parallel_loop3A_208 = arith.constant 0 : i32
        %parallel_loop3A_209 = tpu.memref_slice %arg6[%parallel_loop3A_206, %parallel_loop3A_207, %parallel_loop3A_208] : memref<4x8x1000xf32, #tpu.memory_space<vmem>> -> memref<1x1x1000xf32, #tpu.memory_space<vmem>>
        %parallel_loop3A_210 = tpu.memref_squeeze %parallel_loop3A_209 : memref<1x1x1000xf32, #tpu.memory_space<vmem>> -> memref<1000xf32, #tpu.memory_space<vmem>>
        %parallel_loop3A_211 = tpu.vector_load_idx %parallel_loop3A_210[%parallel_loop3A_121] : memref<1000xf32, #tpu.memory_space<vmem>>[vector<16xi32>], vector<16xf32>,
        %parallel_loop3A_212 = arith.constant 896 : i32
        %parallel_loop3A_213 = arith.addi %parallel_loop3A_119, %parallel_loop3A_212 : i32
        %parallel_loop3A_214 = arith.constant 0 : i32
        %parallel_loop3A_215 = arith.index_cast %parallel_loop3A_214 : i32 to index
        %parallel_loop3A_216 = arith.index_cast %parallel_loop3A_213 : i32 to index
        %parallel_loop3A_217 = tpu.vector_load %arg7[%parallel_loop3A_215, %parallel_loop3A_216] {strides = array<i32>} : memref<2x8192xf32, #tpu.memory_space<vmem>>, vector<16xf32>,
        tpu.vector_store %arg7[%parallel_loop3A_215, %parallel_loop3A_216], %parallel_loop3A_211 {strides = array<i32>} : memref<2x8192xf32, #tpu.memory_space<vmem>>, vector<16xf32>,
      } {sc.loop_unroll_factor = 8 : i64, sc.parallel_access}
      %dma_start3A = arith.constant 0 : i32
      %dma_start3A_90 = arith.constant 0 : i32
      %dma_start3A_91 = arith.constant 0 : i32
      %dma_start3A_92 = tpu.memref_slice %arg7[%dma_start3A, %dma_start3A_91] : memref<2x8192xf32, #tpu.memory_space<vmem>> -> memref<1x8192xf32, #tpu.memory_space<vmem>>
      %dma_start3A_93 = tpu.memref_squeeze %dma_start3A_92 : memref<1x8192xf32, #tpu.memory_space<vmem>> -> memref<8192xf32, #tpu.memory_space<vmem>>
      %dma_start3A_94 = arith.constant 0 : i32
      %dma_start3A_95 = tpu.memref_slice %arg4[%dma_start3A_90, %add3A_27, %dma_start3A_94] : memref<50x125x8192xf32, #tpu.memory_space<hbm>> -> memref<1x1x8192xf32, #tpu.memory_space<hbm>>
      %dma_start3A_96 = tpu.memref_squeeze %dma_start3A_95 : memref<1x1x8192xf32, #tpu.memory_space<hbm>> -> memref<8192xf32, #tpu.memory_space<hbm>>
      %dma_start3A_97 = arith.constant 0 : i32
      %dma_start3A_98 = tpu.memref_slice %arg4[%dma_start3A_90, %add3A_27, %dma_start3A_97] : memref<50x125x8192xf32, #tpu.memory_space<hbm>> -> memref<1x1x8192xf32, #tpu.memory_space<hbm>>
      %dma_start3A_99 = tpu.memref_squeeze %dma_start3A_98 : memref<1x1x8192xf32, #tpu.memory_space<hbm>> -> memref<8192xf32, #tpu.memory_space<hbm>>
      %dma_start3A_100 = arith.constant 0 : i32
      %dma_start3A_101 = tpu.memref_slice %arg7[%dma_start3A, %dma_start3A_100] : memref<2x8192xf32, #tpu.memory_space<vmem>> -> memref<1x8192xf32, #tpu.memory_space<vmem>>
      %dma_start3A_102 = tpu.memref_squeeze %dma_start3A_101 : memref<1x8192xf32, #tpu.memory_space<vmem>> -> memref<8192xf32, #tpu.memory_space<vmem>>
      tpu.enqueue_dma source(%dma_start3A_102 : memref<8192xf32, #tpu.memory_space<vmem>>) target(%dma_start3A_99 : memref<8192xf32, #tpu.memory_space<hbm>>) target_semaphore(%arg8 : memref<!tpu.dma_semaphore, #tpu.memory_space<semaphore_mem>>)
    } else {
    }
    %add3A_33 = arith.constant 32 : i32
    %add3A_34 = arith.addi %add3A, %add3A_33 : i32
    %lt3A_35 = arith.constant 125 : i32
    %lt3A_36 = arith.cmpi slt, %add3A_34, %lt3A_35 : i32
    %convert_element_type3A_37 = arith.extui %lt3A_36 : i1 to i32
    %cond3A_38 = arith.constant 0 : i32
    %cond3A_39 = arith.cmpi ne, %convert_element_type3A_37, %cond3A_38 : i32
    scf.if %cond3A_39 {
      %parallel_loop3A = arith.constant 0 : i32
      %parallel_loop3A_88 = arith.constant 64 : i32
      %parallel_loop3A_89 = arith.constant 1 : i32
      scf.for %parallel_loop3A_103 = %parallel_loop3A to %parallel_loop3A_88 step %parallel_loop3A_89  : i32 {
        %parallel_loop3A_104 = arith.constant 3 : i32
        %parallel_loop3A_105 = arith.shrsi %parallel_loop3A_103, %parallel_loop3A_104 : i32
        %parallel_loop3A_106 = arith.constant 7 : i32
        %parallel_loop3A_107 = arith.andi %parallel_loop3A_103, %parallel_loop3A_106 : i32
        %parallel_loop3A_108 = arith.constant 128 : i32
        %parallel_loop3A_109 = arith.muli %parallel_loop3A_105, %parallel_loop3A_108 : i32
        %parallel_loop3A_110 = arith.constant 0 : i32
        %parallel_loop3A_111 = arith.addi %parallel_loop3A_110, %parallel_loop3A_109 : i32
        %parallel_loop3A_112 = arith.constant 16 : i32
        %parallel_loop3A_113 = arith.muli %parallel_loop3A_112, %parallel_loop3A_107 : i32
        %parallel_loop3A_114 = arith.addi %parallel_loop3A_111, %parallel_loop3A_113 : i32
        %parallel_loop3A_115 = arith.constant 1024 : i32
        %parallel_loop3A_116 = arith.muli %parallel_loop3A_105, %parallel_loop3A_115 : i32
        %parallel_loop3A_117 = arith.constant 16 : i32
        %parallel_loop3A_118 = arith.muli %parallel_loop3A_117, %parallel_loop3A_107 : i32
        %parallel_loop3A_119 = arith.addi %parallel_loop3A_116, %parallel_loop3A_118 : i32
        %parallel_loop3A_120 = arith.index_cast %parallel_loop3A_114 : i32 to index
        %parallel_loop3A_121 = tpu.vector_load %arg5[%parallel_loop3A_120] {strides = array<i32>} : memref<51200xi32, #tpu.memory_space<vmem>>, vector<16xi32>,
        %parallel_loop3A_122 = arith.constant 1 : i32
        %parallel_loop3A_123 = arith.constant 0 : i32
        %parallel_loop3A_124 = arith.constant 0 : i32
        %parallel_loop3A_125 = tpu.memref_slice %arg6[%parallel_loop3A_122, %parallel_loop3A_123, %parallel_loop3A_124] : memref<4x8x1000xf32, #tpu.memory_space<vmem>> -> memref<1x1x1000xf32, #tpu.memory_space<vmem>>
        %parallel_loop3A_126 = tpu.memref_squeeze %parallel_loop3A_125 : memref<1x1x1000xf32, #tpu.memory_space<vmem>> -> memref<1000xf32, #tpu.memory_space<vmem>>
        %parallel_loop3A_127 = tpu.vector_load_idx %parallel_loop3A_126[%parallel_loop3A_121] : memref<1000xf32, #tpu.memory_space<vmem>>[vector<16xi32>], vector<16xf32>,
        %parallel_loop3A_128 = arith.constant 0 : i32
        %parallel_loop3A_129 = arith.addi %parallel_loop3A_119, %parallel_loop3A_128 : i32
        %parallel_loop3A_130 = arith.constant 1 : i32
        %parallel_loop3A_131 = arith.index_cast %parallel_loop3A_130 : i32 to index
        %parallel_loop3A_132 = arith.index_cast %parallel_loop3A_129 : i32 to index
        %parallel_loop3A_133 = tpu.vector_load %arg7[%parallel_loop3A_131, %parallel_loop3A_132] {strides = array<i32>} : memref<2x8192xf32, #tpu.memory_space<vmem>>, vector<16xf32>,
        tpu.vector_store %arg7[%parallel_loop3A_131, %parallel_loop3A_132], %parallel_loop3A_127 {strides = array<i32>} : memref<2x8192xf32, #tpu.memory_space<vmem>>, vector<16xf32>,
        %parallel_loop3A_134 = arith.constant 1 : i32
        %parallel_loop3A_135 = arith.constant 1 : i32
        %parallel_loop3A_136 = arith.constant 0 : i32
        %parallel_loop3A_137 = tpu.memref_slice %arg6[%parallel_loop3A_134, %parallel_loop3A_135, %parallel_loop3A_136] : memref<4x8x1000xf32, #tpu.memory_space<vmem>> -> memref<1x1x1000xf32, #tpu.memory_space<vmem>>
        %parallel_loop3A_138 = tpu.memref_squeeze %parallel_loop3A_137 : memref<1x1x1000xf32, #tpu.memory_space<vmem>> -> memref<1000xf32, #tpu.memory_space<vmem>>
        %parallel_loop3A_139 = tpu.vector_load_idx %parallel_loop3A_138[%parallel_loop3A_121] : memref<1000xf32, #tpu.memory_space<vmem>>[vector<16xi32>], vector<16xf32>,
        %parallel_loop3A_140 = arith.constant 128 : i32
        %parallel_loop3A_141 = arith.addi %parallel_loop3A_119, %parallel_loop3A_140 : i32
        %parallel_loop3A_142 = arith.constant 1 : i32
        %parallel_loop3A_143 = arith.index_cast %parallel_loop3A_142 : i32 to index
        %parallel_loop3A_144 = arith.index_cast %parallel_loop3A_141 : i32 to index
        %parallel_loop3A_145 = tpu.vector_load %arg7[%parallel_loop3A_143, %parallel_loop3A_144] {strides = array<i32>} : memref<2x8192xf32, #tpu.memory_space<vmem>>, vector<16xf32>,
        tpu.vector_store %arg7[%parallel_loop3A_143, %parallel_loop3A_144], %parallel_loop3A_139 {strides = array<i32>} : memref<2x8192xf32, #tpu.memory_space<vmem>>, vector<16xf32>,
        %parallel_loop3A_146 = arith.constant 1 : i32
        %parallel_loop3A_147 = arith.constant 2 : i32
        %parallel_loop3A_148 = arith.constant 0 : i32
        %parallel_loop3A_149 = tpu.memref_slice %arg6[%parallel_loop3A_146, %parallel_loop3A_147, %parallel_loop3A_148] : memref<4x8x1000xf32, #tpu.memory_space<vmem>> -> memref<1x1x1000xf32, #tpu.memory_space<vmem>>
        %parallel_loop3A_150 = tpu.memref_squeeze %parallel_loop3A_149 : memref<1x1x1000xf32, #tpu.memory_space<vmem>> -> memref<1000xf32, #tpu.memory_space<vmem>>
        %parallel_loop3A_151 = tpu.vector_load_idx %parallel_loop3A_150[%parallel_loop3A_121] : memref<1000xf32, #tpu.memory_space<vmem>>[vector<16xi32>], vector<16xf32>,
        %parallel_loop3A_152 = arith.constant 256 : i32
        %parallel_loop3A_153 = arith.addi %parallel_loop3A_119, %parallel_loop3A_152 : i32
        %parallel_loop3A_154 = arith.constant 1 : i32
        %parallel_loop3A_155 = arith.index_cast %parallel_loop3A_154 : i32 to index
        %parallel_loop3A_156 = arith.index_cast %parallel_loop3A_153 : i32 to index
        %parallel_loop3A_157 = tpu.vector_load %arg7[%parallel_loop3A_155, %parallel_loop3A_156] {strides = array<i32>} : memref<2x8192xf32, #tpu.memory_space<vmem>>, vector<16xf32>,
        tpu.vector_store %arg7[%parallel_loop3A_155, %parallel_loop3A_156], %parallel_loop3A_151 {strides = array<i32>} : memref<2x8192xf32, #tpu.memory_space<vmem>>, vector<16xf32>,
        %parallel_loop3A_158 = arith.constant 1 : i32
        %parallel_loop3A_159 = arith.constant 3 : i32
        %parallel_loop3A_160 = arith.constant 0 : i32
        %parallel_loop3A_161 = tpu.memref_slice %arg6[%parallel_loop3A_158, %parallel_loop3A_159, %parallel_loop3A_160] : memref<4x8x1000xf32, #tpu.memory_space<vmem>> -> memref<1x1x1000xf32, #tpu.memory_space<vmem>>
        %parallel_loop3A_162 = tpu.memref_squeeze %parallel_loop3A_161 : memref<1x1x1000xf32, #tpu.memory_space<vmem>> -> memref<1000xf32, #tpu.memory_space<vmem>>
        %parallel_loop3A_163 = tpu.vector_load_idx %parallel_loop3A_162[%parallel_loop3A_121] : memref<1000xf32, #tpu.memory_space<vmem>>[vector<16xi32>], vector<16xf32>,
        %parallel_loop3A_164 = arith.constant 384 : i32
        %parallel_loop3A_165 = arith.addi %parallel_loop3A_119, %parallel_loop3A_164 : i32
        %parallel_loop3A_166 = arith.constant 1 : i32
        %parallel_loop3A_167 = arith.index_cast %parallel_loop3A_166 : i32 to index
        %parallel_loop3A_168 = arith.index_cast %parallel_loop3A_165 : i32 to index
        %parallel_loop3A_169 = tpu.vector_load %arg7[%parallel_loop3A_167, %parallel_loop3A_168] {strides = array<i32>} : memref<2x8192xf32, #tpu.memory_space<vmem>>, vector<16xf32>,
        tpu.vector_store %arg7[%parallel_loop3A_167, %parallel_loop3A_168], %parallel_loop3A_163 {strides = array<i32>} : memref<2x8192xf32, #tpu.memory_space<vmem>>, vector<16xf32>,
        %parallel_loop3A_170 = arith.constant 1 : i32
        %parallel_loop3A_171 = arith.constant 4 : i32
        %parallel_loop3A_172 = arith.constant 0 : i32
        %parallel_loop3A_173 = tpu.memref_slice %arg6[%parallel_loop3A_170, %parallel_loop3A_171, %parallel_loop3A_172] : memref<4x8x1000xf32, #tpu.memory_space<vmem>> -> memref<1x1x1000xf32, #tpu.memory_space<vmem>>
        %parallel_loop3A_174 = tpu.memref_squeeze %parallel_loop3A_173 : memref<1x1x1000xf32, #tpu.memory_space<vmem>> -> memref<1000xf32, #tpu.memory_space<vmem>>
        %parallel_loop3A_175 = tpu.vector_load_idx %parallel_loop3A_174[%parallel_loop3A_121] : memref<1000xf32, #tpu.memory_space<vmem>>[vector<16xi32>], vector<16xf32>,
        %parallel_loop3A_176 = arith.constant 512 : i32
        %parallel_loop3A_177 = arith.addi %parallel_loop3A_119, %parallel_loop3A_176 : i32
        %parallel_loop3A_178 = arith.constant 1 : i32
        %parallel_loop3A_179 = arith.index_cast %parallel_loop3A_178 : i32 to index
        %parallel_loop3A_180 = arith.index_cast %parallel_loop3A_177 : i32 to index
        %parallel_loop3A_181 = tpu.vector_load %arg7[%parallel_loop3A_179, %parallel_loop3A_180] {strides = array<i32>} : memref<2x8192xf32, #tpu.memory_space<vmem>>, vector<16xf32>,
        tpu.vector_store %arg7[%parallel_loop3A_179, %parallel_loop3A_180], %parallel_loop3A_175 {strides = array<i32>} : memref<2x8192xf32, #tpu.memory_space<vmem>>, vector<16xf32>,
        %parallel_loop3A_182 = arith.constant 1 : i32
        %parallel_loop3A_183 = arith.constant 5 : i32
        %parallel_loop3A_184 = arith.constant 0 : i32
        %parallel_loop3A_185 = tpu.memref_slice %arg6[%parallel_loop3A_182, %parallel_loop3A_183, %parallel_loop3A_184] : memref<4x8x1000xf32, #tpu.memory_space<vmem>> -> memref<1x1x1000xf32, #tpu.memory_space<vmem>>
        %parallel_loop3A_186 = tpu.memref_squeeze %parallel_loop3A_185 : memref<1x1x1000xf32, #tpu.memory_space<vmem>> -> memref<1000xf32, #tpu.memory_space<vmem>>
        %parallel_loop3A_187 = tpu.vector_load_idx %parallel_loop3A_186[%parallel_loop3A_121] : memref<1000xf32, #tpu.memory_space<vmem>>[vector<16xi32>], vector<16xf32>,
        %parallel_loop3A_188 = arith.constant 640 : i32
        %parallel_loop3A_189 = arith.addi %parallel_loop3A_119, %parallel_loop3A_188 : i32
        %parallel_loop3A_190 = arith.constant 1 : i32
        %parallel_loop3A_191 = arith.index_cast %parallel_loop3A_190 : i32 to index
        %parallel_loop3A_192 = arith.index_cast %parallel_loop3A_189 : i32 to index
        %parallel_loop3A_193 = tpu.vector_load %arg7[%parallel_loop3A_191, %parallel_loop3A_192] {strides = array<i32>} : memref<2x8192xf32, #tpu.memory_space<vmem>>, vector<16xf32>,
        tpu.vector_store %arg7[%parallel_loop3A_191, %parallel_loop3A_192], %parallel_loop3A_187 {strides = array<i32>} : memref<2x8192xf32, #tpu.memory_space<vmem>>, vector<16xf32>,
        %parallel_loop3A_194 = arith.constant 1 : i32
        %parallel_loop3A_195 = arith.constant 6 : i32
        %parallel_loop3A_196 = arith.constant 0 : i32
        %parallel_loop3A_197 = tpu.memref_slice %arg6[%parallel_loop3A_194, %parallel_loop3A_195, %parallel_loop3A_196] : memref<4x8x1000xf32, #tpu.memory_space<vmem>> -> memref<1x1x1000xf32, #tpu.memory_space<vmem>>
        %parallel_loop3A_198 = tpu.memref_squeeze %parallel_loop3A_197 : memref<1x1x1000xf32, #tpu.memory_space<vmem>> -> memref<1000xf32, #tpu.memory_space<vmem>>
        %parallel_loop3A_199 = tpu.vector_load_idx %parallel_loop3A_198[%parallel_loop3A_121] : memref<1000xf32, #tpu.memory_space<vmem>>[vector<16xi32>], vector<16xf32>,
        %parallel_loop3A_200 = arith.constant 768 : i32
        %parallel_loop3A_201 = arith.addi %parallel_loop3A_119, %parallel_loop3A_200 : i32
        %parallel_loop3A_202 = arith.constant 1 : i32
        %parallel_loop3A_203 = arith.index_cast %parallel_loop3A_202 : i32 to index
        %parallel_loop3A_204 = arith.index_cast %parallel_loop3A_201 : i32 to index
        %parallel_loop3A_205 = tpu.vector_load %arg7[%parallel_loop3A_203, %parallel_loop3A_204] {strides = array<i32>} : memref<2x8192xf32, #tpu.memory_space<vmem>>, vector<16xf32>,
        tpu.vector_store %arg7[%parallel_loop3A_203, %parallel_loop3A_204], %parallel_loop3A_199 {strides = array<i32>} : memref<2x8192xf32, #tpu.memory_space<vmem>>, vector<16xf32>,
        %parallel_loop3A_206 = arith.constant 1 : i32
        %parallel_loop3A_207 = arith.constant 7 : i32
        %parallel_loop3A_208 = arith.constant 0 : i32
        %parallel_loop3A_209 = tpu.memref_slice %arg6[%parallel_loop3A_206, %parallel_loop3A_207, %parallel_loop3A_208] : memref<4x8x1000xf32, #tpu.memory_space<vmem>> -> memref<1x1x1000xf32, #tpu.memory_space<vmem>>
        %parallel_loop3A_210 = tpu.memref_squeeze %parallel_loop3A_209 : memref<1x1x1000xf32, #tpu.memory_space<vmem>> -> memref<1000xf32, #tpu.memory_space<vmem>>
        %parallel_loop3A_211 = tpu.vector_load_idx %parallel_loop3A_210[%parallel_loop3A_121] : memref<1000xf32, #tpu.memory_space<vmem>>[vector<16xi32>], vector<16xf32>,
        %parallel_loop3A_212 = arith.constant 896 : i32
        %parallel_loop3A_213 = arith.addi %parallel_loop3A_119, %parallel_loop3A_212 : i32
        %parallel_loop3A_214 = arith.constant 1 : i32
        %parallel_loop3A_215 = arith.index_cast %parallel_loop3A_214 : i32 to index
        %parallel_loop3A_216 = arith.index_cast %parallel_loop3A_213 : i32 to index
        %parallel_loop3A_217 = tpu.vector_load %arg7[%parallel_loop3A_215, %parallel_loop3A_216] {strides = array<i32>} : memref<2x8192xf32, #tpu.memory_space<vmem>>, vector<16xf32>,
        tpu.vector_store %arg7[%parallel_loop3A_215, %parallel_loop3A_216], %parallel_loop3A_211 {strides = array<i32>} : memref<2x8192xf32, #tpu.memory_space<vmem>>, vector<16xf32>,
      } {sc.loop_unroll_factor = 8 : i64, sc.parallel_access}
      %dma_start3A = arith.constant 1 : i32
      %dma_start3A_90 = arith.constant 0 : i32
      %dma_start3A_91 = arith.constant 0 : i32
      %dma_start3A_92 = tpu.memref_slice %arg7[%dma_start3A, %dma_start3A_91] : memref<2x8192xf32, #tpu.memory_space<vmem>> -> memref<1x8192xf32, #tpu.memory_space<vmem>>
      %dma_start3A_93 = tpu.memref_squeeze %dma_start3A_92 : memref<1x8192xf32, #tpu.memory_space<vmem>> -> memref<8192xf32, #tpu.memory_space<vmem>>
      %dma_start3A_94 = arith.constant 0 : i32
      %dma_start3A_95 = tpu.memref_slice %arg4[%dma_start3A_90, %add3A_34, %dma_start3A_94] : memref<50x125x8192xf32, #tpu.memory_space<hbm>> -> memref<1x1x8192xf32, #tpu.memory_space<hbm>>
      %dma_start3A_96 = tpu.memref_squeeze %dma_start3A_95 : memref<1x1x8192xf32, #tpu.memory_space<hbm>> -> memref<8192xf32, #tpu.memory_space<hbm>>
      %dma_start3A_97 = arith.constant 0 : i32
      %dma_start3A_98 = tpu.memref_slice %arg4[%dma_start3A_90, %add3A_34, %dma_start3A_97] : memref<50x125x8192xf32, #tpu.memory_space<hbm>> -> memref<1x1x8192xf32, #tpu.memory_space<hbm>>
      %dma_start3A_99 = tpu.memref_squeeze %dma_start3A_98 : memref<1x1x8192xf32, #tpu.memory_space<hbm>> -> memref<8192xf32, #tpu.memory_space<hbm>>
      %dma_start3A_100 = arith.constant 0 : i32
      %dma_start3A_101 = tpu.memref_slice %arg7[%dma_start3A, %dma_start3A_100] : memref<2x8192xf32, #tpu.memory_space<vmem>> -> memref<1x8192xf32, #tpu.memory_space<vmem>>
      %dma_start3A_102 = tpu.memref_squeeze %dma_start3A_101 : memref<1x8192xf32, #tpu.memory_space<vmem>> -> memref<8192xf32, #tpu.memory_space<vmem>>
      tpu.enqueue_dma source(%dma_start3A_102 : memref<8192xf32, #tpu.memory_space<vmem>>) target(%dma_start3A_99 : memref<8192xf32, #tpu.memory_space<hbm>>) target_semaphore(%arg9 : memref<!tpu.dma_semaphore, #tpu.memory_space<semaphore_mem>>)
    } else {
    }
    %add3A_40 = arith.constant 64 : i32
    %add3A_41 = arith.addi %add3A, %add3A_40 : i32
    %lt3A_42 = arith.constant 125 : i32
    %lt3A_43 = arith.cmpi slt, %add3A_41, %lt3A_42 : i32
    %convert_element_type3A_44 = arith.extui %lt3A_43 : i1 to i32
    %cond3A_45 = arith.constant 0 : i32
    %cond3A_46 = arith.cmpi ne, %convert_element_type3A_44, %cond3A_45 : i32
    scf.if %cond3A_46 {
      %dma_wait3A_88 = arith.constant 0 : i32
      %dma_wait3A_89 = arith.constant 0 : i32
      %dma_wait3A_90 = arith.constant 0 : i32
      %dma_wait3A_91 = arith.constant 0 : i32
      %dma_wait3A_92 = tpu.memref_slice %arg7[%dma_wait3A_88, %dma_wait3A_91] : memref<2x8192xf32, #tpu.memory_space<vmem>> -> memref<1x8192xf32, #tpu.memory_space<vmem>>
      %dma_wait3A_93 = tpu.memref_squeeze %dma_wait3A_92 : memref<1x8192xf32, #tpu.memory_space<vmem>> -> memref<8192xf32, #tpu.memory_space<vmem>>
      %dma_wait3A_94 = arith.constant 0 : i32
      %dma_wait3A_95 = tpu.memref_slice %arg4[%dma_wait3A_89, %dma_wait3A_90, %dma_wait3A_94] : memref<50x125x8192xf32, #tpu.memory_space<hbm>> -> memref<1x1x8192xf32, #tpu.memory_space<hbm>>
      %dma_wait3A_96 = tpu.memref_squeeze %dma_wait3A_95 : memref<1x1x8192xf32, #tpu.memory_space<hbm>> -> memref<8192xf32, #tpu.memory_space<hbm>>
      %dma_wait3A_97 = arith.constant 0 : i32
      %dma_wait3A_98 = tpu.memref_slice %arg4[%dma_wait3A_89, %dma_wait3A_90, %dma_wait3A_97] : memref<50x125x8192xf32, #tpu.memory_space<hbm>> -> memref<1x1x8192xf32, #tpu.memory_space<hbm>>
      %dma_wait3A_99 = tpu.memref_squeeze %dma_wait3A_98 : memref<1x1x8192xf32, #tpu.memory_space<hbm>> -> memref<8192xf32, #tpu.memory_space<hbm>>
      %dma_wait3A_100 = arith.constant 0 : i32
      %dma_wait3A_101 = tpu.memref_slice %arg7[%dma_wait3A_88, %dma_wait3A_100] : memref<2x8192xf32, #tpu.memory_space<vmem>> -> memref<1x8192xf32, #tpu.memory_space<vmem>>
      %dma_wait3A_102 = tpu.memref_squeeze %dma_wait3A_101 : memref<1x8192xf32, #tpu.memory_space<vmem>> -> memref<8192xf32, #tpu.memory_space<vmem>>
      tpu.wait_dma2 semaphore(%arg8 : memref<!tpu.dma_semaphore, #tpu.memory_space<semaphore_mem>>) src(%dma_wait3A_102 : memref<8192xf32, #tpu.memory_space<vmem>>) dst(%dma_wait3A_99 : memref<8192xf32, #tpu.memory_space<hbm>>)
      %parallel_loop3A = arith.constant 0 : i32
      %parallel_loop3A_103 = arith.constant 64 : i32
      %parallel_loop3A_104 = arith.constant 1 : i32
      scf.for %parallel_loop3A_118 = %parallel_loop3A to %parallel_loop3A_103 step %parallel_loop3A_104  : i32 {
        %parallel_loop3A_119 = arith.constant 3 : i32
        %parallel_loop3A_120 = arith.shrsi %parallel_loop3A_118, %parallel_loop3A_119 : i32
        %parallel_loop3A_121 = arith.constant 7 : i32
        %parallel_loop3A_122 = arith.andi %parallel_loop3A_118, %parallel_loop3A_121 : i32
        %parallel_loop3A_123 = arith.constant 128 : i32
        %parallel_loop3A_124 = arith.muli %parallel_loop3A_120, %parallel_loop3A_123 : i32
        %parallel_loop3A_125 = arith.constant 0 : i32
        %parallel_loop3A_126 = arith.addi %parallel_loop3A_125, %parallel_loop3A_124 : i32
        %parallel_loop3A_127 = arith.constant 16 : i32
        %parallel_loop3A_128 = arith.muli %parallel_loop3A_127, %parallel_loop3A_122 : i32
        %parallel_loop3A_129 = arith.addi %parallel_loop3A_126, %parallel_loop3A_128 : i32
        %parallel_loop3A_130 = arith.constant 1024 : i32
        %parallel_loop3A_131 = arith.muli %parallel_loop3A_120, %parallel_loop3A_130 : i32
        %parallel_loop3A_132 = arith.constant 16 : i32
        %parallel_loop3A_133 = arith.muli %parallel_loop3A_132, %parallel_loop3A_122 : i32
        %parallel_loop3A_134 = arith.addi %parallel_loop3A_131, %parallel_loop3A_133 : i32
        %parallel_loop3A_135 = arith.index_cast %parallel_loop3A_129 : i32 to index
        %parallel_loop3A_136 = tpu.vector_load %arg5[%parallel_loop3A_135] {strides = array<i32>} : memref<51200xi32, #tpu.memory_space<vmem>>, vector<16xi32>,
        %parallel_loop3A_137 = arith.constant 2 : i32
        %parallel_loop3A_138 = arith.constant 0 : i32
        %parallel_loop3A_139 = arith.constant 0 : i32
        %parallel_loop3A_140 = tpu.memref_slice %arg6[%parallel_loop3A_137, %parallel_loop3A_138, %parallel_loop3A_139] : memref<4x8x1000xf32, #tpu.memory_space<vmem>> -> memref<1x1x1000xf32, #tpu.memory_space<vmem>>
        %parallel_loop3A_141 = tpu.memref_squeeze %parallel_loop3A_140 : memref<1x1x1000xf32, #tpu.memory_space<vmem>> -> memref<1000xf32, #tpu.memory_space<vmem>>
        %parallel_loop3A_142 = tpu.vector_load_idx %parallel_loop3A_141[%parallel_loop3A_136] : memref<1000xf32, #tpu.memory_space<vmem>>[vector<16xi32>], vector<16xf32>,
        %parallel_loop3A_143 = arith.constant 0 : i32
        %parallel_loop3A_144 = arith.addi %parallel_loop3A_134, %parallel_loop3A_143 : i32
        %parallel_loop3A_145 = arith.constant 0 : i32
        %parallel_loop3A_146 = arith.index_cast %parallel_loop3A_145 : i32 to index
        %parallel_loop3A_147 = arith.index_cast %parallel_loop3A_144 : i32 to index
        %parallel_loop3A_148 = tpu.vector_load %arg7[%parallel_loop3A_146, %parallel_loop3A_147] {strides = array<i32>} : memref<2x8192xf32, #tpu.memory_space<vmem>>, vector<16xf32>,
        tpu.vector_store %arg7[%parallel_loop3A_146, %parallel_loop3A_147], %parallel_loop3A_142 {strides = array<i32>} : memref<2x8192xf32, #tpu.memory_space<vmem>>, vector<16xf32>,
        %parallel_loop3A_149 = arith.constant 2 : i32
        %parallel_loop3A_150 = arith.constant 1 : i32
        %parallel_loop3A_151 = arith.constant 0 : i32
        %parallel_loop3A_152 = tpu.memref_slice %arg6[%parallel_loop3A_149, %parallel_loop3A_150, %parallel_loop3A_151] : memref<4x8x1000xf32, #tpu.memory_space<vmem>> -> memref<1x1x1000xf32, #tpu.memory_space<vmem>>
        %parallel_loop3A_153 = tpu.memref_squeeze %parallel_loop3A_152 : memref<1x1x1000xf32, #tpu.memory_space<vmem>> -> memref<1000xf32, #tpu.memory_space<vmem>>
        %parallel_loop3A_154 = tpu.vector_load_idx %parallel_loop3A_153[%parallel_loop3A_136] : memref<1000xf32, #tpu.memory_space<vmem>>[vector<16xi32>], vector<16xf32>,
        %parallel_loop3A_155 = arith.constant 128 : i32
        %parallel_loop3A_156 = arith.addi %parallel_loop3A_134, %parallel_loop3A_155 : i32
        %parallel_loop3A_157 = arith.constant 0 : i32
        %parallel_loop3A_158 = arith.index_cast %parallel_loop3A_157 : i32 to index
        %parallel_loop3A_159 = arith.index_cast %parallel_loop3A_156 : i32 to index
        %parallel_loop3A_160 = tpu.vector_load %arg7[%parallel_loop3A_158, %parallel_loop3A_159] {strides = array<i32>} : memref<2x8192xf32, #tpu.memory_space<vmem>>, vector<16xf32>,
        tpu.vector_store %arg7[%parallel_loop3A_158, %parallel_loop3A_159], %parallel_loop3A_154 {strides = array<i32>} : memref<2x8192xf32, #tpu.memory_space<vmem>>, vector<16xf32>,
        %parallel_loop3A_161 = arith.constant 2 : i32
        %parallel_loop3A_162 = arith.constant 2 : i32
        %parallel_loop3A_163 = arith.constant 0 : i32
        %parallel_loop3A_164 = tpu.memref_slice %arg6[%parallel_loop3A_161, %parallel_loop3A_162, %parallel_loop3A_163] : memref<4x8x1000xf32, #tpu.memory_space<vmem>> -> memref<1x1x1000xf32, #tpu.memory_space<vmem>>
        %parallel_loop3A_165 = tpu.memref_squeeze %parallel_loop3A_164 : memref<1x1x1000xf32, #tpu.memory_space<vmem>> -> memref<1000xf32, #tpu.memory_space<vmem>>
        %parallel_loop3A_166 = tpu.vector_load_idx %parallel_loop3A_165[%parallel_loop3A_136] : memref<1000xf32, #tpu.memory_space<vmem>>[vector<16xi32>], vector<16xf32>,
        %parallel_loop3A_167 = arith.constant 256 : i32
        %parallel_loop3A_168 = arith.addi %parallel_loop3A_134, %parallel_loop3A_167 : i32
        %parallel_loop3A_169 = arith.constant 0 : i32
        %parallel_loop3A_170 = arith.index_cast %parallel_loop3A_169 : i32 to index
        %parallel_loop3A_171 = arith.index_cast %parallel_loop3A_168 : i32 to index
        %parallel_loop3A_172 = tpu.vector_load %arg7[%parallel_loop3A_170, %parallel_loop3A_171] {strides = array<i32>} : memref<2x8192xf32, #tpu.memory_space<vmem>>, vector<16xf32>,
        tpu.vector_store %arg7[%parallel_loop3A_170, %parallel_loop3A_171], %parallel_loop3A_166 {strides = array<i32>} : memref<2x8192xf32, #tpu.memory_space<vmem>>, vector<16xf32>,
        %parallel_loop3A_173 = arith.constant 2 : i32
        %parallel_loop3A_174 = arith.constant 3 : i32
        %parallel_loop3A_175 = arith.constant 0 : i32
        %parallel_loop3A_176 = tpu.memref_slice %arg6[%parallel_loop3A_173, %parallel_loop3A_174, %parallel_loop3A_175] : memref<4x8x1000xf32, #tpu.memory_space<vmem>> -> memref<1x1x1000xf32, #tpu.memory_space<vmem>>
        %parallel_loop3A_177 = tpu.memref_squeeze %parallel_loop3A_176 : memref<1x1x1000xf32, #tpu.memory_space<vmem>> -> memref<1000xf32, #tpu.memory_space<vmem>>
        %parallel_loop3A_178 = tpu.vector_load_idx %parallel_loop3A_177[%parallel_loop3A_136] : memref<1000xf32, #tpu.memory_space<vmem>>[vector<16xi32>], vector<16xf32>,
        %parallel_loop3A_179 = arith.constant 384 : i32
        %parallel_loop3A_180 = arith.addi %parallel_loop3A_134, %parallel_loop3A_179 : i32
        %parallel_loop3A_181 = arith.constant 0 : i32
        %parallel_loop3A_182 = arith.index_cast %parallel_loop3A_181 : i32 to index
        %parallel_loop3A_183 = arith.index_cast %parallel_loop3A_180 : i32 to index
        %parallel_loop3A_184 = tpu.vector_load %arg7[%parallel_loop3A_182, %parallel_loop3A_183] {strides = array<i32>} : memref<2x8192xf32, #tpu.memory_space<vmem>>, vector<16xf32>,
        tpu.vector_store %arg7[%parallel_loop3A_182, %parallel_loop3A_183], %parallel_loop3A_178 {strides = array<i32>} : memref<2x8192xf32, #tpu.memory_space<vmem>>, vector<16xf32>,
        %parallel_loop3A_185 = arith.constant 2 : i32
        %parallel_loop3A_186 = arith.constant 4 : i32
        %parallel_loop3A_187 = arith.constant 0 : i32
        %parallel_loop3A_188 = tpu.memref_slice %arg6[%parallel_loop3A_185, %parallel_loop3A_186, %parallel_loop3A_187] : memref<4x8x1000xf32, #tpu.memory_space<vmem>> -> memref<1x1x1000xf32, #tpu.memory_space<vmem>>
        %parallel_loop3A_189 = tpu.memref_squeeze %parallel_loop3A_188 : memref<1x1x1000xf32, #tpu.memory_space<vmem>> -> memref<1000xf32, #tpu.memory_space<vmem>>
        %parallel_loop3A_190 = tpu.vector_load_idx %parallel_loop3A_189[%parallel_loop3A_136] : memref<1000xf32, #tpu.memory_space<vmem>>[vector<16xi32>], vector<16xf32>,
        %parallel_loop3A_191 = arith.constant 512 : i32
        %parallel_loop3A_192 = arith.addi %parallel_loop3A_134, %parallel_loop3A_191 : i32
        %parallel_loop3A_193 = arith.constant 0 : i32
        %parallel_loop3A_194 = arith.index_cast %parallel_loop3A_193 : i32 to index
        %parallel_loop3A_195 = arith.index_cast %parallel_loop3A_192 : i32 to index
        %parallel_loop3A_196 = tpu.vector_load %arg7[%parallel_loop3A_194, %parallel_loop3A_195] {strides = array<i32>} : memref<2x8192xf32, #tpu.memory_space<vmem>>, vector<16xf32>,
        tpu.vector_store %arg7[%parallel_loop3A_194, %parallel_loop3A_195], %parallel_loop3A_190 {strides = array<i32>} : memref<2x8192xf32, #tpu.memory_space<vmem>>, vector<16xf32>,
        %parallel_loop3A_197 = arith.constant 2 : i32
        %parallel_loop3A_198 = arith.constant 5 : i32
        %parallel_loop3A_199 = arith.constant 0 : i32
        %parallel_loop3A_200 = tpu.memref_slice %arg6[%parallel_loop3A_197, %parallel_loop3A_198, %parallel_loop3A_199] : memref<4x8x1000xf32, #tpu.memory_space<vmem>> -> memref<1x1x1000xf32, #tpu.memory_space<vmem>>
        %parallel_loop3A_201 = tpu.memref_squeeze %parallel_loop3A_200 : memref<1x1x1000xf32, #tpu.memory_space<vmem>> -> memref<1000xf32, #tpu.memory_space<vmem>>
        %parallel_loop3A_202 = tpu.vector_load_idx %parallel_loop3A_201[%parallel_loop3A_136] : memref<1000xf32, #tpu.memory_space<vmem>>[vector<16xi32>], vector<16xf32>,
        %parallel_loop3A_203 = arith.constant 640 : i32
        %parallel_loop3A_204 = arith.addi %parallel_loop3A_134, %parallel_loop3A_203 : i32
        %parallel_loop3A_205 = arith.constant 0 : i32
        %parallel_loop3A_206 = arith.index_cast %parallel_loop3A_205 : i32 to index
        %parallel_loop3A_207 = arith.index_cast %parallel_loop3A_204 : i32 to index
        %parallel_loop3A_208 = tpu.vector_load %arg7[%parallel_loop3A_206, %parallel_loop3A_207] {strides = array<i32>} : memref<2x8192xf32, #tpu.memory_space<vmem>>, vector<16xf32>,
        tpu.vector_store %arg7[%parallel_loop3A_206, %parallel_loop3A_207], %parallel_loop3A_202 {strides = array<i32>} : memref<2x8192xf32, #tpu.memory_space<vmem>>, vector<16xf32>,
        %parallel_loop3A_209 = arith.constant 2 : i32
        %parallel_loop3A_210 = arith.constant 6 : i32
        %parallel_loop3A_211 = arith.constant 0 : i32
        %parallel_loop3A_212 = tpu.memref_slice %arg6[%parallel_loop3A_209, %parallel_loop3A_210, %parallel_loop3A_211] : memref<4x8x1000xf32, #tpu.memory_space<vmem>> -> memref<1x1x1000xf32, #tpu.memory_space<vmem>>
        %parallel_loop3A_213 = tpu.memref_squeeze %parallel_loop3A_212 : memref<1x1x1000xf32, #tpu.memory_space<vmem>> -> memref<1000xf32, #tpu.memory_space<vmem>>
        %parallel_loop3A_214 = tpu.vector_load_idx %parallel_loop3A_213[%parallel_loop3A_136] : memref<1000xf32, #tpu.memory_space<vmem>>[vector<16xi32>], vector<16xf32>,
        %parallel_loop3A_215 = arith.constant 768 : i32
        %parallel_loop3A_216 = arith.addi %parallel_loop3A_134, %parallel_loop3A_215 : i32
        %parallel_loop3A_217 = arith.constant 0 : i32
        %parallel_loop3A_218 = arith.index_cast %parallel_loop3A_217 : i32 to index
        %parallel_loop3A_219 = arith.index_cast %parallel_loop3A_216 : i32 to index
        %parallel_loop3A_220 = tpu.vector_load %arg7[%parallel_loop3A_218, %parallel_loop3A_219] {strides = array<i32>} : memref<2x8192xf32, #tpu.memory_space<vmem>>, vector<16xf32>,
        tpu.vector_store %arg7[%parallel_loop3A_218, %parallel_loop3A_219], %parallel_loop3A_214 {strides = array<i32>} : memref<2x8192xf32, #tpu.memory_space<vmem>>, vector<16xf32>,
        %parallel_loop3A_221 = arith.constant 2 : i32
        %parallel_loop3A_222 = arith.constant 7 : i32
        %parallel_loop3A_223 = arith.constant 0 : i32
        %parallel_loop3A_224 = tpu.memref_slice %arg6[%parallel_loop3A_221, %parallel_loop3A_222, %parallel_loop3A_223] : memref<4x8x1000xf32, #tpu.memory_space<vmem>> -> memref<1x1x1000xf32, #tpu.memory_space<vmem>>
        %parallel_loop3A_225 = tpu.memref_squeeze %parallel_loop3A_224 : memref<1x1x1000xf32, #tpu.memory_space<vmem>> -> memref<1000xf32, #tpu.memory_space<vmem>>
        %parallel_loop3A_226 = tpu.vector_load_idx %parallel_loop3A_225[%parallel_loop3A_136] : memref<1000xf32, #tpu.memory_space<vmem>>[vector<16xi32>], vector<16xf32>,
        %parallel_loop3A_227 = arith.constant 896 : i32
        %parallel_loop3A_228 = arith.addi %parallel_loop3A_134, %parallel_loop3A_227 : i32
        %parallel_loop3A_229 = arith.constant 0 : i32
        %parallel_loop3A_230 = arith.index_cast %parallel_loop3A_229 : i32 to index
        %parallel_loop3A_231 = arith.index_cast %parallel_loop3A_228 : i32 to index
        %parallel_loop3A_232 = tpu.vector_load %arg7[%parallel_loop3A_230, %parallel_loop3A_231] {strides = array<i32>} : memref<2x8192xf32, #tpu.memory_space<vmem>>, vector<16xf32>,
        tpu.vector_store %arg7[%parallel_loop3A_230, %parallel_loop3A_231], %parallel_loop3A_226 {strides = array<i32>} : memref<2x8192xf32, #tpu.memory_space<vmem>>, vector<16xf32>,
      } {sc.loop_unroll_factor = 8 : i64, sc.parallel_access}
      %dma_start3A = arith.constant 0 : i32
      %dma_start3A_105 = arith.constant 0 : i32
      %dma_start3A_106 = arith.constant 0 : i32
      %dma_start3A_107 = tpu.memref_slice %arg7[%dma_start3A, %dma_start3A_106] : memref<2x8192xf32, #tpu.memory_space<vmem>> -> memref<1x8192xf32, #tpu.memory_space<vmem>>
      %dma_start3A_108 = tpu.memref_squeeze %dma_start3A_107 : memref<1x8192xf32, #tpu.memory_space<vmem>> -> memref<8192xf32, #tpu.memory_space<vmem>>
      %dma_start3A_109 = arith.constant 0 : i32
      %dma_start3A_110 = tpu.memref_slice %arg4[%dma_start3A_105, %add3A_41, %dma_start3A_109] : memref<50x125x8192xf32, #tpu.memory_space<hbm>> -> memref<1x1x8192xf32, #tpu.memory_space<hbm>>
      %dma_start3A_111 = tpu.memref_squeeze %dma_start3A_110 : memref<1x1x8192xf32, #tpu.memory_space<hbm>> -> memref<8192xf32, #tpu.memory_space<hbm>>
      %dma_start3A_112 = arith.constant 0 : i32
      %dma_start3A_113 = tpu.memref_slice %arg4[%dma_start3A_105, %add3A_41, %dma_start3A_112] : memref<50x125x8192xf32, #tpu.memory_space<hbm>> -> memref<1x1x8192xf32, #tpu.memory_space<hbm>>
      %dma_start3A_114 = tpu.memref_squeeze %dma_start3A_113 : memref<1x1x8192xf32, #tpu.memory_space<hbm>> -> memref<8192xf32, #tpu.memory_space<hbm>>
      %dma_start3A_115 = arith.constant 0 : i32
      %dma_start3A_116 = tpu.memref_slice %arg7[%dma_start3A, %dma_start3A_115] : memref<2x8192xf32, #tpu.memory_space<vmem>> -> memref<1x8192xf32, #tpu.memory_space<vmem>>
      %dma_start3A_117 = tpu.memref_squeeze %dma_start3A_116 : memref<1x8192xf32, #tpu.memory_space<vmem>> -> memref<8192xf32, #tpu.memory_space<vmem>>
      tpu.enqueue_dma source(%dma_start3A_117 : memref<8192xf32, #tpu.memory_space<vmem>>) target(%dma_start3A_114 : memref<8192xf32, #tpu.memory_space<hbm>>) target_semaphore(%arg8 : memref<!tpu.dma_semaphore, #tpu.memory_space<semaphore_mem>>)
    } else {
    }
    %add3A_47 = arith.constant 96 : i32
    %add3A_48 = arith.addi %add3A, %add3A_47 : i32
    %lt3A_49 = arith.constant 125 : i32
    %lt3A_50 = arith.cmpi slt, %add3A_48, %lt3A_49 : i32
    %convert_element_type3A_51 = arith.extui %lt3A_50 : i1 to i32
    %cond3A_52 = arith.constant 0 : i32
    %cond3A_53 = arith.cmpi ne, %convert_element_type3A_51, %cond3A_52 : i32
    scf.if %cond3A_53 {
      %dma_wait3A_88 = arith.constant 1 : i32
      %dma_wait3A_89 = arith.constant 0 : i32
      %dma_wait3A_90 = arith.constant 0 : i32
      %dma_wait3A_91 = arith.constant 0 : i32
      %dma_wait3A_92 = tpu.memref_slice %arg7[%dma_wait3A_88, %dma_wait3A_91] : memref<2x8192xf32, #tpu.memory_space<vmem>> -> memref<1x8192xf32, #tpu.memory_space<vmem>>
      %dma_wait3A_93 = tpu.memref_squeeze %dma_wait3A_92 : memref<1x8192xf32, #tpu.memory_space<vmem>> -> memref<8192xf32, #tpu.memory_space<vmem>>
      %dma_wait3A_94 = arith.constant 0 : i32
      %dma_wait3A_95 = tpu.memref_slice %arg4[%dma_wait3A_89, %dma_wait3A_90, %dma_wait3A_94] : memref<50x125x8192xf32, #tpu.memory_space<hbm>> -> memref<1x1x8192xf32, #tpu.memory_space<hbm>>
      %dma_wait3A_96 = tpu.memref_squeeze %dma_wait3A_95 : memref<1x1x8192xf32, #tpu.memory_space<hbm>> -> memref<8192xf32, #tpu.memory_space<hbm>>
      %dma_wait3A_97 = arith.constant 0 : i32
      %dma_wait3A_98 = tpu.memref_slice %arg4[%dma_wait3A_89, %dma_wait3A_90, %dma_wait3A_97] : memref<50x125x8192xf32, #tpu.memory_space<hbm>> -> memref<1x1x8192xf32, #tpu.memory_space<hbm>>
      %dma_wait3A_99 = tpu.memref_squeeze %dma_wait3A_98 : memref<1x1x8192xf32, #tpu.memory_space<hbm>> -> memref<8192xf32, #tpu.memory_space<hbm>>
      %dma_wait3A_100 = arith.constant 0 : i32
      %dma_wait3A_101 = tpu.memref_slice %arg7[%dma_wait3A_88, %dma_wait3A_100] : memref<2x8192xf32, #tpu.memory_space<vmem>> -> memref<1x8192xf32, #tpu.memory_space<vmem>>
      %dma_wait3A_102 = tpu.memref_squeeze %dma_wait3A_101 : memref<1x8192xf32, #tpu.memory_space<vmem>> -> memref<8192xf32, #tpu.memory_space<vmem>>
      tpu.wait_dma2 semaphore(%arg9 : memref<!tpu.dma_semaphore, #tpu.memory_space<semaphore_mem>>) src(%dma_wait3A_102 : memref<8192xf32, #tpu.memory_space<vmem>>) dst(%dma_wait3A_99 : memref<8192xf32, #tpu.memory_space<hbm>>)
      %parallel_loop3A = arith.constant 0 : i32
      %parallel_loop3A_103 = arith.constant 64 : i32
      %parallel_loop3A_104 = arith.constant 1 : i32
      scf.for %parallel_loop3A_118 = %parallel_loop3A to %parallel_loop3A_103 step %parallel_loop3A_104  : i32 {
        %parallel_loop3A_119 = arith.constant 3 : i32
        %parallel_loop3A_120 = arith.shrsi %parallel_loop3A_118, %parallel_loop3A_119 : i32
        %parallel_loop3A_121 = arith.constant 7 : i32
        %parallel_loop3A_122 = arith.andi %parallel_loop3A_118, %parallel_loop3A_121 : i32
        %parallel_loop3A_123 = arith.constant 128 : i32
        %parallel_loop3A_124 = arith.muli %parallel_loop3A_120, %parallel_loop3A_123 : i32
        %parallel_loop3A_125 = arith.constant 0 : i32
        %parallel_loop3A_126 = arith.addi %parallel_loop3A_125, %parallel_loop3A_124 : i32
        %parallel_loop3A_127 = arith.constant 16 : i32
        %parallel_loop3A_128 = arith.muli %parallel_loop3A_127, %parallel_loop3A_122 : i32
        %parallel_loop3A_129 = arith.addi %parallel_loop3A_126, %parallel_loop3A_128 : i32
        %parallel_loop3A_130 = arith.constant 1024 : i32
        %parallel_loop3A_131 = arith.muli %parallel_loop3A_120, %parallel_loop3A_130 : i32
        %parallel_loop3A_132 = arith.constant 16 : i32
        %parallel_loop3A_133 = arith.muli %parallel_loop3A_132, %parallel_loop3A_122 : i32
        %parallel_loop3A_134 = arith.addi %parallel_loop3A_131, %parallel_loop3A_133 : i32
        %parallel_loop3A_135 = arith.index_cast %parallel_loop3A_129 : i32 to index
        %parallel_loop3A_136 = tpu.vector_load %arg5[%parallel_loop3A_135] {strides = array<i32>} : memref<51200xi32, #tpu.memory_space<vmem>>, vector<16xi32>,
        %parallel_loop3A_137 = arith.constant 3 : i32
        %parallel_loop3A_138 = arith.constant 0 : i32
        %parallel_loop3A_139 = arith.constant 0 : i32
        %parallel_loop3A_140 = tpu.memref_slice %arg6[%parallel_loop3A_137, %parallel_loop3A_138, %parallel_loop3A_139] : memref<4x8x1000xf32, #tpu.memory_space<vmem>> -> memref<1x1x1000xf32, #tpu.memory_space<vmem>>
        %parallel_loop3A_141 = tpu.memref_squeeze %parallel_loop3A_140 : memref<1x1x1000xf32, #tpu.memory_space<vmem>> -> memref<1000xf32, #tpu.memory_space<vmem>>
        %parallel_loop3A_142 = tpu.vector_load_idx %parallel_loop3A_141[%parallel_loop3A_136] : memref<1000xf32, #tpu.memory_space<vmem>>[vector<16xi32>], vector<16xf32>,
        %parallel_loop3A_143 = arith.constant 0 : i32
        %parallel_loop3A_144 = arith.addi %parallel_loop3A_134, %parallel_loop3A_143 : i32
        %parallel_loop3A_145 = arith.constant 1 : i32
        %parallel_loop3A_146 = arith.index_cast %parallel_loop3A_145 : i32 to index
        %parallel_loop3A_147 = arith.index_cast %parallel_loop3A_144 : i32 to index
        %parallel_loop3A_148 = tpu.vector_load %arg7[%parallel_loop3A_146, %parallel_loop3A_147] {strides = array<i32>} : memref<2x8192xf32, #tpu.memory_space<vmem>>, vector<16xf32>,
        tpu.vector_store %arg7[%parallel_loop3A_146, %parallel_loop3A_147], %parallel_loop3A_142 {strides = array<i32>} : memref<2x8192xf32, #tpu.memory_space<vmem>>, vector<16xf32>,
        %parallel_loop3A_149 = arith.constant 3 : i32
        %parallel_loop3A_150 = arith.constant 1 : i32
        %parallel_loop3A_151 = arith.constant 0 : i32
        %parallel_loop3A_152 = tpu.memref_slice %arg6[%parallel_loop3A_149, %parallel_loop3A_150, %parallel_loop3A_151] : memref<4x8x1000xf32, #tpu.memory_space<vmem>> -> memref<1x1x1000xf32, #tpu.memory_space<vmem>>
        %parallel_loop3A_153 = tpu.memref_squeeze %parallel_loop3A_152 : memref<1x1x1000xf32, #tpu.memory_space<vmem>> -> memref<1000xf32, #tpu.memory_space<vmem>>
        %parallel_loop3A_154 = tpu.vector_load_idx %parallel_loop3A_153[%parallel_loop3A_136] : memref<1000xf32, #tpu.memory_space<vmem>>[vector<16xi32>], vector<16xf32>,
        %parallel_loop3A_155 = arith.constant 128 : i32
        %parallel_loop3A_156 = arith.addi %parallel_loop3A_134, %parallel_loop3A_155 : i32
        %parallel_loop3A_157 = arith.constant 1 : i32
        %parallel_loop3A_158 = arith.index_cast %parallel_loop3A_157 : i32 to index
        %parallel_loop3A_159 = arith.index_cast %parallel_loop3A_156 : i32 to index
        %parallel_loop3A_160 = tpu.vector_load %arg7[%parallel_loop3A_158, %parallel_loop3A_159] {strides = array<i32>} : memref<2x8192xf32, #tpu.memory_space<vmem>>, vector<16xf32>,
        tpu.vector_store %arg7[%parallel_loop3A_158, %parallel_loop3A_159], %parallel_loop3A_154 {strides = array<i32>} : memref<2x8192xf32, #tpu.memory_space<vmem>>, vector<16xf32>,
        %parallel_loop3A_161 = arith.constant 3 : i32
        %parallel_loop3A_162 = arith.constant 2 : i32
        %parallel_loop3A_163 = arith.constant 0 : i32
        %parallel_loop3A_164 = tpu.memref_slice %arg6[%parallel_loop3A_161, %parallel_loop3A_162, %parallel_loop3A_163] : memref<4x8x1000xf32, #tpu.memory_space<vmem>> -> memref<1x1x1000xf32, #tpu.memory_space<vmem>>
        %parallel_loop3A_165 = tpu.memref_squeeze %parallel_loop3A_164 : memref<1x1x1000xf32, #tpu.memory_space<vmem>> -> memref<1000xf32, #tpu.memory_space<vmem>>
        %parallel_loop3A_166 = tpu.vector_load_idx %parallel_loop3A_165[%parallel_loop3A_136] : memref<1000xf32, #tpu.memory_space<vmem>>[vector<16xi32>], vector<16xf32>,
        %parallel_loop3A_167 = arith.constant 256 : i32
        %parallel_loop3A_168 = arith.addi %parallel_loop3A_134, %parallel_loop3A_167 : i32
        %parallel_loop3A_169 = arith.constant 1 : i32
        %parallel_loop3A_170 = arith.index_cast %parallel_loop3A_169 : i32 to index
        %parallel_loop3A_171 = arith.index_cast %parallel_loop3A_168 : i32 to index
        %parallel_loop3A_172 = tpu.vector_load %arg7[%parallel_loop3A_170, %parallel_loop3A_171] {strides = array<i32>} : memref<2x8192xf32, #tpu.memory_space<vmem>>, vector<16xf32>,
        tpu.vector_store %arg7[%parallel_loop3A_170, %parallel_loop3A_171], %parallel_loop3A_166 {strides = array<i32>} : memref<2x8192xf32, #tpu.memory_space<vmem>>, vector<16xf32>,
        %parallel_loop3A_173 = arith.constant 3 : i32
        %parallel_loop3A_174 = arith.constant 3 : i32
        %parallel_loop3A_175 = arith.constant 0 : i32
        %parallel_loop3A_176 = tpu.memref_slice %arg6[%parallel_loop3A_173, %parallel_loop3A_174, %parallel_loop3A_175] : memref<4x8x1000xf32, #tpu.memory_space<vmem>> -> memref<1x1x1000xf32, #tpu.memory_space<vmem>>
        %parallel_loop3A_177 = tpu.memref_squeeze %parallel_loop3A_176 : memref<1x1x1000xf32, #tpu.memory_space<vmem>> -> memref<1000xf32, #tpu.memory_space<vmem>>
        %parallel_loop3A_178 = tpu.vector_load_idx %parallel_loop3A_177[%parallel_loop3A_136] : memref<1000xf32, #tpu.memory_space<vmem>>[vector<16xi32>], vector<16xf32>,
        %parallel_loop3A_179 = arith.constant 384 : i32
        %parallel_loop3A_180 = arith.addi %parallel_loop3A_134, %parallel_loop3A_179 : i32
        %parallel_loop3A_181 = arith.constant 1 : i32
        %parallel_loop3A_182 = arith.index_cast %parallel_loop3A_181 : i32 to index
        %parallel_loop3A_183 = arith.index_cast %parallel_loop3A_180 : i32 to index
        %parallel_loop3A_184 = tpu.vector_load %arg7[%parallel_loop3A_182, %parallel_loop3A_183] {strides = array<i32>} : memref<2x8192xf32, #tpu.memory_space<vmem>>, vector<16xf32>,
        tpu.vector_store %arg7[%parallel_loop3A_182, %parallel_loop3A_183], %parallel_loop3A_178 {strides = array<i32>} : memref<2x8192xf32, #tpu.memory_space<vmem>>, vector<16xf32>,
        %parallel_loop3A_185 = arith.constant 3 : i32
        %parallel_loop3A_186 = arith.constant 4 : i32
        %parallel_loop3A_187 = arith.constant 0 : i32
        %parallel_loop3A_188 = tpu.memref_slice %arg6[%parallel_loop3A_185, %parallel_loop3A_186, %parallel_loop3A_187] : memref<4x8x1000xf32, #tpu.memory_space<vmem>> -> memref<1x1x1000xf32, #tpu.memory_space<vmem>>
        %parallel_loop3A_189 = tpu.memref_squeeze %parallel_loop3A_188 : memref<1x1x1000xf32, #tpu.memory_space<vmem>> -> memref<1000xf32, #tpu.memory_space<vmem>>
        %parallel_loop3A_190 = tpu.vector_load_idx %parallel_loop3A_189[%parallel_loop3A_136] : memref<1000xf32, #tpu.memory_space<vmem>>[vector<16xi32>], vector<16xf32>,
        %parallel_loop3A_191 = arith.constant 512 : i32
        %parallel_loop3A_192 = arith.addi %parallel_loop3A_134, %parallel_loop3A_191 : i32
        %parallel_loop3A_193 = arith.constant 1 : i32
        %parallel_loop3A_194 = arith.index_cast %parallel_loop3A_193 : i32 to index
        %parallel_loop3A_195 = arith.index_cast %parallel_loop3A_192 : i32 to index
        %parallel_loop3A_196 = tpu.vector_load %arg7[%parallel_loop3A_194, %parallel_loop3A_195] {strides = array<i32>} : memref<2x8192xf32, #tpu.memory_space<vmem>>, vector<16xf32>,
        tpu.vector_store %arg7[%parallel_loop3A_194, %parallel_loop3A_195], %parallel_loop3A_190 {strides = array<i32>} : memref<2x8192xf32, #tpu.memory_space<vmem>>, vector<16xf32>,
        %parallel_loop3A_197 = arith.constant 3 : i32
        %parallel_loop3A_198 = arith.constant 5 : i32
        %parallel_loop3A_199 = arith.constant 0 : i32
        %parallel_loop3A_200 = tpu.memref_slice %arg6[%parallel_loop3A_197, %parallel_loop3A_198, %parallel_loop3A_199] : memref<4x8x1000xf32, #tpu.memory_space<vmem>> -> memref<1x1x1000xf32, #tpu.memory_space<vmem>>
        %parallel_loop3A_201 = tpu.memref_squeeze %parallel_loop3A_200 : memref<1x1x1000xf32, #tpu.memory_space<vmem>> -> memref<1000xf32, #tpu.memory_space<vmem>>
        %parallel_loop3A_202 = tpu.vector_load_idx %parallel_loop3A_201[%parallel_loop3A_136] : memref<1000xf32, #tpu.memory_space<vmem>>[vector<16xi32>], vector<16xf32>,
        %parallel_loop3A_203 = arith.constant 640 : i32
        %parallel_loop3A_204 = arith.addi %parallel_loop3A_134, %parallel_loop3A_203 : i32
        %parallel_loop3A_205 = arith.constant 1 : i32
        %parallel_loop3A_206 = arith.index_cast %parallel_loop3A_205 : i32 to index
        %parallel_loop3A_207 = arith.index_cast %parallel_loop3A_204 : i32 to index
        %parallel_loop3A_208 = tpu.vector_load %arg7[%parallel_loop3A_206, %parallel_loop3A_207] {strides = array<i32>} : memref<2x8192xf32, #tpu.memory_space<vmem>>, vector<16xf32>,
        tpu.vector_store %arg7[%parallel_loop3A_206, %parallel_loop3A_207], %parallel_loop3A_202 {strides = array<i32>} : memref<2x8192xf32, #tpu.memory_space<vmem>>, vector<16xf32>,
        %parallel_loop3A_209 = arith.constant 3 : i32
        %parallel_loop3A_210 = arith.constant 6 : i32
        %parallel_loop3A_211 = arith.constant 0 : i32
        %parallel_loop3A_212 = tpu.memref_slice %arg6[%parallel_loop3A_209, %parallel_loop3A_210, %parallel_loop3A_211] : memref<4x8x1000xf32, #tpu.memory_space<vmem>> -> memref<1x1x1000xf32, #tpu.memory_space<vmem>>
        %parallel_loop3A_213 = tpu.memref_squeeze %parallel_loop3A_212 : memref<1x1x1000xf32, #tpu.memory_space<vmem>> -> memref<1000xf32, #tpu.memory_space<vmem>>
        %parallel_loop3A_214 = tpu.vector_load_idx %parallel_loop3A_213[%parallel_loop3A_136] : memref<1000xf32, #tpu.memory_space<vmem>>[vector<16xi32>], vector<16xf32>,
        %parallel_loop3A_215 = arith.constant 768 : i32
        %parallel_loop3A_216 = arith.addi %parallel_loop3A_134, %parallel_loop3A_215 : i32
        %parallel_loop3A_217 = arith.constant 1 : i32
        %parallel_loop3A_218 = arith.index_cast %parallel_loop3A_217 : i32 to index
        %parallel_loop3A_219 = arith.index_cast %parallel_loop3A_216 : i32 to index
        %parallel_loop3A_220 = tpu.vector_load %arg7[%parallel_loop3A_218, %parallel_loop3A_219] {strides = array<i32>} : memref<2x8192xf32, #tpu.memory_space<vmem>>, vector<16xf32>,
        tpu.vector_store %arg7[%parallel_loop3A_218, %parallel_loop3A_219], %parallel_loop3A_214 {strides = array<i32>} : memref<2x8192xf32, #tpu.memory_space<vmem>>, vector<16xf32>,
        %parallel_loop3A_221 = arith.constant 3 : i32
        %parallel_loop3A_222 = arith.constant 7 : i32
        %parallel_loop3A_223 = arith.constant 0 : i32
        %parallel_loop3A_224 = tpu.memref_slice %arg6[%parallel_loop3A_221, %parallel_loop3A_222, %parallel_loop3A_223] : memref<4x8x1000xf32, #tpu.memory_space<vmem>> -> memref<1x1x1000xf32, #tpu.memory_space<vmem>>
        %parallel_loop3A_225 = tpu.memref_squeeze %parallel_loop3A_224 : memref<1x1x1000xf32, #tpu.memory_space<vmem>> -> memref<1000xf32, #tpu.memory_space<vmem>>
        %parallel_loop3A_226 = tpu.vector_load_idx %parallel_loop3A_225[%parallel_loop3A_136] : memref<1000xf32, #tpu.memory_space<vmem>>[vector<16xi32>], vector<16xf32>,
        %parallel_loop3A_227 = arith.constant 896 : i32
        %parallel_loop3A_228 = arith.addi %parallel_loop3A_134, %parallel_loop3A_227 : i32
        %parallel_loop3A_229 = arith.constant 1 : i32
        %parallel_loop3A_230 = arith.index_cast %parallel_loop3A_229 : i32 to index
        %parallel_loop3A_231 = arith.index_cast %parallel_loop3A_228 : i32 to index
        %parallel_loop3A_232 = tpu.vector_load %arg7[%parallel_loop3A_230, %parallel_loop3A_231] {strides = array<i32>} : memref<2x8192xf32, #tpu.memory_space<vmem>>, vector<16xf32>,
        tpu.vector_store %arg7[%parallel_loop3A_230, %parallel_loop3A_231], %parallel_loop3A_226 {strides = array<i32>} : memref<2x8192xf32, #tpu.memory_space<vmem>>, vector<16xf32>,
      } {sc.loop_unroll_factor = 8 : i64, sc.parallel_access}
      %dma_start3A = arith.constant 1 : i32
      %dma_start3A_105 = arith.constant 0 : i32
      %dma_start3A_106 = arith.constant 0 : i32
      %dma_start3A_107 = tpu.memref_slice %arg7[%dma_start3A, %dma_start3A_106] : memref<2x8192xf32, #tpu.memory_space<vmem>> -> memref<1x8192xf32, #tpu.memory_space<vmem>>
      %dma_start3A_108 = tpu.memref_squeeze %dma_start3A_107 : memref<1x8192xf32, #tpu.memory_space<vmem>> -> memref<8192xf32, #tpu.memory_space<vmem>>
      %dma_start3A_109 = arith.constant 0 : i32
      %dma_start3A_110 = tpu.memref_slice %arg4[%dma_start3A_105, %add3A_48, %dma_start3A_109] : memref<50x125x8192xf32, #tpu.memory_space<hbm>> -> memref<1x1x8192xf32, #tpu.memory_space<hbm>>
      %dma_start3A_111 = tpu.memref_squeeze %dma_start3A_110 : memref<1x1x8192xf32, #tpu.memory_space<hbm>> -> memref<8192xf32, #tpu.memory_space<hbm>>
      %dma_start3A_112 = arith.constant 0 : i32
      %dma_start3A_113 = tpu.memref_slice %arg4[%dma_start3A_105, %add3A_48, %dma_start3A_112] : memref<50x125x8192xf32, #tpu.memory_space<hbm>> -> memref<1x1x8192xf32, #tpu.memory_space<hbm>>
      %dma_start3A_114 = tpu.memref_squeeze %dma_start3A_113 : memref<1x1x8192xf32, #tpu.memory_space<hbm>> -> memref<8192xf32, #tpu.memory_space<hbm>>
      %dma_start3A_115 = arith.constant 0 : i32
      %dma_start3A_116 = tpu.memref_slice %arg7[%dma_start3A, %dma_start3A_115] : memref<2x8192xf32, #tpu.memory_space<vmem>> -> memref<1x8192xf32, #tpu.memory_space<vmem>>
      %dma_start3A_117 = tpu.memref_squeeze %dma_start3A_116 : memref<1x8192xf32, #tpu.memory_space<vmem>> -> memref<8192xf32, #tpu.memory_space<vmem>>
      tpu.enqueue_dma source(%dma_start3A_117 : memref<8192xf32, #tpu.memory_space<vmem>>) target(%dma_start3A_114 : memref<8192xf32, #tpu.memory_space<hbm>>) target_semaphore(%arg9 : memref<!tpu.dma_semaphore, #tpu.memory_space<semaphore_mem>>)
    } else {
    }
    %scan3A = arith.constant 0 : i32
    %scan3A_54 = arith.constant 1 : i32
    %scan3A_55 = arith.constant 49 : i32
    %scan3A_56 = arith.addi %scan3A_54, %scan3A_55 : i32
    %scan3A_57 = arith.constant 1 : i32
    scf.for %scan3A_88 = %scan3A_54 to %scan3A_56 step %scan3A_57  : i32 {
      %add3A_89 = arith.constant 0 : i32
      %add3A_90 = arith.addi %add3A, %add3A_89 : i32
      %lt3A_91 = arith.constant 125 : i32
      %lt3A_92 = arith.cmpi slt, %add3A_90, %lt3A_91 : i32
      %convert_element_type3A_93 = arith.extui %lt3A_92 : i1 to i32
      %cond3A_94 = arith.constant 0 : i32
      %cond3A_95 = arith.cmpi ne, %convert_element_type3A_93, %cond3A_94 : i32
      scf.if %cond3A_95 {
        %dma_wait3A_117 = arith.constant 0 : i32
        %dma_wait3A_118 = arith.constant 0 : i32
        %dma_wait3A_119 = arith.constant 0 : i32
        %dma_wait3A_120 = arith.constant 0 : i32
        %dma_wait3A_121 = tpu.memref_slice %arg7[%dma_wait3A_117, %dma_wait3A_120] : memref<2x8192xf32, #tpu.memory_space<vmem>> -> memref<1x8192xf32, #tpu.memory_space<vmem>>
        %dma_wait3A_122 = tpu.memref_squeeze %dma_wait3A_121 : memref<1x8192xf32, #tpu.memory_space<vmem>> -> memref<8192xf32, #tpu.memory_space<vmem>>
        %dma_wait3A_123 = arith.constant 0 : i32
        %dma_wait3A_124 = tpu.memref_slice %arg4[%dma_wait3A_118, %dma_wait3A_119, %dma_wait3A_123] : memref<50x125x8192xf32, #tpu.memory_space<hbm>> -> memref<1x1x8192xf32, #tpu.memory_space<hbm>>
        %dma_wait3A_125 = tpu.memref_squeeze %dma_wait3A_124 : memref<1x1x8192xf32, #tpu.memory_space<hbm>> -> memref<8192xf32, #tpu.memory_space<hbm>>
        %dma_wait3A_126 = arith.constant 0 : i32
        %dma_wait3A_127 = tpu.memref_slice %arg4[%dma_wait3A_118, %dma_wait3A_119, %dma_wait3A_126] : memref<50x125x8192xf32, #tpu.memory_space<hbm>> -> memref<1x1x8192xf32, #tpu.memory_space<hbm>>
        %dma_wait3A_128 = tpu.memref_squeeze %dma_wait3A_127 : memref<1x1x8192xf32, #tpu.memory_space<hbm>> -> memref<8192xf32, #tpu.memory_space<hbm>>
        %dma_wait3A_129 = arith.constant 0 : i32
        %dma_wait3A_130 = tpu.memref_slice %arg7[%dma_wait3A_117, %dma_wait3A_129] : memref<2x8192xf32, #tpu.memory_space<vmem>> -> memref<1x8192xf32, #tpu.memory_space<vmem>>
        %dma_wait3A_131 = tpu.memref_squeeze %dma_wait3A_130 : memref<1x8192xf32, #tpu.memory_space<vmem>> -> memref<8192xf32, #tpu.memory_space<vmem>>
        tpu.wait_dma2 semaphore(%arg8 : memref<!tpu.dma_semaphore, #tpu.memory_space<semaphore_mem>>) src(%dma_wait3A_131 : memref<8192xf32, #tpu.memory_space<vmem>>) dst(%dma_wait3A_128 : memref<8192xf32, #tpu.memory_space<hbm>>)
        %parallel_loop3A = arith.constant 0 : i32
        %parallel_loop3A_132 = arith.constant 64 : i32
        %parallel_loop3A_133 = arith.constant 1 : i32
        scf.for %parallel_loop3A_146 = %parallel_loop3A to %parallel_loop3A_132 step %parallel_loop3A_133  : i32 {
          %parallel_loop3A_147 = arith.constant 3 : i32
          %parallel_loop3A_148 = arith.shrsi %parallel_loop3A_146, %parallel_loop3A_147 : i32
          %parallel_loop3A_149 = arith.constant 7 : i32
          %parallel_loop3A_150 = arith.andi %parallel_loop3A_146, %parallel_loop3A_149 : i32
          %parallel_loop3A_151 = arith.constant 1024 : i32
          %parallel_loop3A_152 = arith.muli %scan3A_88, %parallel_loop3A_151 : i32
          %parallel_loop3A_153 = arith.constant 128 : i32
          %parallel_loop3A_154 = arith.muli %parallel_loop3A_148, %parallel_loop3A_153 : i32
          %parallel_loop3A_155 = arith.addi %parallel_loop3A_152, %parallel_loop3A_154 : i32
          %parallel_loop3A_156 = arith.constant 16 : i32
          %parallel_loop3A_157 = arith.muli %parallel_loop3A_156, %parallel_loop3A_150 : i32
          %parallel_loop3A_158 = arith.addi %parallel_loop3A_155, %parallel_loop3A_157 : i32
          %parallel_loop3A_159 = arith.constant 1024 : i32
          %parallel_loop3A_160 = arith.muli %parallel_loop3A_148, %parallel_loop3A_159 : i32
          %parallel_loop3A_161 = arith.constant 16 : i32
          %parallel_loop3A_162 = arith.muli %parallel_loop3A_161, %parallel_loop3A_150 : i32
          %parallel_loop3A_163 = arith.addi %parallel_loop3A_160, %parallel_loop3A_162 : i32
          %parallel_loop3A_164 = arith.index_cast %parallel_loop3A_158 : i32 to index
          %parallel_loop3A_165 = tpu.vector_load %arg5[%parallel_loop3A_164] {strides = array<i32>} : memref<51200xi32, #tpu.memory_space<vmem>>, vector<16xi32>,
          %parallel_loop3A_166 = arith.constant 0 : i32
          %parallel_loop3A_167 = arith.constant 0 : i32
          %parallel_loop3A_168 = arith.constant 0 : i32
          %parallel_loop3A_169 = tpu.memref_slice %arg6[%parallel_loop3A_166, %parallel_loop3A_167, %parallel_loop3A_168] : memref<4x8x1000xf32, #tpu.memory_space<vmem>> -> memref<1x1x1000xf32, #tpu.memory_space<vmem>>
          %parallel_loop3A_170 = tpu.memref_squeeze %parallel_loop3A_169 : memref<1x1x1000xf32, #tpu.memory_space<vmem>> -> memref<1000xf32, #tpu.memory_space<vmem>>
          %parallel_loop3A_171 = tpu.vector_load_idx %parallel_loop3A_170[%parallel_loop3A_165] : memref<1000xf32, #tpu.memory_space<vmem>>[vector<16xi32>], vector<16xf32>,
          %parallel_loop3A_172 = arith.constant 0 : i32
          %parallel_loop3A_173 = arith.addi %parallel_loop3A_163, %parallel_loop3A_172 : i32
          %parallel_loop3A_174 = arith.constant 0 : i32
          %parallel_loop3A_175 = arith.index_cast %parallel_loop3A_174 : i32 to index
          %parallel_loop3A_176 = arith.index_cast %parallel_loop3A_173 : i32 to index
          %parallel_loop3A_177 = tpu.vector_load %arg7[%parallel_loop3A_175, %parallel_loop3A_176] {strides = array<i32>} : memref<2x8192xf32, #tpu.memory_space<vmem>>, vector<16xf32>,
          tpu.vector_store %arg7[%parallel_loop3A_175, %parallel_loop3A_176], %parallel_loop3A_171 {strides = array<i32>} : memref<2x8192xf32, #tpu.memory_space<vmem>>, vector<16xf32>,
          %parallel_loop3A_178 = arith.constant 0 : i32
          %parallel_loop3A_179 = arith.constant 1 : i32
          %parallel_loop3A_180 = arith.constant 0 : i32
          %parallel_loop3A_181 = tpu.memref_slice %arg6[%parallel_loop3A_178, %parallel_loop3A_179, %parallel_loop3A_180] : memref<4x8x1000xf32, #tpu.memory_space<vmem>> -> memref<1x1x1000xf32, #tpu.memory_space<vmem>>
          %parallel_loop3A_182 = tpu.memref_squeeze %parallel_loop3A_181 : memref<1x1x1000xf32, #tpu.memory_space<vmem>> -> memref<1000xf32, #tpu.memory_space<vmem>>
          %parallel_loop3A_183 = tpu.vector_load_idx %parallel_loop3A_182[%parallel_loop3A_165] : memref<1000xf32, #tpu.memory_space<vmem>>[vector<16xi32>], vector<16xf32>,
          %parallel_loop3A_184 = arith.constant 128 : i32
          %parallel_loop3A_185 = arith.addi %parallel_loop3A_163, %parallel_loop3A_184 : i32
          %parallel_loop3A_186 = arith.constant 0 : i32
          %parallel_loop3A_187 = arith.index_cast %parallel_loop3A_186 : i32 to index
          %parallel_loop3A_188 = arith.index_cast %parallel_loop3A_185 : i32 to index
          %parallel_loop3A_189 = tpu.vector_load %arg7[%parallel_loop3A_187, %parallel_loop3A_188] {strides = array<i32>} : memref<2x8192xf32, #tpu.memory_space<vmem>>, vector<16xf32>,
          tpu.vector_store %arg7[%parallel_loop3A_187, %parallel_loop3A_188], %parallel_loop3A_183 {strides = array<i32>} : memref<2x8192xf32, #tpu.memory_space<vmem>>, vector<16xf32>,
          %parallel_loop3A_190 = arith.constant 0 : i32
          %parallel_loop3A_191 = arith.constant 2 : i32
          %parallel_loop3A_192 = arith.constant 0 : i32
          %parallel_loop3A_193 = tpu.memref_slice %arg6[%parallel_loop3A_190, %parallel_loop3A_191, %parallel_loop3A_192] : memref<4x8x1000xf32, #tpu.memory_space<vmem>> -> memref<1x1x1000xf32, #tpu.memory_space<vmem>>
          %parallel_loop3A_194 = tpu.memref_squeeze %parallel_loop3A_193 : memref<1x1x1000xf32, #tpu.memory_space<vmem>> -> memref<1000xf32, #tpu.memory_space<vmem>>
          %parallel_loop3A_195 = tpu.vector_load_idx %parallel_loop3A_194[%parallel_loop3A_165] : memref<1000xf32, #tpu.memory_space<vmem>>[vector<16xi32>], vector<16xf32>,
          %parallel_loop3A_196 = arith.constant 256 : i32
          %parallel_loop3A_197 = arith.addi %parallel_loop3A_163, %parallel_loop3A_196 : i32
          %parallel_loop3A_198 = arith.constant 0 : i32
          %parallel_loop3A_199 = arith.index_cast %parallel_loop3A_198 : i32 to index
          %parallel_loop3A_200 = arith.index_cast %parallel_loop3A_197 : i32 to index
          %parallel_loop3A_201 = tpu.vector_load %arg7[%parallel_loop3A_199, %parallel_loop3A_200] {strides = array<i32>} : memref<2x8192xf32, #tpu.memory_space<vmem>>, vector<16xf32>,
          tpu.vector_store %arg7[%parallel_loop3A_199, %parallel_loop3A_200], %parallel_loop3A_195 {strides = array<i32>} : memref<2x8192xf32, #tpu.memory_space<vmem>>, vector<16xf32>,
          %parallel_loop3A_202 = arith.constant 0 : i32
          %parallel_loop3A_203 = arith.constant 3 : i32
          %parallel_loop3A_204 = arith.constant 0 : i32
          %parallel_loop3A_205 = tpu.memref_slice %arg6[%parallel_loop3A_202, %parallel_loop3A_203, %parallel_loop3A_204] : memref<4x8x1000xf32, #tpu.memory_space<vmem>> -> memref<1x1x1000xf32, #tpu.memory_space<vmem>>
          %parallel_loop3A_206 = tpu.memref_squeeze %parallel_loop3A_205 : memref<1x1x1000xf32, #tpu.memory_space<vmem>> -> memref<1000xf32, #tpu.memory_space<vmem>>
          %parallel_loop3A_207 = tpu.vector_load_idx %parallel_loop3A_206[%parallel_loop3A_165] : memref<1000xf32, #tpu.memory_space<vmem>>[vector<16xi32>], vector<16xf32>,
          %parallel_loop3A_208 = arith.constant 384 : i32
          %parallel_loop3A_209 = arith.addi %parallel_loop3A_163, %parallel_loop3A_208 : i32
          %parallel_loop3A_210 = arith.constant 0 : i32
          %parallel_loop3A_211 = arith.index_cast %parallel_loop3A_210 : i32 to index
          %parallel_loop3A_212 = arith.index_cast %parallel_loop3A_209 : i32 to index
          %parallel_loop3A_213 = tpu.vector_load %arg7[%parallel_loop3A_211, %parallel_loop3A_212] {strides = array<i32>} : memref<2x8192xf32, #tpu.memory_space<vmem>>, vector<16xf32>,
          tpu.vector_store %arg7[%parallel_loop3A_211, %parallel_loop3A_212], %parallel_loop3A_207 {strides = array<i32>} : memref<2x8192xf32, #tpu.memory_space<vmem>>, vector<16xf32>,
          %parallel_loop3A_214 = arith.constant 0 : i32
          %parallel_loop3A_215 = arith.constant 4 : i32
          %parallel_loop3A_216 = arith.constant 0 : i32
          %parallel_loop3A_217 = tpu.memref_slice %arg6[%parallel_loop3A_214, %parallel_loop3A_215, %parallel_loop3A_216] : memref<4x8x1000xf32, #tpu.memory_space<vmem>> -> memref<1x1x1000xf32, #tpu.memory_space<vmem>>
          %parallel_loop3A_218 = tpu.memref_squeeze %parallel_loop3A_217 : memref<1x1x1000xf32, #tpu.memory_space<vmem>> -> memref<1000xf32, #tpu.memory_space<vmem>>
          %parallel_loop3A_219 = tpu.vector_load_idx %parallel_loop3A_218[%parallel_loop3A_165] : memref<1000xf32, #tpu.memory_space<vmem>>[vector<16xi32>], vector<16xf32>,
          %parallel_loop3A_220 = arith.constant 512 : i32
          %parallel_loop3A_221 = arith.addi %parallel_loop3A_163, %parallel_loop3A_220 : i32
          %parallel_loop3A_222 = arith.constant 0 : i32
          %parallel_loop3A_223 = arith.index_cast %parallel_loop3A_222 : i32 to index
          %parallel_loop3A_224 = arith.index_cast %parallel_loop3A_221 : i32 to index
          %parallel_loop3A_225 = tpu.vector_load %arg7[%parallel_loop3A_223, %parallel_loop3A_224] {strides = array<i32>} : memref<2x8192xf32, #tpu.memory_space<vmem>>, vector<16xf32>,
          tpu.vector_store %arg7[%parallel_loop3A_223, %parallel_loop3A_224], %parallel_loop3A_219 {strides = array<i32>} : memref<2x8192xf32, #tpu.memory_space<vmem>>, vector<16xf32>,
          %parallel_loop3A_226 = arith.constant 0 : i32
          %parallel_loop3A_227 = arith.constant 5 : i32
          %parallel_loop3A_228 = arith.constant 0 : i32
          %parallel_loop3A_229 = tpu.memref_slice %arg6[%parallel_loop3A_226, %parallel_loop3A_227, %parallel_loop3A_228] : memref<4x8x1000xf32, #tpu.memory_space<vmem>> -> memref<1x1x1000xf32, #tpu.memory_space<vmem>>
          %parallel_loop3A_230 = tpu.memref_squeeze %parallel_loop3A_229 : memref<1x1x1000xf32, #tpu.memory_space<vmem>> -> memref<1000xf32, #tpu.memory_space<vmem>>
          %parallel_loop3A_231 = tpu.vector_load_idx %parallel_loop3A_230[%parallel_loop3A_165] : memref<1000xf32, #tpu.memory_space<vmem>>[vector<16xi32>], vector<16xf32>,
          %parallel_loop3A_232 = arith.constant 640 : i32
          %parallel_loop3A_233 = arith.addi %parallel_loop3A_163, %parallel_loop3A_232 : i32
          %parallel_loop3A_234 = arith.constant 0 : i32
          %parallel_loop3A_235 = arith.index_cast %parallel_loop3A_234 : i32 to index
          %parallel_loop3A_236 = arith.index_cast %parallel_loop3A_233 : i32 to index
          %parallel_loop3A_237 = tpu.vector_load %arg7[%parallel_loop3A_235, %parallel_loop3A_236] {strides = array<i32>} : memref<2x8192xf32, #tpu.memory_space<vmem>>, vector<16xf32>,
          tpu.vector_store %arg7[%parallel_loop3A_235, %parallel_loop3A_236], %parallel_loop3A_231 {strides = array<i32>} : memref<2x8192xf32, #tpu.memory_space<vmem>>, vector<16xf32>,
          %parallel_loop3A_238 = arith.constant 0 : i32
          %parallel_loop3A_239 = arith.constant 6 : i32
          %parallel_loop3A_240 = arith.constant 0 : i32
          %parallel_loop3A_241 = tpu.memref_slice %arg6[%parallel_loop3A_238, %parallel_loop3A_239, %parallel_loop3A_240] : memref<4x8x1000xf32, #tpu.memory_space<vmem>> -> memref<1x1x1000xf32, #tpu.memory_space<vmem>>
          %parallel_loop3A_242 = tpu.memref_squeeze %parallel_loop3A_241 : memref<1x1x1000xf32, #tpu.memory_space<vmem>> -> memref<1000xf32, #tpu.memory_space<vmem>>
          %parallel_loop3A_243 = tpu.vector_load_idx %parallel_loop3A_242[%parallel_loop3A_165] : memref<1000xf32, #tpu.memory_space<vmem>>[vector<16xi32>], vector<16xf32>,
          %parallel_loop3A_244 = arith.constant 768 : i32
          %parallel_loop3A_245 = arith.addi %parallel_loop3A_163, %parallel_loop3A_244 : i32
          %parallel_loop3A_246 = arith.constant 0 : i32
          %parallel_loop3A_247 = arith.index_cast %parallel_loop3A_246 : i32 to index
          %parallel_loop3A_248 = arith.index_cast %parallel_loop3A_245 : i32 to index
          %parallel_loop3A_249 = tpu.vector_load %arg7[%parallel_loop3A_247, %parallel_loop3A_248] {strides = array<i32>} : memref<2x8192xf32, #tpu.memory_space<vmem>>, vector<16xf32>,
          tpu.vector_store %arg7[%parallel_loop3A_247, %parallel_loop3A_248], %parallel_loop3A_243 {strides = array<i32>} : memref<2x8192xf32, #tpu.memory_space<vmem>>, vector<16xf32>,
          %parallel_loop3A_250 = arith.constant 0 : i32
          %parallel_loop3A_251 = arith.constant 7 : i32
          %parallel_loop3A_252 = arith.constant 0 : i32
          %parallel_loop3A_253 = tpu.memref_slice %arg6[%parallel_loop3A_250, %parallel_loop3A_251, %parallel_loop3A_252] : memref<4x8x1000xf32, #tpu.memory_space<vmem>> -> memref<1x1x1000xf32, #tpu.memory_space<vmem>>
          %parallel_loop3A_254 = tpu.memref_squeeze %parallel_loop3A_253 : memref<1x1x1000xf32, #tpu.memory_space<vmem>> -> memref<1000xf32, #tpu.memory_space<vmem>>
          %parallel_loop3A_255 = tpu.vector_load_idx %parallel_loop3A_254[%parallel_loop3A_165] : memref<1000xf32, #tpu.memory_space<vmem>>[vector<16xi32>], vector<16xf32>,
          %parallel_loop3A_256 = arith.constant 896 : i32
          %parallel_loop3A_257 = arith.addi %parallel_loop3A_163, %parallel_loop3A_256 : i32
          %parallel_loop3A_258 = arith.constant 0 : i32
          %parallel_loop3A_259 = arith.index_cast %parallel_loop3A_258 : i32 to index
          %parallel_loop3A_260 = arith.index_cast %parallel_loop3A_257 : i32 to index
          %parallel_loop3A_261 = tpu.vector_load %arg7[%parallel_loop3A_259, %parallel_loop3A_260] {strides = array<i32>} : memref<2x8192xf32, #tpu.memory_space<vmem>>, vector<16xf32>,
          tpu.vector_store %arg7[%parallel_loop3A_259, %parallel_loop3A_260], %parallel_loop3A_255 {strides = array<i32>} : memref<2x8192xf32, #tpu.memory_space<vmem>>, vector<16xf32>,
        } {sc.loop_unroll_factor = 8 : i64, sc.parallel_access}
        %dma_start3A = arith.constant 0 : i32
        %dma_start3A_134 = arith.constant 0 : i32
        %dma_start3A_135 = tpu.memref_slice %arg7[%dma_start3A, %dma_start3A_134] : memref<2x8192xf32, #tpu.memory_space<vmem>> -> memref<1x8192xf32, #tpu.memory_space<vmem>>
        %dma_start3A_136 = tpu.memref_squeeze %dma_start3A_135 : memref<1x8192xf32, #tpu.memory_space<vmem>> -> memref<8192xf32, #tpu.memory_space<vmem>>
        %dma_start3A_137 = arith.constant 0 : i32
        %dma_start3A_138 = tpu.memref_slice %arg4[%scan3A_88, %add3A_90, %dma_start3A_137] : memref<50x125x8192xf32, #tpu.memory_space<hbm>> -> memref<1x1x8192xf32, #tpu.memory_space<hbm>>
        %dma_start3A_139 = tpu.memref_squeeze %dma_start3A_138 : memref<1x1x8192xf32, #tpu.memory_space<hbm>> -> memref<8192xf32, #tpu.memory_space<hbm>>
        %dma_start3A_140 = arith.constant 0 : i32
        %dma_start3A_141 = tpu.memref_slice %arg4[%scan3A_88, %add3A_90, %dma_start3A_140] : memref<50x125x8192xf32, #tpu.memory_space<hbm>> -> memref<1x1x8192xf32, #tpu.memory_space<hbm>>
        %dma_start3A_142 = tpu.memref_squeeze %dma_start3A_141 : memref<1x1x8192xf32, #tpu.memory_space<hbm>> -> memref<8192xf32, #tpu.memory_space<hbm>>
        %dma_start3A_143 = arith.constant 0 : i32
        %dma_start3A_144 = tpu.memref_slice %arg7[%dma_start3A, %dma_start3A_143] : memref<2x8192xf32, #tpu.memory_space<vmem>> -> memref<1x8192xf32, #tpu.memory_space<vmem>>
        %dma_start3A_145 = tpu.memref_squeeze %dma_start3A_144 : memref<1x8192xf32, #tpu.memory_space<vmem>> -> memref<8192xf32, #tpu.memory_space<vmem>>
        tpu.enqueue_dma source(%dma_start3A_145 : memref<8192xf32, #tpu.memory_space<vmem>>) target(%dma_start3A_142 : memref<8192xf32, #tpu.memory_space<hbm>>) target_semaphore(%arg8 : memref<!tpu.dma_semaphore, #tpu.memory_space<semaphore_mem>>)
      } else {
      }
      %add3A_96 = arith.constant 32 : i32
      %add3A_97 = arith.addi %add3A, %add3A_96 : i32
      %lt3A_98 = arith.constant 125 : i32
      %lt3A_99 = arith.cmpi slt, %add3A_97, %lt3A_98 : i32
      %convert_element_type3A_100 = arith.extui %lt3A_99 : i1 to i32
      %cond3A_101 = arith.constant 0 : i32
      %cond3A_102 = arith.cmpi ne, %convert_element_type3A_100, %cond3A_101 : i32
      scf.if %cond3A_102 {
        %add3A_117 = arith.constant 96 : i32
        %add3A_118 = arith.addi %add3A, %add3A_117 : i32
        %lt3A_119 = arith.constant 125 : i32
        %lt3A_120 = arith.cmpi slt, %add3A_118, %lt3A_119 : i32
        %convert_element_type3A_121 = arith.extui %lt3A_120 : i1 to i32
        %cond3A_122 = arith.constant 0 : i32
        %cond3A_123 = arith.cmpi ne, %convert_element_type3A_121, %cond3A_122 : i32
        scf.if %cond3A_123 {
          %dma_wait3A_138 = arith.constant 1 : i32
          %dma_wait3A_139 = arith.constant 0 : i32
          %dma_wait3A_140 = arith.constant 0 : i32
          %dma_wait3A_141 = arith.constant 0 : i32
          %dma_wait3A_142 = tpu.memref_slice %arg7[%dma_wait3A_138, %dma_wait3A_141] : memref<2x8192xf32, #tpu.memory_space<vmem>> -> memref<1x8192xf32, #tpu.memory_space<vmem>>
          %dma_wait3A_143 = tpu.memref_squeeze %dma_wait3A_142 : memref<1x8192xf32, #tpu.memory_space<vmem>> -> memref<8192xf32, #tpu.memory_space<vmem>>
          %dma_wait3A_144 = arith.constant 0 : i32
          %dma_wait3A_145 = tpu.memref_slice %arg4[%dma_wait3A_139, %dma_wait3A_140, %dma_wait3A_144] : memref<50x125x8192xf32, #tpu.memory_space<hbm>> -> memref<1x1x8192xf32, #tpu.memory_space<hbm>>
          %dma_wait3A_146 = tpu.memref_squeeze %dma_wait3A_145 : memref<1x1x8192xf32, #tpu.memory_space<hbm>> -> memref<8192xf32, #tpu.memory_space<hbm>>
          %dma_wait3A_147 = arith.constant 0 : i32
          %dma_wait3A_148 = tpu.memref_slice %arg4[%dma_wait3A_139, %dma_wait3A_140, %dma_wait3A_147] : memref<50x125x8192xf32, #tpu.memory_space<hbm>> -> memref<1x1x8192xf32, #tpu.memory_space<hbm>>
          %dma_wait3A_149 = tpu.memref_squeeze %dma_wait3A_148 : memref<1x1x8192xf32, #tpu.memory_space<hbm>> -> memref<8192xf32, #tpu.memory_space<hbm>>
          %dma_wait3A_150 = arith.constant 0 : i32
          %dma_wait3A_151 = tpu.memref_slice %arg7[%dma_wait3A_138, %dma_wait3A_150] : memref<2x8192xf32, #tpu.memory_space<vmem>> -> memref<1x8192xf32, #tpu.memory_space<vmem>>
          %dma_wait3A_152 = tpu.memref_squeeze %dma_wait3A_151 : memref<1x8192xf32, #tpu.memory_space<vmem>> -> memref<8192xf32, #tpu.memory_space<vmem>>
          tpu.wait_dma2 semaphore(%arg9 : memref<!tpu.dma_semaphore, #tpu.memory_space<semaphore_mem>>) src(%dma_wait3A_152 : memref<8192xf32, #tpu.memory_space<vmem>>) dst(%dma_wait3A_149 : memref<8192xf32, #tpu.memory_space<hbm>>)
        } else {
        }
        %parallel_loop3A = arith.constant 0 : i32
        %parallel_loop3A_124 = arith.constant 64 : i32
        %parallel_loop3A_125 = arith.constant 1 : i32
        scf.for %parallel_loop3A_138 = %parallel_loop3A to %parallel_loop3A_124 step %parallel_loop3A_125  : i32 {
          %parallel_loop3A_139 = arith.constant 3 : i32
          %parallel_loop3A_140 = arith.shrsi %parallel_loop3A_138, %parallel_loop3A_139 : i32
          %parallel_loop3A_141 = arith.constant 7 : i32
          %parallel_loop3A_142 = arith.andi %parallel_loop3A_138, %parallel_loop3A_141 : i32
          %parallel_loop3A_143 = arith.constant 1024 : i32
          %parallel_loop3A_144 = arith.muli %scan3A_88, %parallel_loop3A_143 : i32
          %parallel_loop3A_145 = arith.constant 128 : i32
          %parallel_loop3A_146 = arith.muli %parallel_loop3A_140, %parallel_loop3A_145 : i32
          %parallel_loop3A_147 = arith.addi %parallel_loop3A_144, %parallel_loop3A_146 : i32
          %parallel_loop3A_148 = arith.constant 16 : i32
          %parallel_loop3A_149 = arith.muli %parallel_loop3A_148, %parallel_loop3A_142 : i32
          %parallel_loop3A_150 = arith.addi %parallel_loop3A_147, %parallel_loop3A_149 : i32
          %parallel_loop3A_151 = arith.constant 1024 : i32
          %parallel_loop3A_152 = arith.muli %parallel_loop3A_140, %parallel_loop3A_151 : i32
          %parallel_loop3A_153 = arith.constant 16 : i32
          %parallel_loop3A_154 = arith.muli %parallel_loop3A_153, %parallel_loop3A_142 : i32
          %parallel_loop3A_155 = arith.addi %parallel_loop3A_152, %parallel_loop3A_154 : i32
          %parallel_loop3A_156 = arith.index_cast %parallel_loop3A_150 : i32 to index
          %parallel_loop3A_157 = tpu.vector_load %arg5[%parallel_loop3A_156] {strides = array<i32>} : memref<51200xi32, #tpu.memory_space<vmem>>, vector<16xi32>,
          %parallel_loop3A_158 = arith.constant 1 : i32
          %parallel_loop3A_159 = arith.constant 0 : i32
          %parallel_loop3A_160 = arith.constant 0 : i32
          %parallel_loop3A_161 = tpu.memref_slice %arg6[%parallel_loop3A_158, %parallel_loop3A_159, %parallel_loop3A_160] : memref<4x8x1000xf32, #tpu.memory_space<vmem>> -> memref<1x1x1000xf32, #tpu.memory_space<vmem>>
          %parallel_loop3A_162 = tpu.memref_squeeze %parallel_loop3A_161 : memref<1x1x1000xf32, #tpu.memory_space<vmem>> -> memref<1000xf32, #tpu.memory_space<vmem>>
          %parallel_loop3A_163 = tpu.vector_load_idx %parallel_loop3A_162[%parallel_loop3A_157] : memref<1000xf32, #tpu.memory_space<vmem>>[vector<16xi32>], vector<16xf32>,
          %parallel_loop3A_164 = arith.constant 0 : i32
          %parallel_loop3A_165 = arith.addi %parallel_loop3A_155, %parallel_loop3A_164 : i32
          %parallel_loop3A_166 = arith.constant 1 : i32
          %parallel_loop3A_167 = arith.index_cast %parallel_loop3A_166 : i32 to index
          %parallel_loop3A_168 = arith.index_cast %parallel_loop3A_165 : i32 to index
          %parallel_loop3A_169 = tpu.vector_load %arg7[%parallel_loop3A_167, %parallel_loop3A_168] {strides = array<i32>} : memref<2x8192xf32, #tpu.memory_space<vmem>>, vector<16xf32>,
          tpu.vector_store %arg7[%parallel_loop3A_167, %parallel_loop3A_168], %parallel_loop3A_163 {strides = array<i32>} : memref<2x8192xf32, #tpu.memory_space<vmem>>, vector<16xf32>,
          %parallel_loop3A_170 = arith.constant 1 : i32
          %parallel_loop3A_171 = arith.constant 1 : i32
          %parallel_loop3A_172 = arith.constant 0 : i32
          %parallel_loop3A_173 = tpu.memref_slice %arg6[%parallel_loop3A_170, %parallel_loop3A_171, %parallel_loop3A_172] : memref<4x8x1000xf32, #tpu.memory_space<vmem>> -> memref<1x1x1000xf32, #tpu.memory_space<vmem>>
          %parallel_loop3A_174 = tpu.memref_squeeze %parallel_loop3A_173 : memref<1x1x1000xf32, #tpu.memory_space<vmem>> -> memref<1000xf32, #tpu.memory_space<vmem>>
          %parallel_loop3A_175 = tpu.vector_load_idx %parallel_loop3A_174[%parallel_loop3A_157] : memref<1000xf32, #tpu.memory_space<vmem>>[vector<16xi32>], vector<16xf32>,
          %parallel_loop3A_176 = arith.constant 128 : i32
          %parallel_loop3A_177 = arith.addi %parallel_loop3A_155, %parallel_loop3A_176 : i32
          %parallel_loop3A_178 = arith.constant 1 : i32
          %parallel_loop3A_179 = arith.index_cast %parallel_loop3A_178 : i32 to index
          %parallel_loop3A_180 = arith.index_cast %parallel_loop3A_177 : i32 to index
          %parallel_loop3A_181 = tpu.vector_load %arg7[%parallel_loop3A_179, %parallel_loop3A_180] {strides = array<i32>} : memref<2x8192xf32, #tpu.memory_space<vmem>>, vector<16xf32>,
          tpu.vector_store %arg7[%parallel_loop3A_179, %parallel_loop3A_180], %parallel_loop3A_175 {strides = array<i32>} : memref<2x8192xf32, #tpu.memory_space<vmem>>, vector<16xf32>,
          %parallel_loop3A_182 = arith.constant 1 : i32
          %parallel_loop3A_183 = arith.constant 2 : i32
          %parallel_loop3A_184 = arith.constant 0 : i32
          %parallel_loop3A_185 = tpu.memref_slice %arg6[%parallel_loop3A_182, %parallel_loop3A_183, %parallel_loop3A_184] : memref<4x8x1000xf32, #tpu.memory_space<vmem>> -> memref<1x1x1000xf32, #tpu.memory_space<vmem>>
          %parallel_loop3A_186 = tpu.memref_squeeze %parallel_loop3A_185 : memref<1x1x1000xf32, #tpu.memory_space<vmem>> -> memref<1000xf32, #tpu.memory_space<vmem>>
          %parallel_loop3A_187 = tpu.vector_load_idx %parallel_loop3A_186[%parallel_loop3A_157] : memref<1000xf32, #tpu.memory_space<vmem>>[vector<16xi32>], vector<16xf32>,
          %parallel_loop3A_188 = arith.constant 256 : i32
          %parallel_loop3A_189 = arith.addi %parallel_loop3A_155, %parallel_loop3A_188 : i32
          %parallel_loop3A_190 = arith.constant 1 : i32
          %parallel_loop3A_191 = arith.index_cast %parallel_loop3A_190 : i32 to index
          %parallel_loop3A_192 = arith.index_cast %parallel_loop3A_189 : i32 to index
          %parallel_loop3A_193 = tpu.vector_load %arg7[%parallel_loop3A_191, %parallel_loop3A_192] {strides = array<i32>} : memref<2x8192xf32, #tpu.memory_space<vmem>>, vector<16xf32>,
          tpu.vector_store %arg7[%parallel_loop3A_191, %parallel_loop3A_192], %parallel_loop3A_187 {strides = array<i32>} : memref<2x8192xf32, #tpu.memory_space<vmem>>, vector<16xf32>,
          %parallel_loop3A_194 = arith.constant 1 : i32
          %parallel_loop3A_195 = arith.constant 3 : i32
          %parallel_loop3A_196 = arith.constant 0 : i32
          %parallel_loop3A_197 = tpu.memref_slice %arg6[%parallel_loop3A_194, %parallel_loop3A_195, %parallel_loop3A_196] : memref<4x8x1000xf32, #tpu.memory_space<vmem>> -> memref<1x1x1000xf32, #tpu.memory_space<vmem>>
          %parallel_loop3A_198 = tpu.memref_squeeze %parallel_loop3A_197 : memref<1x1x1000xf32, #tpu.memory_space<vmem>> -> memref<1000xf32, #tpu.memory_space<vmem>>
          %parallel_loop3A_199 = tpu.vector_load_idx %parallel_loop3A_198[%parallel_loop3A_157] : memref<1000xf32, #tpu.memory_space<vmem>>[vector<16xi32>], vector<16xf32>,
          %parallel_loop3A_200 = arith.constant 384 : i32
          %parallel_loop3A_201 = arith.addi %parallel_loop3A_155, %parallel_loop3A_200 : i32
          %parallel_loop3A_202 = arith.constant 1 : i32
          %parallel_loop3A_203 = arith.index_cast %parallel_loop3A_202 : i32 to index
          %parallel_loop3A_204 = arith.index_cast %parallel_loop3A_201 : i32 to index
          %parallel_loop3A_205 = tpu.vector_load %arg7[%parallel_loop3A_203, %parallel_loop3A_204] {strides = array<i32>} : memref<2x8192xf32, #tpu.memory_space<vmem>>, vector<16xf32>,
          tpu.vector_store %arg7[%parallel_loop3A_203, %parallel_loop3A_204], %parallel_loop3A_199 {strides = array<i32>} : memref<2x8192xf32, #tpu.memory_space<vmem>>, vector<16xf32>,
          %parallel_loop3A_206 = arith.constant 1 : i32
          %parallel_loop3A_207 = arith.constant 4 : i32
          %parallel_loop3A_208 = arith.constant 0 : i32
          %parallel_loop3A_209 = tpu.memref_slice %arg6[%parallel_loop3A_206, %parallel_loop3A_207, %parallel_loop3A_208] : memref<4x8x1000xf32, #tpu.memory_space<vmem>> -> memref<1x1x1000xf32, #tpu.memory_space<vmem>>
          %parallel_loop3A_210 = tpu.memref_squeeze %parallel_loop3A_209 : memref<1x1x1000xf32, #tpu.memory_space<vmem>> -> memref<1000xf32, #tpu.memory_space<vmem>>
          %parallel_loop3A_211 = tpu.vector_load_idx %parallel_loop3A_210[%parallel_loop3A_157] : memref<1000xf32, #tpu.memory_space<vmem>>[vector<16xi32>], vector<16xf32>,
          %parallel_loop3A_212 = arith.constant 512 : i32
          %parallel_loop3A_213 = arith.addi %parallel_loop3A_155, %parallel_loop3A_212 : i32
          %parallel_loop3A_214 = arith.constant 1 : i32
          %parallel_loop3A_215 = arith.index_cast %parallel_loop3A_214 : i32 to index
          %parallel_loop3A_216 = arith.index_cast %parallel_loop3A_213 : i32 to index
          %parallel_loop3A_217 = tpu.vector_load %arg7[%parallel_loop3A_215, %parallel_loop3A_216] {strides = array<i32>} : memref<2x8192xf32, #tpu.memory_space<vmem>>, vector<16xf32>,
          tpu.vector_store %arg7[%parallel_loop3A_215, %parallel_loop3A_216], %parallel_loop3A_211 {strides = array<i32>} : memref<2x8192xf32, #tpu.memory_space<vmem>>, vector<16xf32>,
          %parallel_loop3A_218 = arith.constant 1 : i32
          %parallel_loop3A_219 = arith.constant 5 : i32
          %parallel_loop3A_220 = arith.constant 0 : i32
          %parallel_loop3A_221 = tpu.memref_slice %arg6[%parallel_loop3A_218, %parallel_loop3A_219, %parallel_loop3A_220] : memref<4x8x1000xf32, #tpu.memory_space<vmem>> -> memref<1x1x1000xf32, #tpu.memory_space<vmem>>
          %parallel_loop3A_222 = tpu.memref_squeeze %parallel_loop3A_221 : memref<1x1x1000xf32, #tpu.memory_space<vmem>> -> memref<1000xf32, #tpu.memory_space<vmem>>
          %parallel_loop3A_223 = tpu.vector_load_idx %parallel_loop3A_222[%parallel_loop3A_157] : memref<1000xf32, #tpu.memory_space<vmem>>[vector<16xi32>], vector<16xf32>,
          %parallel_loop3A_224 = arith.constant 640 : i32
          %parallel_loop3A_225 = arith.addi %parallel_loop3A_155, %parallel_loop3A_224 : i32
          %parallel_loop3A_226 = arith.constant 1 : i32
          %parallel_loop3A_227 = arith.index_cast %parallel_loop3A_226 : i32 to index
          %parallel_loop3A_228 = arith.index_cast %parallel_loop3A_225 : i32 to index
          %parallel_loop3A_229 = tpu.vector_load %arg7[%parallel_loop3A_227, %parallel_loop3A_228] {strides = array<i32>} : memref<2x8192xf32, #tpu.memory_space<vmem>>, vector<16xf32>,
          tpu.vector_store %arg7[%parallel_loop3A_227, %parallel_loop3A_228], %parallel_loop3A_223 {strides = array<i32>} : memref<2x8192xf32, #tpu.memory_space<vmem>>, vector<16xf32>,
          %parallel_loop3A_230 = arith.constant 1 : i32
          %parallel_loop3A_231 = arith.constant 6 : i32
          %parallel_loop3A_232 = arith.constant 0 : i32
          %parallel_loop3A_233 = tpu.memref_slice %arg6[%parallel_loop3A_230, %parallel_loop3A_231, %parallel_loop3A_232] : memref<4x8x1000xf32, #tpu.memory_space<vmem>> -> memref<1x1x1000xf32, #tpu.memory_space<vmem>>
          %parallel_loop3A_234 = tpu.memref_squeeze %parallel_loop3A_233 : memref<1x1x1000xf32, #tpu.memory_space<vmem>> -> memref<1000xf32, #tpu.memory_space<vmem>>
          %parallel_loop3A_235 = tpu.vector_load_idx %parallel_loop3A_234[%parallel_loop3A_157] : memref<1000xf32, #tpu.memory_space<vmem>>[vector<16xi32>], vector<16xf32>,
          %parallel_loop3A_236 = arith.constant 768 : i32
          %parallel_loop3A_237 = arith.addi %parallel_loop3A_155, %parallel_loop3A_236 : i32
          %parallel_loop3A_238 = arith.constant 1 : i32
          %parallel_loop3A_239 = arith.index_cast %parallel_loop3A_238 : i32 to index
          %parallel_loop3A_240 = arith.index_cast %parallel_loop3A_237 : i32 to index
          %parallel_loop3A_241 = tpu.vector_load %arg7[%parallel_loop3A_239, %parallel_loop3A_240] {strides = array<i32>} : memref<2x8192xf32, #tpu.memory_space<vmem>>, vector<16xf32>,
          tpu.vector_store %arg7[%parallel_loop3A_239, %parallel_loop3A_240], %parallel_loop3A_235 {strides = array<i32>} : memref<2x8192xf32, #tpu.memory_space<vmem>>, vector<16xf32>,
          %parallel_loop3A_242 = arith.constant 1 : i32
          %parallel_loop3A_243 = arith.constant 7 : i32
          %parallel_loop3A_244 = arith.constant 0 : i32
          %parallel_loop3A_245 = tpu.memref_slice %arg6[%parallel_loop3A_242, %parallel_loop3A_243, %parallel_loop3A_244] : memref<4x8x1000xf32, #tpu.memory_space<vmem>> -> memref<1x1x1000xf32, #tpu.memory_space<vmem>>
          %parallel_loop3A_246 = tpu.memref_squeeze %parallel_loop3A_245 : memref<1x1x1000xf32, #tpu.memory_space<vmem>> -> memref<1000xf32, #tpu.memory_space<vmem>>
          %parallel_loop3A_247 = tpu.vector_load_idx %parallel_loop3A_246[%parallel_loop3A_157] : memref<1000xf32, #tpu.memory_space<vmem>>[vector<16xi32>], vector<16xf32>,
          %parallel_loop3A_248 = arith.constant 896 : i32
          %parallel_loop3A_249 = arith.addi %parallel_loop3A_155, %parallel_loop3A_248 : i32
          %parallel_loop3A_250 = arith.constant 1 : i32
          %parallel_loop3A_251 = arith.index_cast %parallel_loop3A_250 : i32 to index
          %parallel_loop3A_252 = arith.index_cast %parallel_loop3A_249 : i32 to index
          %parallel_loop3A_253 = tpu.vector_load %arg7[%parallel_loop3A_251, %parallel_loop3A_252] {strides = array<i32>} : memref<2x8192xf32, #tpu.memory_space<vmem>>, vector<16xf32>,
          tpu.vector_store %arg7[%parallel_loop3A_251, %parallel_loop3A_252], %parallel_loop3A_247 {strides = array<i32>} : memref<2x8192xf32, #tpu.memory_space<vmem>>, vector<16xf32>,
        } {sc.loop_unroll_factor = 8 : i64, sc.parallel_access}
        %dma_start3A = arith.constant 1 : i32
        %dma_start3A_126 = arith.constant 0 : i32
        %dma_start3A_127 = tpu.memref_slice %arg7[%dma_start3A, %dma_start3A_126] : memref<2x8192xf32, #tpu.memory_space<vmem>> -> memref<1x8192xf32, #tpu.memory_space<vmem>>
        %dma_start3A_128 = tpu.memref_squeeze %dma_start3A_127 : memref<1x8192xf32, #tpu.memory_space<vmem>> -> memref<8192xf32, #tpu.memory_space<vmem>>
        %dma_start3A_129 = arith.constant 0 : i32
        %dma_start3A_130 = tpu.memref_slice %arg4[%scan3A_88, %add3A_97, %dma_start3A_129] : memref<50x125x8192xf32, #tpu.memory_space<hbm>> -> memref<1x1x8192xf32, #tpu.memory_space<hbm>>
        %dma_start3A_131 = tpu.memref_squeeze %dma_start3A_130 : memref<1x1x8192xf32, #tpu.memory_space<hbm>> -> memref<8192xf32, #tpu.memory_space<hbm>>
        %dma_start3A_132 = arith.constant 0 : i32
        %dma_start3A_133 = tpu.memref_slice %arg4[%scan3A_88, %add3A_97, %dma_start3A_132] : memref<50x125x8192xf32, #tpu.memory_space<hbm>> -> memref<1x1x8192xf32, #tpu.memory_space<hbm>>
        %dma_start3A_134 = tpu.memref_squeeze %dma_start3A_133 : memref<1x1x8192xf32, #tpu.memory_space<hbm>> -> memref<8192xf32, #tpu.memory_space<hbm>>
        %dma_start3A_135 = arith.constant 0 : i32
        %dma_start3A_136 = tpu.memref_slice %arg7[%dma_start3A, %dma_start3A_135] : memref<2x8192xf32, #tpu.memory_space<vmem>> -> memref<1x8192xf32, #tpu.memory_space<vmem>>
        %dma_start3A_137 = tpu.memref_squeeze %dma_start3A_136 : memref<1x8192xf32, #tpu.memory_space<vmem>> -> memref<8192xf32, #tpu.memory_space<vmem>>
        tpu.enqueue_dma source(%dma_start3A_137 : memref<8192xf32, #tpu.memory_space<vmem>>) target(%dma_start3A_134 : memref<8192xf32, #tpu.memory_space<hbm>>) target_semaphore(%arg9 : memref<!tpu.dma_semaphore, #tpu.memory_space<semaphore_mem>>)
      } else {
      }
      %add3A_103 = arith.constant 64 : i32
      %add3A_104 = arith.addi %add3A, %add3A_103 : i32
      %lt3A_105 = arith.constant 125 : i32
      %lt3A_106 = arith.cmpi slt, %add3A_104, %lt3A_105 : i32
      %convert_element_type3A_107 = arith.extui %lt3A_106 : i1 to i32
      %cond3A_108 = arith.constant 0 : i32
      %cond3A_109 = arith.cmpi ne, %convert_element_type3A_107, %cond3A_108 : i32
      scf.if %cond3A_109 {
        %dma_wait3A_117 = arith.constant 0 : i32
        %dma_wait3A_118 = arith.constant 0 : i32
        %dma_wait3A_119 = arith.constant 0 : i32
        %dma_wait3A_120 = arith.constant 0 : i32
        %dma_wait3A_121 = tpu.memref_slice %arg7[%dma_wait3A_117, %dma_wait3A_120] : memref<2x8192xf32, #tpu.memory_space<vmem>> -> memref<1x8192xf32, #tpu.memory_space<vmem>>
        %dma_wait3A_122 = tpu.memref_squeeze %dma_wait3A_121 : memref<1x8192xf32, #tpu.memory_space<vmem>> -> memref<8192xf32, #tpu.memory_space<vmem>>
        %dma_wait3A_123 = arith.constant 0 : i32
        %dma_wait3A_124 = tpu.memref_slice %arg4[%dma_wait3A_118, %dma_wait3A_119, %dma_wait3A_123] : memref<50x125x8192xf32, #tpu.memory_space<hbm>> -> memref<1x1x8192xf32, #tpu.memory_space<hbm>>
        %dma_wait3A_125 = tpu.memref_squeeze %dma_wait3A_124 : memref<1x1x8192xf32, #tpu.memory_space<hbm>> -> memref<8192xf32, #tpu.memory_space<hbm>>
        %dma_wait3A_126 = arith.constant 0 : i32
        %dma_wait3A_127 = tpu.memref_slice %arg4[%dma_wait3A_118, %dma_wait3A_119, %dma_wait3A_126] : memref<50x125x8192xf32, #tpu.memory_space<hbm>> -> memref<1x1x8192xf32, #tpu.memory_space<hbm>>
        %dma_wait3A_128 = tpu.memref_squeeze %dma_wait3A_127 : memref<1x1x8192xf32, #tpu.memory_space<hbm>> -> memref<8192xf32, #tpu.memory_space<hbm>>
        %dma_wait3A_129 = arith.constant 0 : i32
        %dma_wait3A_130 = tpu.memref_slice %arg7[%dma_wait3A_117, %dma_wait3A_129] : memref<2x8192xf32, #tpu.memory_space<vmem>> -> memref<1x8192xf32, #tpu.memory_space<vmem>>
        %dma_wait3A_131 = tpu.memref_squeeze %dma_wait3A_130 : memref<1x8192xf32, #tpu.memory_space<vmem>> -> memref<8192xf32, #tpu.memory_space<vmem>>
        tpu.wait_dma2 semaphore(%arg8 : memref<!tpu.dma_semaphore, #tpu.memory_space<semaphore_mem>>) src(%dma_wait3A_131 : memref<8192xf32, #tpu.memory_space<vmem>>) dst(%dma_wait3A_128 : memref<8192xf32, #tpu.memory_space<hbm>>)
        %parallel_loop3A = arith.constant 0 : i32
        %parallel_loop3A_132 = arith.constant 64 : i32
        %parallel_loop3A_133 = arith.constant 1 : i32
        scf.for %parallel_loop3A_146 = %parallel_loop3A to %parallel_loop3A_132 step %parallel_loop3A_133  : i32 {
          %parallel_loop3A_147 = arith.constant 3 : i32
          %parallel_loop3A_148 = arith.shrsi %parallel_loop3A_146, %parallel_loop3A_147 : i32
          %parallel_loop3A_149 = arith.constant 7 : i32
          %parallel_loop3A_150 = arith.andi %parallel_loop3A_146, %parallel_loop3A_149 : i32
          %parallel_loop3A_151 = arith.constant 1024 : i32
          %parallel_loop3A_152 = arith.muli %scan3A_88, %parallel_loop3A_151 : i32
          %parallel_loop3A_153 = arith.constant 128 : i32
          %parallel_loop3A_154 = arith.muli %parallel_loop3A_148, %parallel_loop3A_153 : i32
          %parallel_loop3A_155 = arith.addi %parallel_loop3A_152, %parallel_loop3A_154 : i32
          %parallel_loop3A_156 = arith.constant 16 : i32
          %parallel_loop3A_157 = arith.muli %parallel_loop3A_156, %parallel_loop3A_150 : i32
          %parallel_loop3A_158 = arith.addi %parallel_loop3A_155, %parallel_loop3A_157 : i32
          %parallel_loop3A_159 = arith.constant 1024 : i32
          %parallel_loop3A_160 = arith.muli %parallel_loop3A_148, %parallel_loop3A_159 : i32
          %parallel_loop3A_161 = arith.constant 16 : i32
          %parallel_loop3A_162 = arith.muli %parallel_loop3A_161, %parallel_loop3A_150 : i32
          %parallel_loop3A_163 = arith.addi %parallel_loop3A_160, %parallel_loop3A_162 : i32
          %parallel_loop3A_164 = arith.index_cast %parallel_loop3A_158 : i32 to index
          %parallel_loop3A_165 = tpu.vector_load %arg5[%parallel_loop3A_164] {strides = array<i32>} : memref<51200xi32, #tpu.memory_space<vmem>>, vector<16xi32>,
          %parallel_loop3A_166 = arith.constant 2 : i32
          %parallel_loop3A_167 = arith.constant 0 : i32
          %parallel_loop3A_168 = arith.constant 0 : i32
          %parallel_loop3A_169 = tpu.memref_slice %arg6[%parallel_loop3A_166, %parallel_loop3A_167, %parallel_loop3A_168] : memref<4x8x1000xf32, #tpu.memory_space<vmem>> -> memref<1x1x1000xf32, #tpu.memory_space<vmem>>
          %parallel_loop3A_170 = tpu.memref_squeeze %parallel_loop3A_169 : memref<1x1x1000xf32, #tpu.memory_space<vmem>> -> memref<1000xf32, #tpu.memory_space<vmem>>
          %parallel_loop3A_171 = tpu.vector_load_idx %parallel_loop3A_170[%parallel_loop3A_165] : memref<1000xf32, #tpu.memory_space<vmem>>[vector<16xi32>], vector<16xf32>,
          %parallel_loop3A_172 = arith.constant 0 : i32
          %parallel_loop3A_173 = arith.addi %parallel_loop3A_163, %parallel_loop3A_172 : i32
          %parallel_loop3A_174 = arith.constant 0 : i32
          %parallel_loop3A_175 = arith.index_cast %parallel_loop3A_174 : i32 to index
          %parallel_loop3A_176 = arith.index_cast %parallel_loop3A_173 : i32 to index
          %parallel_loop3A_177 = tpu.vector_load %arg7[%parallel_loop3A_175, %parallel_loop3A_176] {strides = array<i32>} : memref<2x8192xf32, #tpu.memory_space<vmem>>, vector<16xf32>,
          tpu.vector_store %arg7[%parallel_loop3A_175, %parallel_loop3A_176], %parallel_loop3A_171 {strides = array<i32>} : memref<2x8192xf32, #tpu.memory_space<vmem>>, vector<16xf32>,
          %parallel_loop3A_178 = arith.constant 2 : i32
          %parallel_loop3A_179 = arith.constant 1 : i32
          %parallel_loop3A_180 = arith.constant 0 : i32
          %parallel_loop3A_181 = tpu.memref_slice %arg6[%parallel_loop3A_178, %parallel_loop3A_179, %parallel_loop3A_180] : memref<4x8x1000xf32, #tpu.memory_space<vmem>> -> memref<1x1x1000xf32, #tpu.memory_space<vmem>>
          %parallel_loop3A_182 = tpu.memref_squeeze %parallel_loop3A_181 : memref<1x1x1000xf32, #tpu.memory_space<vmem>> -> memref<1000xf32, #tpu.memory_space<vmem>>
          %parallel_loop3A_183 = tpu.vector_load_idx %parallel_loop3A_182[%parallel_loop3A_165] : memref<1000xf32, #tpu.memory_space<vmem>>[vector<16xi32>], vector<16xf32>,
          %parallel_loop3A_184 = arith.constant 128 : i32
          %parallel_loop3A_185 = arith.addi %parallel_loop3A_163, %parallel_loop3A_184 : i32
          %parallel_loop3A_186 = arith.constant 0 : i32
          %parallel_loop3A_187 = arith.index_cast %parallel_loop3A_186 : i32 to index
          %parallel_loop3A_188 = arith.index_cast %parallel_loop3A_185 : i32 to index
          %parallel_loop3A_189 = tpu.vector_load %arg7[%parallel_loop3A_187, %parallel_loop3A_188] {strides = array<i32>} : memref<2x8192xf32, #tpu.memory_space<vmem>>, vector<16xf32>,
          tpu.vector_store %arg7[%parallel_loop3A_187, %parallel_loop3A_188], %parallel_loop3A_183 {strides = array<i32>} : memref<2x8192xf32, #tpu.memory_space<vmem>>, vector<16xf32>,
          %parallel_loop3A_190 = arith.constant 2 : i32
          %parallel_loop3A_191 = arith.constant 2 : i32
          %parallel_loop3A_192 = arith.constant 0 : i32
          %parallel_loop3A_193 = tpu.memref_slice %arg6[%parallel_loop3A_190, %parallel_loop3A_191, %parallel_loop3A_192] : memref<4x8x1000xf32, #tpu.memory_space<vmem>> -> memref<1x1x1000xf32, #tpu.memory_space<vmem>>
          %parallel_loop3A_194 = tpu.memref_squeeze %parallel_loop3A_193 : memref<1x1x1000xf32, #tpu.memory_space<vmem>> -> memref<1000xf32, #tpu.memory_space<vmem>>
          %parallel_loop3A_195 = tpu.vector_load_idx %parallel_loop3A_194[%parallel_loop3A_165] : memref<1000xf32, #tpu.memory_space<vmem>>[vector<16xi32>], vector<16xf32>,
          %parallel_loop3A_196 = arith.constant 256 : i32
          %parallel_loop3A_197 = arith.addi %parallel_loop3A_163, %parallel_loop3A_196 : i32
          %parallel_loop3A_198 = arith.constant 0 : i32
          %parallel_loop3A_199 = arith.index_cast %parallel_loop3A_198 : i32 to index
          %parallel_loop3A_200 = arith.index_cast %parallel_loop3A_197 : i32 to index
          %parallel_loop3A_201 = tpu.vector_load %arg7[%parallel_loop3A_199, %parallel_loop3A_200] {strides = array<i32>} : memref<2x8192xf32, #tpu.memory_space<vmem>>, vector<16xf32>,
          tpu.vector_store %arg7[%parallel_loop3A_199, %parallel_loop3A_200], %parallel_loop3A_195 {strides = array<i32>} : memref<2x8192xf32, #tpu.memory_space<vmem>>, vector<16xf32>,
          %parallel_loop3A_202 = arith.constant 2 : i32
          %parallel_loop3A_203 = arith.constant 3 : i32
          %parallel_loop3A_204 = arith.constant 0 : i32
          %parallel_loop3A_205 = tpu.memref_slice %arg6[%parallel_loop3A_202, %parallel_loop3A_203, %parallel_loop3A_204] : memref<4x8x1000xf32, #tpu.memory_space<vmem>> -> memref<1x1x1000xf32, #tpu.memory_space<vmem>>
          %parallel_loop3A_206 = tpu.memref_squeeze %parallel_loop3A_205 : memref<1x1x1000xf32, #tpu.memory_space<vmem>> -> memref<1000xf32, #tpu.memory_space<vmem>>
          %parallel_loop3A_207 = tpu.vector_load_idx %parallel_loop3A_206[%parallel_loop3A_165] : memref<1000xf32, #tpu.memory_space<vmem>>[vector<16xi32>], vector<16xf32>,
          %parallel_loop3A_208 = arith.constant 384 : i32
          %parallel_loop3A_209 = arith.addi %parallel_loop3A_163, %parallel_loop3A_208 : i32
          %parallel_loop3A_210 = arith.constant 0 : i32
          %parallel_loop3A_211 = arith.index_cast %parallel_loop3A_210 : i32 to index
          %parallel_loop3A_212 = arith.index_cast %parallel_loop3A_209 : i32 to index
          %parallel_loop3A_213 = tpu.vector_load %arg7[%parallel_loop3A_211, %parallel_loop3A_212] {strides = array<i32>} : memref<2x8192xf32, #tpu.memory_space<vmem>>, vector<16xf32>,
          tpu.vector_store %arg7[%parallel_loop3A_211, %parallel_loop3A_212], %parallel_loop3A_207 {strides = array<i32>} : memref<2x8192xf32, #tpu.memory_space<vmem>>, vector<16xf32>,
          %parallel_loop3A_214 = arith.constant 2 : i32
          %parallel_loop3A_215 = arith.constant 4 : i32
          %parallel_loop3A_216 = arith.constant 0 : i32
          %parallel_loop3A_217 = tpu.memref_slice %arg6[%parallel_loop3A_214, %parallel_loop3A_215, %parallel_loop3A_216] : memref<4x8x1000xf32, #tpu.memory_space<vmem>> -> memref<1x1x1000xf32, #tpu.memory_space<vmem>>
          %parallel_loop3A_218 = tpu.memref_squeeze %parallel_loop3A_217 : memref<1x1x1000xf32, #tpu.memory_space<vmem>> -> memref<1000xf32, #tpu.memory_space<vmem>>
          %parallel_loop3A_219 = tpu.vector_load_idx %parallel_loop3A_218[%parallel_loop3A_165] : memref<1000xf32, #tpu.memory_space<vmem>>[vector<16xi32>], vector<16xf32>,
          %parallel_loop3A_220 = arith.constant 512 : i32
          %parallel_loop3A_221 = arith.addi %parallel_loop3A_163, %parallel_loop3A_220 : i32
          %parallel_loop3A_222 = arith.constant 0 : i32
          %parallel_loop3A_223 = arith.index_cast %parallel_loop3A_222 : i32 to index
          %parallel_loop3A_224 = arith.index_cast %parallel_loop3A_221 : i32 to index
          %parallel_loop3A_225 = tpu.vector_load %arg7[%parallel_loop3A_223, %parallel_loop3A_224] {strides = array<i32>} : memref<2x8192xf32, #tpu.memory_space<vmem>>, vector<16xf32>,
          tpu.vector_store %arg7[%parallel_loop3A_223, %parallel_loop3A_224], %parallel_loop3A_219 {strides = array<i32>} : memref<2x8192xf32, #tpu.memory_space<vmem>>, vector<16xf32>,
          %parallel_loop3A_226 = arith.constant 2 : i32
          %parallel_loop3A_227 = arith.constant 5 : i32
          %parallel_loop3A_228 = arith.constant 0 : i32
          %parallel_loop3A_229 = tpu.memref_slice %arg6[%parallel_loop3A_226, %parallel_loop3A_227, %parallel_loop3A_228] : memref<4x8x1000xf32, #tpu.memory_space<vmem>> -> memref<1x1x1000xf32, #tpu.memory_space<vmem>>
          %parallel_loop3A_230 = tpu.memref_squeeze %parallel_loop3A_229 : memref<1x1x1000xf32, #tpu.memory_space<vmem>> -> memref<1000xf32, #tpu.memory_space<vmem>>
          %parallel_loop3A_231 = tpu.vector_load_idx %parallel_loop3A_230[%parallel_loop3A_165] : memref<1000xf32, #tpu.memory_space<vmem>>[vector<16xi32>], vector<16xf32>,
          %parallel_loop3A_232 = arith.constant 640 : i32
          %parallel_loop3A_233 = arith.addi %parallel_loop3A_163, %parallel_loop3A_232 : i32
          %parallel_loop3A_234 = arith.constant 0 : i32
          %parallel_loop3A_235 = arith.index_cast %parallel_loop3A_234 : i32 to index
          %parallel_loop3A_236 = arith.index_cast %parallel_loop3A_233 : i32 to index
          %parallel_loop3A_237 = tpu.vector_load %arg7[%parallel_loop3A_235, %parallel_loop3A_236] {strides = array<i32>} : memref<2x8192xf32, #tpu.memory_space<vmem>>, vector<16xf32>,
          tpu.vector_store %arg7[%parallel_loop3A_235, %parallel_loop3A_236], %parallel_loop3A_231 {strides = array<i32>} : memref<2x8192xf32, #tpu.memory_space<vmem>>, vector<16xf32>,
          %parallel_loop3A_238 = arith.constant 2 : i32
          %parallel_loop3A_239 = arith.constant 6 : i32
          %parallel_loop3A_240 = arith.constant 0 : i32
          %parallel_loop3A_241 = tpu.memref_slice %arg6[%parallel_loop3A_238, %parallel_loop3A_239, %parallel_loop3A_240] : memref<4x8x1000xf32, #tpu.memory_space<vmem>> -> memref<1x1x1000xf32, #tpu.memory_space<vmem>>
          %parallel_loop3A_242 = tpu.memref_squeeze %parallel_loop3A_241 : memref<1x1x1000xf32, #tpu.memory_space<vmem>> -> memref<1000xf32, #tpu.memory_space<vmem>>
          %parallel_loop3A_243 = tpu.vector_load_idx %parallel_loop3A_242[%parallel_loop3A_165] : memref<1000xf32, #tpu.memory_space<vmem>>[vector<16xi32>], vector<16xf32>,
          %parallel_loop3A_244 = arith.constant 768 : i32
          %parallel_loop3A_245 = arith.addi %parallel_loop3A_163, %parallel_loop3A_244 : i32
          %parallel_loop3A_246 = arith.constant 0 : i32
          %parallel_loop3A_247 = arith.index_cast %parallel_loop3A_246 : i32 to index
          %parallel_loop3A_248 = arith.index_cast %parallel_loop3A_245 : i32 to index
          %parallel_loop3A_249 = tpu.vector_load %arg7[%parallel_loop3A_247, %parallel_loop3A_248] {strides = array<i32>} : memref<2x8192xf32, #tpu.memory_space<vmem>>, vector<16xf32>,
          tpu.vector_store %arg7[%parallel_loop3A_247, %parallel_loop3A_248], %parallel_loop3A_243 {strides = array<i32>} : memref<2x8192xf32, #tpu.memory_space<vmem>>, vector<16xf32>,
          %parallel_loop3A_250 = arith.constant 2 : i32
          %parallel_loop3A_251 = arith.constant 7 : i32
          %parallel_loop3A_252 = arith.constant 0 : i32
          %parallel_loop3A_253 = tpu.memref_slice %arg6[%parallel_loop3A_250, %parallel_loop3A_251, %parallel_loop3A_252] : memref<4x8x1000xf32, #tpu.memory_space<vmem>> -> memref<1x1x1000xf32, #tpu.memory_space<vmem>>
          %parallel_loop3A_254 = tpu.memref_squeeze %parallel_loop3A_253 : memref<1x1x1000xf32, #tpu.memory_space<vmem>> -> memref<1000xf32, #tpu.memory_space<vmem>>
          %parallel_loop3A_255 = tpu.vector_load_idx %parallel_loop3A_254[%parallel_loop3A_165] : memref<1000xf32, #tpu.memory_space<vmem>>[vector<16xi32>], vector<16xf32>,
          %parallel_loop3A_256 = arith.constant 896 : i32
          %parallel_loop3A_257 = arith.addi %parallel_loop3A_163, %parallel_loop3A_256 : i32
          %parallel_loop3A_258 = arith.constant 0 : i32
          %parallel_loop3A_259 = arith.index_cast %parallel_loop3A_258 : i32 to index
          %parallel_loop3A_260 = arith.index_cast %parallel_loop3A_257 : i32 to index
          %parallel_loop3A_261 = tpu.vector_load %arg7[%parallel_loop3A_259, %parallel_loop3A_260] {strides = array<i32>} : memref<2x8192xf32, #tpu.memory_space<vmem>>, vector<16xf32>,
          tpu.vector_store %arg7[%parallel_loop3A_259, %parallel_loop3A_260], %parallel_loop3A_255 {strides = array<i32>} : memref<2x8192xf32, #tpu.memory_space<vmem>>, vector<16xf32>,
        } {sc.loop_unroll_factor = 8 : i64, sc.parallel_access}
        %dma_start3A = arith.constant 0 : i32
        %dma_start3A_134 = arith.constant 0 : i32
        %dma_start3A_135 = tpu.memref_slice %arg7[%dma_start3A, %dma_start3A_134] : memref<2x8192xf32, #tpu.memory_space<vmem>> -> memref<1x8192xf32, #tpu.memory_space<vmem>>
        %dma_start3A_136 = tpu.memref_squeeze %dma_start3A_135 : memref<1x8192xf32, #tpu.memory_space<vmem>> -> memref<8192xf32, #tpu.memory_space<vmem>>
        %dma_start3A_137 = arith.constant 0 : i32
        %dma_start3A_138 = tpu.memref_slice %arg4[%scan3A_88, %add3A_104, %dma_start3A_137] : memref<50x125x8192xf32, #tpu.memory_space<hbm>> -> memref<1x1x8192xf32, #tpu.memory_space<hbm>>
        %dma_start3A_139 = tpu.memref_squeeze %dma_start3A_138 : memref<1x1x8192xf32, #tpu.memory_space<hbm>> -> memref<8192xf32, #tpu.memory_space<hbm>>
        %dma_start3A_140 = arith.constant 0 : i32
        %dma_start3A_141 = tpu.memref_slice %arg4[%scan3A_88, %add3A_104, %dma_start3A_140] : memref<50x125x8192xf32, #tpu.memory_space<hbm>> -> memref<1x1x8192xf32, #tpu.memory_space<hbm>>
        %dma_start3A_142 = tpu.memref_squeeze %dma_start3A_141 : memref<1x1x8192xf32, #tpu.memory_space<hbm>> -> memref<8192xf32, #tpu.memory_space<hbm>>
        %dma_start3A_143 = arith.constant 0 : i32
        %dma_start3A_144 = tpu.memref_slice %arg7[%dma_start3A, %dma_start3A_143] : memref<2x8192xf32, #tpu.memory_space<vmem>> -> memref<1x8192xf32, #tpu.memory_space<vmem>>
        %dma_start3A_145 = tpu.memref_squeeze %dma_start3A_144 : memref<1x8192xf32, #tpu.memory_space<vmem>> -> memref<8192xf32, #tpu.memory_space<vmem>>
        tpu.enqueue_dma source(%dma_start3A_145 : memref<8192xf32, #tpu.memory_space<vmem>>) target(%dma_start3A_142 : memref<8192xf32, #tpu.memory_space<hbm>>) target_semaphore(%arg8 : memref<!tpu.dma_semaphore, #tpu.memory_space<semaphore_mem>>)
      } else {
      }
      %add3A_110 = arith.constant 96 : i32
      %add3A_111 = arith.addi %add3A, %add3A_110 : i32
      %lt3A_112 = arith.constant 125 : i32
      %lt3A_113 = arith.cmpi slt, %add3A_111, %lt3A_112 : i32
      %convert_element_type3A_114 = arith.extui %lt3A_113 : i1 to i32
      %cond3A_115 = arith.constant 0 : i32
      %cond3A_116 = arith.cmpi ne, %convert_element_type3A_114, %cond3A_115 : i32
      scf.if %cond3A_116 {
        %dma_wait3A_117 = arith.constant 1 : i32
        %dma_wait3A_118 = arith.constant 0 : i32
        %dma_wait3A_119 = arith.constant 0 : i32
        %dma_wait3A_120 = arith.constant 0 : i32
        %dma_wait3A_121 = tpu.memref_slice %arg7[%dma_wait3A_117, %dma_wait3A_120] : memref<2x8192xf32, #tpu.memory_space<vmem>> -> memref<1x8192xf32, #tpu.memory_space<vmem>>
        %dma_wait3A_122 = tpu.memref_squeeze %dma_wait3A_121 : memref<1x8192xf32, #tpu.memory_space<vmem>> -> memref<8192xf32, #tpu.memory_space<vmem>>
        %dma_wait3A_123 = arith.constant 0 : i32
        %dma_wait3A_124 = tpu.memref_slice %arg4[%dma_wait3A_118, %dma_wait3A_119, %dma_wait3A_123] : memref<50x125x8192xf32, #tpu.memory_space<hbm>> -> memref<1x1x8192xf32, #tpu.memory_space<hbm>>
        %dma_wait3A_125 = tpu.memref_squeeze %dma_wait3A_124 : memref<1x1x8192xf32, #tpu.memory_space<hbm>> -> memref<8192xf32, #tpu.memory_space<hbm>>
        %dma_wait3A_126 = arith.constant 0 : i32
        %dma_wait3A_127 = tpu.memref_slice %arg4[%dma_wait3A_118, %dma_wait3A_119, %dma_wait3A_126] : memref<50x125x8192xf32, #tpu.memory_space<hbm>> -> memref<1x1x8192xf32, #tpu.memory_space<hbm>>
        %dma_wait3A_128 = tpu.memref_squeeze %dma_wait3A_127 : memref<1x1x8192xf32, #tpu.memory_space<hbm>> -> memref<8192xf32, #tpu.memory_space<hbm>>
        %dma_wait3A_129 = arith.constant 0 : i32
        %dma_wait3A_130 = tpu.memref_slice %arg7[%dma_wait3A_117, %dma_wait3A_129] : memref<2x8192xf32, #tpu.memory_space<vmem>> -> memref<1x8192xf32, #tpu.memory_space<vmem>>
        %dma_wait3A_131 = tpu.memref_squeeze %dma_wait3A_130 : memref<1x8192xf32, #tpu.memory_space<vmem>> -> memref<8192xf32, #tpu.memory_space<vmem>>
        tpu.wait_dma2 semaphore(%arg9 : memref<!tpu.dma_semaphore, #tpu.memory_space<semaphore_mem>>) src(%dma_wait3A_131 : memref<8192xf32, #tpu.memory_space<vmem>>) dst(%dma_wait3A_128 : memref<8192xf32, #tpu.memory_space<hbm>>)
        %parallel_loop3A = arith.constant 0 : i32
        %parallel_loop3A_132 = arith.constant 64 : i32
        %parallel_loop3A_133 = arith.constant 1 : i32
        scf.for %parallel_loop3A_146 = %parallel_loop3A to %parallel_loop3A_132 step %parallel_loop3A_133  : i32 {
          %parallel_loop3A_147 = arith.constant 3 : i32
          %parallel_loop3A_148 = arith.shrsi %parallel_loop3A_146, %parallel_loop3A_147 : i32
          %parallel_loop3A_149 = arith.constant 7 : i32
          %parallel_loop3A_150 = arith.andi %parallel_loop3A_146, %parallel_loop3A_149 : i32
          %parallel_loop3A_151 = arith.constant 1024 : i32
          %parallel_loop3A_152 = arith.muli %scan3A_88, %parallel_loop3A_151 : i32
          %parallel_loop3A_153 = arith.constant 128 : i32
          %parallel_loop3A_154 = arith.muli %parallel_loop3A_148, %parallel_loop3A_153 : i32
          %parallel_loop3A_155 = arith.addi %parallel_loop3A_152, %parallel_loop3A_154 : i32
          %parallel_loop3A_156 = arith.constant 16 : i32
          %parallel_loop3A_157 = arith.muli %parallel_loop3A_156, %parallel_loop3A_150 : i32
          %parallel_loop3A_158 = arith.addi %parallel_loop3A_155, %parallel_loop3A_157 : i32
          %parallel_loop3A_159 = arith.constant 1024 : i32
          %parallel_loop3A_160 = arith.muli %parallel_loop3A_148, %parallel_loop3A_159 : i32
          %parallel_loop3A_161 = arith.constant 16 : i32
          %parallel_loop3A_162 = arith.muli %parallel_loop3A_161, %parallel_loop3A_150 : i32
          %parallel_loop3A_163 = arith.addi %parallel_loop3A_160, %parallel_loop3A_162 : i32
          %parallel_loop3A_164 = arith.index_cast %parallel_loop3A_158 : i32 to index
          %parallel_loop3A_165 = tpu.vector_load %arg5[%parallel_loop3A_164] {strides = array<i32>} : memref<51200xi32, #tpu.memory_space<vmem>>, vector<16xi32>,
          %parallel_loop3A_166 = arith.constant 3 : i32
          %parallel_loop3A_167 = arith.constant 0 : i32
          %parallel_loop3A_168 = arith.constant 0 : i32
          %parallel_loop3A_169 = tpu.memref_slice %arg6[%parallel_loop3A_166, %parallel_loop3A_167, %parallel_loop3A_168] : memref<4x8x1000xf32, #tpu.memory_space<vmem>> -> memref<1x1x1000xf32, #tpu.memory_space<vmem>>
          %parallel_loop3A_170 = tpu.memref_squeeze %parallel_loop3A_169 : memref<1x1x1000xf32, #tpu.memory_space<vmem>> -> memref<1000xf32, #tpu.memory_space<vmem>>
          %parallel_loop3A_171 = tpu.vector_load_idx %parallel_loop3A_170[%parallel_loop3A_165] : memref<1000xf32, #tpu.memory_space<vmem>>[vector<16xi32>], vector<16xf32>,
          %parallel_loop3A_172 = arith.constant 0 : i32
          %parallel_loop3A_173 = arith.addi %parallel_loop3A_163, %parallel_loop3A_172 : i32
          %parallel_loop3A_174 = arith.constant 1 : i32
          %parallel_loop3A_175 = arith.index_cast %parallel_loop3A_174 : i32 to index
          %parallel_loop3A_176 = arith.index_cast %parallel_loop3A_173 : i32 to index
          %parallel_loop3A_177 = tpu.vector_load %arg7[%parallel_loop3A_175, %parallel_loop3A_176] {strides = array<i32>} : memref<2x8192xf32, #tpu.memory_space<vmem>>, vector<16xf32>,
          tpu.vector_store %arg7[%parallel_loop3A_175, %parallel_loop3A_176], %parallel_loop3A_171 {strides = array<i32>} : memref<2x8192xf32, #tpu.memory_space<vmem>>, vector<16xf32>,
          %parallel_loop3A_178 = arith.constant 3 : i32
          %parallel_loop3A_179 = arith.constant 1 : i32
          %parallel_loop3A_180 = arith.constant 0 : i32
          %parallel_loop3A_181 = tpu.memref_slice %arg6[%parallel_loop3A_178, %parallel_loop3A_179, %parallel_loop3A_180] : memref<4x8x1000xf32, #tpu.memory_space<vmem>> -> memref<1x1x1000xf32, #tpu.memory_space<vmem>>
          %parallel_loop3A_182 = tpu.memref_squeeze %parallel_loop3A_181 : memref<1x1x1000xf32, #tpu.memory_space<vmem>> -> memref<1000xf32, #tpu.memory_space<vmem>>
          %parallel_loop3A_183 = tpu.vector_load_idx %parallel_loop3A_182[%parallel_loop3A_165] : memref<1000xf32, #tpu.memory_space<vmem>>[vector<16xi32>], vector<16xf32>,
          %parallel_loop3A_184 = arith.constant 128 : i32
          %parallel_loop3A_185 = arith.addi %parallel_loop3A_163, %parallel_loop3A_184 : i32
          %parallel_loop3A_186 = arith.constant 1 : i32
          %parallel_loop3A_187 = arith.index_cast %parallel_loop3A_186 : i32 to index
          %parallel_loop3A_188 = arith.index_cast %parallel_loop3A_185 : i32 to index
          %parallel_loop3A_189 = tpu.vector_load %arg7[%parallel_loop3A_187, %parallel_loop3A_188] {strides = array<i32>} : memref<2x8192xf32, #tpu.memory_space<vmem>>, vector<16xf32>,
          tpu.vector_store %arg7[%parallel_loop3A_187, %parallel_loop3A_188], %parallel_loop3A_183 {strides = array<i32>} : memref<2x8192xf32, #tpu.memory_space<vmem>>, vector<16xf32>,
          %parallel_loop3A_190 = arith.constant 3 : i32
          %parallel_loop3A_191 = arith.constant 2 : i32
          %parallel_loop3A_192 = arith.constant 0 : i32
          %parallel_loop3A_193 = tpu.memref_slice %arg6[%parallel_loop3A_190, %parallel_loop3A_191, %parallel_loop3A_192] : memref<4x8x1000xf32, #tpu.memory_space<vmem>> -> memref<1x1x1000xf32, #tpu.memory_space<vmem>>
          %parallel_loop3A_194 = tpu.memref_squeeze %parallel_loop3A_193 : memref<1x1x1000xf32, #tpu.memory_space<vmem>> -> memref<1000xf32, #tpu.memory_space<vmem>>
          %parallel_loop3A_195 = tpu.vector_load_idx %parallel_loop3A_194[%parallel_loop3A_165] : memref<1000xf32, #tpu.memory_space<vmem>>[vector<16xi32>], vector<16xf32>,
          %parallel_loop3A_196 = arith.constant 256 : i32
          %parallel_loop3A_197 = arith.addi %parallel_loop3A_163, %parallel_loop3A_196 : i32
          %parallel_loop3A_198 = arith.constant 1 : i32
          %parallel_loop3A_199 = arith.index_cast %parallel_loop3A_198 : i32 to index
          %parallel_loop3A_200 = arith.index_cast %parallel_loop3A_197 : i32 to index
          %parallel_loop3A_201 = tpu.vector_load %arg7[%parallel_loop3A_199, %parallel_loop3A_200] {strides = array<i32>} : memref<2x8192xf32, #tpu.memory_space<vmem>>, vector<16xf32>,
          tpu.vector_store %arg7[%parallel_loop3A_199, %parallel_loop3A_200], %parallel_loop3A_195 {strides = array<i32>} : memref<2x8192xf32, #tpu.memory_space<vmem>>, vector<16xf32>,
          %parallel_loop3A_202 = arith.constant 3 : i32
          %parallel_loop3A_203 = arith.constant 3 : i32
          %parallel_loop3A_204 = arith.constant 0 : i32
          %parallel_loop3A_205 = tpu.memref_slice %arg6[%parallel_loop3A_202, %parallel_loop3A_203, %parallel_loop3A_204] : memref<4x8x1000xf32, #tpu.memory_space<vmem>> -> memref<1x1x1000xf32, #tpu.memory_space<vmem>>
          %parallel_loop3A_206 = tpu.memref_squeeze %parallel_loop3A_205 : memref<1x1x1000xf32, #tpu.memory_space<vmem>> -> memref<1000xf32, #tpu.memory_space<vmem>>
          %parallel_loop3A_207 = tpu.vector_load_idx %parallel_loop3A_206[%parallel_loop3A_165] : memref<1000xf32, #tpu.memory_space<vmem>>[vector<16xi32>], vector<16xf32>,
          %parallel_loop3A_208 = arith.constant 384 : i32
          %parallel_loop3A_209 = arith.addi %parallel_loop3A_163, %parallel_loop3A_208 : i32
          %parallel_loop3A_210 = arith.constant 1 : i32
          %parallel_loop3A_211 = arith.index_cast %parallel_loop3A_210 : i32 to index
          %parallel_loop3A_212 = arith.index_cast %parallel_loop3A_209 : i32 to index
          %parallel_loop3A_213 = tpu.vector_load %arg7[%parallel_loop3A_211, %parallel_loop3A_212] {strides = array<i32>} : memref<2x8192xf32, #tpu.memory_space<vmem>>, vector<16xf32>,
          tpu.vector_store %arg7[%parallel_loop3A_211, %parallel_loop3A_212], %parallel_loop3A_207 {strides = array<i32>} : memref<2x8192xf32, #tpu.memory_space<vmem>>, vector<16xf32>,
          %parallel_loop3A_214 = arith.constant 3 : i32
          %parallel_loop3A_215 = arith.constant 4 : i32
          %parallel_loop3A_216 = arith.constant 0 : i32
          %parallel_loop3A_217 = tpu.memref_slice %arg6[%parallel_loop3A_214, %parallel_loop3A_215, %parallel_loop3A_216] : memref<4x8x1000xf32, #tpu.memory_space<vmem>> -> memref<1x1x1000xf32, #tpu.memory_space<vmem>>
          %parallel_loop3A_218 = tpu.memref_squeeze %parallel_loop3A_217 : memref<1x1x1000xf32, #tpu.memory_space<vmem>> -> memref<1000xf32, #tpu.memory_space<vmem>>
          %parallel_loop3A_219 = tpu.vector_load_idx %parallel_loop3A_218[%parallel_loop3A_165] : memref<1000xf32, #tpu.memory_space<vmem>>[vector<16xi32>], vector<16xf32>,
          %parallel_loop3A_220 = arith.constant 512 : i32
          %parallel_loop3A_221 = arith.addi %parallel_loop3A_163, %parallel_loop3A_220 : i32
          %parallel_loop3A_222 = arith.constant 1 : i32
          %parallel_loop3A_223 = arith.index_cast %parallel_loop3A_222 : i32 to index
          %parallel_loop3A_224 = arith.index_cast %parallel_loop3A_221 : i32 to index
          %parallel_loop3A_225 = tpu.vector_load %arg7[%parallel_loop3A_223, %parallel_loop3A_224] {strides = array<i32>} : memref<2x8192xf32, #tpu.memory_space<vmem>>, vector<16xf32>,
          tpu.vector_store %arg7[%parallel_loop3A_223, %parallel_loop3A_224], %parallel_loop3A_219 {strides = array<i32>} : memref<2x8192xf32, #tpu.memory_space<vmem>>, vector<16xf32>,
          %parallel_loop3A_226 = arith.constant 3 : i32
          %parallel_loop3A_227 = arith.constant 5 : i32
          %parallel_loop3A_228 = arith.constant 0 : i32
          %parallel_loop3A_229 = tpu.memref_slice %arg6[%parallel_loop3A_226, %parallel_loop3A_227, %parallel_loop3A_228] : memref<4x8x1000xf32, #tpu.memory_space<vmem>> -> memref<1x1x1000xf32, #tpu.memory_space<vmem>>
          %parallel_loop3A_230 = tpu.memref_squeeze %parallel_loop3A_229 : memref<1x1x1000xf32, #tpu.memory_space<vmem>> -> memref<1000xf32, #tpu.memory_space<vmem>>
          %parallel_loop3A_231 = tpu.vector_load_idx %parallel_loop3A_230[%parallel_loop3A_165] : memref<1000xf32, #tpu.memory_space<vmem>>[vector<16xi32>], vector<16xf32>,
          %parallel_loop3A_232 = arith.constant 640 : i32
          %parallel_loop3A_233 = arith.addi %parallel_loop3A_163, %parallel_loop3A_232 : i32
          %parallel_loop3A_234 = arith.constant 1 : i32
          %parallel_loop3A_235 = arith.index_cast %parallel_loop3A_234 : i32 to index
          %parallel_loop3A_236 = arith.index_cast %parallel_loop3A_233 : i32 to index
          %parallel_loop3A_237 = tpu.vector_load %arg7[%parallel_loop3A_235, %parallel_loop3A_236] {strides = array<i32>} : memref<2x8192xf32, #tpu.memory_space<vmem>>, vector<16xf32>,
          tpu.vector_store %arg7[%parallel_loop3A_235, %parallel_loop3A_236], %parallel_loop3A_231 {strides = array<i32>} : memref<2x8192xf32, #tpu.memory_space<vmem>>, vector<16xf32>,
          %parallel_loop3A_238 = arith.constant 3 : i32
          %parallel_loop3A_239 = arith.constant 6 : i32
          %parallel_loop3A_240 = arith.constant 0 : i32
          %parallel_loop3A_241 = tpu.memref_slice %arg6[%parallel_loop3A_238, %parallel_loop3A_239, %parallel_loop3A_240] : memref<4x8x1000xf32, #tpu.memory_space<vmem>> -> memref<1x1x1000xf32, #tpu.memory_space<vmem>>
          %parallel_loop3A_242 = tpu.memref_squeeze %parallel_loop3A_241 : memref<1x1x1000xf32, #tpu.memory_space<vmem>> -> memref<1000xf32, #tpu.memory_space<vmem>>
          %parallel_loop3A_243 = tpu.vector_load_idx %parallel_loop3A_242[%parallel_loop3A_165] : memref<1000xf32, #tpu.memory_space<vmem>>[vector<16xi32>], vector<16xf32>,
          %parallel_loop3A_244 = arith.constant 768 : i32
          %parallel_loop3A_245 = arith.addi %parallel_loop3A_163, %parallel_loop3A_244 : i32
          %parallel_loop3A_246 = arith.constant 1 : i32
          %parallel_loop3A_247 = arith.index_cast %parallel_loop3A_246 : i32 to index
          %parallel_loop3A_248 = arith.index_cast %parallel_loop3A_245 : i32 to index
          %parallel_loop3A_249 = tpu.vector_load %arg7[%parallel_loop3A_247, %parallel_loop3A_248] {strides = array<i32>} : memref<2x8192xf32, #tpu.memory_space<vmem>>, vector<16xf32>,
          tpu.vector_store %arg7[%parallel_loop3A_247, %parallel_loop3A_248], %parallel_loop3A_243 {strides = array<i32>} : memref<2x8192xf32, #tpu.memory_space<vmem>>, vector<16xf32>,
          %parallel_loop3A_250 = arith.constant 3 : i32
          %parallel_loop3A_251 = arith.constant 7 : i32
          %parallel_loop3A_252 = arith.constant 0 : i32
          %parallel_loop3A_253 = tpu.memref_slice %arg6[%parallel_loop3A_250, %parallel_loop3A_251, %parallel_loop3A_252] : memref<4x8x1000xf32, #tpu.memory_space<vmem>> -> memref<1x1x1000xf32, #tpu.memory_space<vmem>>
          %parallel_loop3A_254 = tpu.memref_squeeze %parallel_loop3A_253 : memref<1x1x1000xf32, #tpu.memory_space<vmem>> -> memref<1000xf32, #tpu.memory_space<vmem>>
          %parallel_loop3A_255 = tpu.vector_load_idx %parallel_loop3A_254[%parallel_loop3A_165] : memref<1000xf32, #tpu.memory_space<vmem>>[vector<16xi32>], vector<16xf32>,
          %parallel_loop3A_256 = arith.constant 896 : i32
          %parallel_loop3A_257 = arith.addi %parallel_loop3A_163, %parallel_loop3A_256 : i32
          %parallel_loop3A_258 = arith.constant 1 : i32
          %parallel_loop3A_259 = arith.index_cast %parallel_loop3A_258 : i32 to index
          %parallel_loop3A_260 = arith.index_cast %parallel_loop3A_257 : i32 to index
          %parallel_loop3A_261 = tpu.vector_load %arg7[%parallel_loop3A_259, %parallel_loop3A_260] {strides = array<i32>} : memref<2x8192xf32, #tpu.memory_space<vmem>>, vector<16xf32>,
          tpu.vector_store %arg7[%parallel_loop3A_259, %parallel_loop3A_260], %parallel_loop3A_255 {strides = array<i32>} : memref<2x8192xf32, #tpu.memory_space<vmem>>, vector<16xf32>,
        } {sc.loop_unroll_factor = 8 : i64, sc.parallel_access}
        %dma_start3A = arith.constant 1 : i32
        %dma_start3A_134 = arith.constant 0 : i32
        %dma_start3A_135 = tpu.memref_slice %arg7[%dma_start3A, %dma_start3A_134] : memref<2x8192xf32, #tpu.memory_space<vmem>> -> memref<1x8192xf32, #tpu.memory_space<vmem>>
        %dma_start3A_136 = tpu.memref_squeeze %dma_start3A_135 : memref<1x8192xf32, #tpu.memory_space<vmem>> -> memref<8192xf32, #tpu.memory_space<vmem>>
        %dma_start3A_137 = arith.constant 0 : i32
        %dma_start3A_138 = tpu.memref_slice %arg4[%scan3A_88, %add3A_111, %dma_start3A_137] : memref<50x125x8192xf32, #tpu.memory_space<hbm>> -> memref<1x1x8192xf32, #tpu.memory_space<hbm>>
        %dma_start3A_139 = tpu.memref_squeeze %dma_start3A_138 : memref<1x1x8192xf32, #tpu.memory_space<hbm>> -> memref<8192xf32, #tpu.memory_space<hbm>>
        %dma_start3A_140 = arith.constant 0 : i32
        %dma_start3A_141 = tpu.memref_slice %arg4[%scan3A_88, %add3A_111, %dma_start3A_140] : memref<50x125x8192xf32, #tpu.memory_space<hbm>> -> memref<1x1x8192xf32, #tpu.memory_space<hbm>>
        %dma_start3A_142 = tpu.memref_squeeze %dma_start3A_141 : memref<1x1x8192xf32, #tpu.memory_space<hbm>> -> memref<8192xf32, #tpu.memory_space<hbm>>
        %dma_start3A_143 = arith.constant 0 : i32
        %dma_start3A_144 = tpu.memref_slice %arg7[%dma_start3A, %dma_start3A_143] : memref<2x8192xf32, #tpu.memory_space<vmem>> -> memref<1x8192xf32, #tpu.memory_space<vmem>>
        %dma_start3A_145 = tpu.memref_squeeze %dma_start3A_144 : memref<1x8192xf32, #tpu.memory_space<vmem>> -> memref<8192xf32, #tpu.memory_space<vmem>>
        tpu.enqueue_dma source(%dma_start3A_145 : memref<8192xf32, #tpu.memory_space<vmem>>) target(%dma_start3A_142 : memref<8192xf32, #tpu.memory_space<hbm>>) target_semaphore(%arg9 : memref<!tpu.dma_semaphore, #tpu.memory_space<semaphore_mem>>)
      } else {
      }
    }
    %scan3A_58 = arith.constant 49 : i32
    %dma_wait3A = arith.constant 0 : i32
    %dma_wait3A_59 = arith.constant 0 : i32
    %dma_wait3A_60 = arith.constant 0 : i32
    %dma_wait3A_61 = arith.constant 0 : i32
    %dma_wait3A_62 = tpu.memref_slice %arg7[%dma_wait3A, %dma_wait3A_61] : memref<2x8192xf32, #tpu.memory_space<vmem>> -> memref<1x8192xf32, #tpu.memory_space<vmem>>
    %dma_wait3A_63 = tpu.memref_squeeze %dma_wait3A_62 : memref<1x8192xf32, #tpu.memory_space<vmem>> -> memref<8192xf32, #tpu.memory_space<vmem>>
    %dma_wait3A_64 = arith.constant 0 : i32
    %dma_wait3A_65 = tpu.memref_slice %arg4[%dma_wait3A_59, %dma_wait3A_60, %dma_wait3A_64] : memref<50x125x8192xf32, #tpu.memory_space<hbm>> -> memref<1x1x8192xf32, #tpu.memory_space<hbm>>
    %dma_wait3A_66 = tpu.memref_squeeze %dma_wait3A_65 : memref<1x1x8192xf32, #tpu.memory_space<hbm>> -> memref<8192xf32, #tpu.memory_space<hbm>>
    %dma_wait3A_67 = arith.constant 0 : i32
    %dma_wait3A_68 = tpu.memref_slice %arg4[%dma_wait3A_59, %dma_wait3A_60, %dma_wait3A_67] : memref<50x125x8192xf32, #tpu.memory_space<hbm>> -> memref<1x1x8192xf32, #tpu.memory_space<hbm>>
    %dma_wait3A_69 = tpu.memref_squeeze %dma_wait3A_68 : memref<1x1x8192xf32, #tpu.memory_space<hbm>> -> memref<8192xf32, #tpu.memory_space<hbm>>
    %dma_wait3A_70 = arith.constant 0 : i32
    %dma_wait3A_71 = tpu.memref_slice %arg7[%dma_wait3A, %dma_wait3A_70] : memref<2x8192xf32, #tpu.memory_space<vmem>> -> memref<1x8192xf32, #tpu.memory_space<vmem>>
    %dma_wait3A_72 = tpu.memref_squeeze %dma_wait3A_71 : memref<1x8192xf32, #tpu.memory_space<vmem>> -> memref<8192xf32, #tpu.memory_space<vmem>>
    tpu.wait_dma2 semaphore(%arg8 : memref<!tpu.dma_semaphore, #tpu.memory_space<semaphore_mem>>) src(%dma_wait3A_72 : memref<8192xf32, #tpu.memory_space<vmem>>) dst(%dma_wait3A_69 : memref<8192xf32, #tpu.memory_space<hbm>>)
    %dma_wait3A_73 = arith.constant 1 : i32
    %dma_wait3A_74 = arith.constant 0 : i32
    %dma_wait3A_75 = arith.constant 0 : i32
    %dma_wait3A_76 = arith.constant 0 : i32
    %dma_wait3A_77 = tpu.memref_slice %arg7[%dma_wait3A_73, %dma_wait3A_76] : memref<2x8192xf32, #tpu.memory_space<vmem>> -> memref<1x8192xf32, #tpu.memory_space<vmem>>
    %dma_wait3A_78 = tpu.memref_squeeze %dma_wait3A_77 : memref<1x8192xf32, #tpu.memory_space<vmem>> -> memref<8192xf32, #tpu.memory_space<vmem>>
    %dma_wait3A_79 = arith.constant 0 : i32
    %dma_wait3A_80 = tpu.memref_slice %arg4[%dma_wait3A_74, %dma_wait3A_75, %dma_wait3A_79] : memref<50x125x8192xf32, #tpu.memory_space<hbm>> -> memref<1x1x8192xf32, #tpu.memory_space<hbm>>
    %dma_wait3A_81 = tpu.memref_squeeze %dma_wait3A_80 : memref<1x1x8192xf32, #tpu.memory_space<hbm>> -> memref<8192xf32, #tpu.memory_space<hbm>>
    %dma_wait3A_82 = arith.constant 0 : i32
    %dma_wait3A_83 = tpu.memref_slice %arg4[%dma_wait3A_74, %dma_wait3A_75, %dma_wait3A_82] : memref<50x125x8192xf32, #tpu.memory_space<hbm>> -> memref<1x1x8192xf32, #tpu.memory_space<hbm>>
    %dma_wait3A_84 = tpu.memref_squeeze %dma_wait3A_83 : memref<1x1x8192xf32, #tpu.memory_space<hbm>> -> memref<8192xf32, #tpu.memory_space<hbm>>
    %dma_wait3A_85 = arith.constant 0 : i32
    %dma_wait3A_86 = tpu.memref_slice %arg7[%dma_wait3A_73, %dma_wait3A_85] : memref<2x8192xf32, #tpu.memory_space<vmem>> -> memref<1x8192xf32, #tpu.memory_space<vmem>>
    %dma_wait3A_87 = tpu.memref_squeeze %dma_wait3A_86 : memref<1x8192xf32, #tpu.memory_space<vmem>> -> memref<8192xf32, #tpu.memory_space<vmem>>
    tpu.wait_dma2 semaphore(%arg9 : memref<!tpu.dma_semaphore, #tpu.memory_space<semaphore_mem>>) src(%dma_wait3A_87 : memref<8192xf32, #tpu.memory_space<vmem>>) dst(%dma_wait3A_84 : memref<8192xf32, #tpu.memory_space<hbm>>)
    return
  }
}

</mosaic_0001>

<sc_bundles>
// kernel: kernel.3.cloned.1.call-start
scs
__scs_entry_jumppad:
0x0: {  	(pc) =	sbr.rel $0x88, $3  }
0x1: {  	(tag) =	ssettag $0x0;
	lr =	simm.s32 $0x1  }
0x2: {  	[smem:$0x3F9F] =	sst lr;
	_ =	strace $0xD0000000  }
0x3: {  	_ = 	snop  }
0x4: {  	_ = 	snop  }
0x5: {  	_ = 	snop  }
0x6: {  	_ = 	snop  }
0x7: {  	_ = 	snop  }
__scs_overlays_trampoline_lowered:
0x8: {  	[smem:$0x3FAE] =	sst s0  }
0x9: {  	[smem:$0x3FAF] =	sst s1  }
0xa: {  	[smem:$0x3FB0] =	sst s2  }
0xb: {  	[smem:$0x3FB1] =	sst s3  }
0xc: {  	[smem:$0x3FB2] =	sst s4  }
0xd: {  	[smem:$0x3FB3] =	sst s5  }
0xe: {  	[smem:$0x3FB4] =	sst s6  }
0xf: {  	[smem:$0x3FB5] =	sst s7  }
0x10: {  	[smem:$0x3FB6] =	sst s8  }
0x11: {  	[smem:$0x3FB7] =	sst s9;
	s0 =	simm.s32 @!p0 $0x0  }
0x12: {  	s1 =	sld [smem:$0x3F9D];
	s0 =	simm.s32 @p0 $0x1  }
0x13: {  	[smem:$0x3FB8] =	sst s0;
	s0 =	simm.s32 @!p1 $0x0  }
0x14: {  	s2 =	sld [smem:$0x3F9C];
	s0 =	simm.s32 @p1 $0x1  }
0x15: {  	[smem:$0x3FB9] =	sst s0;
	s0 =	simm.s32 @!p2 $0x0  }
0x16: {  	s3 =	sld [smem:$0x3FDB];
	s0 =	simm.s32 @p2 $0x1  }
0x17: {  	s4 =	simm.s32 $0x1BF5;
	[smem:$0x3FBB] =	sst s0  }
0x18: {  	s0 =	sld [smem:$0x3F9E];
	_ =	swait.ge [sflag:s4], $0x0  }
0x19: {  	s7 =	sld [smem:$0x3F9F]  }
0x1a: {  	s8 =	sadd.s32 $0xFFFFE003, lr  }
0x1b: {  	s9 =	sadd.s32 $0xFFFFFEF7, lr;
	s5 =	simm.s32 $0xFFFFFFFF;
	p2 =	slt.u32 s8, $0xFFFFF086  }
0x1c: {  	p1 =	slt.u32 s9, $0xF7A;
	s5 =	simm.s32 @!p2 $0x0  }
0x1d: {  	s5 =	simm.s32 @p1 $0x1;
	p0 =	seq.s32 s7, s2  }
0x1e: {  	s7 =	smul.u32 @!p0 $0xF7A, s2;
	p2 =	seq.s32 @!p0 s5, $0x0  }
0x1f: {  	s9 =	smul.u32 $0xF7A, s1;
	s8 =	simm.s32 @!p0 $0x1BF5;
	p2 =	por !p2, p0  }
0x20: {  	[sflag:s8] =	ssyncset.s32 @!p0 $0xFFFFF086;
	s6 =	sadd.s32 @!p0 s3, s7;
	s7 =	simm.s32 @!p0 $0x108  }
0x21: {  	s3 =	sadd.s32 s3, s9;
	s6 =	sadd.s32 @!p0 $0x88, s6;
	s7 =	simm.s32 @p2 $0x1082  }
0x22: {  	[simem:s7], [sflag:s8] =	dma.local @!p0 [hbm:s6], $0xF7A  }
0x23: {  	s9 =	sor.u32 $0xD0000000, s2;
	s6 =	simm.s32 $0x108;
	_ =	swait.ge @!p0 [sflag:s8], $0x0  }
0x24: {  	s3 =	sadd.s32 $0x88, s3;
	s6 =	simm.s32 @!p1 $0x1082;
	[sflag:s4] =	ssyncset.s32 $0xFFFFF086  }
0x25: {  	[simem:s6], [sflag:s4] =	dma.local [hbm:s3], $0xF7A  }
0x26: {  	[smem:$0x3F9F] =	sst s1;
	(tag) =	ssettag s2;
	_ =	strace s9  }
0x27: {  	s1 =	sld [smem:$0x3FAF]  }
0x28: {  	s2 =	sld [smem:$0x3FB0]  }
0x29: {  	s4 =	sld [smem:$0x3FB2]  }
0x2a: {  	p0 =	seq.s32 s5, $0x0;
	s5 =	sld [smem:$0x3FB3]  }
0x2b: {  	s6 =	sld [smem:$0x3FB4]  }
0x2c: {  	s7 =	sld [smem:$0x3FB5]  }
0x2d: {  	s3 =	simm.s32 $0x108;
	s8 =	sld [smem:$0x3FB6]  }
0x2e: {  	s3 =	simm.s32 @!p0 $0x1082;
	s9 =	sld [smem:$0x3FB7]  }
0x2f: {  	lr =	sadd.s32 s0, s3;
	s0 =	sld [smem:$0x3FAE]  }
0x30: {  	s3 =	sld [smem:$0x3FB1]  }
0x31: {  	[smem:$0x3FBA] =	sst s10  }
0x32: {  	s10 =	sld [smem:$0x3FB8];
	_ =	sdelay $0x3  }
0x33: {  	p0 =	seq.s32 s10, $0x1;
	s10 =	sld [smem:$0x3FBA];
	_ =	sdelay $0x3  }
0x34: {  	[smem:$0x3FBA] =	sst s10  }
0x35: {  	s10 =	sld [smem:$0x3FB9];
	_ =	sdelay $0x3  }
0x36: {  	p1 =	seq.s32 s10, $0x1;
	s10 =	sld [smem:$0x3FBA];
	_ =	sdelay $0x3  }
0x37: {  	[smem:$0x3FBA] =	sst s10  }
0x38: {  	s10 =	sld [smem:$0x3FBB]  }
0x39: {  	_ = 	snop;
	(pc) =	sbr.ind lr, $3  }
0x3a: {  	_ = 	snop  }
0x3b: {  	_ = 	snop  }
0x3c: {  	p2 =	seq.s32 s10, $0x1;
	s10 =	sld [smem:$0x3FBA]  }
0x3d: {  	_ =	shalt  }
0x3e: {  	_ =	shalt  }
0x3f: {  	_ =	shalt  }
0x40: {  	_ =	shalt  }
0x41: {  	_ =	shalt  }
0x42: {  	_ =	shalt  }
0x43: {  	_ =	shalt  }
0x44: {  	_ =	shalt  }
0x45: {  	_ =	shalt  }
0x46: {  	_ =	shalt  }
0x47: {  	_ =	shalt  }
0x48: {  	_ =	shalt  }
0x49: {  	_ =	shalt  }
0x4a: {  	_ =	shalt  }
0x4b: {  	_ =	shalt  }
0x4c: {  	_ =	shalt  }
0x4d: {  	_ =	shalt  }
0x4e: {  	_ =	shalt  }
0x4f: {  	_ =	shalt  }
0x50: {  	_ =	shalt  }
0x51: {  	_ =	shalt  }
0x52: {  	_ =	shalt  }
0x53: {  	_ =	shalt  }
0x54: {  	_ =	shalt  }
0x55: {  	_ =	shalt  }
0x56: {  	_ =	shalt  }
0x57: {  	_ =	shalt  }
0x58: {  	_ =	shalt  }
0x59: {  	_ =	shalt  }
0x5a: {  	_ =	shalt  }
0x5b: {  	_ =	shalt  }
0x5c: {  	_ =	shalt  }
0x5d: {  	_ =	shalt  }
0x5e: {  	_ =	shalt  }
0x5f: {  	_ =	shalt  }
0x60: {  	_ =	shalt  }
0x61: {  	_ =	shalt  }
0x62: {  	_ =	shalt  }
0x63: {  	_ =	shalt  }
0x64: {  	_ =	shalt  }
0x65: {  	_ =	shalt  }
0x66: {  	_ =	shalt  }
0x67: {  	_ =	shalt  }
0x68: {  	_ =	shalt  }
0x69: {  	_ =	shalt  }
0x6a: {  	_ =	shalt  }
0x6b: {  	_ =	shalt  }
0x6c: {  	_ =	shalt  }
0x6d: {  	_ =	shalt  }
0x6e: {  	_ =	shalt  }
0x6f: {  	_ =	shalt  }
0x70: {  	_ =	shalt  }
0x71: {  	_ =	shalt  }
0x72: {  	_ =	shalt  }
0x73: {  	_ =	shalt  }
0x74: {  	_ =	shalt  }
0x75: {  	_ =	shalt  }
0x76: {  	_ =	shalt  }
0x77: {  	_ =	shalt  }
0x78: {  	_ =	shalt  }
0x79: {  	_ =	shalt  }
0x7a: {  	_ =	shalt  }
0x7b: {  	_ =	shalt  }
0x7c: {  	_ =	shalt  }
0x7d: {  	_ =	shalt  }
0x7e: {  	_ =	shalt  }
0x7f: {  	_ =	shalt  }
0x80: {  	_ =	shalt  }
0x81: {  	_ =	shalt  }
0x82: {  	_ =	shalt  }
0x83: {  	_ =	shalt  }
0x84: {  	_ =	shalt  }
0x85: {  	_ =	shalt  }
0x86: {  	_ =	shalt  }
0x87: {  	_ =	shalt  }
.Lfunc_end0:
.L_simem_size_0:
called_computation_lowered:
.L_overlay_start_0:
0x88: {  	s2 =	sld [smem:$0x3FD9]  }
0x89: {  	s3 =	sld [smem:$0x3FFE];
	_ =	sdelay $0x1  }
0x8a: {  	s1 =	srdreg.scid  }
0x8b: {  	s0 =	sand.u32 $0x1, s1  }
0x8c: {  	s17 =	sshll.u32 s0, $0xA;
	s2 =	sadd.s32 s3, s2  }
0x8d: {  	s2 =	sadd.s32 s2, s17  }
0x8e: {  	[smem:$0x3FC6] =	sst s2  }
0x8f: {  	_ = 	snop  }
0x90: {  	s2 =	sld [smem:$0x3FD0];
	(tm) =	ssettm $0x1  }
0x91: {  	s18 =	sld [smem:$0x3FFB];
	_ =	sdelay $0x3  }
0x92: {  	_ =	strace s18  }
0x93: {  	s3 =	sld [smem:$0x3FFC];
	_ =	sdelay $0x3  }
0x94: {  	_ =	strace s3  }
0x95: {  	s3 =	sld [smem:$0x3FFD];
	_ =	sdelay $0x3  }
0x96: {  	_ =	strace s3  }
0x97: {  	_ =	strace $0x8FFFFFFF  }
0x98: {  	s19 =	sld [smem:$0x3FDB];
	_ =	sdelay $0x1  }
0x99: {  	s4 =	simm.s32 $_scs_section_size  }
0x9a: {  	s5 =	simm.s32 $_size__tile_overlayer_lowered;
	s6 =	simm.s32 $_tile_overlayer_lowered  }
0x9b: {  	s22 =	simm.s32 $0x1BFF;
	s21 =	sshll.u32 s6, $0x1;
	s3 =	sadd.s32 s4, s19  }
0x9c: {  	s7 =	simm.s32 $0x0;
	s20 =	sshll.u32 s5, $0x1;
	s5 =	sadd.s32 s21, s3  }
0x9d: {  	[timem:s7], [sflag:s22] =	dma.local [hbm:s5], s20  }
0x9e: {  	_ =	swait.ge [sflag:s22], s20  }
0x9f: {  	s4 =	ssub.s32 $0x0, s20;
	[sflag:s22] =	ssyncset.done $0x0  }
0xa0: {  	[sflag:s22] =	ssyncadd.s32 s4;
	_ =	sdelay $0x1  }
0xa1: {  	s23 =	simm.s32 $0x1B8B  }
0xa2: {  	_ =	swait.ge [sflag:s23], $0x1  }
0xa3: {  	[sflag:s23] =	ssyncset.done $0x0  }
0xa4: {  	s25 =	simm.s32 $0x1B8E;
	s24 =	sld [smem:$0x3FFE];
	[sflag:s23] =	ssyncadd.s32 $0xFFFFFFFF  }
0xa5: {  	s26 =	simm.s32 $execute0_lowered;
	[smem:$0x3FD2] =	sst s25  }
0xa6: {  	s5 =	sshll.u32 s26, $0x1;
	_ =	strace $0x80000046;
	[dreg:$0x1] =	wrdreg $0xFFFFFFFF  }
0xa7: {  	s28 =	simm.s32 $_size_execute0_lowered;
	s3 =	sadd.s32 s3, s5;
	[dreg:$0x0] =	wrdreg $0x0  }
0xa8: {  	s5 =	sshll.u32 s28, $0x1;
	[dreg:$0x2] =	wrdreg s3  }
0xa9: {  	[dreg:$0x3] =	wrdreg s5  }
0xaa: {  	[dreg:$0x4] =	wrdreg $0xC0  }
0xab: {  	_ =	task [dreg:s7], $0x5FFFF  }
0xac: {  	[dreg:$0x1] =	wrdreg $0xFFFFFFFF  }
0xad: {  	[dreg:$0x0] =	wrdreg $0x60  }
0xae: {  	[dreg:$0x2] =	wrdreg s24  }
0xaf: {  	[dreg:$0x3] =	wrdreg s2  }
0xb0: {  	[dreg:$0x4] =	wrdreg $0x9  }
0xb1: {  	_ =	task.clear_ibuf [dreg:s7], $0x5FFFF;
	_ =	strace $0x90000046  }
0xb2: {  	s29 =	simm.s32 $0x9;
	_ =	strace $0x80000048  }
0xb3: {  	_ =	swait.ge [sflag:s29], $0x1  }
0xb4: {  	[sflag:s29] =	ssyncadd.s32 $0xFFFFFFFF  }
0xb5: {  	_ =	strace $0x90000048  }
0xb6: {  	_ =	sfence  }
0xb7: {  	s30 =	sld [smem:$0x0];
	_ =	sdelay $0x2  }
0xb8: {  	s31 =	sshll.u32 s1, $0xD;
	s1 =	sshrl.u32 s1, $0x2  }
0xb9: {  	s3 =	sand.u32 $0x4000, s31;
	s1 =	sadd.s32 s1, s30  }
0xba: {  	s0 =	sor.u32 s3, s0;
	s1 =	sshll.u32 s1, $0x11  }
0xbb: {  	s0 =	sor.u32 s1, s0  }
0xbc: {  	s0 =	sadd.s32 $0x8F2B, s0  }
0xbd: {  	[sflag:s0] =	ssyncadd.remote.s32 $0x1  }
0xbe: {  	_ =	sfence.sel $0xFFFF  }
0xbf: {  	[dreg:$0x0] =	wrdreg $0xFFFFFFFF;
	(pc) =	sbr.abs _section_cstart, $3  }
0xc0: {  	[dreg:$0x1] =	wrdreg $0xFFFFFFFF  }
0xc1: {  	_ =	task.clear_ibuf [dreg:s7], $0x2FFFF;
	_ =	strace $0x9FFFFFFF  }
0xc2: {  	(tm) =	ssettm $0x7FFFFFFF  }
0xc3: {  	_ =	shalt  }
tec
execute0_lowered:
.L_overlay_start_1:
0x0: {  	(tag) =	ssettag $0x1  }
0x1: {  	s0 =	rddreg [dreg:$0x0]  }
0x2: {  	s11 =	rddreg [dreg:$0x1]  }
0x3: {  	s1 =	srdreg.scid;
	s2 =	stileid.u32;
	s3 =	simm.s32 $0x0  }
0x4: {  	s28 =	simm.s32 $0xDF70;
	s29 =	simm.s32 $0xE358;
	s31 =	simm.s32 $0xEB28  }
0x5: {  	s12 =	simm.s32 $0xF6E0;
	s13 =	simm.s32 $0x13560;
	s1 =	sand.u32 $0x1, s1  }
0x6: {  	s2 =	sshll.u32 s2, $0x1;
	[smem:$0x7FF] =	sst s3;
	s5 =	sadd.s32 $0x400, s0  }
0x7: {  	s0 =	sadd.s32 $0x1E00, s0;
	s2 =	sor.u32 s1, s2;
	_ =	strace $0x80000047  }
0x8: {  	[dreg:$0x3] =	wrdreg s5;
	s1 =	ssub.s32 $0x2, s1;
	s5 =	simm.s32 $0xFEB0  }
0x9: {  	s14 =	smul.u32 $0x3E8, s2;
	s4 =	sor.u32 $0x20, s2;
	s6 =	sor.u32 $0x40, s2  }
0xa: {  	s8 =	sor.u32 $0x60, s2;
	s9 =	sshrl.u32 s1, $0x1;
	s15 =	smul.u32 $0x3E8, s4  }
0xb: {  	s18 =	sshll.u32 s2, $0xA;
	s23 =	sshll.u32 s2, $0xD;
	s7 =	smul.u32 $0x3E8, s6  }
0xc: {  	p0 =	sgt.u32 s2, $0x1C;
	s2 =	simm.s32 $0x10680;
	s10 =	smul.u32 $0x3E8, s8  }
0xd: {  	s1 =	ssub.s32 s1, s9;
	s19 =	sshll.u32 s4, $0xA;
	s20 =	sshll.u32 s6, $0xA  }
0xe: {  	s22 =	sshll.u32 s8, $0xA;
	[dreg:$0xc] =	wrdreg s23;
	s24 =	sshll.u32 s4, $0xD  }
0xf: {  	s25 =	sshll.u32 s6, $0xD;
	s26 =	sshll.u32 s8, $0xD;
	s23 =	simm.s32 $0xCFD0  }
0x10: {  	s4 =	simm.s32 $0xFAC8;
	s6 =	simm.s32 $0x10298;
	[dreg:$0xd] =	wrdreg s24  }
0x11: {  	s9 =	simm.s32 $0x10A68;
	s8 =	simm.s32 $0x13178;
	[dreg:$0xe] =	wrdreg s25  }
0x12: {  	s3 =	sadd.s32 s0, s14;
	s21 =	sadd.s32 s11, s20;
	[dreg:$0xf] =	wrdreg s26  }
0x13: {  	s30 =	smax.u32 s1, $0x1;
	s20 =	simm.s32 $0xE740;
	s24 =	simm.s32 $0xD3B8  }
0x14: {  	s25 =	simm.s32 $0xD7A0;
	s26 =	simm.s32 $0xDB88;
	[dreg:$0x4] =	wrdreg s3  }
0x15: {  	s1 =	simm.s32 $0xF2F8;
	s16 =	sadd.s32 s0, s15;
	[dreg:$0xa] =	wrdreg s21  }
0x16: {  	s17 =	sadd.s32 s0, s7;
	s0 =	sadd.s32 s0, s10;
	[dreg:$0x10] =	wrdreg s30  }
0x17: {  	s21 =	simm.s32 $0xCBE8;
	s10 =	simm.s32 $0x10E50;
	[dreg:$0x5] =	wrdreg s16  }
0x18: {  	s7 =	simm.s32 $0x121D8;
	s3 =	simm.s32 $0x12D90;
	[dreg:$0x6] =	wrdreg s17  }
.Ltmp0:
0x19: {  	[dreg:$0x7] =	wrdreg s0;
	s0 =	sadd.s32 s11, s18;
	(pc) =	sbr.rel .LBB2_1-.Ltmp0, $4  }
0x1a: {  	s17 =	simm.s32 $0x11620;
	s18 =	simm.s32 $0x11A08;
	s16 =	simm.s32 $0x11DF0  }
0x1b: {  	[dreg:$0x8] =	wrdreg s0;
	s0 =	sadd.s32 s11, s19;
	s19 =	simm.s32 $0xC800  }
0x1c: {  	[dreg:$0x9] =	wrdreg s0;
	s0 =	sadd.s32 s11, s22;
	s11 =	simm.s32 $0x11238  }
0x1d: {  	s22 =	simm.s32 $0x0;
	[dreg:$0xb] =	wrdreg s0;
	s0 =	simm.s32 $0xEF10  }
.LBB2_23:
0x1e: {  	s14 =	simm.s32 $0x1  }
0x1f: {  	_ =	swait.ge [sflag:s14], $0x2000  }
0x20: {  	[sflag:s14] =	ssyncset.done $0x0  }
0x21: {  	s15 =	simm.s32 $0x2;
	[sflag:s14] =	ssyncadd.s32 $0xFFFFE000  }
0x22: {  	_ =	swait.ge [sflag:s15], $0x2000  }
0x23: {  	s22 =	rddreg [dreg:$0x11]  }
0x24: {  	s30 =	rddreg [dreg:$0x10];
	s22 =	sadd.s32 $0x1, s22  }
0x25: {  	p1 =	sne.s32 s22, s30  }
.Ltmp1:
0x26: {  	_ = 	snop;
	(pc) =	sbr.rel @!p1 .LBB2_24-.Ltmp1, $3  }
0x27: {  	_ =	sdelay $0x1  }
0x28: {  	[sflag:s15] =	ssyncset.done $0x0  }
0x29: {  	[sflag:s15] =	ssyncadd.s32 $0xFFFFE000  }
.LBB2_1:
0x2a: {  	[dreg:$0x11] =	wrdreg s22  }
0x2b: {  	s14 =	simm.s32 $0x0;
	s15 =	rddreg [dreg:$0x3];
	s30 =	simm.s32 $0x3  }
0x2c: {  	[tilespmem:s14], [sflag:$0x3] =	stream.linear.gather [hbm4b:s15+s14], $0xC800, $0x38;
	[tilespmem:$0x18500] =	vst v63  }
0x2d: {  	_ =	swait.ge [sflag:s30], $0xC800  }
0x2e: {  	[sflag:s30] =	ssyncset.done $0x0  }
0x2f: {  	s22 =	rddreg [dreg:$0x4];
	[sflag:s30] =	ssyncadd.s32 $0xFFFF3800  }
0x30: {  	[tilespmem:s19], [sflag:$0x3] =	stream.linear.gather [hbm4b:s22+s14], $0x1F40, $0x38;
	[tilespmem:$0x18500] =	vst v63  }
0x31: {  	_ =	swait.ge [sflag:s30], $0x1F40  }
0x32: {  	[sflag:s30] =	ssyncset.done $0x0  }
0x33: {  	s22 =	rddreg [dreg:$0x5];
	[sflag:s30] =	ssyncadd.s32 $0xFFFFE0C0  }
0x34: {  	[tilespmem:s20], [sflag:$0x3] =	stream.linear.gather [hbm4b:s22+s14], $0x1F40, $0x38;
	[tilespmem:$0x18500] =	vst v63  }
0x35: {  	_ =	swait.ge [sflag:s30], $0x1F40  }
0x36: {  	[sflag:s30] =	ssyncset.done $0x0  }
0x37: {  	s22 =	rddreg [dreg:$0x6];
	[sflag:s30] =	ssyncadd.s32 $0xFFFFE0C0  }
0x38: {  	[tilespmem:s2], [sflag:$0x3] =	stream.linear.gather [hbm4b:s22+s14], $0x1F40, $0x38;
	[tilespmem:$0x18500] =	vst v63  }
0x39: {  	_ =	swait.ge [sflag:s30], $0x1F40  }
0x3a: {  	s15 =	simm.s32 @!p0 $0x125C0;
	[sflag:s30] =	ssyncset.done $0x0  }
0x3b: {  	s14 =	simm.s32 @!p0 $0x0;
	[sflag:s30] =	ssyncadd.s32 $0xFFFFE0C0;
	s30 =	rddreg [dreg:$0x7]  }
0x3c: {  	[tilespmem:s15], [sflag:$0x3] =	stream.linear.gather @!p0 [hbm4b:s30+s14], $0x1F40, $0x38;
	[tilespmem:$0x18500] =	vst v63  }
0x3d: {  	s14 =	simm.s32 @!p0 $0x3  }
0x3e: {  	_ =	swait.ge @!p0 [sflag:s14], $0x1F40  }
0x3f: {  	[sflag:s14] =	ssyncset.done @!p0 $0x0  }
0x40: {  	s22 =	simm.s32 $0x40;
	[sflag:s14] =	ssyncadd.s32 @!p0 $0xFFFFE0C0  }
0x41: {  	v0 =	vld [tilespmem:s22+$0x30]  }
0x42: {  	v1 =	vld [tilespmem:s22+$0xFFFFFFD0]  }
0x43: {  	v2 =	vld [tilespmem:s22+$0xFFFFFFE0]  }
0x44: {  	v3 =	vld [tilespmem:s22+$0xFFFFFFF0]  }
0x45: {  	v4 =	vld [tilespmem:s22+$0x0]  }
0x46: {  	v5 =	vld [tilespmem:s22+$0x10]  }
0x47: {  	v6 =	vld [tilespmem:s22+$0x20]  }
0x48: {  	v7 =	vld [tilespmem:s22+$0xFFFFFFC0]  }
0x49: {  	v8 =	vld.idx.msk [tilespmem:v0+s19+$0x0], $0xffff  }
0x4a: {  	v9 =	vld.idx.msk [tilespmem:v1+s19+$0x0], $0xffff  }
0x4b: {  	v10 =	vld.idx.msk [tilespmem:v2+s19+$0x0], $0xffff  }
0x4c: {  	v11 =	vld.idx.msk [tilespmem:v3+s19+$0x0], $0xffff  }
0x4d: {  	v12 =	vld.idx.msk [tilespmem:v4+s19+$0x0], $0xffff  }
0x4e: {  	s14 =	simm.s32 $0x14700;
	v13 =	vld.idx.msk [tilespmem:v5+s19+$0x0], $0xffff  }
0x4f: {  	v14 =	vld.idx.msk [tilespmem:v6+s19+$0x0], $0xffff;
	[tilespmem:s14+$0xFFFFFE70] =	vst v8  }
0x50: {  	v30 =	vld.idx.msk [tilespmem:v7+s19+$0x0], $0xffff;
	[tilespmem:s14+$0xFFFFFE10] =	vst v9  }
0x51: {  	[tilespmem:s14+$0xFFFFFE20] =	vst v10;
	v8 =	vld.idx.msk [tilespmem:v0+s21+$0x0], $0xffff  }
0x52: {  	[tilespmem:s14+$0xFFFFFE30] =	vst v11;
	v31 =	vld.idx.msk [tilespmem:v1+s21+$0x0], $0xffff  }
0x53: {  	[tilespmem:s14+$0xFFFFFE40] =	vst v12;
	v32 =	vld.idx.msk [tilespmem:v2+s21+$0x0], $0xffff  }
0x54: {  	[tilespmem:s14+$0xFFFFFE50] =	vst v13;
	v33 =	vld.idx.msk [tilespmem:v3+s21+$0x0], $0xffff  }
0x55: {  	[tilespmem:s14+$0xFFFFFE60] =	vst v14;
	v34 =	vld.idx.msk [tilespmem:v4+s21+$0x0], $0xffff  }
0x56: {  	[tilespmem:s14+$0xFFFFFE00] =	vst v30;
	v35 =	vld.idx.msk [tilespmem:v5+s21+$0x0], $0xffff  }
0x57: {  	v9 =	vld.idx.msk [tilespmem:v7+s21+$0x0], $0xffff;
	[tilespmem:s14+$0xFFFFFEF0] =	vst v8  }
0x58: {  	v36 =	vld.idx.msk [tilespmem:v6+s21+$0x0], $0xffff;
	[tilespmem:s14+$0xFFFFFE90] =	vst v31  }
0x59: {  	[tilespmem:s14+$0xFFFFFEA0] =	vst v32;
	v8 =	vld.idx.msk [tilespmem:v0+s23+$0x0], $0xffff  }
0x5a: {  	[tilespmem:s14+$0xFFFFFEB0] =	vst v33;
	v37 =	vld.idx.msk [tilespmem:v1+s23+$0x0], $0xffff  }
0x5b: {  	[tilespmem:s14+$0xFFFFFEC0] =	vst v34;
	v38 =	vld.idx.msk [tilespmem:v2+s23+$0x0], $0xffff  }
0x5c: {  	[tilespmem:s14+$0xFFFFFED0] =	vst v35;
	v39 =	vld.idx.msk [tilespmem:v3+s23+$0x0], $0xffff  }
0x5d: {  	[tilespmem:s14+$0xFFFFFE80] =	vst v9;
	v40 =	vld.idx.msk [tilespmem:v4+s23+$0x0], $0xffff  }
0x5e: {  	[tilespmem:s14+$0xFFFFFEE0] =	vst v36;
	v9 =	vld.idx.msk [tilespmem:v7+s23+$0x0], $0xffff  }
0x5f: {  	v41 =	vld.idx.msk [tilespmem:v5+s23+$0x0], $0xffff;
	[tilespmem:s14+$0xFFFFFF70] =	vst v8  }
0x60: {  	v42 =	vld.idx.msk [tilespmem:v6+s23+$0x0], $0xffff;
	[tilespmem:s14+$0xFFFFFF10] =	vst v37  }
0x61: {  	[tilespmem:s14+$0xFFFFFF20] =	vst v38;
	v8 =	vld.idx.msk [tilespmem:v0+s24+$0x0], $0xffff  }
0x62: {  	[tilespmem:s14+$0xFFFFFF30] =	vst v39;
	v43 =	vld.idx.msk [tilespmem:v1+s24+$0x0], $0xffff  }
0x63: {  	[tilespmem:s14+$0xFFFFFF40] =	vst v40;
	v44 =	vld.idx.msk [tilespmem:v2+s24+$0x0], $0xffff  }
0x64: {  	[tilespmem:s14+$0xFFFFFF00] =	vst v9;
	v45 =	vld.idx.msk [tilespmem:v3+s24+$0x0], $0xffff  }
0x65: {  	[tilespmem:s14+$0xFFFFFF50] =	vst v41;
	v9 =	vld.idx.msk [tilespmem:v7+s24+$0x0], $0xffff  }
0x66: {  	[tilespmem:s14+$0xFFFFFF60] =	vst v42;
	v46 =	vld.idx.msk [tilespmem:v4+s24+$0x0], $0xffff  }
0x67: {  	v47 =	vld.idx.msk [tilespmem:v5+s24+$0x0], $0xffff;
	[tilespmem:s14+$0xFFFFFFF0] =	vst v8  }
0x68: {  	v48 =	vld.idx.msk [tilespmem:v6+s24+$0x0], $0xffff;
	[tilespmem:s14+$0xFFFFFF90] =	vst v43  }
0x69: {  	[tilespmem:s14+$0xFFFFFFA0] =	vst v44;
	v8 =	vld.idx.msk [tilespmem:v0+s25+$0x0], $0xffff  }
0x6a: {  	[tilespmem:s14+$0xFFFFFFB0] =	vst v45;
	v49 =	vld.idx.msk [tilespmem:v1+s25+$0x0], $0xffff  }
0x6b: {  	[tilespmem:s14+$0xFFFFFF80] =	vst v9;
	v50 =	vld.idx.msk [tilespmem:v2+s25+$0x0], $0xffff  }
0x6c: {  	[tilespmem:s14+$0xFFFFFFC0] =	vst v46;
	v9 =	vld.idx.msk [tilespmem:v7+s25+$0x0], $0xffff  }
0x6d: {  	[tilespmem:s14+$0xFFFFFFD0] =	vst v47;
	v51 =	vld.idx.msk [tilespmem:v3+s25+$0x0], $0xffff  }
0x6e: {  	[tilespmem:s14+$0xFFFFFFE0] =	vst v48;
	v52 =	vld.idx.msk [tilespmem:v4+s25+$0x0], $0xffff  }
0x6f: {  	v53 =	vld.idx.msk [tilespmem:v5+s25+$0x0], $0xffff;
	[tilespmem:s14+$0x70] =	vst v8  }
0x70: {  	v54 =	vld.idx.msk [tilespmem:v6+s25+$0x0], $0xffff;
	[tilespmem:s14+$0x10] =	vst v49  }
0x71: {  	[tilespmem:s14+$0x20] =	vst v50;
	v8 =	vld.idx.msk [tilespmem:v0+s26+$0x0], $0xffff  }
0x72: {  	[tilespmem:s14+$0x0] =	vst v9;
	v55 =	vld.idx.msk [tilespmem:v1+s26+$0x0], $0xffff  }
0x73: {  	[tilespmem:s14+$0x30] =	vst v51;
	v9 =	vld.idx.msk [tilespmem:v7+s26+$0x0], $0xffff  }
0x74: {  	[tilespmem:s14+$0x40] =	vst v52;
	v56 =	vld.idx.msk [tilespmem:v2+s26+$0x0], $0xffff  }
0x75: {  	[tilespmem:s14+$0x50] =	vst v53;
	v57 =	vld.idx.msk [tilespmem:v3+s26+$0x0], $0xffff  }
0x76: {  	[tilespmem:s14+$0x60] =	vst v54;
	v58 =	vld.idx.msk [tilespmem:v4+s26+$0x0], $0xffff  }
0x77: {  	v59 =	vld.idx.msk [tilespmem:v5+s26+$0x0], $0xffff;
	[tilespmem:s14+$0xF0] =	vst v8  }
0x78: {  	v60 =	vld.idx.msk [tilespmem:v6+s26+$0x0], $0xffff;
	[tilespmem:s14+$0x90] =	vst v55  }
0x79: {  	[tilespmem:s14+$0x80] =	vst v9;
	v8 =	vld.idx.msk [tilespmem:v0+s28+$0x0], $0xffff  }
0x7a: {  	[tilespmem:s14+$0xA0] =	vst v56;
	v61 =	vld.idx.msk [tilespmem:v7+s28+$0x0], $0xffff  }
0x7b: {  	[tilespmem:s14+$0xB0] =	vst v57;
	v62 =	vld.idx.msk [tilespmem:v1+s28+$0x0], $0xffff  }
0x7c: {  	[tilespmem:s14+$0xC0] =	vst v58;
	v10 =	vld.idx.msk [tilespmem:v2+s28+$0x0], $0xffff  }
0x7d: {  	[tilespmem:s14+$0xD0] =	vst v59;
	v11 =	vld.idx.msk [tilespmem:v3+s28+$0x0], $0xffff  }
0x7e: {  	v12 =	vld.idx.msk [tilespmem:v4+s28+$0x0], $0xffff;
	[tilespmem:s14+$0x170] =	vst v8  }
0x7f: {  	[tilespmem:s14+$0xE0] =	vst v60;
	v0 =	vld.idx.msk [tilespmem:v0+s29+$0x0], $0xffff  }
0x80: {  	v13 =	vld.idx.msk [tilespmem:v5+s28+$0x0], $0xffff;
	[tilespmem:s14+$0x100] =	vst v61  }
0x81: {  	v63 =	vld.idx.msk [tilespmem:v6+s28+$0x0], $0xffff;
	[tilespmem:s14+$0x110] =	vst v62  }
0x82: {  	[tilespmem:s14+$0x120] =	vst v10;
	v7 =	vld.idx.msk [tilespmem:v7+s29+$0x0], $0xffff  }
0x83: {  	[tilespmem:s14+$0x130] =	vst v11;
	v2 =	vld.idx.msk [tilespmem:v2+s29+$0x0], $0xffff  }
0x84: {  	[tilespmem:s14+$0x1F0] =	vst v0;
	v0 =	vld.idx.msk [tilespmem:v1+s29+$0x0], $0xffff  }
0x85: {  	[tilespmem:s14+$0x140] =	vst v12;
	v3 =	vld.idx.msk [tilespmem:v3+s29+$0x0], $0xffff  }
0x86: {  	[tilespmem:s14+$0x150] =	vst v13;
	v4 =	vld.idx.msk [tilespmem:v4+s29+$0x0], $0xffff  }
0x87: {  	[tilespmem:s14+$0x160] =	vst v63;
	v5 =	vld.idx.msk [tilespmem:v5+s29+$0x0], $0xffff  }
0x88: {  	s15 =	simm.s32 $0x0;
	s30 =	simm.s32 $0xC0;
	[tilespmem:s14+$0x180] =	vst v7;
	v1 =	vld.idx.msk [tilespmem:v6+s29+$0x0], $0xffff  }
.LBB2_2:
0x89: {  	v7 =	vld [tilespmem:s30+$0x30];
	s15 =	sadd.s32 $0x8, s15;
	[tilespmem:s14+$0x190] =	vst v0  }
0x8a: {  	v0 =	vld [tilespmem:s30+$0xFFFFFFD0];
	p1 =	slt.u32 s15, $0x38;
	[tilespmem:s14+$0x1A0] =	vst v2  }
0x8b: {  	v2 =	vld [tilespmem:s30+$0xFFFFFFE0];
	[tilespmem:s14+$0x1B0] =	vst v3  }
0x8c: {  	v3 =	vld [tilespmem:s30+$0xFFFFFFF0];
	[tilespmem:s14+$0x1C0] =	vst v4  }
0x8d: {  	v4 =	vld [tilespmem:s30+$0x0];
	[tilespmem:s14+$0x1D0] =	vst v5  }
0x8e: {  	v5 =	vld [tilespmem:s30+$0x10];
	[tilespmem:s14+$0x1E0] =	vst v1  }
0x8f: {  	v1 =	vld [tilespmem:s30+$0x20]  }
0x90: {  	v6 =	vld [tilespmem:s30+$0xFFFFFFC0]  }
0x91: {  	v8 =	vld.idx.msk [tilespmem:v7+s19+$0x0], $0xffff  }
0x92: {  	v9 =	vld.idx.msk [tilespmem:v0+s19+$0x0], $0xffff  }
0x93: {  	v10 =	vld.idx.msk [tilespmem:v2+s19+$0x0], $0xffff  }
0x94: {  	v11 =	vld.idx.msk [tilespmem:v3+s19+$0x0], $0xffff  }
0x95: {  	v12 =	vld.idx.msk [tilespmem:v4+s19+$0x0], $0xffff  }
0x96: {  	s14 =	sadd.s32 $0x400, s14;
	v13 =	vld.idx.msk [tilespmem:v5+s19+$0x0], $0xffff  }
0x97: {  	v14 =	vld.idx.msk [tilespmem:v1+s19+$0x0], $0xffff;
	[tilespmem:s14+$0xFFFFFE70] =	vst v8  }
0x98: {  	[tilespmem:s14+$0xFFFFFE10] =	vst v9;
	v8 =	vld.idx.msk [tilespmem:v7+s21+$0x0], $0xffff  }
0x99: {  	v9 =	vld.idx.msk [tilespmem:v6+s19+$0x0], $0xffff;
	[tilespmem:s14+$0xFFFFFE20] =	vst v10  }
0x9a: {  	v10 =	vld.idx.msk [tilespmem:v0+s21+$0x0], $0xffff;
	[tilespmem:s14+$0xFFFFFE30] =	vst v11  }
0x9b: {  	v11 =	vld.idx.msk [tilespmem:v2+s21+$0x0], $0xffff;
	[tilespmem:s14+$0xFFFFFE40] =	vst v12  }
0x9c: {  	v12 =	vld.idx.msk [tilespmem:v3+s21+$0x0], $0xffff;
	[tilespmem:s14+$0xFFFFFE50] =	vst v13  }
0x9d: {  	v13 =	vld.idx.msk [tilespmem:v4+s21+$0x0], $0xffff;
	[tilespmem:s14+$0xFFFFFE60] =	vst v14  }
0x9e: {  	v14 =	vld.idx.msk [tilespmem:v5+s21+$0x0], $0xffff;
	[tilespmem:s14+$0xFFFFFEF0] =	vst v8  }
0x9f: {  	[tilespmem:s14+$0xFFFFFE00] =	vst v9;
	v8 =	vld.idx.msk [tilespmem:v7+s23+$0x0], $0xffff  }
0xa0: {  	v9 =	vld.idx.msk [tilespmem:v6+s21+$0x0], $0xffff;
	[tilespmem:s14+$0xFFFFFE90] =	vst v10  }
0xa1: {  	[tilespmem:s14+$0xFFFFFEA0] =	vst v11;
	v10 =	vld.idx.msk [tilespmem:v1+s21+$0x0], $0xffff  }
0xa2: {  	v11 =	vld.idx.msk [tilespmem:v0+s23+$0x0], $0xffff;
	[tilespmem:s14+$0xFFFFFEB0] =	vst v12  }
0xa3: {  	v12 =	vld.idx.msk [tilespmem:v2+s23+$0x0], $0xffff;
	[tilespmem:s14+$0xFFFFFEC0] =	vst v13  }
0xa4: {  	v13 =	vld.idx.msk [tilespmem:v3+s23+$0x0], $0xffff;
	[tilespmem:s14+$0xFFFFFED0] =	vst v14  }
0xa5: {  	v14 =	vld.idx.msk [tilespmem:v4+s23+$0x0], $0xffff;
	[tilespmem:s14+$0xFFFFFF70] =	vst v8  }
0xa6: {  	[tilespmem:s14+$0xFFFFFE80] =	vst v9;
	v8 =	vld.idx.msk [tilespmem:v7+s24+$0x0], $0xffff  }
0xa7: {  	v9 =	vld.idx.msk [tilespmem:v6+s23+$0x0], $0xffff;
	[tilespmem:s14+$0xFFFFFEE0] =	vst v10  }
0xa8: {  	[tilespmem:s14+$0xFFFFFF10] =	vst v11;
	v10 =	vld.idx.msk [tilespmem:v5+s23+$0x0], $0xffff  }
0xa9: {  	[tilespmem:s14+$0xFFFFFF20] =	vst v12;
	v11 =	vld.idx.msk [tilespmem:v1+s23+$0x0], $0xffff  }
0xaa: {  	v12 =	vld.idx.msk [tilespmem:v0+s24+$0x0], $0xffff;
	[tilespmem:s14+$0xFFFFFF30] =	vst v13  }
0xab: {  	v13 =	vld.idx.msk [tilespmem:v2+s24+$0x0], $0xffff;
	[tilespmem:s14+$0xFFFFFF40] =	vst v14  }
0xac: {  	v14 =	vld.idx.msk [tilespmem:v3+s24+$0x0], $0xffff;
	[tilespmem:s14+$0xFFFFFFF0] =	vst v8  }
0xad: {  	[tilespmem:s14+$0xFFFFFF00] =	vst v9;
	v8 =	vld.idx.msk [tilespmem:v7+s25+$0x0], $0xffff  }
0xae: {  	v9 =	vld.idx.msk [tilespmem:v6+s24+$0x0], $0xffff;
	[tilespmem:s14+$0xFFFFFF50] =	vst v10  }
0xaf: {  	v10 =	vld.idx.msk [tilespmem:v4+s24+$0x0], $0xffff;
	[tilespmem:s14+$0xFFFFFF60] =	vst v11  }
0xb0: {  	[tilespmem:s14+$0xFFFFFF90] =	vst v12;
	v11 =	vld.idx.msk [tilespmem:v5+s24+$0x0], $0xffff  }
0xb1: {  	[tilespmem:s14+$0xFFFFFFA0] =	vst v13;
	v12 =	vld.idx.msk [tilespmem:v1+s24+$0x0], $0xffff  }
0xb2: {  	v13 =	vld.idx.msk [tilespmem:v0+s25+$0x0], $0xffff;
	[tilespmem:s14+$0xFFFFFFB0] =	vst v14  }
0xb3: {  	v14 =	vld.idx.msk [tilespmem:v2+s25+$0x0], $0xffff;
	[tilespmem:s14+$0x70] =	vst v8  }
0xb4: {  	[tilespmem:s14+$0xFFFFFF80] =	vst v9;
	v8 =	vld.idx.msk [tilespmem:v7+s26+$0x0], $0xffff  }
0xb5: {  	v9 =	vld.idx.msk [tilespmem:v6+s25+$0x0], $0xffff;
	[tilespmem:s14+$0xFFFFFFC0] =	vst v10  }
0xb6: {  	v10 =	vld.idx.msk [tilespmem:v3+s25+$0x0], $0xffff;
	[tilespmem:s14+$0xFFFFFFD0] =	vst v11  }
0xb7: {  	v11 =	vld.idx.msk [tilespmem:v4+s25+$0x0], $0xffff;
	[tilespmem:s14+$0xFFFFFFE0] =	vst v12  }
0xb8: {  	[tilespmem:s14+$0x10] =	vst v13;
	v12 =	vld.idx.msk [tilespmem:v5+s25+$0x0], $0xffff  }
0xb9: {  	[tilespmem:s14+$0x20] =	vst v14;
	v13 =	vld.idx.msk [tilespmem:v1+s25+$0x0], $0xffff  }
0xba: {  	v14 =	vld.idx.msk [tilespmem:v0+s26+$0x0], $0xffff;
	[tilespmem:s14+$0xF0] =	vst v8  }
0xbb: {  	[tilespmem:s14+$0x0] =	vst v9;
	v8 =	vld.idx.msk [tilespmem:v7+s28+$0x0], $0xffff  }
0xbc: {  	v9 =	vld.idx.msk [tilespmem:v6+s26+$0x0], $0xffff;
	[tilespmem:s14+$0x30] =	vst v10  }
0xbd: {  	v10 =	vld.idx.msk [tilespmem:v2+s26+$0x0], $0xffff;
	[tilespmem:s14+$0x40] =	vst v11  }
0xbe: {  	v11 =	vld.idx.msk [tilespmem:v3+s26+$0x0], $0xffff;
	[tilespmem:s14+$0x50] =	vst v12  }
0xbf: {  	v12 =	vld.idx.msk [tilespmem:v4+s26+$0x0], $0xffff;
	[tilespmem:s14+$0x60] =	vst v13  }
0xc0: {  	[tilespmem:s14+$0x90] =	vst v14;
	v13 =	vld.idx.msk [tilespmem:v5+s26+$0x0], $0xffff  }
0xc1: {  	v14 =	vld.idx.msk [tilespmem:v1+s26+$0x0], $0xffff;
	[tilespmem:s14+$0x170] =	vst v8  }
0xc2: {  	[tilespmem:s14+$0x80] =	vst v9;
	v7 =	vld.idx.msk [tilespmem:v7+s29+$0x0], $0xffff  }
0xc3: {  	v8 =	vld.idx.msk [tilespmem:v6+s28+$0x0], $0xffff;
	[tilespmem:s14+$0xA0] =	vst v10  }
0xc4: {  	v9 =	vld.idx.msk [tilespmem:v0+s28+$0x0], $0xffff;
	[tilespmem:s14+$0xB0] =	vst v11  }
0xc5: {  	v10 =	vld.idx.msk [tilespmem:v2+s28+$0x0], $0xffff;
	[tilespmem:s14+$0xC0] =	vst v12  }
0xc6: {  	v11 =	vld.idx.msk [tilespmem:v3+s28+$0x0], $0xffff;
	[tilespmem:s14+$0xD0] =	vst v13  }
0xc7: {  	v12 =	vld.idx.msk [tilespmem:v4+s28+$0x0], $0xffff;
	[tilespmem:s14+$0xE0] =	vst v14  }
0xc8: {  	v13 =	vld.idx.msk [tilespmem:v5+s28+$0x0], $0xffff;
	[tilespmem:s14+$0x1F0] =	vst v7  }
0xc9: {  	[tilespmem:s14+$0x100] =	vst v8;
	v7 =	vld.idx.msk [tilespmem:v1+s28+$0x0], $0xffff  }
0xca: {  	v6 =	vld.idx.msk [tilespmem:v6+s29+$0x0], $0xffff;
	[tilespmem:s14+$0x110] =	vst v9  }
0xcb: {  	v0 =	vld.idx.msk [tilespmem:v0+s29+$0x0], $0xffff;
	[tilespmem:s14+$0x120] =	vst v10  }
.Ltmp2:
0xcc: {  	v2 =	vld.idx.msk [tilespmem:v2+s29+$0x0], $0xffff;
	[tilespmem:s14+$0x130] =	vst v11;
	(pc) =	sbr.rel @p1 .LBB2_2-.Ltmp2, $4  }
0xcd: {  	v3 =	vld.idx.msk [tilespmem:v3+s29+$0x0], $0xffff;
	[tilespmem:s14+$0x140] =	vst v12  }
0xce: {  	v4 =	vld.idx.msk [tilespmem:v4+s29+$0x0], $0xffff;
	[tilespmem:s14+$0x150] =	vst v13  }
0xcf: {  	v5 =	vld.idx.msk [tilespmem:v5+s29+$0x0], $0xffff;
	[tilespmem:s14+$0x160] =	vst v7  }
0xd0: {  	s30 =	sadd.s32 $0x80, s30;
	[tilespmem:s14+$0x180] =	vst v6;
	v1 =	vld.idx.msk [tilespmem:v1+s29+$0x0], $0xffff  }
0xd1: {  	[tilespmem:s14+$0x190] =	vst v0  }
0xd2: {  	[tilespmem:s14+$0x1A0] =	vst v2  }
0xd3: {  	[tilespmem:s14+$0x1B0] =	vst v3  }
0xd4: {  	[tilespmem:s14+$0x1C0] =	vst v4  }
0xd5: {  	[tilespmem:s14+$0x1D0] =	vst v5  }
0xd6: {  	[tilespmem:s14+$0x1E0] =	vst v1  }
0xd7: {  	s22 =	simm.s32 $0x0;
	s30 =	simm.s32 $0x14500;
	s15 =	rddreg [dreg:$0x8]  }
0xd8: {  	[hbm4b:s15+s22] =	stream.linear.scatter [tilespmem:s30], [sflag:$0x1], $0x2000, $0x38;
	[tilespmem:$0x18500] =	vst v63  }
0xd9: {  	s22 =	simm.s32 $0x40  }
0xda: {  	v0 =	vld [tilespmem:s22+$0x30]  }
0xdb: {  	v1 =	vld [tilespmem:s22+$0xFFFFFFD0]  }
0xdc: {  	v2 =	vld [tilespmem:s22+$0xFFFFFFE0]  }
0xdd: {  	v3 =	vld [tilespmem:s22+$0xFFFFFFF0]  }
0xde: {  	v4 =	vld [tilespmem:s22+$0x0]  }
0xdf: {  	v5 =	vld [tilespmem:s22+$0x10]  }
0xe0: {  	v6 =	vld [tilespmem:s22+$0x20]  }
0xe1: {  	v7 =	vld [tilespmem:s22+$0xFFFFFFC0]  }
0xe2: {  	v8 =	vld.idx.msk [tilespmem:v0+s20+$0x0], $0xffff  }
0xe3: {  	v9 =	vld.idx.msk [tilespmem:v1+s20+$0x0], $0xffff  }
0xe4: {  	v10 =	vld.idx.msk [tilespmem:v2+s20+$0x0], $0xffff  }
0xe5: {  	v11 =	vld.idx.msk [tilespmem:v3+s20+$0x0], $0xffff  }
0xe6: {  	v12 =	vld.idx.msk [tilespmem:v4+s20+$0x0], $0xffff  }
0xe7: {  	s14 =	simm.s32 $0x168F0;
	v13 =	vld.idx.msk [tilespmem:v5+s20+$0x0], $0xffff  }
0xe8: {  	v14 =	vld.idx.msk [tilespmem:v6+s20+$0x0], $0xffff;
	[tilespmem:s14+$0xFFFFFC80] =	vst v8  }
0xe9: {  	v30 =	vld.idx.msk [tilespmem:v7+s20+$0x0], $0xffff;
	[tilespmem:s14+$0xFFFFFC20] =	vst v9  }
0xea: {  	[tilespmem:s14+$0xFFFFFC30] =	vst v10;
	v8 =	vld.idx.msk [tilespmem:v0+s31+$0x0], $0xffff  }
0xeb: {  	[tilespmem:s14+$0xFFFFFC40] =	vst v11;
	v31 =	vld.idx.msk [tilespmem:v1+s31+$0x0], $0xffff  }
0xec: {  	[tilespmem:s14+$0xFFFFFC50] =	vst v12;
	v32 =	vld.idx.msk [tilespmem:v2+s31+$0x0], $0xffff  }
0xed: {  	[tilespmem:s14+$0xFFFFFC60] =	vst v13;
	v33 =	vld.idx.msk [tilespmem:v3+s31+$0x0], $0xffff  }
0xee: {  	[tilespmem:s14+$0xFFFFFC70] =	vst v14;
	v34 =	vld.idx.msk [tilespmem:v4+s31+$0x0], $0xffff  }
0xef: {  	[tilespmem:s14+$0xFFFFFC10] =	vst v30;
	v35 =	vld.idx.msk [tilespmem:v5+s31+$0x0], $0xffff  }
0xf0: {  	v9 =	vld.idx.msk [tilespmem:v7+s31+$0x0], $0xffff;
	[tilespmem:s14+$0xFFFFFD00] =	vst v8  }
0xf1: {  	v36 =	vld.idx.msk [tilespmem:v6+s31+$0x0], $0xffff;
	[tilespmem:s14+$0xFFFFFCA0] =	vst v31  }
0xf2: {  	[tilespmem:s14+$0xFFFFFCB0] =	vst v32;
	v8 =	vld.idx.msk [tilespmem:v0+s0+$0x0], $0xffff  }
0xf3: {  	[tilespmem:s14+$0xFFFFFCC0] =	vst v33;
	v37 =	vld.idx.msk [tilespmem:v1+s0+$0x0], $0xffff  }
0xf4: {  	[tilespmem:s14+$0xFFFFFCD0] =	vst v34;
	v38 =	vld.idx.msk [tilespmem:v2+s0+$0x0], $0xffff  }
0xf5: {  	[tilespmem:s14+$0xFFFFFCE0] =	vst v35;
	v39 =	vld.idx.msk [tilespmem:v3+s0+$0x0], $0xffff  }
0xf6: {  	[tilespmem:s14+$0xFFFFFC90] =	vst v9;
	v40 =	vld.idx.msk [tilespmem:v4+s0+$0x0], $0xffff  }
0xf7: {  	[tilespmem:s14+$0xFFFFFCF0] =	vst v36;
	v9 =	vld.idx.msk [tilespmem:v7+s0+$0x0], $0xffff  }
0xf8: {  	v41 =	vld.idx.msk [tilespmem:v5+s0+$0x0], $0xffff;
	[tilespmem:s14+$0xFFFFFD80] =	vst v8  }
0xf9: {  	v42 =	vld.idx.msk [tilespmem:v6+s0+$0x0], $0xffff;
	[tilespmem:s14+$0xFFFFFD20] =	vst v37  }
0xfa: {  	[tilespmem:s14+$0xFFFFFD30] =	vst v38;
	v8 =	vld.idx.msk [tilespmem:v0+s1+$0x0], $0xffff  }
0xfb: {  	[tilespmem:s14+$0xFFFFFD40] =	vst v39;
	v43 =	vld.idx.msk [tilespmem:v1+s1+$0x0], $0xffff  }
0xfc: {  	[tilespmem:s14+$0xFFFFFD50] =	vst v40;
	v44 =	vld.idx.msk [tilespmem:v2+s1+$0x0], $0xffff  }
0xfd: {  	[tilespmem:s14+$0xFFFFFD10] =	vst v9;
	v45 =	vld.idx.msk [tilespmem:v3+s1+$0x0], $0xffff  }
0xfe: {  	[tilespmem:s14+$0xFFFFFD60] =	vst v41;
	v9 =	vld.idx.msk [tilespmem:v7+s1+$0x0], $0xffff  }
0xff: {  	[tilespmem:s14+$0xFFFFFD70] =	vst v42;
	v46 =	vld.idx.msk [tilespmem:v4+s1+$0x0], $0xffff  }
0x100: {  	v47 =	vld.idx.msk [tilespmem:v5+s1+$0x0], $0xffff;
	[tilespmem:s14+$0xFFFFFE00] =	vst v8  }
0x101: {  	v48 =	vld.idx.msk [tilespmem:v6+s1+$0x0], $0xffff;
	[tilespmem:s14+$0xFFFFFDA0] =	vst v43  }
0x102: {  	[tilespmem:s14+$0xFFFFFDB0] =	vst v44;
	v8 =	vld.idx.msk [tilespmem:v0+s12+$0x0], $0xffff  }
0x103: {  	[tilespmem:s14+$0xFFFFFDC0] =	vst v45;
	v49 =	vld.idx.msk [tilespmem:v1+s12+$0x0], $0xffff  }
0x104: {  	[tilespmem:s14+$0xFFFFFD90] =	vst v9;
	v50 =	vld.idx.msk [tilespmem:v2+s12+$0x0], $0xffff  }
0x105: {  	[tilespmem:s14+$0xFFFFFDD0] =	vst v46;
	v9 =	vld.idx.msk [tilespmem:v7+s12+$0x0], $0xffff  }
0x106: {  	[tilespmem:s14+$0xFFFFFDE0] =	vst v47;
	v51 =	vld.idx.msk [tilespmem:v3+s12+$0x0], $0xffff  }
0x107: {  	[tilespmem:s14+$0xFFFFFDF0] =	vst v48;
	v52 =	vld.idx.msk [tilespmem:v4+s12+$0x0], $0xffff  }
0x108: {  	v53 =	vld.idx.msk [tilespmem:v5+s12+$0x0], $0xffff;
	[tilespmem:s14+$0xFFFFFE80] =	vst v8  }
0x109: {  	v54 =	vld.idx.msk [tilespmem:v6+s12+$0x0], $0xffff;
	[tilespmem:s14+$0xFFFFFE20] =	vst v49  }
0x10a: {  	[tilespmem:s14+$0xFFFFFE30] =	vst v50;
	v8 =	vld.idx.msk [tilespmem:v0+s4+$0x0], $0xffff  }
0x10b: {  	[tilespmem:s14+$0xFFFFFE10] =	vst v9;
	v55 =	vld.idx.msk [tilespmem:v1+s4+$0x0], $0xffff  }
0x10c: {  	[tilespmem:s14+$0xFFFFFE40] =	vst v51;
	v9 =	vld.idx.msk [tilespmem:v7+s4+$0x0], $0xffff  }
0x10d: {  	[tilespmem:s14+$0xFFFFFE50] =	vst v52;
	v56 =	vld.idx.msk [tilespmem:v2+s4+$0x0], $0xffff  }
0x10e: {  	[tilespmem:s14+$0xFFFFFE60] =	vst v53;
	v57 =	vld.idx.msk [tilespmem:v3+s4+$0x0], $0xffff  }
0x10f: {  	[tilespmem:s14+$0xFFFFFE70] =	vst v54;
	v58 =	vld.idx.msk [tilespmem:v4+s4+$0x0], $0xffff  }
0x110: {  	v59 =	vld.idx.msk [tilespmem:v5+s4+$0x0], $0xffff;
	[tilespmem:s14+$0xFFFFFF00] =	vst v8  }
0x111: {  	v60 =	vld.idx.msk [tilespmem:v6+s4+$0x0], $0xffff;
	[tilespmem:s14+$0xFFFFFEA0] =	vst v55  }
0x112: {  	[tilespmem:s14+$0xFFFFFE90] =	vst v9;
	v8 =	vld.idx.msk [tilespmem:v0+s5+$0x0], $0xffff  }
0x113: {  	[tilespmem:s14+$0xFFFFFEB0] =	vst v56;
	v61 =	vld.idx.msk [tilespmem:v7+s5+$0x0], $0xffff  }
0x114: {  	[tilespmem:s14+$0xFFFFFEC0] =	vst v57;
	v62 =	vld.idx.msk [tilespmem:v1+s5+$0x0], $0xffff  }
0x115: {  	[tilespmem:s14+$0xFFFFFED0] =	vst v58;
	v10 =	vld.idx.msk [tilespmem:v2+s5+$0x0], $0xffff  }
0x116: {  	[tilespmem:s14+$0xFFFFFEE0] =	vst v59;
	v11 =	vld.idx.msk [tilespmem:v3+s5+$0x0], $0xffff  }
0x117: {  	v12 =	vld.idx.msk [tilespmem:v4+s5+$0x0], $0xffff;
	[tilespmem:s14+$0xFFFFFF80] =	vst v8  }
0x118: {  	[tilespmem:s14+$0xFFFFFEF0] =	vst v60;
	v0 =	vld.idx.msk [tilespmem:v0+s6+$0x0], $0xffff  }
0x119: {  	v13 =	vld.idx.msk [tilespmem:v5+s5+$0x0], $0xffff;
	[tilespmem:s14+$0xFFFFFF10] =	vst v61  }
0x11a: {  	v63 =	vld.idx.msk [tilespmem:v6+s5+$0x0], $0xffff;
	[tilespmem:s14+$0xFFFFFF20] =	vst v62  }
0x11b: {  	[tilespmem:s14+$0xFFFFFF30] =	vst v10;
	v7 =	vld.idx.msk [tilespmem:v7+s6+$0x0], $0xffff  }
0x11c: {  	[tilespmem:s14+$0xFFFFFF40] =	vst v11;
	v2 =	vld.idx.msk [tilespmem:v2+s6+$0x0], $0xffff  }
0x11d: {  	[tilespmem:s14+$0x0] =	vst v0;
	v0 =	vld.idx.msk [tilespmem:v1+s6+$0x0], $0xffff  }
0x11e: {  	[tilespmem:s14+$0xFFFFFF50] =	vst v12;
	v3 =	vld.idx.msk [tilespmem:v3+s6+$0x0], $0xffff  }
0x11f: {  	[tilespmem:s14+$0xFFFFFF60] =	vst v13;
	v4 =	vld.idx.msk [tilespmem:v4+s6+$0x0], $0xffff  }
0x120: {  	[tilespmem:s14+$0xFFFFFF70] =	vst v63;
	v5 =	vld.idx.msk [tilespmem:v5+s6+$0x0], $0xffff  }
0x121: {  	s15 =	simm.s32 $0x0;
	s30 =	simm.s32 $0xC0;
	s22 =	simm.s32 $0x129A8;
	[tilespmem:s14+$0xFFFFFF90] =	vst v7;
	v1 =	vld.idx.msk [tilespmem:v6+s6+$0x0], $0xffff  }
.LBB2_4:
0x122: {  	v7 =	vld [tilespmem:s30+$0x30];
	s15 =	sadd.s32 $0x8, s15;
	[tilespmem:s14+$0xFFFFFFA0] =	vst v0  }
0x123: {  	v0 =	vld [tilespmem:s30+$0xFFFFFFD0];
	p1 =	slt.u32 s15, $0x38;
	[tilespmem:s14+$0xFFFFFFB0] =	vst v2  }
0x124: {  	v2 =	vld [tilespmem:s30+$0xFFFFFFE0];
	[tilespmem:s14+$0xFFFFFFC0] =	vst v3  }
0x125: {  	v3 =	vld [tilespmem:s30+$0xFFFFFFF0];
	[tilespmem:s14+$0xFFFFFFD0] =	vst v4  }
0x126: {  	v4 =	vld [tilespmem:s30+$0x0];
	[tilespmem:s14+$0xFFFFFFE0] =	vst v5  }
0x127: {  	v5 =	vld [tilespmem:s30+$0x10];
	[tilespmem:s14+$0xFFFFFFF0] =	vst v1  }
0x128: {  	v1 =	vld [tilespmem:s30+$0x20]  }
0x129: {  	v6 =	vld [tilespmem:s30+$0xFFFFFFC0]  }
0x12a: {  	v8 =	vld.idx.msk [tilespmem:v7+s20+$0x0], $0xffff  }
0x12b: {  	v9 =	vld.idx.msk [tilespmem:v0+s20+$0x0], $0xffff  }
0x12c: {  	v10 =	vld.idx.msk [tilespmem:v2+s20+$0x0], $0xffff  }
0x12d: {  	v11 =	vld.idx.msk [tilespmem:v3+s20+$0x0], $0xffff  }
0x12e: {  	v12 =	vld.idx.msk [tilespmem:v4+s20+$0x0], $0xffff  }
0x12f: {  	s14 =	sadd.s32 $0x400, s14;
	v13 =	vld.idx.msk [tilespmem:v5+s20+$0x0], $0xffff  }
0x130: {  	v14 =	vld.idx.msk [tilespmem:v1+s20+$0x0], $0xffff;
	[tilespmem:s14+$0xFFFFFC80] =	vst v8  }
0x131: {  	[tilespmem:s14+$0xFFFFFC20] =	vst v9;
	v8 =	vld.idx.msk [tilespmem:v7+s31+$0x0], $0xffff  }
0x132: {  	v9 =	vld.idx.msk [tilespmem:v6+s20+$0x0], $0xffff;
	[tilespmem:s14+$0xFFFFFC30] =	vst v10  }
0x133: {  	v10 =	vld.idx.msk [tilespmem:v0+s31+$0x0], $0xffff;
	[tilespmem:s14+$0xFFFFFC40] =	vst v11  }
0x134: {  	v11 =	vld.idx.msk [tilespmem:v2+s31+$0x0], $0xffff;
	[tilespmem:s14+$0xFFFFFC50] =	vst v12  }
0x135: {  	v12 =	vld.idx.msk [tilespmem:v3+s31+$0x0], $0xffff;
	[tilespmem:s14+$0xFFFFFC60] =	vst v13  }
0x136: {  	v13 =	vld.idx.msk [tilespmem:v4+s31+$0x0], $0xffff;
	[tilespmem:s14+$0xFFFFFC70] =	vst v14  }
0x137: {  	v14 =	vld.idx.msk [tilespmem:v5+s31+$0x0], $0xffff;
	[tilespmem:s14+$0xFFFFFD00] =	vst v8  }
0x138: {  	[tilespmem:s14+$0xFFFFFC10] =	vst v9;
	v8 =	vld.idx.msk [tilespmem:v7+s0+$0x0], $0xffff  }
0x139: {  	v9 =	vld.idx.msk [tilespmem:v6+s31+$0x0], $0xffff;
	[tilespmem:s14+$0xFFFFFCA0] =	vst v10  }
0x13a: {  	[tilespmem:s14+$0xFFFFFCB0] =	vst v11;
	v10 =	vld.idx.msk [tilespmem:v1+s31+$0x0], $0xffff  }
0x13b: {  	v11 =	vld.idx.msk [tilespmem:v0+s0+$0x0], $0xffff;
	[tilespmem:s14+$0xFFFFFCC0] =	vst v12  }
0x13c: {  	v12 =	vld.idx.msk [tilespmem:v2+s0+$0x0], $0xffff;
	[tilespmem:s14+$0xFFFFFCD0] =	vst v13  }
0x13d: {  	v13 =	vld.idx.msk [tilespmem:v3+s0+$0x0], $0xffff;
	[tilespmem:s14+$0xFFFFFCE0] =	vst v14  }
0x13e: {  	v14 =	vld.idx.msk [tilespmem:v4+s0+$0x0], $0xffff;
	[tilespmem:s14+$0xFFFFFD80] =	vst v8  }
0x13f: {  	[tilespmem:s14+$0xFFFFFC90] =	vst v9;
	v8 =	vld.idx.msk [tilespmem:v7+s1+$0x0], $0xffff  }
0x140: {  	v9 =	vld.idx.msk [tilespmem:v6+s0+$0x0], $0xffff;
	[tilespmem:s14+$0xFFFFFCF0] =	vst v10  }
0x141: {  	[tilespmem:s14+$0xFFFFFD20] =	vst v11;
	v10 =	vld.idx.msk [tilespmem:v5+s0+$0x0], $0xffff  }
0x142: {  	[tilespmem:s14+$0xFFFFFD30] =	vst v12;
	v11 =	vld.idx.msk [tilespmem:v1+s0+$0x0], $0xffff  }
0x143: {  	v12 =	vld.idx.msk [tilespmem:v0+s1+$0x0], $0xffff;
	[tilespmem:s14+$0xFFFFFD40] =	vst v13  }
0x144: {  	v13 =	vld.idx.msk [tilespmem:v2+s1+$0x0], $0xffff;
	[tilespmem:s14+$0xFFFFFD50] =	vst v14  }
0x145: {  	v14 =	vld.idx.msk [tilespmem:v3+s1+$0x0], $0xffff;
	[tilespmem:s14+$0xFFFFFE00] =	vst v8  }
0x146: {  	[tilespmem:s14+$0xFFFFFD10] =	vst v9;
	v8 =	vld.idx.msk [tilespmem:v7+s12+$0x0], $0xffff  }
0x147: {  	v9 =	vld.idx.msk [tilespmem:v6+s1+$0x0], $0xffff;
	[tilespmem:s14+$0xFFFFFD60] =	vst v10  }
0x148: {  	v10 =	vld.idx.msk [tilespmem:v4+s1+$0x0], $0xffff;
	[tilespmem:s14+$0xFFFFFD70] =	vst v11  }
0x149: {  	[tilespmem:s14+$0xFFFFFDA0] =	vst v12;
	v11 =	vld.idx.msk [tilespmem:v5+s1+$0x0], $0xffff  }
0x14a: {  	[tilespmem:s14+$0xFFFFFDB0] =	vst v13;
	v12 =	vld.idx.msk [tilespmem:v1+s1+$0x0], $0xffff  }
0x14b: {  	v13 =	vld.idx.msk [tilespmem:v0+s12+$0x0], $0xffff;
	[tilespmem:s14+$0xFFFFFDC0] =	vst v14  }
0x14c: {  	v14 =	vld.idx.msk [tilespmem:v2+s12+$0x0], $0xffff;
	[tilespmem:s14+$0xFFFFFE80] =	vst v8  }
0x14d: {  	[tilespmem:s14+$0xFFFFFD90] =	vst v9;
	v8 =	vld.idx.msk [tilespmem:v7+s4+$0x0], $0xffff  }
0x14e: {  	v9 =	vld.idx.msk [tilespmem:v6+s12+$0x0], $0xffff;
	[tilespmem:s14+$0xFFFFFDD0] =	vst v10  }
0x14f: {  	v10 =	vld.idx.msk [tilespmem:v3+s12+$0x0], $0xffff;
	[tilespmem:s14+$0xFFFFFDE0] =	vst v11  }
0x150: {  	v11 =	vld.idx.msk [tilespmem:v4+s12+$0x0], $0xffff;
	[tilespmem:s14+$0xFFFFFDF0] =	vst v12  }
0x151: {  	[tilespmem:s14+$0xFFFFFE20] =	vst v13;
	v12 =	vld.idx.msk [tilespmem:v5+s12+$0x0], $0xffff  }
0x152: {  	[tilespmem:s14+$0xFFFFFE30] =	vst v14;
	v13 =	vld.idx.msk [tilespmem:v1+s12+$0x0], $0xffff  }
0x153: {  	v14 =	vld.idx.msk [tilespmem:v0+s4+$0x0], $0xffff;
	[tilespmem:s14+$0xFFFFFF00] =	vst v8  }
0x154: {  	[tilespmem:s14+$0xFFFFFE10] =	vst v9;
	v8 =	vld.idx.msk [tilespmem:v7+s5+$0x0], $0xffff  }
0x155: {  	v9 =	vld.idx.msk [tilespmem:v6+s4+$0x0], $0xffff;
	[tilespmem:s14+$0xFFFFFE40] =	vst v10  }
0x156: {  	v10 =	vld.idx.msk [tilespmem:v2+s4+$0x0], $0xffff;
	[tilespmem:s14+$0xFFFFFE50] =	vst v11  }
0x157: {  	v11 =	vld.idx.msk [tilespmem:v3+s4+$0x0], $0xffff;
	[tilespmem:s14+$0xFFFFFE60] =	vst v12  }
0x158: {  	v12 =	vld.idx.msk [tilespmem:v4+s4+$0x0], $0xffff;
	[tilespmem:s14+$0xFFFFFE70] =	vst v13  }
0x159: {  	[tilespmem:s14+$0xFFFFFEA0] =	vst v14;
	v13 =	vld.idx.msk [tilespmem:v5+s4+$0x0], $0xffff  }
0x15a: {  	v14 =	vld.idx.msk [tilespmem:v1+s4+$0x0], $0xffff;
	[tilespmem:s14+$0xFFFFFF80] =	vst v8  }
0x15b: {  	[tilespmem:s14+$0xFFFFFE90] =	vst v9;
	v7 =	vld.idx.msk [tilespmem:v7+s6+$0x0], $0xffff  }
0x15c: {  	v8 =	vld.idx.msk [tilespmem:v6+s5+$0x0], $0xffff;
	[tilespmem:s14+$0xFFFFFEB0] =	vst v10  }
0x15d: {  	v9 =	vld.idx.msk [tilespmem:v0+s5+$0x0], $0xffff;
	[tilespmem:s14+$0xFFFFFEC0] =	vst v11  }
0x15e: {  	v10 =	vld.idx.msk [tilespmem:v2+s5+$0x0], $0xffff;
	[tilespmem:s14+$0xFFFFFED0] =	vst v12  }
0x15f: {  	v11 =	vld.idx.msk [tilespmem:v3+s5+$0x0], $0xffff;
	[tilespmem:s14+$0xFFFFFEE0] =	vst v13  }
0x160: {  	v12 =	vld.idx.msk [tilespmem:v4+s5+$0x0], $0xffff;
	[tilespmem:s14+$0xFFFFFEF0] =	vst v14  }
0x161: {  	v13 =	vld.idx.msk [tilespmem:v5+s5+$0x0], $0xffff;
	[tilespmem:s14+$0x0] =	vst v7  }
0x162: {  	[tilespmem:s14+$0xFFFFFF10] =	vst v8;
	v7 =	vld.idx.msk [tilespmem:v1+s5+$0x0], $0xffff  }
0x163: {  	v6 =	vld.idx.msk [tilespmem:v6+s6+$0x0], $0xffff;
	[tilespmem:s14+$0xFFFFFF20] =	vst v9  }
0x164: {  	v0 =	vld.idx.msk [tilespmem:v0+s6+$0x0], $0xffff;
	[tilespmem:s14+$0xFFFFFF30] =	vst v10  }
.Ltmp3:
0x165: {  	v2 =	vld.idx.msk [tilespmem:v2+s6+$0x0], $0xffff;
	[tilespmem:s14+$0xFFFFFF40] =	vst v11;
	(pc) =	sbr.rel @p1 .LBB2_4-.Ltmp3, $4  }
0x166: {  	v3 =	vld.idx.msk [tilespmem:v3+s6+$0x0], $0xffff;
	[tilespmem:s14+$0xFFFFFF50] =	vst v12  }
0x167: {  	v4 =	vld.idx.msk [tilespmem:v4+s6+$0x0], $0xffff;
	[tilespmem:s14+$0xFFFFFF60] =	vst v13  }
0x168: {  	v5 =	vld.idx.msk [tilespmem:v5+s6+$0x0], $0xffff;
	[tilespmem:s14+$0xFFFFFF70] =	vst v7  }
0x169: {  	s30 =	sadd.s32 $0x80, s30;
	[tilespmem:s14+$0xFFFFFF90] =	vst v6;
	v1 =	vld.idx.msk [tilespmem:v1+s6+$0x0], $0xffff  }
0x16a: {  	[tilespmem:s14+$0xFFFFFFA0] =	vst v0  }
0x16b: {  	[tilespmem:s14+$0xFFFFFFB0] =	vst v2  }
0x16c: {  	[tilespmem:s14+$0xFFFFFFC0] =	vst v3  }
0x16d: {  	[tilespmem:s14+$0xFFFFFFD0] =	vst v4  }
0x16e: {  	[tilespmem:s14+$0xFFFFFFE0] =	vst v5  }
0x16f: {  	[tilespmem:s14+$0xFFFFFFF0] =	vst v1  }
0x170: {  	s30 =	simm.s32 $0x16500;
	s14 =	simm.s32 $0x0;
	s15 =	rddreg [dreg:$0x9]  }
0x171: {  	[hbm4b:s15+s14] =	stream.linear.scatter [tilespmem:s30], [sflag:$0x2], $0x2000, $0x38;
	[tilespmem:$0x18500] =	vst v63  }
0x172: {  	s15 =	simm.s32 $0x1  }
0x173: {  	_ =	swait.ge [sflag:s15], $0x2000  }
0x174: {  	[sflag:s15] =	ssyncset.done $0x0  }
0x175: {  	[sflag:s15] =	ssyncadd.s32 $0xFFFFE000;
	s15 =	simm.s32 $0x40  }
0x176: {  	v0 =	vld [tilespmem:s15+$0x30]  }
0x177: {  	v1 =	vld [tilespmem:s15+$0xFFFFFFD0]  }
0x178: {  	v2 =	vld [tilespmem:s15+$0xFFFFFFE0]  }
0x179: {  	v3 =	vld [tilespmem:s15+$0xFFFFFFF0]  }
0x17a: {  	v4 =	vld [tilespmem:s15+$0x0]  }
0x17b: {  	v5 =	vld [tilespmem:s15+$0x10]  }
0x17c: {  	v6 =	vld [tilespmem:s15+$0x20]  }
0x17d: {  	v7 =	vld [tilespmem:s15+$0xFFFFFFC0]  }
0x17e: {  	v8 =	vld.idx.msk [tilespmem:v0+s2+$0x0], $0xffff  }
0x17f: {  	v9 =	vld.idx.msk [tilespmem:v1+s2+$0x0], $0xffff  }
0x180: {  	v10 =	vld.idx.msk [tilespmem:v2+s2+$0x0], $0xffff  }
0x181: {  	v11 =	vld.idx.msk [tilespmem:v3+s2+$0x0], $0xffff  }
0x182: {  	v12 =	vld.idx.msk [tilespmem:v4+s2+$0x0], $0xffff  }
0x183: {  	s14 =	simm.s32 $0x14700;
	v13 =	vld.idx.msk [tilespmem:v5+s2+$0x0], $0xffff  }
0x184: {  	v14 =	vld.idx.msk [tilespmem:v6+s2+$0x0], $0xffff;
	[tilespmem:s14+$0xFFFFFE70] =	vst v8  }
0x185: {  	v30 =	vld.idx.msk [tilespmem:v7+s2+$0x0], $0xffff;
	[tilespmem:s14+$0xFFFFFE10] =	vst v9  }
0x186: {  	[tilespmem:s14+$0xFFFFFE20] =	vst v10;
	v8 =	vld.idx.msk [tilespmem:v0+s9+$0x0], $0xffff  }
0x187: {  	[tilespmem:s14+$0xFFFFFE30] =	vst v11;
	v31 =	vld.idx.msk [tilespmem:v1+s9+$0x0], $0xffff  }
0x188: {  	[tilespmem:s14+$0xFFFFFE40] =	vst v12;
	v32 =	vld.idx.msk [tilespmem:v2+s9+$0x0], $0xffff  }
0x189: {  	[tilespmem:s14+$0xFFFFFE50] =	vst v13;
	v33 =	vld.idx.msk [tilespmem:v3+s9+$0x0], $0xffff  }
0x18a: {  	[tilespmem:s14+$0xFFFFFE60] =	vst v14;
	v34 =	vld.idx.msk [tilespmem:v4+s9+$0x0], $0xffff  }
0x18b: {  	[tilespmem:s14+$0xFFFFFE00] =	vst v30;
	v35 =	vld.idx.msk [tilespmem:v5+s9+$0x0], $0xffff  }
0x18c: {  	v9 =	vld.idx.msk [tilespmem:v7+s9+$0x0], $0xffff;
	[tilespmem:s14+$0xFFFFFEF0] =	vst v8  }
0x18d: {  	v36 =	vld.idx.msk [tilespmem:v6+s9+$0x0], $0xffff;
	[tilespmem:s14+$0xFFFFFE90] =	vst v31  }
0x18e: {  	[tilespmem:s14+$0xFFFFFEA0] =	vst v32;
	v8 =	vld.idx.msk [tilespmem:v0+s10+$0x0], $0xffff  }
0x18f: {  	[tilespmem:s14+$0xFFFFFEB0] =	vst v33;
	v37 =	vld.idx.msk [tilespmem:v1+s10+$0x0], $0xffff  }
0x190: {  	[tilespmem:s14+$0xFFFFFEC0] =	vst v34;
	v38 =	vld.idx.msk [tilespmem:v2+s10+$0x0], $0xffff  }
0x191: {  	[tilespmem:s14+$0xFFFFFED0] =	vst v35;
	v39 =	vld.idx.msk [tilespmem:v3+s10+$0x0], $0xffff  }
0x192: {  	[tilespmem:s14+$0xFFFFFE80] =	vst v9;
	v40 =	vld.idx.msk [tilespmem:v4+s10+$0x0], $0xffff  }
0x193: {  	[tilespmem:s14+$0xFFFFFEE0] =	vst v36;
	v9 =	vld.idx.msk [tilespmem:v7+s10+$0x0], $0xffff  }
0x194: {  	v41 =	vld.idx.msk [tilespmem:v5+s10+$0x0], $0xffff;
	[tilespmem:s14+$0xFFFFFF70] =	vst v8  }
0x195: {  	v42 =	vld.idx.msk [tilespmem:v6+s10+$0x0], $0xffff;
	[tilespmem:s14+$0xFFFFFF10] =	vst v37  }
0x196: {  	[tilespmem:s14+$0xFFFFFF20] =	vst v38;
	v8 =	vld.idx.msk [tilespmem:v0+s11+$0x0], $0xffff  }
0x197: {  	[tilespmem:s14+$0xFFFFFF30] =	vst v39;
	v43 =	vld.idx.msk [tilespmem:v1+s11+$0x0], $0xffff  }
0x198: {  	[tilespmem:s14+$0xFFFFFF40] =	vst v40;
	v44 =	vld.idx.msk [tilespmem:v2+s11+$0x0], $0xffff  }
0x199: {  	[tilespmem:s14+$0xFFFFFF00] =	vst v9;
	v45 =	vld.idx.msk [tilespmem:v3+s11+$0x0], $0xffff  }
0x19a: {  	[tilespmem:s14+$0xFFFFFF50] =	vst v41;
	v9 =	vld.idx.msk [tilespmem:v7+s11+$0x0], $0xffff  }
0x19b: {  	[tilespmem:s14+$0xFFFFFF60] =	vst v42;
	v46 =	vld.idx.msk [tilespmem:v4+s11+$0x0], $0xffff  }
0x19c: {  	v47 =	vld.idx.msk [tilespmem:v5+s11+$0x0], $0xffff;
	[tilespmem:s14+$0xFFFFFFF0] =	vst v8  }
0x19d: {  	v48 =	vld.idx.msk [tilespmem:v6+s11+$0x0], $0xffff;
	[tilespmem:s14+$0xFFFFFF90] =	vst v43  }
0x19e: {  	[tilespmem:s14+$0xFFFFFFA0] =	vst v44;
	v8 =	vld.idx.msk [tilespmem:v0+s17+$0x0], $0xffff  }
0x19f: {  	[tilespmem:s14+$0xFFFFFFB0] =	vst v45;
	v49 =	vld.idx.msk [tilespmem:v1+s17+$0x0], $0xffff  }
0x1a0: {  	[tilespmem:s14+$0xFFFFFF80] =	vst v9;
	v50 =	vld.idx.msk [tilespmem:v2+s17+$0x0], $0xffff  }
0x1a1: {  	[tilespmem:s14+$0xFFFFFFC0] =	vst v46;
	v9 =	vld.idx.msk [tilespmem:v7+s17+$0x0], $0xffff  }
0x1a2: {  	[tilespmem:s14+$0xFFFFFFD0] =	vst v47;
	v51 =	vld.idx.msk [tilespmem:v3+s17+$0x0], $0xffff  }
0x1a3: {  	[tilespmem:s14+$0xFFFFFFE0] =	vst v48;
	v52 =	vld.idx.msk [tilespmem:v4+s17+$0x0], $0xffff  }
0x1a4: {  	v53 =	vld.idx.msk [tilespmem:v5+s17+$0x0], $0xffff;
	[tilespmem:s14+$0x70] =	vst v8  }
0x1a5: {  	v54 =	vld.idx.msk [tilespmem:v6+s17+$0x0], $0xffff;
	[tilespmem:s14+$0x10] =	vst v49  }
0x1a6: {  	[tilespmem:s14+$0x20] =	vst v50;
	v8 =	vld.idx.msk [tilespmem:v0+s18+$0x0], $0xffff  }
0x1a7: {  	[tilespmem:s14+$0x0] =	vst v9;
	v55 =	vld.idx.msk [tilespmem:v1+s18+$0x0], $0xffff  }
0x1a8: {  	[tilespmem:s14+$0x30] =	vst v51;
	v9 =	vld.idx.msk [tilespmem:v7+s18+$0x0], $0xffff  }
0x1a9: {  	[tilespmem:s14+$0x40] =	vst v52;
	v56 =	vld.idx.msk [tilespmem:v2+s18+$0x0], $0xffff  }
0x1aa: {  	[tilespmem:s14+$0x50] =	vst v53;
	v57 =	vld.idx.msk [tilespmem:v3+s18+$0x0], $0xffff  }
0x1ab: {  	[tilespmem:s14+$0x60] =	vst v54;
	v58 =	vld.idx.msk [tilespmem:v4+s18+$0x0], $0xffff  }
0x1ac: {  	v59 =	vld.idx.msk [tilespmem:v5+s18+$0x0], $0xffff;
	[tilespmem:s14+$0xF0] =	vst v8  }
0x1ad: {  	v60 =	vld.idx.msk [tilespmem:v6+s18+$0x0], $0xffff;
	[tilespmem:s14+$0x90] =	vst v55  }
0x1ae: {  	[tilespmem:s14+$0x80] =	vst v9;
	v8 =	vld.idx.msk [tilespmem:v0+s16+$0x0], $0xffff  }
0x1af: {  	[tilespmem:s14+$0xA0] =	vst v56;
	v61 =	vld.idx.msk [tilespmem:v7+s16+$0x0], $0xffff  }
0x1b0: {  	[tilespmem:s14+$0xB0] =	vst v57;
	v62 =	vld.idx.msk [tilespmem:v1+s16+$0x0], $0xffff  }
0x1b1: {  	[tilespmem:s14+$0xC0] =	vst v58;
	v10 =	vld.idx.msk [tilespmem:v2+s16+$0x0], $0xffff  }
0x1b2: {  	[tilespmem:s14+$0xD0] =	vst v59;
	v11 =	vld.idx.msk [tilespmem:v3+s16+$0x0], $0xffff  }
0x1b3: {  	v12 =	vld.idx.msk [tilespmem:v4+s16+$0x0], $0xffff;
	[tilespmem:s14+$0x170] =	vst v8  }
0x1b4: {  	[tilespmem:s14+$0xE0] =	vst v60;
	v0 =	vld.idx.msk [tilespmem:v0+s7+$0x0], $0xffff  }
0x1b5: {  	v13 =	vld.idx.msk [tilespmem:v5+s16+$0x0], $0xffff;
	[tilespmem:s14+$0x100] =	vst v61  }
0x1b6: {  	v63 =	vld.idx.msk [tilespmem:v6+s16+$0x0], $0xffff;
	[tilespmem:s14+$0x110] =	vst v62  }
0x1b7: {  	[tilespmem:s14+$0x120] =	vst v10;
	v7 =	vld.idx.msk [tilespmem:v7+s7+$0x0], $0xffff  }
0x1b8: {  	[tilespmem:s14+$0x130] =	vst v11;
	v2 =	vld.idx.msk [tilespmem:v2+s7+$0x0], $0xffff  }
0x1b9: {  	[tilespmem:s14+$0x1F0] =	vst v0;
	v0 =	vld.idx.msk [tilespmem:v1+s7+$0x0], $0xffff  }
0x1ba: {  	[tilespmem:s14+$0x140] =	vst v12;
	v3 =	vld.idx.msk [tilespmem:v3+s7+$0x0], $0xffff  }
0x1bb: {  	[tilespmem:s14+$0x150] =	vst v13;
	v4 =	vld.idx.msk [tilespmem:v4+s7+$0x0], $0xffff  }
0x1bc: {  	[tilespmem:s14+$0x160] =	vst v63;
	v5 =	vld.idx.msk [tilespmem:v5+s7+$0x0], $0xffff  }
0x1bd: {  	s30 =	simm.s32 $0xC0;
	s15 =	simm.s32 $0x0;
	[tilespmem:s14+$0x180] =	vst v7;
	v1 =	vld.idx.msk [tilespmem:v6+s7+$0x0], $0xffff  }
.LBB2_6:
0x1be: {  	v7 =	vld [tilespmem:s30+$0x30];
	s15 =	sadd.s32 $0x8, s15;
	[tilespmem:s14+$0x190] =	vst v0  }
0x1bf: {  	v0 =	vld [tilespmem:s30+$0xFFFFFFD0];
	p1 =	slt.u32 s15, $0x38;
	[tilespmem:s14+$0x1A0] =	vst v2  }
0x1c0: {  	v2 =	vld [tilespmem:s30+$0xFFFFFFE0];
	[tilespmem:s14+$0x1B0] =	vst v3  }
0x1c1: {  	v3 =	vld [tilespmem:s30+$0xFFFFFFF0];
	[tilespmem:s14+$0x1C0] =	vst v4  }
0x1c2: {  	v4 =	vld [tilespmem:s30+$0x0];
	[tilespmem:s14+$0x1D0] =	vst v5  }
0x1c3: {  	v5 =	vld [tilespmem:s30+$0x10];
	[tilespmem:s14+$0x1E0] =	vst v1  }
0x1c4: {  	v1 =	vld [tilespmem:s30+$0x20]  }
0x1c5: {  	v6 =	vld [tilespmem:s30+$0xFFFFFFC0]  }
0x1c6: {  	v8 =	vld.idx.msk [tilespmem:v7+s2+$0x0], $0xffff  }
0x1c7: {  	v9 =	vld.idx.msk [tilespmem:v0+s2+$0x0], $0xffff  }
0x1c8: {  	v10 =	vld.idx.msk [tilespmem:v2+s2+$0x0], $0xffff  }
0x1c9: {  	v11 =	vld.idx.msk [tilespmem:v3+s2+$0x0], $0xffff  }
0x1ca: {  	v12 =	vld.idx.msk [tilespmem:v4+s2+$0x0], $0xffff  }
0x1cb: {  	s14 =	sadd.s32 $0x400, s14;
	v13 =	vld.idx.msk [tilespmem:v5+s2+$0x0], $0xffff  }
0x1cc: {  	v14 =	vld.idx.msk [tilespmem:v1+s2+$0x0], $0xffff;
	[tilespmem:s14+$0xFFFFFE70] =	vst v8  }
0x1cd: {  	[tilespmem:s14+$0xFFFFFE10] =	vst v9;
	v8 =	vld.idx.msk [tilespmem:v7+s9+$0x0], $0xffff  }
0x1ce: {  	v9 =	vld.idx.msk [tilespmem:v6+s2+$0x0], $0xffff;
	[tilespmem:s14+$0xFFFFFE20] =	vst v10  }
0x1cf: {  	v10 =	vld.idx.msk [tilespmem:v0+s9+$0x0], $0xffff;
	[tilespmem:s14+$0xFFFFFE30] =	vst v11  }
0x1d0: {  	v11 =	vld.idx.msk [tilespmem:v2+s9+$0x0], $0xffff;
	[tilespmem:s14+$0xFFFFFE40] =	vst v12  }
0x1d1: {  	v12 =	vld.idx.msk [tilespmem:v3+s9+$0x0], $0xffff;
	[tilespmem:s14+$0xFFFFFE50] =	vst v13  }
0x1d2: {  	v13 =	vld.idx.msk [tilespmem:v4+s9+$0x0], $0xffff;
	[tilespmem:s14+$0xFFFFFE60] =	vst v14  }
0x1d3: {  	v14 =	vld.idx.msk [tilespmem:v5+s9+$0x0], $0xffff;
	[tilespmem:s14+$0xFFFFFEF0] =	vst v8  }
0x1d4: {  	[tilespmem:s14+$0xFFFFFE00] =	vst v9;
	v8 =	vld.idx.msk [tilespmem:v7+s10+$0x0], $0xffff  }
0x1d5: {  	v9 =	vld.idx.msk [tilespmem:v6+s9+$0x0], $0xffff;
	[tilespmem:s14+$0xFFFFFE90] =	vst v10  }
0x1d6: {  	[tilespmem:s14+$0xFFFFFEA0] =	vst v11;
	v10 =	vld.idx.msk [tilespmem:v1+s9+$0x0], $0xffff  }
0x1d7: {  	v11 =	vld.idx.msk [tilespmem:v0+s10+$0x0], $0xffff;
	[tilespmem:s14+$0xFFFFFEB0] =	vst v12  }
0x1d8: {  	v12 =	vld.idx.msk [tilespmem:v2+s10+$0x0], $0xffff;
	[tilespmem:s14+$0xFFFFFEC0] =	vst v13  }
0x1d9: {  	v13 =	vld.idx.msk [tilespmem:v3+s10+$0x0], $0xffff;
	[tilespmem:s14+$0xFFFFFED0] =	vst v14  }
0x1da: {  	v14 =	vld.idx.msk [tilespmem:v4+s10+$0x0], $0xffff;
	[tilespmem:s14+$0xFFFFFF70] =	vst v8  }
0x1db: {  	[tilespmem:s14+$0xFFFFFE80] =	vst v9;
	v8 =	vld.idx.msk [tilespmem:v7+s11+$0x0], $0xffff  }
0x1dc: {  	v9 =	vld.idx.msk [tilespmem:v6+s10+$0x0], $0xffff;
	[tilespmem:s14+$0xFFFFFEE0] =	vst v10  }
0x1dd: {  	[tilespmem:s14+$0xFFFFFF10] =	vst v11;
	v10 =	vld.idx.msk [tilespmem:v5+s10+$0x0], $0xffff  }
0x1de: {  	[tilespmem:s14+$0xFFFFFF20] =	vst v12;
	v11 =	vld.idx.msk [tilespmem:v1+s10+$0x0], $0xffff  }
0x1df: {  	v12 =	vld.idx.msk [tilespmem:v0+s11+$0x0], $0xffff;
	[tilespmem:s14+$0xFFFFFF30] =	vst v13  }
0x1e0: {  	v13 =	vld.idx.msk [tilespmem:v2+s11+$0x0], $0xffff;
	[tilespmem:s14+$0xFFFFFF40] =	vst v14  }
0x1e1: {  	v14 =	vld.idx.msk [tilespmem:v3+s11+$0x0], $0xffff;
	[tilespmem:s14+$0xFFFFFFF0] =	vst v8  }
0x1e2: {  	[tilespmem:s14+$0xFFFFFF00] =	vst v9;
	v8 =	vld.idx.msk [tilespmem:v7+s17+$0x0], $0xffff  }
0x1e3: {  	v9 =	vld.idx.msk [tilespmem:v6+s11+$0x0], $0xffff;
	[tilespmem:s14+$0xFFFFFF50] =	vst v10  }
0x1e4: {  	v10 =	vld.idx.msk [tilespmem:v4+s11+$0x0], $0xffff;
	[tilespmem:s14+$0xFFFFFF60] =	vst v11  }
0x1e5: {  	[tilespmem:s14+$0xFFFFFF90] =	vst v12;
	v11 =	vld.idx.msk [tilespmem:v5+s11+$0x0], $0xffff  }
0x1e6: {  	[tilespmem:s14+$0xFFFFFFA0] =	vst v13;
	v12 =	vld.idx.msk [tilespmem:v1+s11+$0x0], $0xffff  }
0x1e7: {  	v13 =	vld.idx.msk [tilespmem:v0+s17+$0x0], $0xffff;
	[tilespmem:s14+$0xFFFFFFB0] =	vst v14  }
0x1e8: {  	v14 =	vld.idx.msk [tilespmem:v2+s17+$0x0], $0xffff;
	[tilespmem:s14+$0x70] =	vst v8  }
0x1e9: {  	[tilespmem:s14+$0xFFFFFF80] =	vst v9;
	v8 =	vld.idx.msk [tilespmem:v7+s18+$0x0], $0xffff  }
0x1ea: {  	v9 =	vld.idx.msk [tilespmem:v6+s17+$0x0], $0xffff;
	[tilespmem:s14+$0xFFFFFFC0] =	vst v10  }
0x1eb: {  	v10 =	vld.idx.msk [tilespmem:v3+s17+$0x0], $0xffff;
	[tilespmem:s14+$0xFFFFFFD0] =	vst v11  }
0x1ec: {  	v11 =	vld.idx.msk [tilespmem:v4+s17+$0x0], $0xffff;
	[tilespmem:s14+$0xFFFFFFE0] =	vst v12  }
0x1ed: {  	[tilespmem:s14+$0x10] =	vst v13;
	v12 =	vld.idx.msk [tilespmem:v5+s17+$0x0], $0xffff  }
0x1ee: {  	[tilespmem:s14+$0x20] =	vst v14;
	v13 =	vld.idx.msk [tilespmem:v1+s17+$0x0], $0xffff  }
0x1ef: {  	v14 =	vld.idx.msk [tilespmem:v0+s18+$0x0], $0xffff;
	[tilespmem:s14+$0xF0] =	vst v8  }
0x1f0: {  	[tilespmem:s14+$0x0] =	vst v9;
	v8 =	vld.idx.msk [tilespmem:v7+s16+$0x0], $0xffff  }
0x1f1: {  	v9 =	vld.idx.msk [tilespmem:v6+s18+$0x0], $0xffff;
	[tilespmem:s14+$0x30] =	vst v10  }
0x1f2: {  	v10 =	vld.idx.msk [tilespmem:v2+s18+$0x0], $0xffff;
	[tilespmem:s14+$0x40] =	vst v11  }
0x1f3: {  	v11 =	vld.idx.msk [tilespmem:v3+s18+$0x0], $0xffff;
	[tilespmem:s14+$0x50] =	vst v12  }
0x1f4: {  	v12 =	vld.idx.msk [tilespmem:v4+s18+$0x0], $0xffff;
	[tilespmem:s14+$0x60] =	vst v13  }
0x1f5: {  	[tilespmem:s14+$0x90] =	vst v14;
	v13 =	vld.idx.msk [tilespmem:v5+s18+$0x0], $0xffff  }
0x1f6: {  	v14 =	vld.idx.msk [tilespmem:v1+s18+$0x0], $0xffff;
	[tilespmem:s14+$0x170] =	vst v8  }
0x1f7: {  	[tilespmem:s14+$0x80] =	vst v9;
	v7 =	vld.idx.msk [tilespmem:v7+s7+$0x0], $0xffff  }
0x1f8: {  	v8 =	vld.idx.msk [tilespmem:v6+s16+$0x0], $0xffff;
	[tilespmem:s14+$0xA0] =	vst v10  }
0x1f9: {  	v9 =	vld.idx.msk [tilespmem:v0+s16+$0x0], $0xffff;
	[tilespmem:s14+$0xB0] =	vst v11  }
0x1fa: {  	v10 =	vld.idx.msk [tilespmem:v2+s16+$0x0], $0xffff;
	[tilespmem:s14+$0xC0] =	vst v12  }
0x1fb: {  	v11 =	vld.idx.msk [tilespmem:v3+s16+$0x0], $0xffff;
	[tilespmem:s14+$0xD0] =	vst v13  }
0x1fc: {  	v12 =	vld.idx.msk [tilespmem:v4+s16+$0x0], $0xffff;
	[tilespmem:s14+$0xE0] =	vst v14  }
0x1fd: {  	v13 =	vld.idx.msk [tilespmem:v5+s16+$0x0], $0xffff;
	[tilespmem:s14+$0x1F0] =	vst v7  }
0x1fe: {  	[tilespmem:s14+$0x100] =	vst v8;
	v7 =	vld.idx.msk [tilespmem:v1+s16+$0x0], $0xffff  }
0x1ff: {  	v6 =	vld.idx.msk [tilespmem:v6+s7+$0x0], $0xffff;
	[tilespmem:s14+$0x110] =	vst v9  }
0x200: {  	v0 =	vld.idx.msk [tilespmem:v0+s7+$0x0], $0xffff;
	[tilespmem:s14+$0x120] =	vst v10  }
.Ltmp4:
0x201: {  	v2 =	vld.idx.msk [tilespmem:v2+s7+$0x0], $0xffff;
	[tilespmem:s14+$0x130] =	vst v11;
	(pc) =	sbr.rel @p1 .LBB2_6-.Ltmp4, $4  }
0x202: {  	v3 =	vld.idx.msk [tilespmem:v3+s7+$0x0], $0xffff;
	[tilespmem:s14+$0x140] =	vst v12  }
0x203: {  	v4 =	vld.idx.msk [tilespmem:v4+s7+$0x0], $0xffff;
	[tilespmem:s14+$0x150] =	vst v13  }
0x204: {  	v5 =	vld.idx.msk [tilespmem:v5+s7+$0x0], $0xffff;
	[tilespmem:s14+$0x160] =	vst v7  }
0x205: {  	s30 =	sadd.s32 $0x80, s30;
	[tilespmem:s14+$0x180] =	vst v6;
	v1 =	vld.idx.msk [tilespmem:v1+s7+$0x0], $0xffff  }
0x206: {  	[tilespmem:s14+$0x190] =	vst v0  }
0x207: {  	[tilespmem:s14+$0x1A0] =	vst v2  }
0x208: {  	[tilespmem:s14+$0x1B0] =	vst v3  }
.Ltmp5:
0x209: {  	[tilespmem:s14+$0x1C0] =	vst v4;
	(pc) =	sbr.rel @p0 .LBB2_11-.Ltmp5, $4  }
0x20a: {  	[tilespmem:s14+$0x1D0] =	vst v5  }
0x20b: {  	[tilespmem:s14+$0x1E0] =	vst v1  }
0x20c: {  	s30 =	simm.s32 $0x14500;
	s14 =	simm.s32 $0x0;
	s15 =	rddreg [dreg:$0xa]  }
0x20d: {  	[hbm4b:s15+s14] =	stream.linear.scatter [tilespmem:s30], [sflag:$0x1], $0x2000, $0x38;
	[tilespmem:$0x18500] =	vst v63  }
0x20e: {  	s14 =	simm.s32 $0x2  }
0x20f: {  	_ =	swait.ge [sflag:s14], $0x2000  }
0x210: {  	[sflag:s14] =	ssyncset.done $0x0  }
0x211: {  	s15 =	simm.s32 $0x40;
	[sflag:s14] =	ssyncadd.s32 $0xFFFFE000  }
0x212: {  	v0 =	vld [tilespmem:s15+$0x30]  }
0x213: {  	v1 =	vld [tilespmem:s15+$0xFFFFFFD0]  }
0x214: {  	v2 =	vld [tilespmem:s15+$0xFFFFFFE0]  }
0x215: {  	v3 =	vld [tilespmem:s15+$0xFFFFFFF0]  }
0x216: {  	v4 =	vld [tilespmem:s15+$0x0]  }
0x217: {  	v5 =	vld [tilespmem:s15+$0x10]  }
0x218: {  	v6 =	vld [tilespmem:s15+$0x20]  }
0x219: {  	s2 =	simm.s32 $0x125C0;
	v7 =	vld [tilespmem:s15+$0xFFFFFFC0]  }
0x21a: {  	v8 =	vld.idx.msk [tilespmem:v0+s2+$0x0], $0xffff  }
0x21b: {  	v9 =	vld.idx.msk [tilespmem:v1+s2+$0x0], $0xffff  }
0x21c: {  	v10 =	vld.idx.msk [tilespmem:v2+s2+$0x0], $0xffff  }
0x21d: {  	v11 =	vld.idx.msk [tilespmem:v3+s2+$0x0], $0xffff  }
0x21e: {  	v12 =	vld.idx.msk [tilespmem:v4+s2+$0x0], $0xffff  }
0x21f: {  	s14 =	simm.s32 $0x168F0;
	v13 =	vld.idx.msk [tilespmem:v5+s2+$0x0], $0xffff  }
0x220: {  	v14 =	vld.idx.msk [tilespmem:v6+s2+$0x0], $0xffff;
	[tilespmem:s14+$0xFFFFFC80] =	vst v8  }
0x221: {  	v30 =	vld.idx.msk [tilespmem:v7+s2+$0x0], $0xffff;
	[tilespmem:s14+$0xFFFFFC20] =	vst v9  }
0x222: {  	[tilespmem:s14+$0xFFFFFC30] =	vst v10;
	v8 =	vld.idx.msk [tilespmem:v0+s22+$0x0], $0xffff  }
0x223: {  	[tilespmem:s14+$0xFFFFFC40] =	vst v11;
	v31 =	vld.idx.msk [tilespmem:v1+s22+$0x0], $0xffff  }
0x224: {  	[tilespmem:s14+$0xFFFFFC50] =	vst v12;
	v32 =	vld.idx.msk [tilespmem:v2+s22+$0x0], $0xffff  }
0x225: {  	[tilespmem:s14+$0xFFFFFC60] =	vst v13;
	v33 =	vld.idx.msk [tilespmem:v3+s22+$0x0], $0xffff  }
0x226: {  	[tilespmem:s14+$0xFFFFFC70] =	vst v14;
	v34 =	vld.idx.msk [tilespmem:v4+s22+$0x0], $0xffff  }
0x227: {  	[tilespmem:s14+$0xFFFFFC10] =	vst v30;
	v35 =	vld.idx.msk [tilespmem:v5+s22+$0x0], $0xffff  }
0x228: {  	v9 =	vld.idx.msk [tilespmem:v7+s22+$0x0], $0xffff;
	[tilespmem:s14+$0xFFFFFD00] =	vst v8  }
0x229: {  	v36 =	vld.idx.msk [tilespmem:v6+s22+$0x0], $0xffff;
	[tilespmem:s14+$0xFFFFFCA0] =	vst v31  }
0x22a: {  	[tilespmem:s14+$0xFFFFFCB0] =	vst v32;
	v8 =	vld.idx.msk [tilespmem:v0+s3+$0x0], $0xffff  }
0x22b: {  	[tilespmem:s14+$0xFFFFFCC0] =	vst v33;
	v37 =	vld.idx.msk [tilespmem:v1+s3+$0x0], $0xffff  }
0x22c: {  	[tilespmem:s14+$0xFFFFFCD0] =	vst v34;
	v38 =	vld.idx.msk [tilespmem:v2+s3+$0x0], $0xffff  }
0x22d: {  	[tilespmem:s14+$0xFFFFFCE0] =	vst v35;
	v39 =	vld.idx.msk [tilespmem:v3+s3+$0x0], $0xffff  }
0x22e: {  	[tilespmem:s14+$0xFFFFFC90] =	vst v9;
	v40 =	vld.idx.msk [tilespmem:v4+s3+$0x0], $0xffff  }
0x22f: {  	[tilespmem:s14+$0xFFFFFCF0] =	vst v36;
	v9 =	vld.idx.msk [tilespmem:v7+s3+$0x0], $0xffff  }
0x230: {  	v41 =	vld.idx.msk [tilespmem:v5+s3+$0x0], $0xffff;
	[tilespmem:s14+$0xFFFFFD80] =	vst v8  }
0x231: {  	v42 =	vld.idx.msk [tilespmem:v6+s3+$0x0], $0xffff;
	[tilespmem:s14+$0xFFFFFD20] =	vst v37  }
0x232: {  	[tilespmem:s14+$0xFFFFFD30] =	vst v38;
	v8 =	vld.idx.msk [tilespmem:v0+s8+$0x0], $0xffff  }
0x233: {  	[tilespmem:s14+$0xFFFFFD40] =	vst v39;
	v43 =	vld.idx.msk [tilespmem:v1+s8+$0x0], $0xffff  }
0x234: {  	[tilespmem:s14+$0xFFFFFD50] =	vst v40;
	v44 =	vld.idx.msk [tilespmem:v2+s8+$0x0], $0xffff  }
0x235: {  	[tilespmem:s14+$0xFFFFFD10] =	vst v9;
	v45 =	vld.idx.msk [tilespmem:v3+s8+$0x0], $0xffff  }
0x236: {  	[tilespmem:s14+$0xFFFFFD60] =	vst v41;
	v9 =	vld.idx.msk [tilespmem:v7+s8+$0x0], $0xffff  }
0x237: {  	[tilespmem:s14+$0xFFFFFD70] =	vst v42;
	v46 =	vld.idx.msk [tilespmem:v4+s8+$0x0], $0xffff  }
0x238: {  	v47 =	vld.idx.msk [tilespmem:v5+s8+$0x0], $0xffff;
	[tilespmem:s14+$0xFFFFFE00] =	vst v8  }
0x239: {  	v48 =	vld.idx.msk [tilespmem:v6+s8+$0x0], $0xffff;
	[tilespmem:s14+$0xFFFFFDA0] =	vst v43  }
0x23a: {  	[tilespmem:s14+$0xFFFFFDB0] =	vst v44;
	v8 =	vld.idx.msk [tilespmem:v0+s13+$0x0], $0xffff  }
0x23b: {  	[tilespmem:s14+$0xFFFFFDC0] =	vst v45;
	v49 =	vld.idx.msk [tilespmem:v1+s13+$0x0], $0xffff  }
0x23c: {  	s3 =	simm.s32 $0x13560;
	[tilespmem:s14+$0xFFFFFD90] =	vst v9;
	v50 =	vld.idx.msk [tilespmem:v2+s13+$0x0], $0xffff  }
0x23d: {  	[tilespmem:s14+$0xFFFFFDD0] =	vst v46;
	v9 =	vld.idx.msk [tilespmem:v7+s3+$0x0], $0xffff  }
0x23e: {  	[tilespmem:s14+$0xFFFFFDE0] =	vst v47;
	v51 =	vld.idx.msk [tilespmem:v3+s3+$0x0], $0xffff  }
0x23f: {  	[tilespmem:s14+$0xFFFFFDF0] =	vst v48;
	v52 =	vld.idx.msk [tilespmem:v4+s3+$0x0], $0xffff  }
0x240: {  	v53 =	vld.idx.msk [tilespmem:v5+s3+$0x0], $0xffff;
	[tilespmem:s14+$0xFFFFFE80] =	vst v8  }
0x241: {  	s2 =	simm.s32 $0x13948;
	v54 =	vld.idx.msk [tilespmem:v6+s3+$0x0], $0xffff;
	[tilespmem:s14+$0xFFFFFE20] =	vst v49  }
0x242: {  	[tilespmem:s14+$0xFFFFFE30] =	vst v50;
	v8 =	vld.idx.msk [tilespmem:v0+s2+$0x0], $0xffff  }
0x243: {  	[tilespmem:s14+$0xFFFFFE10] =	vst v9;
	v55 =	vld.idx.msk [tilespmem:v1+s2+$0x0], $0xffff  }
0x244: {  	[tilespmem:s14+$0xFFFFFE40] =	vst v51;
	v9 =	vld.idx.msk [tilespmem:v7+s2+$0x0], $0xffff  }
0x245: {  	[tilespmem:s14+$0xFFFFFE50] =	vst v52;
	v56 =	vld.idx.msk [tilespmem:v2+s2+$0x0], $0xffff  }
0x246: {  	[tilespmem:s14+$0xFFFFFE60] =	vst v53;
	v57 =	vld.idx.msk [tilespmem:v3+s2+$0x0], $0xffff  }
0x247: {  	[tilespmem:s14+$0xFFFFFE70] =	vst v54;
	v58 =	vld.idx.msk [tilespmem:v4+s2+$0x0], $0xffff  }
0x248: {  	v59 =	vld.idx.msk [tilespmem:v5+s2+$0x0], $0xffff;
	[tilespmem:s14+$0xFFFFFF00] =	vst v8  }
0x249: {  	s21 =	simm.s32 $0x13D30;
	v60 =	vld.idx.msk [tilespmem:v6+s2+$0x0], $0xffff;
	[tilespmem:s14+$0xFFFFFEA0] =	vst v55  }
0x24a: {  	[tilespmem:s14+$0xFFFFFE90] =	vst v9;
	v8 =	vld.idx.msk [tilespmem:v0+s21+$0x0], $0xffff  }
0x24b: {  	[tilespmem:s14+$0xFFFFFEB0] =	vst v56;
	v61 =	vld.idx.msk [tilespmem:v7+s21+$0x0], $0xffff  }
0x24c: {  	[tilespmem:s14+$0xFFFFFEC0] =	vst v57;
	v62 =	vld.idx.msk [tilespmem:v1+s21+$0x0], $0xffff  }
0x24d: {  	[tilespmem:s14+$0xFFFFFED0] =	vst v58;
	v10 =	vld.idx.msk [tilespmem:v2+s21+$0x0], $0xffff  }
0x24e: {  	[tilespmem:s14+$0xFFFFFEE0] =	vst v59;
	v11 =	vld.idx.msk [tilespmem:v3+s21+$0x0], $0xffff  }
0x24f: {  	s22 =	simm.s32 $0x14118;
	v12 =	vld.idx.msk [tilespmem:v4+s21+$0x0], $0xffff;
	[tilespmem:s14+$0xFFFFFF80] =	vst v8  }
0x250: {  	[tilespmem:s14+$0xFFFFFEF0] =	vst v60;
	v0 =	vld.idx.msk [tilespmem:v0+s22+$0x0], $0xffff  }
0x251: {  	v13 =	vld.idx.msk [tilespmem:v5+s21+$0x0], $0xffff;
	[tilespmem:s14+$0xFFFFFF10] =	vst v61  }
0x252: {  	v63 =	vld.idx.msk [tilespmem:v6+s21+$0x0], $0xffff;
	[tilespmem:s14+$0xFFFFFF20] =	vst v62  }
0x253: {  	[tilespmem:s14+$0xFFFFFF30] =	vst v10;
	v7 =	vld.idx.msk [tilespmem:v7+s22+$0x0], $0xffff  }
0x254: {  	[tilespmem:s14+$0xFFFFFF40] =	vst v11;
	v2 =	vld.idx.msk [tilespmem:v2+s22+$0x0], $0xffff  }
0x255: {  	[tilespmem:s14+$0x0] =	vst v0;
	v0 =	vld.idx.msk [tilespmem:v1+s22+$0x0], $0xffff  }
0x256: {  	[tilespmem:s14+$0xFFFFFF50] =	vst v12;
	v3 =	vld.idx.msk [tilespmem:v3+s22+$0x0], $0xffff  }
0x257: {  	[tilespmem:s14+$0xFFFFFF60] =	vst v13;
	v4 =	vld.idx.msk [tilespmem:v4+s22+$0x0], $0xffff  }
0x258: {  	[tilespmem:s14+$0xFFFFFF70] =	vst v63;
	v5 =	vld.idx.msk [tilespmem:v5+s22+$0x0], $0xffff  }
0x259: {  	s30 =	simm.s32 $0xC0;
	s15 =	simm.s32 $0x0;
	[tilespmem:s14+$0xFFFFFF90] =	vst v7;
	v1 =	vld.idx.msk [tilespmem:v6+s22+$0x0], $0xffff  }
.LBB2_9:
0x25a: {  	v7 =	vld [tilespmem:s30+$0x30];
	s15 =	sadd.s32 $0x8, s15;
	[tilespmem:s14+$0xFFFFFFA0] =	vst v0  }
0x25b: {  	v0 =	vld [tilespmem:s30+$0xFFFFFFD0];
	p1 =	slt.u32 s15, $0x38;
	[tilespmem:s14+$0xFFFFFFB0] =	vst v2  }
0x25c: {  	v2 =	vld [tilespmem:s30+$0xFFFFFFE0];
	[tilespmem:s14+$0xFFFFFFC0] =	vst v3  }
0x25d: {  	v3 =	vld [tilespmem:s30+$0xFFFFFFF0];
	[tilespmem:s14+$0xFFFFFFD0] =	vst v4  }
0x25e: {  	v4 =	vld [tilespmem:s30+$0x0];
	[tilespmem:s14+$0xFFFFFFE0] =	vst v5  }
0x25f: {  	v5 =	vld [tilespmem:s30+$0x10];
	[tilespmem:s14+$0xFFFFFFF0] =	vst v1  }
0x260: {  	v1 =	vld [tilespmem:s30+$0x20]  }
0x261: {  	s13 =	simm.s32 $0x125C0;
	v6 =	vld [tilespmem:s30+$0xFFFFFFC0]  }
0x262: {  	v8 =	vld.idx.msk [tilespmem:v7+s13+$0x0], $0xffff  }
0x263: {  	v9 =	vld.idx.msk [tilespmem:v0+s13+$0x0], $0xffff  }
0x264: {  	v10 =	vld.idx.msk [tilespmem:v2+s13+$0x0], $0xffff  }
0x265: {  	v11 =	vld.idx.msk [tilespmem:v3+s13+$0x0], $0xffff  }
0x266: {  	v12 =	vld.idx.msk [tilespmem:v4+s13+$0x0], $0xffff  }
0x267: {  	s14 =	sadd.s32 $0x400, s14;
	v13 =	vld.idx.msk [tilespmem:v5+s13+$0x0], $0xffff  }
0x268: {  	s8 =	simm.s32 $0x129A8;
	v14 =	vld.idx.msk [tilespmem:v1+s13+$0x0], $0xffff;
	[tilespmem:s14+$0xFFFFFC80] =	vst v8  }
0x269: {  	[tilespmem:s14+$0xFFFFFC20] =	vst v9;
	v8 =	vld.idx.msk [tilespmem:v7+s8+$0x0], $0xffff  }
0x26a: {  	v9 =	vld.idx.msk [tilespmem:v6+s13+$0x0], $0xffff;
	[tilespmem:s14+$0xFFFFFC30] =	vst v10  }
0x26b: {  	v10 =	vld.idx.msk [tilespmem:v0+s8+$0x0], $0xffff;
	[tilespmem:s14+$0xFFFFFC40] =	vst v11  }
0x26c: {  	v11 =	vld.idx.msk [tilespmem:v2+s8+$0x0], $0xffff;
	[tilespmem:s14+$0xFFFFFC50] =	vst v12  }
0x26d: {  	v12 =	vld.idx.msk [tilespmem:v3+s8+$0x0], $0xffff;
	[tilespmem:s14+$0xFFFFFC60] =	vst v13  }
0x26e: {  	v13 =	vld.idx.msk [tilespmem:v4+s8+$0x0], $0xffff;
	[tilespmem:s14+$0xFFFFFC70] =	vst v14  }
0x26f: {  	s21 =	simm.s32 $0x12D90;
	v14 =	vld.idx.msk [tilespmem:v5+s8+$0x0], $0xffff;
	[tilespmem:s14+$0xFFFFFD00] =	vst v8  }
0x270: {  	[tilespmem:s14+$0xFFFFFC10] =	vst v9;
	v8 =	vld.idx.msk [tilespmem:v7+s21+$0x0], $0xffff  }
0x271: {  	v9 =	vld.idx.msk [tilespmem:v6+s8+$0x0], $0xffff;
	[tilespmem:s14+$0xFFFFFCA0] =	vst v10  }
0x272: {  	[tilespmem:s14+$0xFFFFFCB0] =	vst v11;
	v10 =	vld.idx.msk [tilespmem:v1+s8+$0x0], $0xffff  }
0x273: {  	v11 =	vld.idx.msk [tilespmem:v0+s21+$0x0], $0xffff;
	[tilespmem:s14+$0xFFFFFCC0] =	vst v12  }
0x274: {  	v12 =	vld.idx.msk [tilespmem:v2+s21+$0x0], $0xffff;
	[tilespmem:s14+$0xFFFFFCD0] =	vst v13  }
0x275: {  	v13 =	vld.idx.msk [tilespmem:v3+s21+$0x0], $0xffff;
	[tilespmem:s14+$0xFFFFFCE0] =	vst v14  }
0x276: {  	s13 =	simm.s32 $0x13178;
	v14 =	vld.idx.msk [tilespmem:v4+s21+$0x0], $0xffff;
	[tilespmem:s14+$0xFFFFFD80] =	vst v8  }
0x277: {  	[tilespmem:s14+$0xFFFFFC90] =	vst v9;
	v8 =	vld.idx.msk [tilespmem:v7+s13+$0x0], $0xffff  }
0x278: {  	v9 =	vld.idx.msk [tilespmem:v6+s21+$0x0], $0xffff;
	[tilespmem:s14+$0xFFFFFCF0] =	vst v10  }
0x279: {  	[tilespmem:s14+$0xFFFFFD20] =	vst v11;
	v10 =	vld.idx.msk [tilespmem:v5+s21+$0x0], $0xffff  }
0x27a: {  	[tilespmem:s14+$0xFFFFFD30] =	vst v12;
	v11 =	vld.idx.msk [tilespmem:v1+s21+$0x0], $0xffff  }
0x27b: {  	v12 =	vld.idx.msk [tilespmem:v0+s13+$0x0], $0xffff;
	[tilespmem:s14+$0xFFFFFD40] =	vst v13  }
0x27c: {  	v13 =	vld.idx.msk [tilespmem:v2+s13+$0x0], $0xffff;
	[tilespmem:s14+$0xFFFFFD50] =	vst v14  }
0x27d: {  	v14 =	vld.idx.msk [tilespmem:v3+s13+$0x0], $0xffff;
	[tilespmem:s14+$0xFFFFFE00] =	vst v8  }
0x27e: {  	[tilespmem:s14+$0xFFFFFD10] =	vst v9;
	v8 =	vld.idx.msk [tilespmem:v7+s3+$0x0], $0xffff  }
0x27f: {  	v9 =	vld.idx.msk [tilespmem:v6+s13+$0x0], $0xffff;
	[tilespmem:s14+$0xFFFFFD60] =	vst v10  }
0x280: {  	v10 =	vld.idx.msk [tilespmem:v4+s13+$0x0], $0xffff;
	[tilespmem:s14+$0xFFFFFD70] =	vst v11  }
0x281: {  	[tilespmem:s14+$0xFFFFFDA0] =	vst v12;
	v11 =	vld.idx.msk [tilespmem:v5+s13+$0x0], $0xffff  }
0x282: {  	[tilespmem:s14+$0xFFFFFDB0] =	vst v13;
	v12 =	vld.idx.msk [tilespmem:v1+s13+$0x0], $0xffff  }
0x283: {  	v13 =	vld.idx.msk [tilespmem:v0+s3+$0x0], $0xffff;
	[tilespmem:s14+$0xFFFFFDC0] =	vst v14  }
0x284: {  	v14 =	vld.idx.msk [tilespmem:v2+s3+$0x0], $0xffff;
	[tilespmem:s14+$0xFFFFFE80] =	vst v8  }
0x285: {  	[tilespmem:s14+$0xFFFFFD90] =	vst v9;
	v8 =	vld.idx.msk [tilespmem:v7+s2+$0x0], $0xffff  }
0x286: {  	v9 =	vld.idx.msk [tilespmem:v6+s3+$0x0], $0xffff;
	[tilespmem:s14+$0xFFFFFDD0] =	vst v10  }
0x287: {  	v10 =	vld.idx.msk [tilespmem:v3+s3+$0x0], $0xffff;
	[tilespmem:s14+$0xFFFFFDE0] =	vst v11  }
0x288: {  	v11 =	vld.idx.msk [tilespmem:v4+s3+$0x0], $0xffff;
	[tilespmem:s14+$0xFFFFFDF0] =	vst v12  }
0x289: {  	[tilespmem:s14+$0xFFFFFE20] =	vst v13;
	v12 =	vld.idx.msk [tilespmem:v5+s3+$0x0], $0xffff  }
0x28a: {  	[tilespmem:s14+$0xFFFFFE30] =	vst v14;
	v13 =	vld.idx.msk [tilespmem:v1+s3+$0x0], $0xffff  }
0x28b: {  	s8 =	simm.s32 $0x13D30;
	v14 =	vld.idx.msk [tilespmem:v0+s2+$0x0], $0xffff;
	[tilespmem:s14+$0xFFFFFF00] =	vst v8  }
0x28c: {  	[tilespmem:s14+$0xFFFFFE10] =	vst v9;
	v8 =	vld.idx.msk [tilespmem:v7+s8+$0x0], $0xffff  }
0x28d: {  	v9 =	vld.idx.msk [tilespmem:v6+s2+$0x0], $0xffff;
	[tilespmem:s14+$0xFFFFFE40] =	vst v10  }
0x28e: {  	v10 =	vld.idx.msk [tilespmem:v2+s2+$0x0], $0xffff;
	[tilespmem:s14+$0xFFFFFE50] =	vst v11  }
0x28f: {  	v11 =	vld.idx.msk [tilespmem:v3+s2+$0x0], $0xffff;
	[tilespmem:s14+$0xFFFFFE60] =	vst v12  }
0x290: {  	v12 =	vld.idx.msk [tilespmem:v4+s2+$0x0], $0xffff;
	[tilespmem:s14+$0xFFFFFE70] =	vst v13  }
0x291: {  	[tilespmem:s14+$0xFFFFFEA0] =	vst v14;
	v13 =	vld.idx.msk [tilespmem:v5+s2+$0x0], $0xffff  }
0x292: {  	v14 =	vld.idx.msk [tilespmem:v1+s2+$0x0], $0xffff;
	[tilespmem:s14+$0xFFFFFF80] =	vst v8  }
0x293: {  	[tilespmem:s14+$0xFFFFFE90] =	vst v9;
	v7 =	vld.idx.msk [tilespmem:v7+s22+$0x0], $0xffff  }
0x294: {  	v8 =	vld.idx.msk [tilespmem:v6+s8+$0x0], $0xffff;
	[tilespmem:s14+$0xFFFFFEB0] =	vst v10  }
0x295: {  	v9 =	vld.idx.msk [tilespmem:v0+s8+$0x0], $0xffff;
	[tilespmem:s14+$0xFFFFFEC0] =	vst v11  }
0x296: {  	v10 =	vld.idx.msk [tilespmem:v2+s8+$0x0], $0xffff;
	[tilespmem:s14+$0xFFFFFED0] =	vst v12  }
0x297: {  	v11 =	vld.idx.msk [tilespmem:v3+s8+$0x0], $0xffff;
	[tilespmem:s14+$0xFFFFFEE0] =	vst v13  }
0x298: {  	v12 =	vld.idx.msk [tilespmem:v4+s8+$0x0], $0xffff;
	[tilespmem:s14+$0xFFFFFEF0] =	vst v14  }
0x299: {  	v13 =	vld.idx.msk [tilespmem:v5+s8+$0x0], $0xffff;
	[tilespmem:s14+$0x0] =	vst v7  }
0x29a: {  	[tilespmem:s14+$0xFFFFFF10] =	vst v8;
	v7 =	vld.idx.msk [tilespmem:v1+s8+$0x0], $0xffff  }
0x29b: {  	v6 =	vld.idx.msk [tilespmem:v6+s22+$0x0], $0xffff;
	[tilespmem:s14+$0xFFFFFF20] =	vst v9  }
0x29c: {  	v0 =	vld.idx.msk [tilespmem:v0+s22+$0x0], $0xffff;
	[tilespmem:s14+$0xFFFFFF30] =	vst v10  }
.Ltmp6:
0x29d: {  	v2 =	vld.idx.msk [tilespmem:v2+s22+$0x0], $0xffff;
	[tilespmem:s14+$0xFFFFFF40] =	vst v11;
	(pc) =	sbr.rel @p1 .LBB2_9-.Ltmp6, $4  }
0x29e: {  	v3 =	vld.idx.msk [tilespmem:v3+s22+$0x0], $0xffff;
	[tilespmem:s14+$0xFFFFFF50] =	vst v12  }
0x29f: {  	v4 =	vld.idx.msk [tilespmem:v4+s22+$0x0], $0xffff;
	[tilespmem:s14+$0xFFFFFF60] =	vst v13  }
0x2a0: {  	v5 =	vld.idx.msk [tilespmem:v5+s22+$0x0], $0xffff;
	[tilespmem:s14+$0xFFFFFF70] =	vst v7  }
0x2a1: {  	s30 =	sadd.s32 $0x80, s30;
	[tilespmem:s14+$0xFFFFFF90] =	vst v6;
	v1 =	vld.idx.msk [tilespmem:v1+s22+$0x0], $0xffff  }
0x2a2: {  	[tilespmem:s14+$0xFFFFFFA0] =	vst v0  }
0x2a3: {  	[tilespmem:s14+$0xFFFFFFB0] =	vst v2  }
0x2a4: {  	[tilespmem:s14+$0xFFFFFFC0] =	vst v3  }
0x2a5: {  	[tilespmem:s14+$0xFFFFFFD0] =	vst v4  }
0x2a6: {  	s22 =	simm.s32 $0x0;
	s30 =	simm.s32 $0x16500;
	[tilespmem:s14+$0xFFFFFFE0] =	vst v5  }
0x2a7: {  	s2 =	simm.s32 $0x10680;
	s21 =	simm.s32 $0xCBE8;
	s3 =	simm.s32 $0x12D90;
	[tilespmem:s14+$0xFFFFFFF0] =	vst v1  }
0x2a8: {  	s8 =	simm.s32 $0x13178;
	s13 =	simm.s32 $0x13560;
	s15 =	rddreg [dreg:$0xb]  }
0x2a9: {  	[hbm4b:s15+s22] =	stream.linear.scatter [tilespmem:s30], [sflag:$0x2], $0x2000, $0x38;
	[tilespmem:$0x18500] =	vst v63  }
.LBB2_11:
.Ltmp7:
0x2aa: {  	(pc) =	sbr.rel .LBB2_12-.Ltmp7, $2  }
0x2ab: {  	_ =	sdelay $0x2  }
0x2ac: {  	s22 =	simm.s32 $0x1;
	s30 =	simm.s32 $0x470  }
.LBB2_22:
0x2ad: {  	s22 =	sadd.s32 $0x1, s22  }
0x2ae: {  	p1 =	sne.s32 s22, $0x32  }
.Ltmp8:
0x2af: {  	_ = 	snop;
	(pc) =	sbr.rel @!p1 .LBB2_23-.Ltmp8, $3  }
0x2b0: {  	_ =	sdelay $0x1  }
0x2b1: {  	s30 =	rddreg [dreg:$0x13]  }
0x2b2: {  	s30 =	sadd.s32 $0x400, s30  }
.LBB2_12:
0x2b3: {  	s14 =	simm.s32 $0x1  }
0x2b4: {  	_ =	swait.ge [sflag:s14], $0x2000  }
0x2b5: {  	[sflag:s14] =	ssyncset.done $0x0  }
0x2b6: {  	[sflag:s14] =	ssyncadd.s32 $0xFFFFE000  }
0x2b7: {  	v0 =	vld [tilespmem:s30+$0x0]  }
0x2b8: {  	v1 =	vld [tilespmem:s30+$0xFFFFFFA0]  }
0x2b9: {  	v2 =	vld [tilespmem:s30+$0xFFFFFFB0]  }
0x2ba: {  	v3 =	vld [tilespmem:s30+$0xFFFFFFC0]  }
0x2bb: {  	v4 =	vld [tilespmem:s30+$0xFFFFFFD0]  }
0x2bc: {  	v5 =	vld [tilespmem:s30+$0xFFFFFFE0]  }
0x2bd: {  	v6 =	vld [tilespmem:s30+$0xFFFFFFF0]  }
0x2be: {  	v7 =	vld [tilespmem:s30+$0xFFFFFF90]  }
0x2bf: {  	v8 =	vld.idx.msk [tilespmem:v0+s19+$0x0], $0xffff  }
0x2c0: {  	v9 =	vld.idx.msk [tilespmem:v1+s19+$0x0], $0xffff  }
0x2c1: {  	v10 =	vld.idx.msk [tilespmem:v2+s19+$0x0], $0xffff  }
0x2c2: {  	v11 =	vld.idx.msk [tilespmem:v3+s19+$0x0], $0xffff  }
0x2c3: {  	s14 =	simm.s32 $0x14700;
	v12 =	vld.idx.msk [tilespmem:v4+s19+$0x0], $0xffff  }
0x2c4: {  	v13 =	vld.idx.msk [tilespmem:v5+s19+$0x0], $0xffff;
	[tilespmem:s14+$0xFFFFFE70] =	vst v8  }
0x2c5: {  	v14 =	vld.idx.msk [tilespmem:v6+s19+$0x0], $0xffff;
	[tilespmem:s14+$0xFFFFFE10] =	vst v9  }
0x2c6: {  	v30 =	vld.idx.msk [tilespmem:v7+s19+$0x0], $0xffff;
	[tilespmem:s14+$0xFFFFFE20] =	vst v10  }
0x2c7: {  	[tilespmem:s14+$0xFFFFFE30] =	vst v11;
	v8 =	vld.idx.msk [tilespmem:v0+s21+$0x0], $0xffff  }
0x2c8: {  	[tilespmem:s14+$0xFFFFFE40] =	vst v12;
	v31 =	vld.idx.msk [tilespmem:v1+s21+$0x0], $0xffff  }
0x2c9: {  	[tilespmem:s14+$0xFFFFFE50] =	vst v13;
	v32 =	vld.idx.msk [tilespmem:v2+s21+$0x0], $0xffff  }
0x2ca: {  	[tilespmem:s14+$0xFFFFFE60] =	vst v14;
	v33 =	vld.idx.msk [tilespmem:v3+s21+$0x0], $0xffff  }
0x2cb: {  	[tilespmem:s14+$0xFFFFFE00] =	vst v30;
	v34 =	vld.idx.msk [tilespmem:v4+s21+$0x0], $0xffff  }
0x2cc: {  	v35 =	vld.idx.msk [tilespmem:v5+s21+$0x0], $0xffff;
	[tilespmem:s14+$0xFFFFFEF0] =	vst v8  }
0x2cd: {  	v9 =	vld.idx.msk [tilespmem:v7+s21+$0x0], $0xffff;
	[tilespmem:s14+$0xFFFFFE90] =	vst v31  }
0x2ce: {  	v36 =	vld.idx.msk [tilespmem:v6+s21+$0x0], $0xffff;
	[tilespmem:s14+$0xFFFFFEA0] =	vst v32  }
0x2cf: {  	[tilespmem:s14+$0xFFFFFEB0] =	vst v33;
	v8 =	vld.idx.msk [tilespmem:v0+s23+$0x0], $0xffff  }
0x2d0: {  	[tilespmem:s14+$0xFFFFFEC0] =	vst v34;
	v37 =	vld.idx.msk [tilespmem:v1+s23+$0x0], $0xffff  }
0x2d1: {  	[tilespmem:s14+$0xFFFFFED0] =	vst v35;
	v38 =	vld.idx.msk [tilespmem:v2+s23+$0x0], $0xffff  }
0x2d2: {  	[tilespmem:s14+$0xFFFFFE80] =	vst v9;
	v39 =	vld.idx.msk [tilespmem:v3+s23+$0x0], $0xffff  }
0x2d3: {  	[tilespmem:s14+$0xFFFFFEE0] =	vst v36;
	v40 =	vld.idx.msk [tilespmem:v4+s23+$0x0], $0xffff  }
0x2d4: {  	v9 =	vld.idx.msk [tilespmem:v7+s23+$0x0], $0xffff;
	[tilespmem:s14+$0xFFFFFF70] =	vst v8  }
0x2d5: {  	v41 =	vld.idx.msk [tilespmem:v5+s23+$0x0], $0xffff;
	[tilespmem:s14+$0xFFFFFF10] =	vst v37  }
0x2d6: {  	v42 =	vld.idx.msk [tilespmem:v6+s23+$0x0], $0xffff;
	[tilespmem:s14+$0xFFFFFF20] =	vst v38  }
0x2d7: {  	[tilespmem:s14+$0xFFFFFF30] =	vst v39;
	v8 =	vld.idx.msk [tilespmem:v0+s24+$0x0], $0xffff  }
0x2d8: {  	[tilespmem:s14+$0xFFFFFF40] =	vst v40;
	v43 =	vld.idx.msk [tilespmem:v1+s24+$0x0], $0xffff  }
0x2d9: {  	[tilespmem:s14+$0xFFFFFF00] =	vst v9;
	v44 =	vld.idx.msk [tilespmem:v2+s24+$0x0], $0xffff  }
0x2da: {  	[tilespmem:s14+$0xFFFFFF50] =	vst v41;
	v45 =	vld.idx.msk [tilespmem:v3+s24+$0x0], $0xffff  }
0x2db: {  	[tilespmem:s14+$0xFFFFFF60] =	vst v42;
	v9 =	vld.idx.msk [tilespmem:v7+s24+$0x0], $0xffff  }
0x2dc: {  	v46 =	vld.idx.msk [tilespmem:v4+s24+$0x0], $0xffff;
	[tilespmem:s14+$0xFFFFFFF0] =	vst v8  }
0x2dd: {  	v47 =	vld.idx.msk [tilespmem:v5+s24+$0x0], $0xffff;
	[tilespmem:s14+$0xFFFFFF90] =	vst v43  }
0x2de: {  	v48 =	vld.idx.msk [tilespmem:v6+s24+$0x0], $0xffff;
	[tilespmem:s14+$0xFFFFFFA0] =	vst v44  }
0x2df: {  	[tilespmem:s14+$0xFFFFFFB0] =	vst v45;
	v8 =	vld.idx.msk [tilespmem:v0+s25+$0x0], $0xffff  }
0x2e0: {  	[tilespmem:s14+$0xFFFFFF80] =	vst v9;
	v49 =	vld.idx.msk [tilespmem:v1+s25+$0x0], $0xffff  }
0x2e1: {  	[tilespmem:s14+$0xFFFFFFC0] =	vst v46;
	v50 =	vld.idx.msk [tilespmem:v2+s25+$0x0], $0xffff  }
0x2e2: {  	[tilespmem:s14+$0xFFFFFFD0] =	vst v47;
	v9 =	vld.idx.msk [tilespmem:v7+s25+$0x0], $0xffff  }
0x2e3: {  	[tilespmem:s14+$0xFFFFFFE0] =	vst v48;
	v51 =	vld.idx.msk [tilespmem:v3+s25+$0x0], $0xffff  }
0x2e4: {  	v52 =	vld.idx.msk [tilespmem:v4+s25+$0x0], $0xffff;
	[tilespmem:s14+$0x70] =	vst v8  }
0x2e5: {  	v53 =	vld.idx.msk [tilespmem:v5+s25+$0x0], $0xffff;
	[tilespmem:s14+$0x10] =	vst v49  }
0x2e6: {  	v54 =	vld.idx.msk [tilespmem:v6+s25+$0x0], $0xffff;
	[tilespmem:s14+$0x20] =	vst v50  }
0x2e7: {  	[tilespmem:s14+$0x0] =	vst v9;
	v8 =	vld.idx.msk [tilespmem:v0+s26+$0x0], $0xffff  }
0x2e8: {  	[tilespmem:s14+$0x30] =	vst v51;
	v55 =	vld.idx.msk [tilespmem:v1+s26+$0x0], $0xffff  }
0x2e9: {  	[tilespmem:s14+$0x40] =	vst v52;
	v9 =	vld.idx.msk [tilespmem:v7+s26+$0x0], $0xffff  }
0x2ea: {  	[tilespmem:s14+$0x50] =	vst v53;
	v56 =	vld.idx.msk [tilespmem:v2+s26+$0x0], $0xffff  }
0x2eb: {  	[tilespmem:s14+$0x60] =	vst v54;
	v57 =	vld.idx.msk [tilespmem:v3+s26+$0x0], $0xffff  }
0x2ec: {  	v58 =	vld.idx.msk [tilespmem:v4+s26+$0x0], $0xffff;
	[tilespmem:s14+$0xF0] =	vst v8  }
0x2ed: {  	v59 =	vld.idx.msk [tilespmem:v5+s26+$0x0], $0xffff;
	[tilespmem:s14+$0x90] =	vst v55  }
0x2ee: {  	v60 =	vld.idx.msk [tilespmem:v6+s26+$0x0], $0xffff;
	[tilespmem:s14+$0x80] =	vst v9  }
0x2ef: {  	[tilespmem:s14+$0xA0] =	vst v56;
	v8 =	vld.idx.msk [tilespmem:v0+s28+$0x0], $0xffff  }
0x2f0: {  	[tilespmem:s14+$0xB0] =	vst v57;
	v61 =	vld.idx.msk [tilespmem:v7+s28+$0x0], $0xffff  }
0x2f1: {  	[tilespmem:s14+$0xC0] =	vst v58;
	v62 =	vld.idx.msk [tilespmem:v1+s28+$0x0], $0xffff  }
0x2f2: {  	[tilespmem:s14+$0xD0] =	vst v59;
	v10 =	vld.idx.msk [tilespmem:v2+s28+$0x0], $0xffff  }
0x2f3: {  	[tilespmem:s14+$0xE0] =	vst v60;
	v11 =	vld.idx.msk [tilespmem:v3+s28+$0x0], $0xffff  }
0x2f4: {  	v12 =	vld.idx.msk [tilespmem:v4+s28+$0x0], $0xffff;
	[tilespmem:s14+$0x170] =	vst v8  }
0x2f5: {  	[tilespmem:s14+$0x100] =	vst v61;
	v0 =	vld.idx.msk [tilespmem:v0+s29+$0x0], $0xffff  }
0x2f6: {  	v13 =	vld.idx.msk [tilespmem:v5+s28+$0x0], $0xffff;
	[tilespmem:s14+$0x110] =	vst v62  }
0x2f7: {  	v63 =	vld.idx.msk [tilespmem:v6+s28+$0x0], $0xffff;
	[tilespmem:s14+$0x120] =	vst v10  }
0x2f8: {  	[tilespmem:s14+$0x130] =	vst v11;
	v7 =	vld.idx.msk [tilespmem:v7+s29+$0x0], $0xffff  }
0x2f9: {  	[tilespmem:s14+$0x140] =	vst v12;
	v2 =	vld.idx.msk [tilespmem:v2+s29+$0x0], $0xffff  }
0x2fa: {  	[tilespmem:s14+$0x1F0] =	vst v0;
	v0 =	vld.idx.msk [tilespmem:v1+s29+$0x0], $0xffff  }
0x2fb: {  	[tilespmem:s14+$0x150] =	vst v13;
	v3 =	vld.idx.msk [tilespmem:v3+s29+$0x0], $0xffff  }
0x2fc: {  	[tilespmem:s14+$0x160] =	vst v63;
	v4 =	vld.idx.msk [tilespmem:v4+s29+$0x0], $0xffff  }
0x2fd: {  	v5 =	vld.idx.msk [tilespmem:v5+s29+$0x0], $0xffff;
	[tilespmem:s14+$0x180] =	vst v7  }
0x2fe: {  	s15 =	simm.s32 $0x0;
	v1 =	vld.idx.msk [tilespmem:v6+s29+$0x0], $0xffff;
	[dreg:$0x13] =	wrdreg s30;
	s30 =	sadd.s32 $0x80, s30  }
.LBB2_13:
0x2ff: {  	v7 =	vld [tilespmem:s30+$0x0];
	s15 =	sadd.s32 $0x8, s15;
	[tilespmem:s14+$0x190] =	vst v0  }
0x300: {  	v0 =	vld [tilespmem:s30+$0xFFFFFFA0];
	p1 =	slt.u32 s15, $0x38;
	[tilespmem:s14+$0x1A0] =	vst v2  }
0x301: {  	v2 =	vld [tilespmem:s30+$0xFFFFFFB0];
	[tilespmem:s14+$0x1B0] =	vst v3  }
0x302: {  	v3 =	vld [tilespmem:s30+$0xFFFFFFC0];
	[tilespmem:s14+$0x1C0] =	vst v4  }
0x303: {  	v4 =	vld [tilespmem:s30+$0xFFFFFFD0];
	[tilespmem:s14+$0x1D0] =	vst v5  }
0x304: {  	v5 =	vld [tilespmem:s30+$0xFFFFFFE0];
	[tilespmem:s14+$0x1E0] =	vst v1  }
0x305: {  	v1 =	vld [tilespmem:s30+$0xFFFFFFF0]  }
0x306: {  	v6 =	vld [tilespmem:s30+$0xFFFFFF90]  }
0x307: {  	v8 =	vld.idx.msk [tilespmem:v7+s19+$0x0], $0xffff  }
0x308: {  	v9 =	vld.idx.msk [tilespmem:v0+s19+$0x0], $0xffff  }
0x309: {  	v10 =	vld.idx.msk [tilespmem:v2+s19+$0x0], $0xffff  }
0x30a: {  	v11 =	vld.idx.msk [tilespmem:v3+s19+$0x0], $0xffff  }
0x30b: {  	v12 =	vld.idx.msk [tilespmem:v4+s19+$0x0], $0xffff  }
0x30c: {  	s14 =	sadd.s32 $0x400, s14;
	v13 =	vld.idx.msk [tilespmem:v5+s19+$0x0], $0xffff  }
0x30d: {  	v14 =	vld.idx.msk [tilespmem:v1+s19+$0x0], $0xffff;
	[tilespmem:s14+$0xFFFFFE70] =	vst v8  }
0x30e: {  	[tilespmem:s14+$0xFFFFFE10] =	vst v9;
	v8 =	vld.idx.msk [tilespmem:v7+s21+$0x0], $0xffff  }
0x30f: {  	v9 =	vld.idx.msk [tilespmem:v6+s19+$0x0], $0xffff;
	[tilespmem:s14+$0xFFFFFE20] =	vst v10  }
0x310: {  	v10 =	vld.idx.msk [tilespmem:v0+s21+$0x0], $0xffff;
	[tilespmem:s14+$0xFFFFFE30] =	vst v11  }
0x311: {  	v11 =	vld.idx.msk [tilespmem:v2+s21+$0x0], $0xffff;
	[tilespmem:s14+$0xFFFFFE40] =	vst v12  }
0x312: {  	v12 =	vld.idx.msk [tilespmem:v3+s21+$0x0], $0xffff;
	[tilespmem:s14+$0xFFFFFE50] =	vst v13  }
0x313: {  	v13 =	vld.idx.msk [tilespmem:v4+s21+$0x0], $0xffff;
	[tilespmem:s14+$0xFFFFFE60] =	vst v14  }
0x314: {  	v14 =	vld.idx.msk [tilespmem:v5+s21+$0x0], $0xffff;
	[tilespmem:s14+$0xFFFFFEF0] =	vst v8  }
0x315: {  	[tilespmem:s14+$0xFFFFFE00] =	vst v9;
	v8 =	vld.idx.msk [tilespmem:v7+s23+$0x0], $0xffff  }
0x316: {  	v9 =	vld.idx.msk [tilespmem:v6+s21+$0x0], $0xffff;
	[tilespmem:s14+$0xFFFFFE90] =	vst v10  }
0x317: {  	[tilespmem:s14+$0xFFFFFEA0] =	vst v11;
	v10 =	vld.idx.msk [tilespmem:v1+s21+$0x0], $0xffff  }
0x318: {  	v11 =	vld.idx.msk [tilespmem:v0+s23+$0x0], $0xffff;
	[tilespmem:s14+$0xFFFFFEB0] =	vst v12  }
0x319: {  	v12 =	vld.idx.msk [tilespmem:v2+s23+$0x0], $0xffff;
	[tilespmem:s14+$0xFFFFFEC0] =	vst v13  }
0x31a: {  	v13 =	vld.idx.msk [tilespmem:v3+s23+$0x0], $0xffff;
	[tilespmem:s14+$0xFFFFFED0] =	vst v14  }
0x31b: {  	v14 =	vld.idx.msk [tilespmem:v4+s23+$0x0], $0xffff;
	[tilespmem:s14+$0xFFFFFF70] =	vst v8  }
0x31c: {  	[tilespmem:s14+$0xFFFFFE80] =	vst v9;
	v8 =	vld.idx.msk [tilespmem:v7+s24+$0x0], $0xffff  }
0x31d: {  	v9 =	vld.idx.msk [tilespmem:v6+s23+$0x0], $0xffff;
	[tilespmem:s14+$0xFFFFFEE0] =	vst v10  }
0x31e: {  	[tilespmem:s14+$0xFFFFFF10] =	vst v11;
	v10 =	vld.idx.msk [tilespmem:v5+s23+$0x0], $0xffff  }
0x31f: {  	[tilespmem:s14+$0xFFFFFF20] =	vst v12;
	v11 =	vld.idx.msk [tilespmem:v1+s23+$0x0], $0xffff  }
0x320: {  	v12 =	vld.idx.msk [tilespmem:v0+s24+$0x0], $0xffff;
	[tilespmem:s14+$0xFFFFFF30] =	vst v13  }
0x321: {  	v13 =	vld.idx.msk [tilespmem:v2+s24+$0x0], $0xffff;
	[tilespmem:s14+$0xFFFFFF40] =	vst v14  }
0x322: {  	v14 =	vld.idx.msk [tilespmem:v3+s24+$0x0], $0xffff;
	[tilespmem:s14+$0xFFFFFFF0] =	vst v8  }
0x323: {  	[tilespmem:s14+$0xFFFFFF00] =	vst v9;
	v8 =	vld.idx.msk [tilespmem:v7+s25+$0x0], $0xffff  }
0x324: {  	v9 =	vld.idx.msk [tilespmem:v6+s24+$0x0], $0xffff;
	[tilespmem:s14+$0xFFFFFF50] =	vst v10  }
0x325: {  	v10 =	vld.idx.msk [tilespmem:v4+s24+$0x0], $0xffff;
	[tilespmem:s14+$0xFFFFFF60] =	vst v11  }
0x326: {  	[tilespmem:s14+$0xFFFFFF90] =	vst v12;
	v11 =	vld.idx.msk [tilespmem:v5+s24+$0x0], $0xffff  }
0x327: {  	[tilespmem:s14+$0xFFFFFFA0] =	vst v13;
	v12 =	vld.idx.msk [tilespmem:v1+s24+$0x0], $0xffff  }
0x328: {  	v13 =	vld.idx.msk [tilespmem:v0+s25+$0x0], $0xffff;
	[tilespmem:s14+$0xFFFFFFB0] =	vst v14  }
0x329: {  	v14 =	vld.idx.msk [tilespmem:v2+s25+$0x0], $0xffff;
	[tilespmem:s14+$0x70] =	vst v8  }
0x32a: {  	[tilespmem:s14+$0xFFFFFF80] =	vst v9;
	v8 =	vld.idx.msk [tilespmem:v7+s26+$0x0], $0xffff  }
0x32b: {  	v9 =	vld.idx.msk [tilespmem:v6+s25+$0x0], $0xffff;
	[tilespmem:s14+$0xFFFFFFC0] =	vst v10  }
0x32c: {  	v10 =	vld.idx.msk [tilespmem:v3+s25+$0x0], $0xffff;
	[tilespmem:s14+$0xFFFFFFD0] =	vst v11  }
0x32d: {  	v11 =	vld.idx.msk [tilespmem:v4+s25+$0x0], $0xffff;
	[tilespmem:s14+$0xFFFFFFE0] =	vst v12  }
0x32e: {  	[tilespmem:s14+$0x10] =	vst v13;
	v12 =	vld.idx.msk [tilespmem:v5+s25+$0x0], $0xffff  }
0x32f: {  	[tilespmem:s14+$0x20] =	vst v14;
	v13 =	vld.idx.msk [tilespmem:v1+s25+$0x0], $0xffff  }
0x330: {  	v14 =	vld.idx.msk [tilespmem:v0+s26+$0x0], $0xffff;
	[tilespmem:s14+$0xF0] =	vst v8  }
0x331: {  	[tilespmem:s14+$0x0] =	vst v9;
	v8 =	vld.idx.msk [tilespmem:v7+s28+$0x0], $0xffff  }
0x332: {  	v9 =	vld.idx.msk [tilespmem:v6+s26+$0x0], $0xffff;
	[tilespmem:s14+$0x30] =	vst v10  }
0x333: {  	v10 =	vld.idx.msk [tilespmem:v2+s26+$0x0], $0xffff;
	[tilespmem:s14+$0x40] =	vst v11  }
0x334: {  	v11 =	vld.idx.msk [tilespmem:v3+s26+$0x0], $0xffff;
	[tilespmem:s14+$0x50] =	vst v12  }
0x335: {  	v12 =	vld.idx.msk [tilespmem:v4+s26+$0x0], $0xffff;
	[tilespmem:s14+$0x60] =	vst v13  }
0x336: {  	[tilespmem:s14+$0x90] =	vst v14;
	v13 =	vld.idx.msk [tilespmem:v5+s26+$0x0], $0xffff  }
0x337: {  	v14 =	vld.idx.msk [tilespmem:v1+s26+$0x0], $0xffff;
	[tilespmem:s14+$0x170] =	vst v8  }
0x338: {  	[tilespmem:s14+$0x80] =	vst v9;
	v7 =	vld.idx.msk [tilespmem:v7+s29+$0x0], $0xffff  }
0x339: {  	v8 =	vld.idx.msk [tilespmem:v6+s28+$0x0], $0xffff;
	[tilespmem:s14+$0xA0] =	vst v10  }
0x33a: {  	v9 =	vld.idx.msk [tilespmem:v0+s28+$0x0], $0xffff;
	[tilespmem:s14+$0xB0] =	vst v11  }
0x33b: {  	v10 =	vld.idx.msk [tilespmem:v2+s28+$0x0], $0xffff;
	[tilespmem:s14+$0xC0] =	vst v12  }
0x33c: {  	v11 =	vld.idx.msk [tilespmem:v3+s28+$0x0], $0xffff;
	[tilespmem:s14+$0xD0] =	vst v13  }
0x33d: {  	v12 =	vld.idx.msk [tilespmem:v4+s28+$0x0], $0xffff;
	[tilespmem:s14+$0xE0] =	vst v14  }
0x33e: {  	v13 =	vld.idx.msk [tilespmem:v5+s28+$0x0], $0xffff;
	[tilespmem:s14+$0x1F0] =	vst v7  }
0x33f: {  	[tilespmem:s14+$0x100] =	vst v8;
	v7 =	vld.idx.msk [tilespmem:v1+s28+$0x0], $0xffff  }
0x340: {  	v6 =	vld.idx.msk [tilespmem:v6+s29+$0x0], $0xffff;
	[tilespmem:s14+$0x110] =	vst v9  }
0x341: {  	v0 =	vld.idx.msk [tilespmem:v0+s29+$0x0], $0xffff;
	[tilespmem:s14+$0x120] =	vst v10  }
.Ltmp9:
0x342: {  	v2 =	vld.idx.msk [tilespmem:v2+s29+$0x0], $0xffff;
	[tilespmem:s14+$0x130] =	vst v11;
	(pc) =	sbr.rel @p1 .LBB2_13-.Ltmp9, $4  }
0x343: {  	v3 =	vld.idx.msk [tilespmem:v3+s29+$0x0], $0xffff;
	[tilespmem:s14+$0x140] =	vst v12  }
0x344: {  	v4 =	vld.idx.msk [tilespmem:v4+s29+$0x0], $0xffff;
	[tilespmem:s14+$0x150] =	vst v13  }
0x345: {  	v5 =	vld.idx.msk [tilespmem:v5+s29+$0x0], $0xffff;
	[tilespmem:s14+$0x160] =	vst v7  }
0x346: {  	s30 =	sadd.s32 $0x80, s30;
	[tilespmem:s14+$0x180] =	vst v6;
	v1 =	vld.idx.msk [tilespmem:v1+s29+$0x0], $0xffff  }
0x347: {  	[tilespmem:s14+$0x190] =	vst v0  }
0x348: {  	[tilespmem:s14+$0x1A0] =	vst v2  }
0x349: {  	[tilespmem:s14+$0x1B0] =	vst v3  }
0x34a: {  	s30 =	smul.u32 $0xFA000, s22;
	[tilespmem:s14+$0x1C0] =	vst v4  }
0x34b: {  	s15 =	rddreg [dreg:$0xc]  }
0x34c: {  	[dreg:$0x14] =	wrdreg s30  }
0x34d: {  	s15 =	sadd.s32 s15, s30;
	[tilespmem:s14+$0x1D0] =	vst v5  }
0x34e: {  	[tilespmem:s14+$0x1E0] =	vst v1;
	s14 =	rddreg [dreg:$0x1];
	s15 =	sshrl.u32 s15, $0x3  }
0x34f: {  	s30 =	simm.s32 $0x14500;
	s14 =	sadd.s32 s14, s15;
	s15 =	simm.s32 $0x0  }
0x350: {  	[hbm4b:s14+s15] =	stream.linear.scatter [tilespmem:s30], [sflag:$0x1], $0x2000, $0x38;
	[tilespmem:$0x18500] =	vst v63  }
0x351: {  	s14 =	simm.s32 @!p0 $0x2  }
0x352: {  	_ =	swait.ge @!p0 [sflag:s14], $0x2000  }
0x353: {  	[sflag:s14] =	ssyncset.done @!p0 $0x0  }
0x354: {  	s30 =	rddreg [dreg:$0x13];
	[sflag:s14] =	ssyncadd.s32 @!p0 $0xFFFFE000  }
0x355: {  	v0 =	vld [tilespmem:s30+$0x0]  }
0x356: {  	v1 =	vld [tilespmem:s30+$0xFFFFFFA0]  }
0x357: {  	v2 =	vld [tilespmem:s30+$0xFFFFFFB0]  }
0x358: {  	v3 =	vld [tilespmem:s30+$0xFFFFFFC0]  }
0x359: {  	v4 =	vld [tilespmem:s30+$0xFFFFFFD0]  }
0x35a: {  	v5 =	vld [tilespmem:s30+$0xFFFFFFE0]  }
0x35b: {  	v6 =	vld [tilespmem:s30+$0xFFFFFFF0]  }
0x35c: {  	v7 =	vld [tilespmem:s30+$0xFFFFFF90]  }
0x35d: {  	v8 =	vld.idx.msk [tilespmem:v0+s20+$0x0], $0xffff  }
0x35e: {  	v9 =	vld.idx.msk [tilespmem:v1+s20+$0x0], $0xffff  }
0x35f: {  	v10 =	vld.idx.msk [tilespmem:v2+s20+$0x0], $0xffff  }
0x360: {  	v11 =	vld.idx.msk [tilespmem:v3+s20+$0x0], $0xffff  }
0x361: {  	v12 =	vld.idx.msk [tilespmem:v4+s20+$0x0], $0xffff  }
0x362: {  	s14 =	simm.s32 $0x168F0;
	v13 =	vld.idx.msk [tilespmem:v5+s20+$0x0], $0xffff  }
0x363: {  	v14 =	vld.idx.msk [tilespmem:v6+s20+$0x0], $0xffff;
	[tilespmem:s14+$0xFFFFFC80] =	vst v8  }
0x364: {  	v30 =	vld.idx.msk [tilespmem:v7+s20+$0x0], $0xffff;
	[tilespmem:s14+$0xFFFFFC20] =	vst v9  }
0x365: {  	[tilespmem:s14+$0xFFFFFC30] =	vst v10;
	v8 =	vld.idx.msk [tilespmem:v0+s31+$0x0], $0xffff  }
0x366: {  	[tilespmem:s14+$0xFFFFFC40] =	vst v11;
	v31 =	vld.idx.msk [tilespmem:v1+s31+$0x0], $0xffff  }
0x367: {  	[tilespmem:s14+$0xFFFFFC50] =	vst v12;
	v32 =	vld.idx.msk [tilespmem:v2+s31+$0x0], $0xffff  }
0x368: {  	[tilespmem:s14+$0xFFFFFC60] =	vst v13;
	v33 =	vld.idx.msk [tilespmem:v3+s31+$0x0], $0xffff  }
0x369: {  	[tilespmem:s14+$0xFFFFFC70] =	vst v14;
	v34 =	vld.idx.msk [tilespmem:v4+s31+$0x0], $0xffff  }
0x36a: {  	[tilespmem:s14+$0xFFFFFC10] =	vst v30;
	v35 =	vld.idx.msk [tilespmem:v5+s31+$0x0], $0xffff  }
0x36b: {  	v9 =	vld.idx.msk [tilespmem:v7+s31+$0x0], $0xffff;
	[tilespmem:s14+$0xFFFFFD00] =	vst v8  }
0x36c: {  	v36 =	vld.idx.msk [tilespmem:v6+s31+$0x0], $0xffff;
	[tilespmem:s14+$0xFFFFFCA0] =	vst v31  }
0x36d: {  	[tilespmem:s14+$0xFFFFFCB0] =	vst v32;
	v8 =	vld.idx.msk [tilespmem:v0+s0+$0x0], $0xffff  }
0x36e: {  	[tilespmem:s14+$0xFFFFFCC0] =	vst v33;
	v37 =	vld.idx.msk [tilespmem:v1+s0+$0x0], $0xffff  }
0x36f: {  	[tilespmem:s14+$0xFFFFFCD0] =	vst v34;
	v38 =	vld.idx.msk [tilespmem:v2+s0+$0x0], $0xffff  }
0x370: {  	[tilespmem:s14+$0xFFFFFCE0] =	vst v35;
	v39 =	vld.idx.msk [tilespmem:v3+s0+$0x0], $0xffff  }
0x371: {  	[tilespmem:s14+$0xFFFFFC90] =	vst v9;
	v40 =	vld.idx.msk [tilespmem:v4+s0+$0x0], $0xffff  }
0x372: {  	[tilespmem:s14+$0xFFFFFCF0] =	vst v36;
	v9 =	vld.idx.msk [tilespmem:v7+s0+$0x0], $0xffff  }
0x373: {  	v41 =	vld.idx.msk [tilespmem:v5+s0+$0x0], $0xffff;
	[tilespmem:s14+$0xFFFFFD80] =	vst v8  }
0x374: {  	v42 =	vld.idx.msk [tilespmem:v6+s0+$0x0], $0xffff;
	[tilespmem:s14+$0xFFFFFD20] =	vst v37  }
0x375: {  	[tilespmem:s14+$0xFFFFFD30] =	vst v38;
	v8 =	vld.idx.msk [tilespmem:v0+s1+$0x0], $0xffff  }
0x376: {  	[tilespmem:s14+$0xFFFFFD40] =	vst v39;
	v43 =	vld.idx.msk [tilespmem:v1+s1+$0x0], $0xffff  }
0x377: {  	[tilespmem:s14+$0xFFFFFD50] =	vst v40;
	v44 =	vld.idx.msk [tilespmem:v2+s1+$0x0], $0xffff  }
0x378: {  	[tilespmem:s14+$0xFFFFFD10] =	vst v9;
	v45 =	vld.idx.msk [tilespmem:v3+s1+$0x0], $0xffff  }
0x379: {  	[tilespmem:s14+$0xFFFFFD60] =	vst v41;
	v9 =	vld.idx.msk [tilespmem:v7+s1+$0x0], $0xffff  }
0x37a: {  	[tilespmem:s14+$0xFFFFFD70] =	vst v42;
	v46 =	vld.idx.msk [tilespmem:v4+s1+$0x0], $0xffff  }
0x37b: {  	v47 =	vld.idx.msk [tilespmem:v5+s1+$0x0], $0xffff;
	[tilespmem:s14+$0xFFFFFE00] =	vst v8  }
0x37c: {  	v48 =	vld.idx.msk [tilespmem:v6+s1+$0x0], $0xffff;
	[tilespmem:s14+$0xFFFFFDA0] =	vst v43  }
0x37d: {  	[tilespmem:s14+$0xFFFFFDB0] =	vst v44;
	v8 =	vld.idx.msk [tilespmem:v0+s12+$0x0], $0xffff  }
0x37e: {  	[tilespmem:s14+$0xFFFFFDC0] =	vst v45;
	v49 =	vld.idx.msk [tilespmem:v1+s12+$0x0], $0xffff  }
0x37f: {  	[tilespmem:s14+$0xFFFFFD90] =	vst v9;
	v50 =	vld.idx.msk [tilespmem:v2+s12+$0x0], $0xffff  }
0x380: {  	[tilespmem:s14+$0xFFFFFDD0] =	vst v46;
	v9 =	vld.idx.msk [tilespmem:v7+s12+$0x0], $0xffff  }
0x381: {  	[tilespmem:s14+$0xFFFFFDE0] =	vst v47;
	v51 =	vld.idx.msk [tilespmem:v3+s12+$0x0], $0xffff  }
0x382: {  	[tilespmem:s14+$0xFFFFFDF0] =	vst v48;
	v52 =	vld.idx.msk [tilespmem:v4+s12+$0x0], $0xffff  }
0x383: {  	v53 =	vld.idx.msk [tilespmem:v5+s12+$0x0], $0xffff;
	[tilespmem:s14+$0xFFFFFE80] =	vst v8  }
0x384: {  	v54 =	vld.idx.msk [tilespmem:v6+s12+$0x0], $0xffff;
	[tilespmem:s14+$0xFFFFFE20] =	vst v49  }
0x385: {  	[tilespmem:s14+$0xFFFFFE30] =	vst v50;
	v8 =	vld.idx.msk [tilespmem:v0+s4+$0x0], $0xffff  }
0x386: {  	[tilespmem:s14+$0xFFFFFE10] =	vst v9;
	v55 =	vld.idx.msk [tilespmem:v1+s4+$0x0], $0xffff  }
0x387: {  	[tilespmem:s14+$0xFFFFFE40] =	vst v51;
	v9 =	vld.idx.msk [tilespmem:v7+s4+$0x0], $0xffff  }
0x388: {  	[tilespmem:s14+$0xFFFFFE50] =	vst v52;
	v56 =	vld.idx.msk [tilespmem:v2+s4+$0x0], $0xffff  }
0x389: {  	[tilespmem:s14+$0xFFFFFE60] =	vst v53;
	v57 =	vld.idx.msk [tilespmem:v3+s4+$0x0], $0xffff  }
0x38a: {  	[tilespmem:s14+$0xFFFFFE70] =	vst v54;
	v58 =	vld.idx.msk [tilespmem:v4+s4+$0x0], $0xffff  }
0x38b: {  	v59 =	vld.idx.msk [tilespmem:v5+s4+$0x0], $0xffff;
	[tilespmem:s14+$0xFFFFFF00] =	vst v8  }
0x38c: {  	v60 =	vld.idx.msk [tilespmem:v6+s4+$0x0], $0xffff;
	[tilespmem:s14+$0xFFFFFEA0] =	vst v55  }
0x38d: {  	[tilespmem:s14+$0xFFFFFE90] =	vst v9;
	v8 =	vld.idx.msk [tilespmem:v0+s5+$0x0], $0xffff  }
0x38e: {  	[tilespmem:s14+$0xFFFFFEB0] =	vst v56;
	v61 =	vld.idx.msk [tilespmem:v7+s5+$0x0], $0xffff  }
0x38f: {  	[tilespmem:s14+$0xFFFFFEC0] =	vst v57;
	v62 =	vld.idx.msk [tilespmem:v1+s5+$0x0], $0xffff  }
0x390: {  	[tilespmem:s14+$0xFFFFFED0] =	vst v58;
	v10 =	vld.idx.msk [tilespmem:v2+s5+$0x0], $0xffff  }
0x391: {  	[tilespmem:s14+$0xFFFFFEE0] =	vst v59;
	v11 =	vld.idx.msk [tilespmem:v3+s5+$0x0], $0xffff  }
0x392: {  	v12 =	vld.idx.msk [tilespmem:v4+s5+$0x0], $0xffff;
	[tilespmem:s14+$0xFFFFFF80] =	vst v8  }
0x393: {  	[tilespmem:s14+$0xFFFFFEF0] =	vst v60;
	v0 =	vld.idx.msk [tilespmem:v0+s6+$0x0], $0xffff  }
0x394: {  	v13 =	vld.idx.msk [tilespmem:v5+s5+$0x0], $0xffff;
	[tilespmem:s14+$0xFFFFFF10] =	vst v61  }
0x395: {  	v63 =	vld.idx.msk [tilespmem:v6+s5+$0x0], $0xffff;
	[tilespmem:s14+$0xFFFFFF20] =	vst v62  }
0x396: {  	[tilespmem:s14+$0xFFFFFF30] =	vst v10;
	v7 =	vld.idx.msk [tilespmem:v7+s6+$0x0], $0xffff  }
0x397: {  	[tilespmem:s14+$0xFFFFFF40] =	vst v11;
	v2 =	vld.idx.msk [tilespmem:v2+s6+$0x0], $0xffff  }
0x398: {  	[tilespmem:s14+$0x0] =	vst v0;
	v0 =	vld.idx.msk [tilespmem:v1+s6+$0x0], $0xffff  }
0x399: {  	[tilespmem:s14+$0xFFFFFF50] =	vst v12;
	v3 =	vld.idx.msk [tilespmem:v3+s6+$0x0], $0xffff  }
0x39a: {  	[tilespmem:s14+$0xFFFFFF60] =	vst v13;
	v4 =	vld.idx.msk [tilespmem:v4+s6+$0x0], $0xffff  }
0x39b: {  	[tilespmem:s14+$0xFFFFFF70] =	vst v63;
	v5 =	vld.idx.msk [tilespmem:v5+s6+$0x0], $0xffff  }
0x39c: {  	s15 =	simm.s32 $0x0;
	s30 =	sadd.s32 $0x80, s30;
	[tilespmem:s14+$0xFFFFFF90] =	vst v7;
	v1 =	vld.idx.msk [tilespmem:v6+s6+$0x0], $0xffff  }
.LBB2_15:
0x39d: {  	v7 =	vld [tilespmem:s30+$0x0];
	s15 =	sadd.s32 $0x8, s15;
	[tilespmem:s14+$0xFFFFFFA0] =	vst v0  }
0x39e: {  	v0 =	vld [tilespmem:s30+$0xFFFFFFA0];
	p1 =	slt.u32 s15, $0x38;
	[tilespmem:s14+$0xFFFFFFB0] =	vst v2  }
0x39f: {  	v2 =	vld [tilespmem:s30+$0xFFFFFFB0];
	[tilespmem:s14+$0xFFFFFFC0] =	vst v3  }
0x3a0: {  	v3 =	vld [tilespmem:s30+$0xFFFFFFC0];
	[tilespmem:s14+$0xFFFFFFD0] =	vst v4  }
0x3a1: {  	v4 =	vld [tilespmem:s30+$0xFFFFFFD0];
	[tilespmem:s14+$0xFFFFFFE0] =	vst v5  }
0x3a2: {  	v5 =	vld [tilespmem:s30+$0xFFFFFFE0];
	[tilespmem:s14+$0xFFFFFFF0] =	vst v1  }
0x3a3: {  	v1 =	vld [tilespmem:s30+$0xFFFFFFF0]  }
0x3a4: {  	v6 =	vld [tilespmem:s30+$0xFFFFFF90]  }
0x3a5: {  	v8 =	vld.idx.msk [tilespmem:v7+s20+$0x0], $0xffff  }
0x3a6: {  	v9 =	vld.idx.msk [tilespmem:v0+s20+$0x0], $0xffff  }
0x3a7: {  	v10 =	vld.idx.msk [tilespmem:v2+s20+$0x0], $0xffff  }
0x3a8: {  	v11 =	vld.idx.msk [tilespmem:v3+s20+$0x0], $0xffff  }
0x3a9: {  	v12 =	vld.idx.msk [tilespmem:v4+s20+$0x0], $0xffff  }
0x3aa: {  	s14 =	sadd.s32 $0x400, s14;
	v13 =	vld.idx.msk [tilespmem:v5+s20+$0x0], $0xffff  }
0x3ab: {  	v14 =	vld.idx.msk [tilespmem:v1+s20+$0x0], $0xffff;
	[tilespmem:s14+$0xFFFFFC80] =	vst v8  }
0x3ac: {  	[tilespmem:s14+$0xFFFFFC20] =	vst v9;
	v8 =	vld.idx.msk [tilespmem:v7+s31+$0x0], $0xffff  }
0x3ad: {  	v9 =	vld.idx.msk [tilespmem:v6+s20+$0x0], $0xffff;
	[tilespmem:s14+$0xFFFFFC30] =	vst v10  }
0x3ae: {  	v10 =	vld.idx.msk [tilespmem:v0+s31+$0x0], $0xffff;
	[tilespmem:s14+$0xFFFFFC40] =	vst v11  }
0x3af: {  	v11 =	vld.idx.msk [tilespmem:v2+s31+$0x0], $0xffff;
	[tilespmem:s14+$0xFFFFFC50] =	vst v12  }
0x3b0: {  	v12 =	vld.idx.msk [tilespmem:v3+s31+$0x0], $0xffff;
	[tilespmem:s14+$0xFFFFFC60] =	vst v13  }
0x3b1: {  	v13 =	vld.idx.msk [tilespmem:v4+s31+$0x0], $0xffff;
	[tilespmem:s14+$0xFFFFFC70] =	vst v14  }
0x3b2: {  	v14 =	vld.idx.msk [tilespmem:v5+s31+$0x0], $0xffff;
	[tilespmem:s14+$0xFFFFFD00] =	vst v8  }
0x3b3: {  	[tilespmem:s14+$0xFFFFFC10] =	vst v9;
	v8 =	vld.idx.msk [tilespmem:v7+s0+$0x0], $0xffff  }
0x3b4: {  	v9 =	vld.idx.msk [tilespmem:v6+s31+$0x0], $0xffff;
	[tilespmem:s14+$0xFFFFFCA0] =	vst v10  }
0x3b5: {  	[tilespmem:s14+$0xFFFFFCB0] =	vst v11;
	v10 =	vld.idx.msk [tilespmem:v1+s31+$0x0], $0xffff  }
0x3b6: {  	v11 =	vld.idx.msk [tilespmem:v0+s0+$0x0], $0xffff;
	[tilespmem:s14+$0xFFFFFCC0] =	vst v12  }
0x3b7: {  	v12 =	vld.idx.msk [tilespmem:v2+s0+$0x0], $0xffff;
	[tilespmem:s14+$0xFFFFFCD0] =	vst v13  }
0x3b8: {  	v13 =	vld.idx.msk [tilespmem:v3+s0+$0x0], $0xffff;
	[tilespmem:s14+$0xFFFFFCE0] =	vst v14  }
0x3b9: {  	v14 =	vld.idx.msk [tilespmem:v4+s0+$0x0], $0xffff;
	[tilespmem:s14+$0xFFFFFD80] =	vst v8  }
0x3ba: {  	[tilespmem:s14+$0xFFFFFC90] =	vst v9;
	v8 =	vld.idx.msk [tilespmem:v7+s1+$0x0], $0xffff  }
0x3bb: {  	v9 =	vld.idx.msk [tilespmem:v6+s0+$0x0], $0xffff;
	[tilespmem:s14+$0xFFFFFCF0] =	vst v10  }
0x3bc: {  	[tilespmem:s14+$0xFFFFFD20] =	vst v11;
	v10 =	vld.idx.msk [tilespmem:v5+s0+$0x0], $0xffff  }
0x3bd: {  	[tilespmem:s14+$0xFFFFFD30] =	vst v12;
	v11 =	vld.idx.msk [tilespmem:v1+s0+$0x0], $0xffff  }
0x3be: {  	v12 =	vld.idx.msk [tilespmem:v0+s1+$0x0], $0xffff;
	[tilespmem:s14+$0xFFFFFD40] =	vst v13  }
0x3bf: {  	v13 =	vld.idx.msk [tilespmem:v2+s1+$0x0], $0xffff;
	[tilespmem:s14+$0xFFFFFD50] =	vst v14  }
0x3c0: {  	v14 =	vld.idx.msk [tilespmem:v3+s1+$0x0], $0xffff;
	[tilespmem:s14+$0xFFFFFE00] =	vst v8  }
0x3c1: {  	[tilespmem:s14+$0xFFFFFD10] =	vst v9;
	v8 =	vld.idx.msk [tilespmem:v7+s12+$0x0], $0xffff  }
0x3c2: {  	v9 =	vld.idx.msk [tilespmem:v6+s1+$0x0], $0xffff;
	[tilespmem:s14+$0xFFFFFD60] =	vst v10  }
0x3c3: {  	v10 =	vld.idx.msk [tilespmem:v4+s1+$0x0], $0xffff;
	[tilespmem:s14+$0xFFFFFD70] =	vst v11  }
0x3c4: {  	[tilespmem:s14+$0xFFFFFDA0] =	vst v12;
	v11 =	vld.idx.msk [tilespmem:v5+s1+$0x0], $0xffff  }
0x3c5: {  	[tilespmem:s14+$0xFFFFFDB0] =	vst v13;
	v12 =	vld.idx.msk [tilespmem:v1+s1+$0x0], $0xffff  }
0x3c6: {  	v13 =	vld.idx.msk [tilespmem:v0+s12+$0x0], $0xffff;
	[tilespmem:s14+$0xFFFFFDC0] =	vst v14  }
0x3c7: {  	v14 =	vld.idx.msk [tilespmem:v2+s12+$0x0], $0xffff;
	[tilespmem:s14+$0xFFFFFE80] =	vst v8  }
0x3c8: {  	[tilespmem:s14+$0xFFFFFD90] =	vst v9;
	v8 =	vld.idx.msk [tilespmem:v7+s4+$0x0], $0xffff  }
0x3c9: {  	v9 =	vld.idx.msk [tilespmem:v6+s12+$0x0], $0xffff;
	[tilespmem:s14+$0xFFFFFDD0] =	vst v10  }
0x3ca: {  	v10 =	vld.idx.msk [tilespmem:v3+s12+$0x0], $0xffff;
	[tilespmem:s14+$0xFFFFFDE0] =	vst v11  }
0x3cb: {  	v11 =	vld.idx.msk [tilespmem:v4+s12+$0x0], $0xffff;
	[tilespmem:s14+$0xFFFFFDF0] =	vst v12  }
0x3cc: {  	[tilespmem:s14+$0xFFFFFE20] =	vst v13;
	v12 =	vld.idx.msk [tilespmem:v5+s12+$0x0], $0xffff  }
0x3cd: {  	[tilespmem:s14+$0xFFFFFE30] =	vst v14;
	v13 =	vld.idx.msk [tilespmem:v1+s12+$0x0], $0xffff  }
0x3ce: {  	v14 =	vld.idx.msk [tilespmem:v0+s4+$0x0], $0xffff;
	[tilespmem:s14+$0xFFFFFF00] =	vst v8  }
0x3cf: {  	[tilespmem:s14+$0xFFFFFE10] =	vst v9;
	v8 =	vld.idx.msk [tilespmem:v7+s5+$0x0], $0xffff  }
0x3d0: {  	v9 =	vld.idx.msk [tilespmem:v6+s4+$0x0], $0xffff;
	[tilespmem:s14+$0xFFFFFE40] =	vst v10  }
0x3d1: {  	v10 =	vld.idx.msk [tilespmem:v2+s4+$0x0], $0xffff;
	[tilespmem:s14+$0xFFFFFE50] =	vst v11  }
0x3d2: {  	v11 =	vld.idx.msk [tilespmem:v3+s4+$0x0], $0xffff;
	[tilespmem:s14+$0xFFFFFE60] =	vst v12  }
0x3d3: {  	v12 =	vld.idx.msk [tilespmem:v4+s4+$0x0], $0xffff;
	[tilespmem:s14+$0xFFFFFE70] =	vst v13  }
0x3d4: {  	[tilespmem:s14+$0xFFFFFEA0] =	vst v14;
	v13 =	vld.idx.msk [tilespmem:v5+s4+$0x0], $0xffff  }
0x3d5: {  	v14 =	vld.idx.msk [tilespmem:v1+s4+$0x0], $0xffff;
	[tilespmem:s14+$0xFFFFFF80] =	vst v8  }
0x3d6: {  	[tilespmem:s14+$0xFFFFFE90] =	vst v9;
	v7 =	vld.idx.msk [tilespmem:v7+s6+$0x0], $0xffff  }
0x3d7: {  	v8 =	vld.idx.msk [tilespmem:v6+s5+$0x0], $0xffff;
	[tilespmem:s14+$0xFFFFFEB0] =	vst v10  }
0x3d8: {  	v9 =	vld.idx.msk [tilespmem:v0+s5+$0x0], $0xffff;
	[tilespmem:s14+$0xFFFFFEC0] =	vst v11  }
0x3d9: {  	v10 =	vld.idx.msk [tilespmem:v2+s5+$0x0], $0xffff;
	[tilespmem:s14+$0xFFFFFED0] =	vst v12  }
0x3da: {  	v11 =	vld.idx.msk [tilespmem:v3+s5+$0x0], $0xffff;
	[tilespmem:s14+$0xFFFFFEE0] =	vst v13  }
0x3db: {  	v12 =	vld.idx.msk [tilespmem:v4+s5+$0x0], $0xffff;
	[tilespmem:s14+$0xFFFFFEF0] =	vst v14  }
0x3dc: {  	v13 =	vld.idx.msk [tilespmem:v5+s5+$0x0], $0xffff;
	[tilespmem:s14+$0x0] =	vst v7  }
0x3dd: {  	[tilespmem:s14+$0xFFFFFF10] =	vst v8;
	v7 =	vld.idx.msk [tilespmem:v1+s5+$0x0], $0xffff  }
0x3de: {  	v6 =	vld.idx.msk [tilespmem:v6+s6+$0x0], $0xffff;
	[tilespmem:s14+$0xFFFFFF20] =	vst v9  }
0x3df: {  	v0 =	vld.idx.msk [tilespmem:v0+s6+$0x0], $0xffff;
	[tilespmem:s14+$0xFFFFFF30] =	vst v10  }
.Ltmp10:
0x3e0: {  	v2 =	vld.idx.msk [tilespmem:v2+s6+$0x0], $0xffff;
	[tilespmem:s14+$0xFFFFFF40] =	vst v11;
	(pc) =	sbr.rel @p1 .LBB2_15-.Ltmp10, $4  }
0x3e1: {  	v3 =	vld.idx.msk [tilespmem:v3+s6+$0x0], $0xffff;
	[tilespmem:s14+$0xFFFFFF50] =	vst v12  }
0x3e2: {  	v4 =	vld.idx.msk [tilespmem:v4+s6+$0x0], $0xffff;
	[tilespmem:s14+$0xFFFFFF60] =	vst v13  }
0x3e3: {  	v5 =	vld.idx.msk [tilespmem:v5+s6+$0x0], $0xffff;
	[tilespmem:s14+$0xFFFFFF70] =	vst v7  }
0x3e4: {  	s30 =	sadd.s32 $0x80, s30;
	[tilespmem:s14+$0xFFFFFF90] =	vst v6;
	v1 =	vld.idx.msk [tilespmem:v1+s6+$0x0], $0xffff  }
0x3e5: {  	[tilespmem:s14+$0xFFFFFFA0] =	vst v0  }
0x3e6: {  	[tilespmem:s14+$0xFFFFFFB0] =	vst v2  }
0x3e7: {  	[tilespmem:s14+$0xFFFFFFC0] =	vst v3  }
0x3e8: {  	[tilespmem:s14+$0xFFFFFFD0] =	vst v4  }
0x3e9: {  	s15 =	rddreg [dreg:$0xd]  }
0x3ea: {  	s30 =	rddreg [dreg:$0x14]  }
0x3eb: {  	[tilespmem:s14+$0xFFFFFFE0] =	vst v5;
	s15 =	sadd.s32 s15, s30  }
0x3ec: {  	[tilespmem:s14+$0xFFFFFFF0] =	vst v1;
	s14 =	rddreg [dreg:$0x1];
	s15 =	sshrl.u32 s15, $0x3  }
0x3ed: {  	s30 =	simm.s32 $0x16500;
	s14 =	sadd.s32 s14, s15;
	s15 =	simm.s32 $0x0  }
0x3ee: {  	[hbm4b:s14+s15] =	stream.linear.scatter [tilespmem:s30], [sflag:$0x2], $0x2000, $0x38;
	[tilespmem:$0x18500] =	vst v63  }
0x3ef: {  	s15 =	simm.s32 $0x1  }
0x3f0: {  	_ =	swait.ge [sflag:s15], $0x2000  }
0x3f1: {  	[sflag:s15] =	ssyncset.done $0x0  }
0x3f2: {  	s30 =	rddreg [dreg:$0x13];
	[sflag:s15] =	ssyncadd.s32 $0xFFFFE000  }
0x3f3: {  	v0 =	vld [tilespmem:s30+$0x0]  }
0x3f4: {  	v1 =	vld [tilespmem:s30+$0xFFFFFFA0]  }
0x3f5: {  	v2 =	vld [tilespmem:s30+$0xFFFFFFB0]  }
0x3f6: {  	v3 =	vld [tilespmem:s30+$0xFFFFFFC0]  }
0x3f7: {  	v4 =	vld [tilespmem:s30+$0xFFFFFFD0]  }
0x3f8: {  	v5 =	vld [tilespmem:s30+$0xFFFFFFE0]  }
0x3f9: {  	v6 =	vld [tilespmem:s30+$0xFFFFFFF0]  }
0x3fa: {  	v7 =	vld [tilespmem:s30+$0xFFFFFF90]  }
0x3fb: {  	v8 =	vld.idx.msk [tilespmem:v0+s2+$0x0], $0xffff  }
0x3fc: {  	v9 =	vld.idx.msk [tilespmem:v1+s2+$0x0], $0xffff  }
0x3fd: {  	v10 =	vld.idx.msk [tilespmem:v2+s2+$0x0], $0xffff  }
0x3fe: {  	v11 =	vld.idx.msk [tilespmem:v3+s2+$0x0], $0xffff  }
0x3ff: {  	v12 =	vld.idx.msk [tilespmem:v4+s2+$0x0], $0xffff  }
0x400: {  	s14 =	simm.s32 $0x14700;
	v13 =	vld.idx.msk [tilespmem:v5+s2+$0x0], $0xffff  }
0x401: {  	v14 =	vld.idx.msk [tilespmem:v6+s2+$0x0], $0xffff;
	[tilespmem:s14+$0xFFFFFE70] =	vst v8  }
0x402: {  	v30 =	vld.idx.msk [tilespmem:v7+s2+$0x0], $0xffff;
	[tilespmem:s14+$0xFFFFFE10] =	vst v9  }
0x403: {  	[tilespmem:s14+$0xFFFFFE20] =	vst v10;
	v8 =	vld.idx.msk [tilespmem:v0+s9+$0x0], $0xffff  }
0x404: {  	[tilespmem:s14+$0xFFFFFE30] =	vst v11;
	v31 =	vld.idx.msk [tilespmem:v1+s9+$0x0], $0xffff  }
0x405: {  	[tilespmem:s14+$0xFFFFFE40] =	vst v12;
	v32 =	vld.idx.msk [tilespmem:v2+s9+$0x0], $0xffff  }
0x406: {  	[tilespmem:s14+$0xFFFFFE50] =	vst v13;
	v33 =	vld.idx.msk [tilespmem:v3+s9+$0x0], $0xffff  }
0x407: {  	[tilespmem:s14+$0xFFFFFE60] =	vst v14;
	v34 =	vld.idx.msk [tilespmem:v4+s9+$0x0], $0xffff  }
0x408: {  	[tilespmem:s14+$0xFFFFFE00] =	vst v30;
	v35 =	vld.idx.msk [tilespmem:v5+s9+$0x0], $0xffff  }
0x409: {  	v9 =	vld.idx.msk [tilespmem:v7+s9+$0x0], $0xffff;
	[tilespmem:s14+$0xFFFFFEF0] =	vst v8  }
0x40a: {  	v36 =	vld.idx.msk [tilespmem:v6+s9+$0x0], $0xffff;
	[tilespmem:s14+$0xFFFFFE90] =	vst v31  }
0x40b: {  	[tilespmem:s14+$0xFFFFFEA0] =	vst v32;
	v8 =	vld.idx.msk [tilespmem:v0+s10+$0x0], $0xffff  }
0x40c: {  	[tilespmem:s14+$0xFFFFFEB0] =	vst v33;
	v37 =	vld.idx.msk [tilespmem:v1+s10+$0x0], $0xffff  }
0x40d: {  	[tilespmem:s14+$0xFFFFFEC0] =	vst v34;
	v38 =	vld.idx.msk [tilespmem:v2+s10+$0x0], $0xffff  }
0x40e: {  	[tilespmem:s14+$0xFFFFFED0] =	vst v35;
	v39 =	vld.idx.msk [tilespmem:v3+s10+$0x0], $0xffff  }
0x40f: {  	[tilespmem:s14+$0xFFFFFE80] =	vst v9;
	v40 =	vld.idx.msk [tilespmem:v4+s10+$0x0], $0xffff  }
0x410: {  	[tilespmem:s14+$0xFFFFFEE0] =	vst v36;
	v9 =	vld.idx.msk [tilespmem:v7+s10+$0x0], $0xffff  }
0x411: {  	v41 =	vld.idx.msk [tilespmem:v5+s10+$0x0], $0xffff;
	[tilespmem:s14+$0xFFFFFF70] =	vst v8  }
0x412: {  	v42 =	vld.idx.msk [tilespmem:v6+s10+$0x0], $0xffff;
	[tilespmem:s14+$0xFFFFFF10] =	vst v37  }
0x413: {  	[tilespmem:s14+$0xFFFFFF20] =	vst v38;
	v8 =	vld.idx.msk [tilespmem:v0+s11+$0x0], $0xffff  }
0x414: {  	[tilespmem:s14+$0xFFFFFF30] =	vst v39;
	v43 =	vld.idx.msk [tilespmem:v1+s11+$0x0], $0xffff  }
0x415: {  	[tilespmem:s14+$0xFFFFFF40] =	vst v40;
	v44 =	vld.idx.msk [tilespmem:v2+s11+$0x0], $0xffff  }
0x416: {  	[tilespmem:s14+$0xFFFFFF00] =	vst v9;
	v45 =	vld.idx.msk [tilespmem:v3+s11+$0x0], $0xffff  }
0x417: {  	[tilespmem:s14+$0xFFFFFF50] =	vst v41;
	v9 =	vld.idx.msk [tilespmem:v7+s11+$0x0], $0xffff  }
0x418: {  	[tilespmem:s14+$0xFFFFFF60] =	vst v42;
	v46 =	vld.idx.msk [tilespmem:v4+s11+$0x0], $0xffff  }
0x419: {  	v47 =	vld.idx.msk [tilespmem:v5+s11+$0x0], $0xffff;
	[tilespmem:s14+$0xFFFFFFF0] =	vst v8  }
0x41a: {  	v48 =	vld.idx.msk [tilespmem:v6+s11+$0x0], $0xffff;
	[tilespmem:s14+$0xFFFFFF90] =	vst v43  }
0x41b: {  	[tilespmem:s14+$0xFFFFFFA0] =	vst v44;
	v8 =	vld.idx.msk [tilespmem:v0+s17+$0x0], $0xffff  }
0x41c: {  	[tilespmem:s14+$0xFFFFFFB0] =	vst v45;
	v49 =	vld.idx.msk [tilespmem:v1+s17+$0x0], $0xffff  }
0x41d: {  	[tilespmem:s14+$0xFFFFFF80] =	vst v9;
	v50 =	vld.idx.msk [tilespmem:v2+s17+$0x0], $0xffff  }
0x41e: {  	[tilespmem:s14+$0xFFFFFFC0] =	vst v46;
	v9 =	vld.idx.msk [tilespmem:v7+s17+$0x0], $0xffff  }
0x41f: {  	[tilespmem:s14+$0xFFFFFFD0] =	vst v47;
	v51 =	vld.idx.msk [tilespmem:v3+s17+$0x0], $0xffff  }
0x420: {  	[tilespmem:s14+$0xFFFFFFE0] =	vst v48;
	v52 =	vld.idx.msk [tilespmem:v4+s17+$0x0], $0xffff  }
0x421: {  	v53 =	vld.idx.msk [tilespmem:v5+s17+$0x0], $0xffff;
	[tilespmem:s14+$0x70] =	vst v8  }
0x422: {  	v54 =	vld.idx.msk [tilespmem:v6+s17+$0x0], $0xffff;
	[tilespmem:s14+$0x10] =	vst v49  }
0x423: {  	[tilespmem:s14+$0x20] =	vst v50;
	v8 =	vld.idx.msk [tilespmem:v0+s18+$0x0], $0xffff  }
0x424: {  	[tilespmem:s14+$0x0] =	vst v9;
	v55 =	vld.idx.msk [tilespmem:v1+s18+$0x0], $0xffff  }
0x425: {  	[tilespmem:s14+$0x30] =	vst v51;
	v9 =	vld.idx.msk [tilespmem:v7+s18+$0x0], $0xffff  }
0x426: {  	[tilespmem:s14+$0x40] =	vst v52;
	v56 =	vld.idx.msk [tilespmem:v2+s18+$0x0], $0xffff  }
0x427: {  	[tilespmem:s14+$0x50] =	vst v53;
	v57 =	vld.idx.msk [tilespmem:v3+s18+$0x0], $0xffff  }
0x428: {  	[tilespmem:s14+$0x60] =	vst v54;
	v58 =	vld.idx.msk [tilespmem:v4+s18+$0x0], $0xffff  }
0x429: {  	v59 =	vld.idx.msk [tilespmem:v5+s18+$0x0], $0xffff;
	[tilespmem:s14+$0xF0] =	vst v8  }
0x42a: {  	v60 =	vld.idx.msk [tilespmem:v6+s18+$0x0], $0xffff;
	[tilespmem:s14+$0x90] =	vst v55  }
0x42b: {  	[tilespmem:s14+$0x80] =	vst v9;
	v8 =	vld.idx.msk [tilespmem:v0+s16+$0x0], $0xffff  }
0x42c: {  	[tilespmem:s14+$0xA0] =	vst v56;
	v61 =	vld.idx.msk [tilespmem:v7+s16+$0x0], $0xffff  }
0x42d: {  	[tilespmem:s14+$0xB0] =	vst v57;
	v62 =	vld.idx.msk [tilespmem:v1+s16+$0x0], $0xffff  }
0x42e: {  	[tilespmem:s14+$0xC0] =	vst v58;
	v10 =	vld.idx.msk [tilespmem:v2+s16+$0x0], $0xffff  }
0x42f: {  	[tilespmem:s14+$0xD0] =	vst v59;
	v11 =	vld.idx.msk [tilespmem:v3+s16+$0x0], $0xffff  }
0x430: {  	v12 =	vld.idx.msk [tilespmem:v4+s16+$0x0], $0xffff;
	[tilespmem:s14+$0x170] =	vst v8  }
0x431: {  	[tilespmem:s14+$0xE0] =	vst v60;
	v0 =	vld.idx.msk [tilespmem:v0+s7+$0x0], $0xffff  }
0x432: {  	v13 =	vld.idx.msk [tilespmem:v5+s16+$0x0], $0xffff;
	[tilespmem:s14+$0x100] =	vst v61  }
0x433: {  	v63 =	vld.idx.msk [tilespmem:v6+s16+$0x0], $0xffff;
	[tilespmem:s14+$0x110] =	vst v62  }
0x434: {  	[tilespmem:s14+$0x120] =	vst v10;
	v7 =	vld.idx.msk [tilespmem:v7+s7+$0x0], $0xffff  }
0x435: {  	[tilespmem:s14+$0x130] =	vst v11;
	v2 =	vld.idx.msk [tilespmem:v2+s7+$0x0], $0xffff  }
0x436: {  	[tilespmem:s14+$0x1F0] =	vst v0;
	v0 =	vld.idx.msk [tilespmem:v1+s7+$0x0], $0xffff  }
0x437: {  	[tilespmem:s14+$0x140] =	vst v12;
	v3 =	vld.idx.msk [tilespmem:v3+s7+$0x0], $0xffff  }
0x438: {  	[tilespmem:s14+$0x150] =	vst v13;
	v4 =	vld.idx.msk [tilespmem:v4+s7+$0x0], $0xffff  }
0x439: {  	[tilespmem:s14+$0x160] =	vst v63;
	v5 =	vld.idx.msk [tilespmem:v5+s7+$0x0], $0xffff  }
0x43a: {  	s15 =	simm.s32 $0x0;
	s30 =	sadd.s32 $0x80, s30;
	[tilespmem:s14+$0x180] =	vst v7;
	v1 =	vld.idx.msk [tilespmem:v6+s7+$0x0], $0xffff  }
.LBB2_17:
0x43b: {  	v7 =	vld [tilespmem:s30+$0x0];
	s15 =	sadd.s32 $0x8, s15;
	[tilespmem:s14+$0x190] =	vst v0  }
0x43c: {  	v0 =	vld [tilespmem:s30+$0xFFFFFFA0];
	p1 =	slt.u32 s15, $0x38;
	[tilespmem:s14+$0x1A0] =	vst v2  }
0x43d: {  	v2 =	vld [tilespmem:s30+$0xFFFFFFB0];
	[tilespmem:s14+$0x1B0] =	vst v3  }
0x43e: {  	v3 =	vld [tilespmem:s30+$0xFFFFFFC0];
	[tilespmem:s14+$0x1C0] =	vst v4  }
0x43f: {  	v4 =	vld [tilespmem:s30+$0xFFFFFFD0];
	[tilespmem:s14+$0x1D0] =	vst v5  }
0x440: {  	v5 =	vld [tilespmem:s30+$0xFFFFFFE0];
	[tilespmem:s14+$0x1E0] =	vst v1  }
0x441: {  	v1 =	vld [tilespmem:s30+$0xFFFFFFF0]  }
0x442: {  	v6 =	vld [tilespmem:s30+$0xFFFFFF90]  }
0x443: {  	v8 =	vld.idx.msk [tilespmem:v7+s2+$0x0], $0xffff  }
0x444: {  	v9 =	vld.idx.msk [tilespmem:v0+s2+$0x0], $0xffff  }
0x445: {  	v10 =	vld.idx.msk [tilespmem:v2+s2+$0x0], $0xffff  }
0x446: {  	v11 =	vld.idx.msk [tilespmem:v3+s2+$0x0], $0xffff  }
0x447: {  	v12 =	vld.idx.msk [tilespmem:v4+s2+$0x0], $0xffff  }
0x448: {  	s14 =	sadd.s32 $0x400, s14;
	v13 =	vld.idx.msk [tilespmem:v5+s2+$0x0], $0xffff  }
0x449: {  	v14 =	vld.idx.msk [tilespmem:v1+s2+$0x0], $0xffff;
	[tilespmem:s14+$0xFFFFFE70] =	vst v8  }
0x44a: {  	[tilespmem:s14+$0xFFFFFE10] =	vst v9;
	v8 =	vld.idx.msk [tilespmem:v7+s9+$0x0], $0xffff  }
0x44b: {  	v9 =	vld.idx.msk [tilespmem:v6+s2+$0x0], $0xffff;
	[tilespmem:s14+$0xFFFFFE20] =	vst v10  }
0x44c: {  	v10 =	vld.idx.msk [tilespmem:v0+s9+$0x0], $0xffff;
	[tilespmem:s14+$0xFFFFFE30] =	vst v11  }
0x44d: {  	v11 =	vld.idx.msk [tilespmem:v2+s9+$0x0], $0xffff;
	[tilespmem:s14+$0xFFFFFE40] =	vst v12  }
0x44e: {  	v12 =	vld.idx.msk [tilespmem:v3+s9+$0x0], $0xffff;
	[tilespmem:s14+$0xFFFFFE50] =	vst v13  }
0x44f: {  	v13 =	vld.idx.msk [tilespmem:v4+s9+$0x0], $0xffff;
	[tilespmem:s14+$0xFFFFFE60] =	vst v14  }
0x450: {  	v14 =	vld.idx.msk [tilespmem:v5+s9+$0x0], $0xffff;
	[tilespmem:s14+$0xFFFFFEF0] =	vst v8  }
0x451: {  	[tilespmem:s14+$0xFFFFFE00] =	vst v9;
	v8 =	vld.idx.msk [tilespmem:v7+s10+$0x0], $0xffff  }
0x452: {  	v9 =	vld.idx.msk [tilespmem:v6+s9+$0x0], $0xffff;
	[tilespmem:s14+$0xFFFFFE90] =	vst v10  }
0x453: {  	[tilespmem:s14+$0xFFFFFEA0] =	vst v11;
	v10 =	vld.idx.msk [tilespmem:v1+s9+$0x0], $0xffff  }
0x454: {  	v11 =	vld.idx.msk [tilespmem:v0+s10+$0x0], $0xffff;
	[tilespmem:s14+$0xFFFFFEB0] =	vst v12  }
0x455: {  	v12 =	vld.idx.msk [tilespmem:v2+s10+$0x0], $0xffff;
	[tilespmem:s14+$0xFFFFFEC0] =	vst v13  }
0x456: {  	v13 =	vld.idx.msk [tilespmem:v3+s10+$0x0], $0xffff;
	[tilespmem:s14+$0xFFFFFED0] =	vst v14  }
0x457: {  	v14 =	vld.idx.msk [tilespmem:v4+s10+$0x0], $0xffff;
	[tilespmem:s14+$0xFFFFFF70] =	vst v8  }
0x458: {  	[tilespmem:s14+$0xFFFFFE80] =	vst v9;
	v8 =	vld.idx.msk [tilespmem:v7+s11+$0x0], $0xffff  }
0x459: {  	v9 =	vld.idx.msk [tilespmem:v6+s10+$0x0], $0xffff;
	[tilespmem:s14+$0xFFFFFEE0] =	vst v10  }
0x45a: {  	[tilespmem:s14+$0xFFFFFF10] =	vst v11;
	v10 =	vld.idx.msk [tilespmem:v5+s10+$0x0], $0xffff  }
0x45b: {  	[tilespmem:s14+$0xFFFFFF20] =	vst v12;
	v11 =	vld.idx.msk [tilespmem:v1+s10+$0x0], $0xffff  }
0x45c: {  	v12 =	vld.idx.msk [tilespmem:v0+s11+$0x0], $0xffff;
	[tilespmem:s14+$0xFFFFFF30] =	vst v13  }
0x45d: {  	v13 =	vld.idx.msk [tilespmem:v2+s11+$0x0], $0xffff;
	[tilespmem:s14+$0xFFFFFF40] =	vst v14  }
0x45e: {  	v14 =	vld.idx.msk [tilespmem:v3+s11+$0x0], $0xffff;
	[tilespmem:s14+$0xFFFFFFF0] =	vst v8  }
0x45f: {  	[tilespmem:s14+$0xFFFFFF00] =	vst v9;
	v8 =	vld.idx.msk [tilespmem:v7+s17+$0x0], $0xffff  }
0x460: {  	v9 =	vld.idx.msk [tilespmem:v6+s11+$0x0], $0xffff;
	[tilespmem:s14+$0xFFFFFF50] =	vst v10  }
0x461: {  	v10 =	vld.idx.msk [tilespmem:v4+s11+$0x0], $0xffff;
	[tilespmem:s14+$0xFFFFFF60] =	vst v11  }
0x462: {  	[tilespmem:s14+$0xFFFFFF90] =	vst v12;
	v11 =	vld.idx.msk [tilespmem:v5+s11+$0x0], $0xffff  }
0x463: {  	[tilespmem:s14+$0xFFFFFFA0] =	vst v13;
	v12 =	vld.idx.msk [tilespmem:v1+s11+$0x0], $0xffff  }
0x464: {  	v13 =	vld.idx.msk [tilespmem:v0+s17+$0x0], $0xffff;
	[tilespmem:s14+$0xFFFFFFB0] =	vst v14  }
0x465: {  	v14 =	vld.idx.msk [tilespmem:v2+s17+$0x0], $0xffff;
	[tilespmem:s14+$0x70] =	vst v8  }
0x466: {  	[tilespmem:s14+$0xFFFFFF80] =	vst v9;
	v8 =	vld.idx.msk [tilespmem:v7+s18+$0x0], $0xffff  }
0x467: {  	v9 =	vld.idx.msk [tilespmem:v6+s17+$0x0], $0xffff;
	[tilespmem:s14+$0xFFFFFFC0] =	vst v10  }
0x468: {  	v10 =	vld.idx.msk [tilespmem:v3+s17+$0x0], $0xffff;
	[tilespmem:s14+$0xFFFFFFD0] =	vst v11  }
0x469: {  	v11 =	vld.idx.msk [tilespmem:v4+s17+$0x0], $0xffff;
	[tilespmem:s14+$0xFFFFFFE0] =	vst v12  }
0x46a: {  	[tilespmem:s14+$0x10] =	vst v13;
	v12 =	vld.idx.msk [tilespmem:v5+s17+$0x0], $0xffff  }
0x46b: {  	[tilespmem:s14+$0x20] =	vst v14;
	v13 =	vld.idx.msk [tilespmem:v1+s17+$0x0], $0xffff  }
0x46c: {  	v14 =	vld.idx.msk [tilespmem:v0+s18+$0x0], $0xffff;
	[tilespmem:s14+$0xF0] =	vst v8  }
0x46d: {  	[tilespmem:s14+$0x0] =	vst v9;
	v8 =	vld.idx.msk [tilespmem:v7+s16+$0x0], $0xffff  }
0x46e: {  	v9 =	vld.idx.msk [tilespmem:v6+s18+$0x0], $0xffff;
	[tilespmem:s14+$0x30] =	vst v10  }
0x46f: {  	v10 =	vld.idx.msk [tilespmem:v2+s18+$0x0], $0xffff;
	[tilespmem:s14+$0x40] =	vst v11  }
0x470: {  	v11 =	vld.idx.msk [tilespmem:v3+s18+$0x0], $0xffff;
	[tilespmem:s14+$0x50] =	vst v12  }
0x471: {  	v12 =	vld.idx.msk [tilespmem:v4+s18+$0x0], $0xffff;
	[tilespmem:s14+$0x60] =	vst v13  }
0x472: {  	[tilespmem:s14+$0x90] =	vst v14;
	v13 =	vld.idx.msk [tilespmem:v5+s18+$0x0], $0xffff  }
0x473: {  	v14 =	vld.idx.msk [tilespmem:v1+s18+$0x0], $0xffff;
	[tilespmem:s14+$0x170] =	vst v8  }
0x474: {  	[tilespmem:s14+$0x80] =	vst v9;
	v7 =	vld.idx.msk [tilespmem:v7+s7+$0x0], $0xffff  }
0x475: {  	v8 =	vld.idx.msk [tilespmem:v6+s16+$0x0], $0xffff;
	[tilespmem:s14+$0xA0] =	vst v10  }
0x476: {  	v9 =	vld.idx.msk [tilespmem:v0+s16+$0x0], $0xffff;
	[tilespmem:s14+$0xB0] =	vst v11  }
0x477: {  	v10 =	vld.idx.msk [tilespmem:v2+s16+$0x0], $0xffff;
	[tilespmem:s14+$0xC0] =	vst v12  }
0x478: {  	v11 =	vld.idx.msk [tilespmem:v3+s16+$0x0], $0xffff;
	[tilespmem:s14+$0xD0] =	vst v13  }
0x479: {  	v12 =	vld.idx.msk [tilespmem:v4+s16+$0x0], $0xffff;
	[tilespmem:s14+$0xE0] =	vst v14  }
0x47a: {  	v13 =	vld.idx.msk [tilespmem:v5+s16+$0x0], $0xffff;
	[tilespmem:s14+$0x1F0] =	vst v7  }
0x47b: {  	[tilespmem:s14+$0x100] =	vst v8;
	v7 =	vld.idx.msk [tilespmem:v1+s16+$0x0], $0xffff  }
0x47c: {  	v6 =	vld.idx.msk [tilespmem:v6+s7+$0x0], $0xffff;
	[tilespmem:s14+$0x110] =	vst v9  }
0x47d: {  	v0 =	vld.idx.msk [tilespmem:v0+s7+$0x0], $0xffff;
	[tilespmem:s14+$0x120] =	vst v10  }
.Ltmp11:
0x47e: {  	v2 =	vld.idx.msk [tilespmem:v2+s7+$0x0], $0xffff;
	[tilespmem:s14+$0x130] =	vst v11;
	(pc) =	sbr.rel @p1 .LBB2_17-.Ltmp11, $4  }
0x47f: {  	v3 =	vld.idx.msk [tilespmem:v3+s7+$0x0], $0xffff;
	[tilespmem:s14+$0x140] =	vst v12  }
0x480: {  	v4 =	vld.idx.msk [tilespmem:v4+s7+$0x0], $0xffff;
	[tilespmem:s14+$0x150] =	vst v13  }
0x481: {  	v5 =	vld.idx.msk [tilespmem:v5+s7+$0x0], $0xffff;
	[tilespmem:s14+$0x160] =	vst v7  }
0x482: {  	s30 =	sadd.s32 $0x80, s30;
	[tilespmem:s14+$0x180] =	vst v6;
	v1 =	vld.idx.msk [tilespmem:v1+s7+$0x0], $0xffff  }
0x483: {  	[tilespmem:s14+$0x190] =	vst v0  }
0x484: {  	[tilespmem:s14+$0x1A0] =	vst v2  }
0x485: {  	[tilespmem:s14+$0x1B0] =	vst v3  }
0x486: {  	[tilespmem:s14+$0x1C0] =	vst v4  }
0x487: {  	s15 =	rddreg [dreg:$0xe]  }
.Ltmp12:
0x488: {  	s30 =	rddreg [dreg:$0x14];
	(pc) =	sbr.rel @p0 .LBB2_22-.Ltmp12, $4  }
0x489: {  	s15 =	sadd.s32 s15, s30  }
0x48a: {  	[tilespmem:s14+$0x1D0] =	vst v5;
	s30 =	rddreg [dreg:$0x1];
	s15 =	sshrl.u32 s15, $0x3  }
0x48b: {  	[tilespmem:s14+$0x1E0] =	vst v1;
	s14 =	sadd.s32 s30, s15;
	s15 =	simm.s32 $0x0;
	s30 =	simm.s32 $0x14500  }
0x48c: {  	[hbm4b:s14+s15] =	stream.linear.scatter [tilespmem:s30], [sflag:$0x1], $0x2000, $0x38;
	[tilespmem:$0x18500] =	vst v63  }
0x48d: {  	[dreg:$0x12] =	wrdreg s22;
	s14 =	simm.s32 $0x2  }
0x48e: {  	_ =	swait.ge [sflag:s14], $0x2000  }
0x48f: {  	[sflag:s14] =	ssyncset.done $0x0  }
0x490: {  	s30 =	rddreg [dreg:$0x13];
	[sflag:s14] =	ssyncadd.s32 $0xFFFFE000  }
0x491: {  	v0 =	vld [tilespmem:s30+$0x0]  }
0x492: {  	v1 =	vld [tilespmem:s30+$0xFFFFFFA0]  }
0x493: {  	v2 =	vld [tilespmem:s30+$0xFFFFFFB0]  }
0x494: {  	v3 =	vld [tilespmem:s30+$0xFFFFFFC0]  }
0x495: {  	v4 =	vld [tilespmem:s30+$0xFFFFFFD0]  }
0x496: {  	v5 =	vld [tilespmem:s30+$0xFFFFFFE0]  }
0x497: {  	v6 =	vld [tilespmem:s30+$0xFFFFFFF0]  }
0x498: {  	s2 =	simm.s32 $0x125C0;
	v7 =	vld [tilespmem:s30+$0xFFFFFF90]  }
0x499: {  	v8 =	vld.idx.msk [tilespmem:v0+s2+$0x0], $0xffff  }
0x49a: {  	v9 =	vld.idx.msk [tilespmem:v1+s2+$0x0], $0xffff  }
0x49b: {  	v10 =	vld.idx.msk [tilespmem:v2+s2+$0x0], $0xffff  }
0x49c: {  	v11 =	vld.idx.msk [tilespmem:v3+s2+$0x0], $0xffff  }
0x49d: {  	v12 =	vld.idx.msk [tilespmem:v4+s2+$0x0], $0xffff  }
0x49e: {  	s14 =	simm.s32 $0x168F0;
	v13 =	vld.idx.msk [tilespmem:v5+s2+$0x0], $0xffff  }
0x49f: {  	v14 =	vld.idx.msk [tilespmem:v6+s2+$0x0], $0xffff;
	[tilespmem:s14+$0xFFFFFC80] =	vst v8  }
0x4a0: {  	s3 =	simm.s32 $0x129A8;
	v30 =	vld.idx.msk [tilespmem:v7+s2+$0x0], $0xffff;
	[tilespmem:s14+$0xFFFFFC20] =	vst v9  }
0x4a1: {  	[tilespmem:s14+$0xFFFFFC30] =	vst v10;
	v8 =	vld.idx.msk [tilespmem:v0+s3+$0x0], $0xffff  }
0x4a2: {  	[tilespmem:s14+$0xFFFFFC40] =	vst v11;
	v31 =	vld.idx.msk [tilespmem:v1+s3+$0x0], $0xffff  }
0x4a3: {  	[tilespmem:s14+$0xFFFFFC50] =	vst v12;
	v32 =	vld.idx.msk [tilespmem:v2+s3+$0x0], $0xffff  }
0x4a4: {  	[tilespmem:s14+$0xFFFFFC60] =	vst v13;
	v33 =	vld.idx.msk [tilespmem:v3+s3+$0x0], $0xffff  }
0x4a5: {  	[tilespmem:s14+$0xFFFFFC70] =	vst v14;
	v34 =	vld.idx.msk [tilespmem:v4+s3+$0x0], $0xffff  }
0x4a6: {  	[tilespmem:s14+$0xFFFFFC10] =	vst v30;
	v35 =	vld.idx.msk [tilespmem:v5+s3+$0x0], $0xffff  }
0x4a7: {  	v9 =	vld.idx.msk [tilespmem:v7+s3+$0x0], $0xffff;
	[tilespmem:s14+$0xFFFFFD00] =	vst v8  }
0x4a8: {  	s8 =	simm.s32 $0x12D90;
	v36 =	vld.idx.msk [tilespmem:v6+s3+$0x0], $0xffff;
	[tilespmem:s14+$0xFFFFFCA0] =	vst v31  }
0x4a9: {  	[tilespmem:s14+$0xFFFFFCB0] =	vst v32;
	v8 =	vld.idx.msk [tilespmem:v0+s8+$0x0], $0xffff  }
0x4aa: {  	[tilespmem:s14+$0xFFFFFCC0] =	vst v33;
	v37 =	vld.idx.msk [tilespmem:v1+s8+$0x0], $0xffff  }
0x4ab: {  	[tilespmem:s14+$0xFFFFFCD0] =	vst v34;
	v38 =	vld.idx.msk [tilespmem:v2+s8+$0x0], $0xffff  }
0x4ac: {  	[tilespmem:s14+$0xFFFFFCE0] =	vst v35;
	v39 =	vld.idx.msk [tilespmem:v3+s8+$0x0], $0xffff  }
0x4ad: {  	[tilespmem:s14+$0xFFFFFC90] =	vst v9;
	v40 =	vld.idx.msk [tilespmem:v4+s8+$0x0], $0xffff  }
0x4ae: {  	[tilespmem:s14+$0xFFFFFCF0] =	vst v36;
	v9 =	vld.idx.msk [tilespmem:v7+s8+$0x0], $0xffff  }
0x4af: {  	v41 =	vld.idx.msk [tilespmem:v5+s8+$0x0], $0xffff;
	[tilespmem:s14+$0xFFFFFD80] =	vst v8  }
0x4b0: {  	s13 =	simm.s32 $0x13178;
	v42 =	vld.idx.msk [tilespmem:v6+s8+$0x0], $0xffff;
	[tilespmem:s14+$0xFFFFFD20] =	vst v37  }
0x4b1: {  	[tilespmem:s14+$0xFFFFFD30] =	vst v38;
	v8 =	vld.idx.msk [tilespmem:v0+s13+$0x0], $0xffff  }
0x4b2: {  	[tilespmem:s14+$0xFFFFFD40] =	vst v39;
	v43 =	vld.idx.msk [tilespmem:v1+s13+$0x0], $0xffff  }
0x4b3: {  	[tilespmem:s14+$0xFFFFFD50] =	vst v40;
	v44 =	vld.idx.msk [tilespmem:v2+s13+$0x0], $0xffff  }
0x4b4: {  	[tilespmem:s14+$0xFFFFFD10] =	vst v9;
	v45 =	vld.idx.msk [tilespmem:v3+s13+$0x0], $0xffff  }
0x4b5: {  	[tilespmem:s14+$0xFFFFFD60] =	vst v41;
	v9 =	vld.idx.msk [tilespmem:v7+s13+$0x0], $0xffff  }
0x4b6: {  	[tilespmem:s14+$0xFFFFFD70] =	vst v42;
	v46 =	vld.idx.msk [tilespmem:v4+s13+$0x0], $0xffff  }
0x4b7: {  	v47 =	vld.idx.msk [tilespmem:v5+s13+$0x0], $0xffff;
	[tilespmem:s14+$0xFFFFFE00] =	vst v8  }
0x4b8: {  	s19 =	simm.s32 $0x13560;
	v48 =	vld.idx.msk [tilespmem:v6+s13+$0x0], $0xffff;
	[tilespmem:s14+$0xFFFFFDA0] =	vst v43  }
0x4b9: {  	[tilespmem:s14+$0xFFFFFDB0] =	vst v44;
	v8 =	vld.idx.msk [tilespmem:v0+s19+$0x0], $0xffff  }
0x4ba: {  	[tilespmem:s14+$0xFFFFFDC0] =	vst v45;
	v49 =	vld.idx.msk [tilespmem:v1+s19+$0x0], $0xffff  }
0x4bb: {  	[tilespmem:s14+$0xFFFFFD90] =	vst v9;
	v50 =	vld.idx.msk [tilespmem:v2+s19+$0x0], $0xffff  }
0x4bc: {  	[tilespmem:s14+$0xFFFFFDD0] =	vst v46;
	v9 =	vld.idx.msk [tilespmem:v7+s19+$0x0], $0xffff  }
0x4bd: {  	[tilespmem:s14+$0xFFFFFDE0] =	vst v47;
	v51 =	vld.idx.msk [tilespmem:v3+s19+$0x0], $0xffff  }
0x4be: {  	[tilespmem:s14+$0xFFFFFDF0] =	vst v48;
	v52 =	vld.idx.msk [tilespmem:v4+s19+$0x0], $0xffff  }
0x4bf: {  	v53 =	vld.idx.msk [tilespmem:v5+s19+$0x0], $0xffff;
	[tilespmem:s14+$0xFFFFFE80] =	vst v8  }
0x4c0: {  	s20 =	simm.s32 $0x13948;
	v54 =	vld.idx.msk [tilespmem:v6+s19+$0x0], $0xffff;
	[tilespmem:s14+$0xFFFFFE20] =	vst v49  }
0x4c1: {  	[tilespmem:s14+$0xFFFFFE30] =	vst v50;
	v8 =	vld.idx.msk [tilespmem:v0+s20+$0x0], $0xffff  }
0x4c2: {  	[tilespmem:s14+$0xFFFFFE10] =	vst v9;
	v55 =	vld.idx.msk [tilespmem:v1+s20+$0x0], $0xffff  }
0x4c3: {  	[tilespmem:s14+$0xFFFFFE40] =	vst v51;
	v9 =	vld.idx.msk [tilespmem:v7+s20+$0x0], $0xffff  }
0x4c4: {  	[tilespmem:s14+$0xFFFFFE50] =	vst v52;
	v56 =	vld.idx.msk [tilespmem:v2+s20+$0x0], $0xffff  }
0x4c5: {  	[tilespmem:s14+$0xFFFFFE60] =	vst v53;
	v57 =	vld.idx.msk [tilespmem:v3+s20+$0x0], $0xffff  }
0x4c6: {  	[tilespmem:s14+$0xFFFFFE70] =	vst v54;
	v58 =	vld.idx.msk [tilespmem:v4+s20+$0x0], $0xffff  }
0x4c7: {  	v59 =	vld.idx.msk [tilespmem:v5+s20+$0x0], $0xffff;
	[tilespmem:s14+$0xFFFFFF00] =	vst v8  }
0x4c8: {  	s21 =	simm.s32 $0x13D30;
	v60 =	vld.idx.msk [tilespmem:v6+s20+$0x0], $0xffff;
	[tilespmem:s14+$0xFFFFFEA0] =	vst v55  }
0x4c9: {  	[tilespmem:s14+$0xFFFFFE90] =	vst v9;
	v8 =	vld.idx.msk [tilespmem:v0+s21+$0x0], $0xffff  }
0x4ca: {  	[tilespmem:s14+$0xFFFFFEB0] =	vst v56;
	v61 =	vld.idx.msk [tilespmem:v7+s21+$0x0], $0xffff  }
0x4cb: {  	[tilespmem:s14+$0xFFFFFEC0] =	vst v57;
	v62 =	vld.idx.msk [tilespmem:v1+s21+$0x0], $0xffff  }
0x4cc: {  	[tilespmem:s14+$0xFFFFFED0] =	vst v58;
	v10 =	vld.idx.msk [tilespmem:v2+s21+$0x0], $0xffff  }
0x4cd: {  	[tilespmem:s14+$0xFFFFFEE0] =	vst v59;
	v11 =	vld.idx.msk [tilespmem:v3+s21+$0x0], $0xffff  }
0x4ce: {  	s22 =	simm.s32 $0x14118;
	v12 =	vld.idx.msk [tilespmem:v4+s21+$0x0], $0xffff;
	[tilespmem:s14+$0xFFFFFF80] =	vst v8  }
0x4cf: {  	[tilespmem:s14+$0xFFFFFEF0] =	vst v60;
	v0 =	vld.idx.msk [tilespmem:v0+s22+$0x0], $0xffff  }
0x4d0: {  	v13 =	vld.idx.msk [tilespmem:v5+s21+$0x0], $0xffff;
	[tilespmem:s14+$0xFFFFFF10] =	vst v61  }
0x4d1: {  	v63 =	vld.idx.msk [tilespmem:v6+s21+$0x0], $0xffff;
	[tilespmem:s14+$0xFFFFFF20] =	vst v62  }
0x4d2: {  	[tilespmem:s14+$0xFFFFFF30] =	vst v10;
	v7 =	vld.idx.msk [tilespmem:v7+s22+$0x0], $0xffff  }
0x4d3: {  	[tilespmem:s14+$0xFFFFFF40] =	vst v11;
	v2 =	vld.idx.msk [tilespmem:v2+s22+$0x0], $0xffff  }
0x4d4: {  	[tilespmem:s14+$0x0] =	vst v0;
	v0 =	vld.idx.msk [tilespmem:v1+s22+$0x0], $0xffff  }
0x4d5: {  	[tilespmem:s14+$0xFFFFFF50] =	vst v12;
	v3 =	vld.idx.msk [tilespmem:v3+s22+$0x0], $0xffff  }
0x4d6: {  	[tilespmem:s14+$0xFFFFFF60] =	vst v13;
	v4 =	vld.idx.msk [tilespmem:v4+s22+$0x0], $0xffff  }
0x4d7: {  	[tilespmem:s14+$0xFFFFFF70] =	vst v63;
	v5 =	vld.idx.msk [tilespmem:v5+s22+$0x0], $0xffff  }
0x4d8: {  	s15 =	simm.s32 $0x0;
	s30 =	sadd.s32 $0x80, s30;
	[tilespmem:s14+$0xFFFFFF90] =	vst v7;
	v1 =	vld.idx.msk [tilespmem:v6+s22+$0x0], $0xffff  }
.LBB2_20:
0x4d9: {  	v7 =	vld [tilespmem:s30+$0x0];
	s15 =	sadd.s32 $0x8, s15;
	[tilespmem:s14+$0xFFFFFFA0] =	vst v0  }
0x4da: {  	v0 =	vld [tilespmem:s30+$0xFFFFFFA0];
	p1 =	slt.u32 s15, $0x38;
	[tilespmem:s14+$0xFFFFFFB0] =	vst v2  }
0x4db: {  	v2 =	vld [tilespmem:s30+$0xFFFFFFB0];
	[tilespmem:s14+$0xFFFFFFC0] =	vst v3  }
0x4dc: {  	v3 =	vld [tilespmem:s30+$0xFFFFFFC0];
	[tilespmem:s14+$0xFFFFFFD0] =	vst v4  }
0x4dd: {  	v4 =	vld [tilespmem:s30+$0xFFFFFFD0];
	[tilespmem:s14+$0xFFFFFFE0] =	vst v5  }
0x4de: {  	v5 =	vld [tilespmem:s30+$0xFFFFFFE0];
	[tilespmem:s14+$0xFFFFFFF0] =	vst v1  }
0x4df: {  	v1 =	vld [tilespmem:s30+$0xFFFFFFF0]  }
0x4e0: {  	v6 =	vld [tilespmem:s30+$0xFFFFFF90]  }
0x4e1: {  	v8 =	vld.idx.msk [tilespmem:v7+s2+$0x0], $0xffff  }
0x4e2: {  	v9 =	vld.idx.msk [tilespmem:v0+s2+$0x0], $0xffff  }
0x4e3: {  	v10 =	vld.idx.msk [tilespmem:v2+s2+$0x0], $0xffff  }
0x4e4: {  	v11 =	vld.idx.msk [tilespmem:v3+s2+$0x0], $0xffff  }
0x4e5: {  	v12 =	vld.idx.msk [tilespmem:v4+s2+$0x0], $0xffff  }
0x4e6: {  	s14 =	sadd.s32 $0x400, s14;
	v13 =	vld.idx.msk [tilespmem:v5+s2+$0x0], $0xffff  }
0x4e7: {  	v14 =	vld.idx.msk [tilespmem:v1+s2+$0x0], $0xffff;
	[tilespmem:s14+$0xFFFFFC80] =	vst v8  }
0x4e8: {  	[tilespmem:s14+$0xFFFFFC20] =	vst v9;
	v8 =	vld.idx.msk [tilespmem:v7+s3+$0x0], $0xffff  }
0x4e9: {  	v9 =	vld.idx.msk [tilespmem:v6+s2+$0x0], $0xffff;
	[tilespmem:s14+$0xFFFFFC30] =	vst v10  }
0x4ea: {  	v10 =	vld.idx.msk [tilespmem:v0+s3+$0x0], $0xffff;
	[tilespmem:s14+$0xFFFFFC40] =	vst v11  }
0x4eb: {  	v11 =	vld.idx.msk [tilespmem:v2+s3+$0x0], $0xffff;
	[tilespmem:s14+$0xFFFFFC50] =	vst v12  }
0x4ec: {  	v12 =	vld.idx.msk [tilespmem:v3+s3+$0x0], $0xffff;
	[tilespmem:s14+$0xFFFFFC60] =	vst v13  }
0x4ed: {  	v13 =	vld.idx.msk [tilespmem:v4+s3+$0x0], $0xffff;
	[tilespmem:s14+$0xFFFFFC70] =	vst v14  }
0x4ee: {  	v14 =	vld.idx.msk [tilespmem:v5+s3+$0x0], $0xffff;
	[tilespmem:s14+$0xFFFFFD00] =	vst v8  }
0x4ef: {  	[tilespmem:s14+$0xFFFFFC10] =	vst v9;
	v8 =	vld.idx.msk [tilespmem:v7+s8+$0x0], $0xffff  }
0x4f0: {  	v9 =	vld.idx.msk [tilespmem:v6+s3+$0x0], $0xffff;
	[tilespmem:s14+$0xFFFFFCA0] =	vst v10  }
0x4f1: {  	[tilespmem:s14+$0xFFFFFCB0] =	vst v11;
	v10 =	vld.idx.msk [tilespmem:v1+s3+$0x0], $0xffff  }
0x4f2: {  	v11 =	vld.idx.msk [tilespmem:v0+s8+$0x0], $0xffff;
	[tilespmem:s14+$0xFFFFFCC0] =	vst v12  }
0x4f3: {  	v12 =	vld.idx.msk [tilespmem:v2+s8+$0x0], $0xffff;
	[tilespmem:s14+$0xFFFFFCD0] =	vst v13  }
0x4f4: {  	v13 =	vld.idx.msk [tilespmem:v3+s8+$0x0], $0xffff;
	[tilespmem:s14+$0xFFFFFCE0] =	vst v14  }
0x4f5: {  	v14 =	vld.idx.msk [tilespmem:v4+s8+$0x0], $0xffff;
	[tilespmem:s14+$0xFFFFFD80] =	vst v8  }
0x4f6: {  	[tilespmem:s14+$0xFFFFFC90] =	vst v9;
	v8 =	vld.idx.msk [tilespmem:v7+s13+$0x0], $0xffff  }
0x4f7: {  	v9 =	vld.idx.msk [tilespmem:v6+s8+$0x0], $0xffff;
	[tilespmem:s14+$0xFFFFFCF0] =	vst v10  }
0x4f8: {  	[tilespmem:s14+$0xFFFFFD20] =	vst v11;
	v10 =	vld.idx.msk [tilespmem:v5+s8+$0x0], $0xffff  }
0x4f9: {  	[tilespmem:s14+$0xFFFFFD30] =	vst v12;
	v11 =	vld.idx.msk [tilespmem:v1+s8+$0x0], $0xffff  }
0x4fa: {  	v12 =	vld.idx.msk [tilespmem:v0+s13+$0x0], $0xffff;
	[tilespmem:s14+$0xFFFFFD40] =	vst v13  }
0x4fb: {  	v13 =	vld.idx.msk [tilespmem:v2+s13+$0x0], $0xffff;
	[tilespmem:s14+$0xFFFFFD50] =	vst v14  }
0x4fc: {  	v14 =	vld.idx.msk [tilespmem:v3+s13+$0x0], $0xffff;
	[tilespmem:s14+$0xFFFFFE00] =	vst v8  }
0x4fd: {  	[tilespmem:s14+$0xFFFFFD10] =	vst v9;
	v8 =	vld.idx.msk [tilespmem:v7+s19+$0x0], $0xffff  }
0x4fe: {  	v9 =	vld.idx.msk [tilespmem:v6+s13+$0x0], $0xffff;
	[tilespmem:s14+$0xFFFFFD60] =	vst v10  }
0x4ff: {  	v10 =	vld.idx.msk [tilespmem:v4+s13+$0x0], $0xffff;
	[tilespmem:s14+$0xFFFFFD70] =	vst v11  }
0x500: {  	[tilespmem:s14+$0xFFFFFDA0] =	vst v12;
	v11 =	vld.idx.msk [tilespmem:v5+s13+$0x0], $0xffff  }
0x501: {  	[tilespmem:s14+$0xFFFFFDB0] =	vst v13;
	v12 =	vld.idx.msk [tilespmem:v1+s13+$0x0], $0xffff  }
0x502: {  	v13 =	vld.idx.msk [tilespmem:v0+s19+$0x0], $0xffff;
	[tilespmem:s14+$0xFFFFFDC0] =	vst v14  }
0x503: {  	v14 =	vld.idx.msk [tilespmem:v2+s19+$0x0], $0xffff;
	[tilespmem:s14+$0xFFFFFE80] =	vst v8  }
0x504: {  	[tilespmem:s14+$0xFFFFFD90] =	vst v9;
	v8 =	vld.idx.msk [tilespmem:v7+s20+$0x0], $0xffff  }
0x505: {  	v9 =	vld.idx.msk [tilespmem:v6+s19+$0x0], $0xffff;
	[tilespmem:s14+$0xFFFFFDD0] =	vst v10  }
0x506: {  	v10 =	vld.idx.msk [tilespmem:v3+s19+$0x0], $0xffff;
	[tilespmem:s14+$0xFFFFFDE0] =	vst v11  }
0x507: {  	v11 =	vld.idx.msk [tilespmem:v4+s19+$0x0], $0xffff;
	[tilespmem:s14+$0xFFFFFDF0] =	vst v12  }
0x508: {  	[tilespmem:s14+$0xFFFFFE20] =	vst v13;
	v12 =	vld.idx.msk [tilespmem:v5+s19+$0x0], $0xffff  }
0x509: {  	[tilespmem:s14+$0xFFFFFE30] =	vst v14;
	v13 =	vld.idx.msk [tilespmem:v1+s19+$0x0], $0xffff  }
0x50a: {  	v14 =	vld.idx.msk [tilespmem:v0+s20+$0x0], $0xffff;
	[tilespmem:s14+$0xFFFFFF00] =	vst v8  }
0x50b: {  	[tilespmem:s14+$0xFFFFFE10] =	vst v9;
	v8 =	vld.idx.msk [tilespmem:v7+s21+$0x0], $0xffff  }
0x50c: {  	v9 =	vld.idx.msk [tilespmem:v6+s20+$0x0], $0xffff;
	[tilespmem:s14+$0xFFFFFE40] =	vst v10  }
0x50d: {  	v10 =	vld.idx.msk [tilespmem:v2+s20+$0x0], $0xffff;
	[tilespmem:s14+$0xFFFFFE50] =	vst v11  }
0x50e: {  	v11 =	vld.idx.msk [tilespmem:v3+s20+$0x0], $0xffff;
	[tilespmem:s14+$0xFFFFFE60] =	vst v12  }
0x50f: {  	v12 =	vld.idx.msk [tilespmem:v4+s20+$0x0], $0xffff;
	[tilespmem:s14+$0xFFFFFE70] =	vst v13  }
0x510: {  	[tilespmem:s14+$0xFFFFFEA0] =	vst v14;
	v13 =	vld.idx.msk [tilespmem:v5+s20+$0x0], $0xffff  }
0x511: {  	v14 =	vld.idx.msk [tilespmem:v1+s20+$0x0], $0xffff;
	[tilespmem:s14+$0xFFFFFF80] =	vst v8  }
0x512: {  	[tilespmem:s14+$0xFFFFFE90] =	vst v9;
	v7 =	vld.idx.msk [tilespmem:v7+s22+$0x0], $0xffff  }
0x513: {  	v8 =	vld.idx.msk [tilespmem:v6+s21+$0x0], $0xffff;
	[tilespmem:s14+$0xFFFFFEB0] =	vst v10  }
0x514: {  	v9 =	vld.idx.msk [tilespmem:v0+s21+$0x0], $0xffff;
	[tilespmem:s14+$0xFFFFFEC0] =	vst v11  }
0x515: {  	v10 =	vld.idx.msk [tilespmem:v2+s21+$0x0], $0xffff;
	[tilespmem:s14+$0xFFFFFED0] =	vst v12  }
0x516: {  	v11 =	vld.idx.msk [tilespmem:v3+s21+$0x0], $0xffff;
	[tilespmem:s14+$0xFFFFFEE0] =	vst v13  }
0x517: {  	v12 =	vld.idx.msk [tilespmem:v4+s21+$0x0], $0xffff;
	[tilespmem:s14+$0xFFFFFEF0] =	vst v14  }
0x518: {  	v13 =	vld.idx.msk [tilespmem:v5+s21+$0x0], $0xffff;
	[tilespmem:s14+$0x0] =	vst v7  }
0x519: {  	[tilespmem:s14+$0xFFFFFF10] =	vst v8;
	v7 =	vld.idx.msk [tilespmem:v1+s21+$0x0], $0xffff  }
0x51a: {  	v6 =	vld.idx.msk [tilespmem:v6+s22+$0x0], $0xffff;
	[tilespmem:s14+$0xFFFFFF20] =	vst v9  }
0x51b: {  	v0 =	vld.idx.msk [tilespmem:v0+s22+$0x0], $0xffff;
	[tilespmem:s14+$0xFFFFFF30] =	vst v10  }
.Ltmp13:
0x51c: {  	v2 =	vld.idx.msk [tilespmem:v2+s22+$0x0], $0xffff;
	[tilespmem:s14+$0xFFFFFF40] =	vst v11;
	(pc) =	sbr.rel @p1 .LBB2_20-.Ltmp13, $4  }
0x51d: {  	v3 =	vld.idx.msk [tilespmem:v3+s22+$0x0], $0xffff;
	[tilespmem:s14+$0xFFFFFF50] =	vst v12  }
0x51e: {  	v4 =	vld.idx.msk [tilespmem:v4+s22+$0x0], $0xffff;
	[tilespmem:s14+$0xFFFFFF60] =	vst v13  }
0x51f: {  	v5 =	vld.idx.msk [tilespmem:v5+s22+$0x0], $0xffff;
	[tilespmem:s14+$0xFFFFFF70] =	vst v7  }
0x520: {  	s30 =	sadd.s32 $0x80, s30;
	[tilespmem:s14+$0xFFFFFF90] =	vst v6;
	v1 =	vld.idx.msk [tilespmem:v1+s22+$0x0], $0xffff  }
0x521: {  	[tilespmem:s14+$0xFFFFFFA0] =	vst v0  }
0x522: {  	[tilespmem:s14+$0xFFFFFFB0] =	vst v2  }
0x523: {  	[tilespmem:s14+$0xFFFFFFC0] =	vst v3  }
0x524: {  	s21 =	rddreg [dreg:$0x1];
	[tilespmem:s14+$0xFFFFFFD0] =	vst v4  }
0x525: {  	s15 =	rddreg [dreg:$0xf]  }
0x526: {  	s22 =	simm.s32 $0x0;
	s30 =	simm.s32 $0x16500;
	s2 =	rddreg [dreg:$0x14]  }
.Ltmp14:
0x527: {  	s3 =	simm.s32 $0x12D90;
	s15 =	sadd.s32 s15, s2;
	(pc) =	sbr.rel .LBB2_22-.Ltmp14, $4  }
0x528: {  	s8 =	simm.s32 $0x13178;
	s13 =	simm.s32 $0x13560;
	[tilespmem:s14+$0xFFFFFFE0] =	vst v5;
	s15 =	sshrl.u32 s15, $0x3  }
0x529: {  	s19 =	simm.s32 $0xC800;
	s20 =	simm.s32 $0xE740;
	[tilespmem:s14+$0xFFFFFFF0] =	vst v1;
	s14 =	sadd.s32 s21, s15  }
0x52a: {  	[hbm4b:s14+s22] =	stream.linear.scatter [tilespmem:s30], [sflag:$0x2], $0x2000, $0x38;
	[tilespmem:$0x18500] =	vst v63  }
0x52b: {  	s2 =	simm.s32 $0x10680;
	s21 =	simm.s32 $0xCBE8;
	s22 =	rddreg [dreg:$0x12]  }
.LBB2_24:
0x52c: {  	_ =	sfence.sel $0x180000  }
0x52d: {  	[bflag:$0x0] =	sbarrier.arrive $0xFFFF  }
0x52e: {  	_ =	strace $0x90000047  }
0x52f: {  	s0 =	stileid.u32;
	[bflag:$0x2] =	sbarrier.arrive $0xFFFF  }
0x530: {  	p0 =	sne.s32 s0, $0x0;
	s0 =	rddreg [dreg:$0x2]  }
0x531: {  	s0 =	sadd.s32 @!p0 $0x100000, s0  }
0x532: {  	[sflag:s0] =	ssyncadd.tile.s32 @!p0 $0x1;
	_ =	shalt  }
.Lfunc_end2:
_tile_overlayer_lowered:
.L_overlay_start_2:
0x533: {  	(tag) =	ssettag $0x2  }
0x534: {  	s0 =	rddreg [dreg:$0x0];
	s2 =	stileid.u32  }
0x535: {  	s1 =	rddreg [dreg:$0x1];
	p0 =	sne.s32 s2, $0x0  }
0x536: {  	s3 =	rddreg [dreg:$0x2];
	[bflag:$0x3] =	sbarrier.arrive $0xFFFF;
	s2 =	simm.s32 @!p0 $0x1C03  }
0x537: {  	[timem:s3], [sflag:s2] =	dma.local @!p0 [hbm:s0], s1  }
0x538: {  	s0 =	simm.s32 @!p0 $0x3  }
0x539: {  	_ =	swait.ge @!p0 [sflag:s0], s1  }
0x53a: {  	s1 =	ssub.s32 @!p0 $0x0, s1;
	[sflag:s0] =	ssyncset.done @!p0 $0x0  }
0x53b: {  	[sflag:s0] =	ssyncadd.s32 @!p0 s1  }
0x53c: {  	[bflag:$0x3] =	sbarrier.arrive $0xFFFF  }
0x53d: {  	_ =	shalt  }

</sc_bundles>
